<compile_context>
chip_gen: v7x
topology: tpu7x:2x2x1
jax: 0.10.2.dev20260603
libtpu: 0.0.44.dev20260713+nightly
codegen_flags: <defaults>
</compile_context>

<pallas_src>
import jax
import jax.numpy as jnp
from jax import lax
from jax.experimental import pallas as pl
from jax.experimental.pallas import tpu as pltpu
from jax.experimental.pallas import tpu_sc as plsc

N = 10000
E = 320000
D = 128
NC = 2
NS = 16
NW = NC * NS
EPW = E // NW
CH = 80
NCHUNK = EPW // CH
NBUF = 2
NGRP = (NCHUNK - 1) // NBUF
ROWS_PT = 624
REM_ROWS = N - NS * ROWS_PT


def _seg_body(h_hbm, src_hbm, dst_hbm, zeros_hbm, agg_out,
              src_big, dst_big, s0, s1, d0, d1, r0, r1, agg_sh,
              g0, g1, t0, t1):
    srcb = [s0, s1]
    dstb = [d0, d1]
    rows = [r0, r1]
    gs = [g0, g1]
    ts = [t0, t1]
    c = lax.axis_index("c")
    s = lax.axis_index("s")
    wid = s * NC + c
    base = wid * EPW
    start = s * ROWS_PT

    pltpu.sync_copy(zeros_hbm.at[pl.ds(start, ROWS_PT)],
                    agg_sh.at[pl.ds(start, ROWS_PT)])

    @pl.when(s == NS - 1)
    def _zero_rem():
        pltpu.sync_copy(zeros_hbm.at[pl.ds(NS * ROWS_PT, REM_ROWS)],
                        agg_sh.at[pl.ds(NS * ROWS_PT, REM_ROWS)])

    pltpu.sync_copy(src_hbm.at[pl.ds(base, EPW)], src_big)
    pltpu.sync_copy(dst_hbm.at[pl.ds(base, EPW)], dst_big)
    plsc.subcore_barrier()

    def fill(b, j):
        off = j * CH
        for k in range(CH // 16):
            srcb[b][pl.ds(k * 16, 16)] = src_big[pl.ds(off + k * 16, 16)]
            dstb[b][pl.ds(k * 16, 16)] = dst_big[pl.ds(off + k * 16, 16)]

    for b in range(NBUF):
        fill(b, b)
        pltpu.async_copy(h_hbm.at[srcb[b]], rows[b], gs[b])

    def group(g, carry):
        for b in range(NBUF):
            pltpu.make_async_copy(h_hbm.at[srcb[b]], rows[b], gs[b]).wait()
            pltpu.async_copy(rows[b], agg_sh.at[dstb[b]], ts[b], add=True)
        for b in range(NBUF):
            pltpu.make_async_copy(rows[b], agg_sh.at[dstb[b]], ts[b]).wait()
            fill(b, (g + 1) * NBUF + b)
            pltpu.async_copy(h_hbm.at[srcb[b]], rows[b], gs[b])
        return carry

    lax.fori_loop(0, NGRP - 1, group, 0)

    for b in range(NBUF):
        pltpu.make_async_copy(h_hbm.at[srcb[b]], rows[b], gs[b]).wait()
        pltpu.async_copy(rows[b], agg_sh.at[dstb[b]], ts[b], add=True)
    for b in range(NBUF):
        pltpu.make_async_copy(rows[b], agg_sh.at[dstb[b]], ts[b]).wait()

    fill(0, NCHUNK - 1)
    pltpu.async_copy(h_hbm.at[srcb[0]], rows[0], gs[0]).wait()
    pltpu.sync_copy(rows[0], agg_sh.at[dstb[0]], add=True)

    plsc.subcore_barrier()
    pltpu.sync_copy(agg_sh.at[pl.ds(start, ROWS_PT)],
                    agg_out.at[c, pl.ds(start, ROWS_PT)])

    @pl.when(s == NS - 1)
    def _read_rem():
        pltpu.sync_copy(agg_sh.at[pl.ds(NS * ROWS_PT, REM_ROWS)],
                        agg_out.at[c, pl.ds(NS * ROWS_PT, REM_ROWS)])


def _deg_body(dst_hbm, zeros_hbm, ones_hbm, deg_out,
              dst_big, dsts, ones_v, deg_sh):
    c = lax.axis_index("c")
    s = lax.axis_index("s")
    wid = s * NC + c
    base = wid * EPW
    start = s * ROWS_PT

    pltpu.sync_copy(zeros_hbm.at[pl.ds(start, ROWS_PT)],
                    deg_sh.at[pl.ds(start, ROWS_PT)])

    @pl.when(s == NS - 1)
    def _zero_rem():
        pltpu.sync_copy(zeros_hbm.at[pl.ds(NS * ROWS_PT, REM_ROWS)],
                        deg_sh.at[pl.ds(NS * ROWS_PT, REM_ROWS)])

    pltpu.sync_copy(ones_hbm, ones_v)
    pltpu.sync_copy(dst_hbm.at[pl.ds(base, EPW)], dst_big)
    plsc.subcore_barrier()

    def chunk(j, carry):
        off = j * CH
        for k in range(CH // 16):
            dsts[pl.ds(k * 16, 16)] = dst_big[pl.ds(off + k * 16, 16)]
        pltpu.sync_copy(ones_v, deg_sh.at[dsts], add=True)
        return carry

    lax.fori_loop(0, NCHUNK, chunk, 0)

    plsc.subcore_barrier()
    pltpu.sync_copy(deg_sh.at[pl.ds(start, ROWS_PT)],
                    deg_out.at[c, pl.ds(start, ROWS_PT)])

    @pl.when(s == NS - 1)
    def _read_rem():
        pltpu.sync_copy(deg_sh.at[pl.ds(NS * ROWS_PT, REM_ROWS)],
                        deg_out.at[c, pl.ds(NS * ROWS_PT, REM_ROWS)])


_sc_kernel_cache = {}


def _get_seg_kernel():
    if "seg" not in _sc_kernel_cache:
        mesh = plsc.VectorSubcoreMesh(
            core_axis_name="c", subcore_axis_name="s",
            num_cores=NC, num_subcores=NS)
        _sc_kernel_cache["seg"] = pl.kernel(
            _seg_body,
            out_type=jax.ShapeDtypeStruct((NC, N, D), jnp.float32),
            mesh=mesh,
            scratch_types=(
                (pltpu.VMEM((EPW,), jnp.int32),) * 2
                + (pltpu.VMEM((CH,), jnp.int32),) * (2 * NBUF)
                + (pltpu.VMEM((CH, D), jnp.float32),) * NBUF
                + (pltpu.VMEM_SHARED((N, D), jnp.float32),)
                + (pltpu.SemaphoreType.DMA,) * (2 * NBUF)
            ),
            name="sage_segment_sum_sc",
        )
    return _sc_kernel_cache["seg"]


def _get_deg_kernel():
    if "deg" not in _sc_kernel_cache:
        mesh = plsc.VectorSubcoreMesh(
            core_axis_name="c", subcore_axis_name="s",
            num_cores=NC, num_subcores=NS)
        _sc_kernel_cache["deg"] = pl.kernel(
            _deg_body,
            out_type=jax.ShapeDtypeStruct((NC, N, D), jnp.float32),
            mesh=mesh,
            scratch_types=(
                pltpu.VMEM((EPW,), jnp.int32),
                pltpu.VMEM((CH,), jnp.int32),
                pltpu.VMEM((CH, D), jnp.float32),
                pltpu.VMEM_SHARED((N, D), jnp.float32),
            ),
            name="sage_degree_sc",
        )
    return _sc_kernel_cache["deg"]


BR = 2000


def _pre_body(x_ref, w_ref, b_ref, inp_ref, hr_ref):
    h = jnp.dot(x_ref[...], w_ref[...], preferred_element_type=jnp.float32)
    h = h + b_ref[...]
    inp_ref[...] = h
    hr_ref[...] = jnp.maximum(h, 0.0)


_pre = pl.pallas_call(
    _pre_body,
    grid=(N // BR,),
    in_specs=[pl.BlockSpec((BR, D), lambda i: (i, 0)),
              pl.BlockSpec((D, D), lambda i: (0, 0)),
              pl.BlockSpec((1, D), lambda i: (0, 0))],
    out_specs=[pl.BlockSpec((BR, D), lambda i: (i, 0)),
               pl.BlockSpec((BR, D), lambda i: (i, 0))],
    out_shape=[jax.ShapeDtypeStruct((N, D), jnp.float32),
               jax.ShapeDtypeStruct((N, D), jnp.float32)],
    name="sage_in_proj_tc",
)


def _combine_mid_body(aggA, aggB, degA, degB, h, inp, wl, bl, wr, out):
    deg = degA[...][:, 0:1] + degB[...][:, 0:1]
    inv = 1.0 / jnp.maximum(deg, 1.0)
    agg = (aggA[...] + aggB[...]) * inv
    o = (jnp.dot(agg, wl[...], preferred_element_type=jnp.float32)
         + jnp.dot(h[...], wr[...], preferred_element_type=jnp.float32)
         + bl[...])
    out[...] = jnp.maximum(o, 0.0) + 0.2 * inp[...]


def _combine_last_body(aggA, aggB, degA, degB, h, wl, bl, wr, out):
    deg = degA[...][:, 0:1] + degB[...][:, 0:1]
    inv = 1.0 / jnp.maximum(deg, 1.0)
    agg = (aggA[...] + aggB[...]) * inv
    o = (jnp.dot(agg, wl[...], preferred_element_type=jnp.float32)
         + jnp.dot(h[...], wr[...], preferred_element_type=jnp.float32)
         + bl[...])
    m = jnp.max(o, axis=-1, keepdims=True)
    sh = o - m
    lse = jnp.log(jnp.sum(jnp.exp(sh), axis=-1, keepdims=True))
    out[...] = sh - lse


_row_spec = pl.BlockSpec((BR, D), lambda i: (i, 0))
_deg_spec = pl.BlockSpec((BR, D), lambda i: (i, 0))
_w_spec = pl.BlockSpec((D, D), lambda i: (0, 0))
_b_spec = pl.BlockSpec((1, D), lambda i: (0, 0))

_combine_mid = pl.pallas_call(
    _combine_mid_body,
    grid=(N // BR,),
    in_specs=[_row_spec, _row_spec, _deg_spec, _deg_spec, _row_spec,
              _row_spec, _w_spec, _b_spec, _w_spec],
    out_specs=_row_spec,
    out_shape=jax.ShapeDtypeStruct((N, D), jnp.float32),
    name="sage_combine_mid_tc",
)

_combine_last = pl.pallas_call(
    _combine_last_body,
    grid=(N // BR,),
    in_specs=[_row_spec, _row_spec, _deg_spec, _deg_spec, _row_spec,
              _w_spec, _b_spec, _w_spec],
    out_specs=_row_spec,
    out_shape=jax.ShapeDtypeStruct((N, D), jnp.float32),
    name="sage_combine_last_tc",
)


def kernel(x, edge_index, W_in, b_in, Wl0, bl0, Wr0, Wl1, bl1, Wr1, Wl2, bl2,
           Wr2):
    src = edge_index[0].astype(jnp.int32)
    dst = edge_index[1].astype(jnp.int32)
    zeros_big = jnp.zeros((N, D), jnp.float32)
    ones_ch = jnp.ones((CH, D), jnp.float32)

    inp, h = _pre(x, W_in, b_in.reshape(1, D))
    _seg = _get_seg_kernel()
    _deg = _get_deg_kernel()

    degp = _deg(dst, zeros_big, ones_ch)

    aggp = _seg(h, src, dst, zeros_big)
    h = _combine_mid(aggp[0], aggp[1], degp[0], degp[1], h, inp,
                     Wl0, bl0.reshape(1, D), Wr0)

    aggp = _seg(h, src, dst, zeros_big)
    h = _combine_mid(aggp[0], aggp[1], degp[0], degp[1], h, inp,
                     Wl1, bl1.reshape(1, D), Wr1)

    aggp = _seg(h, src, dst, zeros_big)
    out = _combine_last(aggp[0], aggp[1], degp[0], degp[1], h,
                        Wl2, bl2.reshape(1, D), Wr2)
    return out

# --- scband reference (transcript-rebuilt; emitter-appended) ---
"""Pipeline reference for scband-gcn-16097537425900 (READ-ONLY COPY).

The authoritative reference and input builder live on the scoring server;
editing this copy changes nothing except your own understanding.
"""

import jax, jax.numpy as jnp
import numpy as np

N = 10000
E = 320000
D_IN = 128
H = 128
D_OUT = 128
NUM_CONVS = 3  # num_layers=2 hidden SAGEConvs + 1 output SAGEConv


def _sage_conv(x, src, dst, Wl, bl, Wr, n_nodes):
    # PyG SAGEConv with mean aggregation: lin_l(mean_j x_j) + lin_r(x_i)
    msgs = x[src]  # gather over edges
    agg = jax.ops.segment_sum(msgs, dst, num_segments=n_nodes)
    deg = jax.ops.segment_sum(
        jnp.ones((src.shape[0],), dtype=x.dtype), dst, num_segments=n_nodes
    )
    agg = agg / jnp.clip(deg, 1.0)[:, None]
    return agg @ Wl + bl + x @ Wr


def setup_inputs(seed: int = 0) -> dict:
    key = jax.random.key(seed)
    ks = jax.random.split(key, 16)
    x = jax.random.normal(ks[0], (N, D_IN), dtype=jnp.float32)
    edge_index = jax.random.randint(ks[1], (2, E), 0, N, dtype=jnp.int64)
    inp = {"x": x, "edge_index": edge_index}
    # inProj: Linear(in_channels, hidden_channels)
    inp["W_in"] = jax.random.normal(ks[2], (D_IN, H), dtype=jnp.float32) * 0.05
    inp["b_in"] = jnp.zeros((H,), dtype=jnp.float32)
    # 3 SAGEConvs: first two H->H, last H->D_OUT
    dims = [(H, H), (H, H), (H, D_OUT)]
    for i, (di, do) in enumerate(dims):
        inp[f"Wl{i}"] = (
            jax.random.normal(ks[3 + 3 * i], (di, do), dtype=jnp.float32) * 0.05
        )
        inp[f"bl{i}"] = jnp.zeros((do,), dtype=jnp.float32)
        inp[f"Wr{i}"] = (
            jax.random.normal(ks[4 + 3 * i], (di, do), dtype=jnp.float32) * 0.05
        )
    return inp


def reference(x, edge_index, W_in, b_in, Wl0, bl0, Wr0, Wl1, bl1, Wr1, Wl2, bl2, Wr2):
    src, dst = edge_index[0], edge_index[1]
    h = x @ W_in + b_in
    inp = h
    h = jax.nn.relu(h)
    convs = [(Wl0, bl0, Wr0), (Wl1, bl1, Wr1), (Wl2, bl2, Wr2)]
    for i, (Wl, bl, Wr) in enumerate(convs):
        h = _sage_conv(h, src, dst, Wl, bl, Wr, N)
        if i != len(convs) - 1:
            h = jax.nn.relu(h)
            # dropout is identity in eval mode
            h = h + 0.2 * inp
    return jax.nn.log_softmax(h, axis=-1)

if __name__ == "__main__":
    import jax
    _d = setup_inputs()
    print(jax.jit(kernel)(*tuple(_d.values())))

</pallas_src>

<mosaic_0001>
#map = affine_map<(d0, d1) -> (0, 0)>
#map1 = affine_map<(d0, d1) -> (0)>
#map2 = affine_map<(d0, d1) -> (0, 0, 0)>
module attributes {stable_mosaic.version = 14 : i64} {
  func.func @sage_segment_sum_sc(%arg0: i32, %arg1: i32, %arg2: memref<10000x128xf32, #tpu.memory_space<hbm>>, %arg3: memref<320000xi32, #tpu.memory_space<hbm>>, %arg4: memref<320000xi32, #tpu.memory_space<hbm>>, %arg5: memref<10000x128xf32, #tpu.memory_space<hbm>>, %arg6: memref<2x10000x128xf32, #tpu.memory_space<hbm>>, %arg7: memref<10000xi32, #tpu.memory_space<vmem>>, %arg8: memref<10000xi32, #tpu.memory_space<vmem>>, %arg9: memref<80xi32, #tpu.memory_space<vmem>>, %arg10: memref<80xi32, #tpu.memory_space<vmem>>, %arg11: memref<80xi32, #tpu.memory_space<vmem>>, %arg12: memref<80xi32, #tpu.memory_space<vmem>>, %arg13: memref<80x128xf32, #tpu.memory_space<vmem>>, %arg14: memref<80x128xf32, #tpu.memory_space<vmem>>, %arg15: memref<10000x128xf32, #tpu.memory_space<vmem_shared>>, %arg16: memref<!tpu.dma_semaphore, #tpu.memory_space<semaphore_mem>>, %arg17: memref<!tpu.dma_semaphore, #tpu.memory_space<semaphore_mem>>, %arg18: memref<!tpu.dma_semaphore, #tpu.memory_space<semaphore_mem>>, %arg19: memref<!tpu.dma_semaphore, #tpu.memory_space<semaphore_mem>>) attributes {dimension_semantics = [#tpu.dimension_semantics<core_parallel>, #tpu.dimension_semantics<subcore_parallel>], iteration_bounds = array<i64: 2, 16>, scalar_prefetch = 0 : i64, scratch_operands = 13 : i64, tpu.core_type = #tpu.core_type<sc_vector_subcore>, window_params = [{transform_indices = #map}, {transform_indices = #map1}, {transform_indices = #map1}, {transform_indices = #map}, {transform_indices = #map2}]} {
    %mul3A = arith.constant 2 : i32
    %mul3A_0 = arith.muli %arg1, %mul3A : i32
    %add3A = arith.addi %mul3A_0, %arg0 : i32
    %mul3A_1 = arith.constant 10000 : i32
    %mul3A_2 = arith.muli %add3A, %mul3A_1 : i32
    %mul3A_3 = arith.constant 624 : i32
    %mul3A_4 = arith.muli %arg1, %mul3A_3 : i32
    "tpu.region"() ({
      %run_scoped3A = tpu.sem_alloc : memref<!tpu.dma_semaphore, #tpu.memory_space<semaphore_mem>>
      %dma_start3A_254 = arith.constant 0 : i32
      %dma_start3A_255 = tpu.memref_slice %arg15[%mul3A_4, %dma_start3A_254] : memref<10000x128xf32, #tpu.memory_space<vmem_shared>> -> memref<624x128xf32, #tpu.memory_space<vmem_shared>>
      %dma_start3A_256 = arith.constant 0 : i32
      %dma_start3A_257 = tpu.memref_slice %arg5[%mul3A_4, %dma_start3A_256] : memref<10000x128xf32, #tpu.memory_space<hbm>> -> memref<624x128xf32, #tpu.memory_space<hbm>>
      tpu.enqueue_dma source(%dma_start3A_257 : memref<624x128xf32, #tpu.memory_space<hbm>>) target(%dma_start3A_255 : memref<624x128xf32, #tpu.memory_space<vmem_shared>>) target_semaphore(%run_scoped3A : memref<!tpu.dma_semaphore, #tpu.memory_space<semaphore_mem>>)
      %dma_wait3A_258 = arith.constant 0 : i32
      %dma_wait3A_259 = tpu.memref_slice %arg15[%mul3A_4, %dma_wait3A_258] : memref<10000x128xf32, #tpu.memory_space<vmem_shared>> -> memref<624x128xf32, #tpu.memory_space<vmem_shared>>
      %dma_wait3A_260 = arith.constant 0 : i32
      %dma_wait3A_261 = tpu.memref_slice %arg5[%mul3A_4, %dma_wait3A_260] : memref<10000x128xf32, #tpu.memory_space<hbm>> -> memref<624x128xf32, #tpu.memory_space<hbm>>
      tpu.wait_dma2 semaphore(%run_scoped3A : memref<!tpu.dma_semaphore, #tpu.memory_space<semaphore_mem>>) src(%dma_wait3A_261 : memref<624x128xf32, #tpu.memory_space<hbm>>) dst(%dma_wait3A_259 : memref<624x128xf32, #tpu.memory_space<vmem_shared>>)
      tpu.yield
    }) : () -> ()
    %eq3A = arith.constant 15 : i32
    %eq3A_5 = arith.cmpi eq, %arg1, %eq3A : i32
    %convert_element_type3A = arith.extui %eq3A_5 : i1 to i32
    %cond3A = arith.constant 0 : i32
    %cond3A_6 = arith.cmpi ne, %convert_element_type3A, %cond3A : i32
    scf.if %cond3A_6 {
      "tpu.region"() ({
        %run_scoped3A = tpu.sem_alloc : memref<!tpu.dma_semaphore, #tpu.memory_space<semaphore_mem>>
        %dma_start3A_254 = arith.constant 9984 : i32
        %dma_start3A_255 = arith.constant 0 : i32
        %dma_start3A_256 = tpu.memref_slice %arg15[%dma_start3A_254, %dma_start3A_255] : memref<10000x128xf32, #tpu.memory_space<vmem_shared>> -> memref<16x128xf32, #tpu.memory_space<vmem_shared>>
        %dma_start3A_257 = arith.constant 9984 : i32
        %dma_start3A_258 = arith.constant 0 : i32
        %dma_start3A_259 = tpu.memref_slice %arg5[%dma_start3A_257, %dma_start3A_258] : memref<10000x128xf32, #tpu.memory_space<hbm>> -> memref<16x128xf32, #tpu.memory_space<hbm>>
        tpu.enqueue_dma source(%dma_start3A_259 : memref<16x128xf32, #tpu.memory_space<hbm>>) target(%dma_start3A_256 : memref<16x128xf32, #tpu.memory_space<vmem_shared>>) target_semaphore(%run_scoped3A : memref<!tpu.dma_semaphore, #tpu.memory_space<semaphore_mem>>)
        %dma_wait3A_260 = arith.constant 9984 : i32
        %dma_wait3A_261 = arith.constant 0 : i32
        %dma_wait3A_262 = tpu.memref_slice %arg15[%dma_wait3A_260, %dma_wait3A_261] : memref<10000x128xf32, #tpu.memory_space<vmem_shared>> -> memref<16x128xf32, #tpu.memory_space<vmem_shared>>
        %dma_wait3A_263 = arith.constant 9984 : i32
        %dma_wait3A_264 = arith.constant 0 : i32
        %dma_wait3A_265 = tpu.memref_slice %arg5[%dma_wait3A_263, %dma_wait3A_264] : memref<10000x128xf32, #tpu.memory_space<hbm>> -> memref<16x128xf32, #tpu.memory_space<hbm>>
        tpu.wait_dma2 semaphore(%run_scoped3A : memref<!tpu.dma_semaphore, #tpu.memory_space<semaphore_mem>>) src(%dma_wait3A_265 : memref<16x128xf32, #tpu.memory_space<hbm>>) dst(%dma_wait3A_262 : memref<16x128xf32, #tpu.memory_space<vmem_shared>>)
        tpu.yield
      }) : () -> ()
    } else {
    }
    "tpu.region"() ({
      %run_scoped3A = tpu.sem_alloc : memref<!tpu.dma_semaphore, #tpu.memory_space<semaphore_mem>>
      %dma_start3A_254 = tpu.memref_slice %arg3[%mul3A_2] : memref<320000xi32, #tpu.memory_space<hbm>> -> memref<10000xi32, #tpu.memory_space<hbm>>
      %dma_start3A_255 = tpu.memref_slice %arg3[%mul3A_2] : memref<320000xi32, #tpu.memory_space<hbm>> -> memref<10000xi32, #tpu.memory_space<hbm>>
      tpu.enqueue_dma source(%dma_start3A_255 : memref<10000xi32, #tpu.memory_space<hbm>>) target(%arg7 : memref<10000xi32, #tpu.memory_space<vmem>>) target_semaphore(%run_scoped3A : memref<!tpu.dma_semaphore, #tpu.memory_space<semaphore_mem>>)
      %dma_wait3A_256 = tpu.memref_slice %arg3[%mul3A_2] : memref<320000xi32, #tpu.memory_space<hbm>> -> memref<10000xi32, #tpu.memory_space<hbm>>
      %dma_wait3A_257 = tpu.memref_slice %arg3[%mul3A_2] : memref<320000xi32, #tpu.memory_space<hbm>> -> memref<10000xi32, #tpu.memory_space<hbm>>
      tpu.wait_dma2 semaphore(%run_scoped3A : memref<!tpu.dma_semaphore, #tpu.memory_space<semaphore_mem>>) src(%dma_wait3A_257 : memref<10000xi32, #tpu.memory_space<hbm>>) dst(%arg7 : memref<10000xi32, #tpu.memory_space<vmem>>)
      tpu.yield
    }) : () -> ()
    "tpu.region"() ({
      %run_scoped3A = tpu.sem_alloc : memref<!tpu.dma_semaphore, #tpu.memory_space<semaphore_mem>>
      %dma_start3A_254 = tpu.memref_slice %arg4[%mul3A_2] : memref<320000xi32, #tpu.memory_space<hbm>> -> memref<10000xi32, #tpu.memory_space<hbm>>
      %dma_start3A_255 = tpu.memref_slice %arg4[%mul3A_2] : memref<320000xi32, #tpu.memory_space<hbm>> -> memref<10000xi32, #tpu.memory_space<hbm>>
      tpu.enqueue_dma source(%dma_start3A_255 : memref<10000xi32, #tpu.memory_space<hbm>>) target(%arg8 : memref<10000xi32, #tpu.memory_space<vmem>>) target_semaphore(%run_scoped3A : memref<!tpu.dma_semaphore, #tpu.memory_space<semaphore_mem>>)
      %dma_wait3A_256 = tpu.memref_slice %arg4[%mul3A_2] : memref<320000xi32, #tpu.memory_space<hbm>> -> memref<10000xi32, #tpu.memory_space<hbm>>
      %dma_wait3A_257 = tpu.memref_slice %arg4[%mul3A_2] : memref<320000xi32, #tpu.memory_space<hbm>> -> memref<10000xi32, #tpu.memory_space<hbm>>
      tpu.wait_dma2 semaphore(%run_scoped3A : memref<!tpu.dma_semaphore, #tpu.memory_space<semaphore_mem>>) src(%dma_wait3A_257 : memref<10000xi32, #tpu.memory_space<hbm>>) dst(%arg8 : memref<10000xi32, #tpu.memory_space<vmem>>)
      tpu.yield
    }) : () -> ()
    %barrier3A = arith.constant 0 : index
    tpu.barrier barrier_id(%barrier3A)
    %get3A = arith.constant 0 : index
    %get3A_7 = tpu.vector_load %arg7[%get3A] {strides = array<i32>} : memref<10000xi32, #tpu.memory_space<vmem>>, vector<16xi32>,
    %get3A_8 = vector.shape_cast %get3A_7 : vector<16xi32> to vector<16xi32>
    %swap3A = arith.constant 0 : index
    %swap3A_9 = tpu.vector_load %arg9[%swap3A] {strides = array<i32>} : memref<80xi32, #tpu.memory_space<vmem>>, vector<16xi32>,
    %swap3A_10 = vector.shape_cast %swap3A_9 : vector<16xi32> to vector<16xi32>
    %swap3A_11 = vector.shape_cast %get3A_8 : vector<16xi32> to vector<16xi32>
    tpu.vector_store %arg9[%swap3A], %swap3A_11 {strides = array<i32>} : memref<80xi32, #tpu.memory_space<vmem>>, vector<16xi32>,
    %get3A_12 = arith.constant 0 : index
    %get3A_13 = tpu.vector_load %arg8[%get3A_12] {strides = array<i32>} : memref<10000xi32, #tpu.memory_space<vmem>>, vector<16xi32>,
    %get3A_14 = vector.shape_cast %get3A_13 : vector<16xi32> to vector<16xi32>
    %swap3A_15 = arith.constant 0 : index
    %swap3A_16 = tpu.vector_load %arg11[%swap3A_15] {strides = array<i32>} : memref<80xi32, #tpu.memory_space<vmem>>, vector<16xi32>,
    %swap3A_17 = vector.shape_cast %swap3A_16 : vector<16xi32> to vector<16xi32>
    %swap3A_18 = vector.shape_cast %get3A_14 : vector<16xi32> to vector<16xi32>
    tpu.vector_store %arg11[%swap3A_15], %swap3A_18 {strides = array<i32>} : memref<80xi32, #tpu.memory_space<vmem>>, vector<16xi32>,
    %get3A_19 = arith.constant 16 : index
    %get3A_20 = tpu.vector_load %arg7[%get3A_19] {strides = array<i32>} : memref<10000xi32, #tpu.memory_space<vmem>>, vector<16xi32>,
    %get3A_21 = vector.shape_cast %get3A_20 : vector<16xi32> to vector<16xi32>
    %swap3A_22 = arith.constant 16 : index
    %swap3A_23 = tpu.vector_load %arg9[%swap3A_22] {strides = array<i32>} : memref<80xi32, #tpu.memory_space<vmem>>, vector<16xi32>,
    %swap3A_24 = vector.shape_cast %swap3A_23 : vector<16xi32> to vector<16xi32>
    %swap3A_25 = vector.shape_cast %get3A_21 : vector<16xi32> to vector<16xi32>
    tpu.vector_store %arg9[%swap3A_22], %swap3A_25 {strides = array<i32>} : memref<80xi32, #tpu.memory_space<vmem>>, vector<16xi32>,
    %get3A_26 = arith.constant 16 : index
    %get3A_27 = tpu.vector_load %arg8[%get3A_26] {strides = array<i32>} : memref<10000xi32, #tpu.memory_space<vmem>>, vector<16xi32>,
    %get3A_28 = vector.shape_cast %get3A_27 : vector<16xi32> to vector<16xi32>
    %swap3A_29 = arith.constant 16 : index
    %swap3A_30 = tpu.vector_load %arg11[%swap3A_29] {strides = array<i32>} : memref<80xi32, #tpu.memory_space<vmem>>, vector<16xi32>,
    %swap3A_31 = vector.shape_cast %swap3A_30 : vector<16xi32> to vector<16xi32>
    %swap3A_32 = vector.shape_cast %get3A_28 : vector<16xi32> to vector<16xi32>
    tpu.vector_store %arg11[%swap3A_29], %swap3A_32 {strides = array<i32>} : memref<80xi32, #tpu.memory_space<vmem>>, vector<16xi32>,
    %get3A_33 = arith.constant 32 : index
    %get3A_34 = tpu.vector_load %arg7[%get3A_33] {strides = array<i32>} : memref<10000xi32, #tpu.memory_space<vmem>>, vector<16xi32>,
    %get3A_35 = vector.shape_cast %get3A_34 : vector<16xi32> to vector<16xi32>
    %swap3A_36 = arith.constant 32 : index
    %swap3A_37 = tpu.vector_load %arg9[%swap3A_36] {strides = array<i32>} : memref<80xi32, #tpu.memory_space<vmem>>, vector<16xi32>,
    %swap3A_38 = vector.shape_cast %swap3A_37 : vector<16xi32> to vector<16xi32>
    %swap3A_39 = vector.shape_cast %get3A_35 : vector<16xi32> to vector<16xi32>
    tpu.vector_store %arg9[%swap3A_36], %swap3A_39 {strides = array<i32>} : memref<80xi32, #tpu.memory_space<vmem>>, vector<16xi32>,
    %get3A_40 = arith.constant 32 : index
    %get3A_41 = tpu.vector_load %arg8[%get3A_40] {strides = array<i32>} : memref<10000xi32, #tpu.memory_space<vmem>>, vector<16xi32>,
    %get3A_42 = vector.shape_cast %get3A_41 : vector<16xi32> to vector<16xi32>
    %swap3A_43 = arith.constant 32 : index
    %swap3A_44 = tpu.vector_load %arg11[%swap3A_43] {strides = array<i32>} : memref<80xi32, #tpu.memory_space<vmem>>, vector<16xi32>,
    %swap3A_45 = vector.shape_cast %swap3A_44 : vector<16xi32> to vector<16xi32>
    %swap3A_46 = vector.shape_cast %get3A_42 : vector<16xi32> to vector<16xi32>
    tpu.vector_store %arg11[%swap3A_43], %swap3A_46 {strides = array<i32>} : memref<80xi32, #tpu.memory_space<vmem>>, vector<16xi32>,
    %get3A_47 = arith.constant 48 : index
    %get3A_48 = tpu.vector_load %arg7[%get3A_47] {strides = array<i32>} : memref<10000xi32, #tpu.memory_space<vmem>>, vector<16xi32>,
    %get3A_49 = vector.shape_cast %get3A_48 : vector<16xi32> to vector<16xi32>
    %swap3A_50 = arith.constant 48 : index
    %swap3A_51 = tpu.vector_load %arg9[%swap3A_50] {strides = array<i32>} : memref<80xi32, #tpu.memory_space<vmem>>, vector<16xi32>,
    %swap3A_52 = vector.shape_cast %swap3A_51 : vector<16xi32> to vector<16xi32>
    %swap3A_53 = vector.shape_cast %get3A_49 : vector<16xi32> to vector<16xi32>
    tpu.vector_store %arg9[%swap3A_50], %swap3A_53 {strides = array<i32>} : memref<80xi32, #tpu.memory_space<vmem>>, vector<16xi32>,
    %get3A_54 = arith.constant 48 : index
    %get3A_55 = tpu.vector_load %arg8[%get3A_54] {strides = array<i32>} : memref<10000xi32, #tpu.memory_space<vmem>>, vector<16xi32>,
    %get3A_56 = vector.shape_cast %get3A_55 : vector<16xi32> to vector<16xi32>
    %swap3A_57 = arith.constant 48 : index
    %swap3A_58 = tpu.vector_load %arg11[%swap3A_57] {strides = array<i32>} : memref<80xi32, #tpu.memory_space<vmem>>, vector<16xi32>,
    %swap3A_59 = vector.shape_cast %swap3A_58 : vector<16xi32> to vector<16xi32>
    %swap3A_60 = vector.shape_cast %get3A_56 : vector<16xi32> to vector<16xi32>
    tpu.vector_store %arg11[%swap3A_57], %swap3A_60 {strides = array<i32>} : memref<80xi32, #tpu.memory_space<vmem>>, vector<16xi32>,
    %get3A_61 = arith.constant 64 : index
    %get3A_62 = tpu.vector_load %arg7[%get3A_61] {strides = array<i32>} : memref<10000xi32, #tpu.memory_space<vmem>>, vector<16xi32>,
    %get3A_63 = vector.shape_cast %get3A_62 : vector<16xi32> to vector<16xi32>
    %swap3A_64 = arith.constant 64 : index
    %swap3A_65 = tpu.vector_load %arg9[%swap3A_64] {strides = array<i32>} : memref<80xi32, #tpu.memory_space<vmem>>, vector<16xi32>,
    %swap3A_66 = vector.shape_cast %swap3A_65 : vector<16xi32> to vector<16xi32>
    %swap3A_67 = vector.shape_cast %get3A_63 : vector<16xi32> to vector<16xi32>
    tpu.vector_store %arg9[%swap3A_64], %swap3A_67 {strides = array<i32>} : memref<80xi32, #tpu.memory_space<vmem>>, vector<16xi32>,
    %get3A_68 = arith.constant 64 : index
    %get3A_69 = tpu.vector_load %arg8[%get3A_68] {strides = array<i32>} : memref<10000xi32, #tpu.memory_space<vmem>>, vector<16xi32>,
    %get3A_70 = vector.shape_cast %get3A_69 : vector<16xi32> to vector<16xi32>
    %swap3A_71 = arith.constant 64 : index
    %swap3A_72 = tpu.vector_load %arg11[%swap3A_71] {strides = array<i32>} : memref<80xi32, #tpu.memory_space<vmem>>, vector<16xi32>,
    %swap3A_73 = vector.shape_cast %swap3A_72 : vector<16xi32> to vector<16xi32>
    %swap3A_74 = vector.shape_cast %get3A_70 : vector<16xi32> to vector<16xi32>
    tpu.vector_store %arg11[%swap3A_71], %swap3A_74 {strides = array<i32>} : memref<80xi32, #tpu.memory_space<vmem>>, vector<16xi32>,
    %dma_start3A = arith.constant 0 : i32
    %dma_start3A_75 = arith.constant 0 : i32
    %dma_start3A_76 = tpu.memref_slice %arg2[%dma_start3A, %dma_start3A_75] : memref<10000x128xf32, #tpu.memory_space<hbm>> -> memref<10000x128xf32, #tpu.memory_space<hbm>>
    tpu.enqueue_indirect_dma source(%dma_start3A_76 : memref<10000x128xf32, #tpu.memory_space<hbm>>) target(%arg13 : memref<80x128xf32, #tpu.memory_space<vmem>>) offsets(%arg9 : memref<80xi32, #tpu.memory_space<vmem>>) semaphore(%arg16 : memref<!tpu.dma_semaphore, #tpu.memory_space<semaphore_mem>>)
    %get3A_77 = arith.constant 80 : index
    %get3A_78 = tpu.vector_load %arg7[%get3A_77] {strides = array<i32>} : memref<10000xi32, #tpu.memory_space<vmem>>, vector<16xi32>,
    %get3A_79 = vector.shape_cast %get3A_78 : vector<16xi32> to vector<16xi32>
    %swap3A_80 = arith.constant 0 : index
    %swap3A_81 = tpu.vector_load %arg10[%swap3A_80] {strides = array<i32>} : memref<80xi32, #tpu.memory_space<vmem>>, vector<16xi32>,
    %swap3A_82 = vector.shape_cast %swap3A_81 : vector<16xi32> to vector<16xi32>
    %swap3A_83 = vector.shape_cast %get3A_79 : vector<16xi32> to vector<16xi32>
    tpu.vector_store %arg10[%swap3A_80], %swap3A_83 {strides = array<i32>} : memref<80xi32, #tpu.memory_space<vmem>>, vector<16xi32>,
    %get3A_84 = arith.constant 80 : index
    %get3A_85 = tpu.vector_load %arg8[%get3A_84] {strides = array<i32>} : memref<10000xi32, #tpu.memory_space<vmem>>, vector<16xi32>,
    %get3A_86 = vector.shape_cast %get3A_85 : vector<16xi32> to vector<16xi32>
    %swap3A_87 = arith.constant 0 : index
    %swap3A_88 = tpu.vector_load %arg12[%swap3A_87] {strides = array<i32>} : memref<80xi32, #tpu.memory_space<vmem>>, vector<16xi32>,
    %swap3A_89 = vector.shape_cast %swap3A_88 : vector<16xi32> to vector<16xi32>
    %swap3A_90 = vector.shape_cast %get3A_86 : vector<16xi32> to vector<16xi32>
    tpu.vector_store %arg12[%swap3A_87], %swap3A_90 {strides = array<i32>} : memref<80xi32, #tpu.memory_space<vmem>>, vector<16xi32>,
    %get3A_91 = arith.constant 96 : index
    %get3A_92 = tpu.vector_load %arg7[%get3A_91] {strides = array<i32>} : memref<10000xi32, #tpu.memory_space<vmem>>, vector<16xi32>,
    %get3A_93 = vector.shape_cast %get3A_92 : vector<16xi32> to vector<16xi32>
    %swap3A_94 = arith.constant 16 : index
    %swap3A_95 = tpu.vector_load %arg10[%swap3A_94] {strides = array<i32>} : memref<80xi32, #tpu.memory_space<vmem>>, vector<16xi32>,
    %swap3A_96 = vector.shape_cast %swap3A_95 : vector<16xi32> to vector<16xi32>
    %swap3A_97 = vector.shape_cast %get3A_93 : vector<16xi32> to vector<16xi32>
    tpu.vector_store %arg10[%swap3A_94], %swap3A_97 {strides = array<i32>} : memref<80xi32, #tpu.memory_space<vmem>>, vector<16xi32>,
    %get3A_98 = arith.constant 96 : index
    %get3A_99 = tpu.vector_load %arg8[%get3A_98] {strides = array<i32>} : memref<10000xi32, #tpu.memory_space<vmem>>, vector<16xi32>,
    %get3A_100 = vector.shape_cast %get3A_99 : vector<16xi32> to vector<16xi32>
    %swap3A_101 = arith.constant 16 : index
    %swap3A_102 = tpu.vector_load %arg12[%swap3A_101] {strides = array<i32>} : memref<80xi32, #tpu.memory_space<vmem>>, vector<16xi32>,
    %swap3A_103 = vector.shape_cast %swap3A_102 : vector<16xi32> to vector<16xi32>
    %swap3A_104 = vector.shape_cast %get3A_100 : vector<16xi32> to vector<16xi32>
    tpu.vector_store %arg12[%swap3A_101], %swap3A_104 {strides = array<i32>} : memref<80xi32, #tpu.memory_space<vmem>>, vector<16xi32>,
    %get3A_105 = arith.constant 112 : index
    %get3A_106 = tpu.vector_load %arg7[%get3A_105] {strides = array<i32>} : memref<10000xi32, #tpu.memory_space<vmem>>, vector<16xi32>,
    %get3A_107 = vector.shape_cast %get3A_106 : vector<16xi32> to vector<16xi32>
    %swap3A_108 = arith.constant 32 : index
    %swap3A_109 = tpu.vector_load %arg10[%swap3A_108] {strides = array<i32>} : memref<80xi32, #tpu.memory_space<vmem>>, vector<16xi32>,
    %swap3A_110 = vector.shape_cast %swap3A_109 : vector<16xi32> to vector<16xi32>
    %swap3A_111 = vector.shape_cast %get3A_107 : vector<16xi32> to vector<16xi32>
    tpu.vector_store %arg10[%swap3A_108], %swap3A_111 {strides = array<i32>} : memref<80xi32, #tpu.memory_space<vmem>>, vector<16xi32>,
    %get3A_112 = arith.constant 112 : index
    %get3A_113 = tpu.vector_load %arg8[%get3A_112] {strides = array<i32>} : memref<10000xi32, #tpu.memory_space<vmem>>, vector<16xi32>,
    %get3A_114 = vector.shape_cast %get3A_113 : vector<16xi32> to vector<16xi32>
    %swap3A_115 = arith.constant 32 : index
    %swap3A_116 = tpu.vector_load %arg12[%swap3A_115] {strides = array<i32>} : memref<80xi32, #tpu.memory_space<vmem>>, vector<16xi32>,
    %swap3A_117 = vector.shape_cast %swap3A_116 : vector<16xi32> to vector<16xi32>
    %swap3A_118 = vector.shape_cast %get3A_114 : vector<16xi32> to vector<16xi32>
    tpu.vector_store %arg12[%swap3A_115], %swap3A_118 {strides = array<i32>} : memref<80xi32, #tpu.memory_space<vmem>>, vector<16xi32>,
    %get3A_119 = arith.constant 128 : index
    %get3A_120 = tpu.vector_load %arg7[%get3A_119] {strides = array<i32>} : memref<10000xi32, #tpu.memory_space<vmem>>, vector<16xi32>,
    %get3A_121 = vector.shape_cast %get3A_120 : vector<16xi32> to vector<16xi32>
    %swap3A_122 = arith.constant 48 : index
    %swap3A_123 = tpu.vector_load %arg10[%swap3A_122] {strides = array<i32>} : memref<80xi32, #tpu.memory_space<vmem>>, vector<16xi32>,
    %swap3A_124 = vector.shape_cast %swap3A_123 : vector<16xi32> to vector<16xi32>
    %swap3A_125 = vector.shape_cast %get3A_121 : vector<16xi32> to vector<16xi32>
    tpu.vector_store %arg10[%swap3A_122], %swap3A_125 {strides = array<i32>} : memref<80xi32, #tpu.memory_space<vmem>>, vector<16xi32>,
    %get3A_126 = arith.constant 128 : index
    %get3A_127 = tpu.vector_load %arg8[%get3A_126] {strides = array<i32>} : memref<10000xi32, #tpu.memory_space<vmem>>, vector<16xi32>,
    %get3A_128 = vector.shape_cast %get3A_127 : vector<16xi32> to vector<16xi32>
    %swap3A_129 = arith.constant 48 : index
    %swap3A_130 = tpu.vector_load %arg12[%swap3A_129] {strides = array<i32>} : memref<80xi32, #tpu.memory_space<vmem>>, vector<16xi32>,
    %swap3A_131 = vector.shape_cast %swap3A_130 : vector<16xi32> to vector<16xi32>
    %swap3A_132 = vector.shape_cast %get3A_128 : vector<16xi32> to vector<16xi32>
    tpu.vector_store %arg12[%swap3A_129], %swap3A_132 {strides = array<i32>} : memref<80xi32, #tpu.memory_space<vmem>>, vector<16xi32>,
    %get3A_133 = arith.constant 144 : index
    %get3A_134 = tpu.vector_load %arg7[%get3A_133] {strides = array<i32>} : memref<10000xi32, #tpu.memory_space<vmem>>, vector<16xi32>,
    %get3A_135 = vector.shape_cast %get3A_134 : vector<16xi32> to vector<16xi32>
    %swap3A_136 = arith.constant 64 : index
    %swap3A_137 = tpu.vector_load %arg10[%swap3A_136] {strides = array<i32>} : memref<80xi32, #tpu.memory_space<vmem>>, vector<16xi32>,
    %swap3A_138 = vector.shape_cast %swap3A_137 : vector<16xi32> to vector<16xi32>
    %swap3A_139 = vector.shape_cast %get3A_135 : vector<16xi32> to vector<16xi32>
    tpu.vector_store %arg10[%swap3A_136], %swap3A_139 {strides = array<i32>} : memref<80xi32, #tpu.memory_space<vmem>>, vector<16xi32>,
    %get3A_140 = arith.constant 144 : index
    %get3A_141 = tpu.vector_load %arg8[%get3A_140] {strides = array<i32>} : memref<10000xi32, #tpu.memory_space<vmem>>, vector<16xi32>,
    %get3A_142 = vector.shape_cast %get3A_141 : vector<16xi32> to vector<16xi32>
    %swap3A_143 = arith.constant 64 : index
    %swap3A_144 = tpu.vector_load %arg12[%swap3A_143] {strides = array<i32>} : memref<80xi32, #tpu.memory_space<vmem>>, vector<16xi32>,
    %swap3A_145 = vector.shape_cast %swap3A_144 : vector<16xi32> to vector<16xi32>
    %swap3A_146 = vector.shape_cast %get3A_142 : vector<16xi32> to vector<16xi32>
    tpu.vector_store %arg12[%swap3A_143], %swap3A_146 {strides = array<i32>} : memref<80xi32, #tpu.memory_space<vmem>>, vector<16xi32>,
    %dma_start3A_147 = arith.constant 0 : i32
    %dma_start3A_148 = arith.constant 0 : i32
    %dma_start3A_149 = tpu.memref_slice %arg2[%dma_start3A_147, %dma_start3A_148] : memref<10000x128xf32, #tpu.memory_space<hbm>> -> memref<10000x128xf32, #tpu.memory_space<hbm>>
    tpu.enqueue_indirect_dma source(%dma_start3A_149 : memref<10000x128xf32, #tpu.memory_space<hbm>>) target(%arg14 : memref<80x128xf32, #tpu.memory_space<vmem>>) offsets(%arg10 : memref<80xi32, #tpu.memory_space<vmem>>) semaphore(%arg17 : memref<!tpu.dma_semaphore, #tpu.memory_space<semaphore_mem>>)
    %scan3A = arith.constant 0 : i32
    %scan3A_150 = arith.constant 0 : i32
    %scan3A_151 = arith.constant 61 : i32
    %scan3A_152 = arith.addi %scan3A_150, %scan3A_151 : i32
    %scan3A_153 = arith.constant 1 : i32
    scf.for %scan3A_254 = %scan3A_150 to %scan3A_152 step %scan3A_153  : i32 {
      %dma_wait3A_255 = arith.constant 0 : i32
      %dma_wait3A_256 = arith.constant 0 : i32
      %dma_wait3A_257 = tpu.memref_slice %arg2[%dma_wait3A_255, %dma_wait3A_256] : memref<10000x128xf32, #tpu.memory_space<hbm>> -> memref<10000x128xf32, #tpu.memory_space<hbm>>
      tpu.wait_indirect_dma semaphore(%arg16 : memref<!tpu.dma_semaphore, #tpu.memory_space<semaphore_mem>>) src(%dma_wait3A_257 : memref<10000x128xf32, #tpu.memory_space<hbm>>) dst(%arg13 : memref<80x128xf32, #tpu.memory_space<vmem>>)
      %dma_start3A_258 = arith.constant 0 : i32
      %dma_start3A_259 = arith.constant 0 : i32
      %dma_start3A_260 = tpu.memref_slice %arg15[%dma_start3A_258, %dma_start3A_259] : memref<10000x128xf32, #tpu.memory_space<vmem_shared>> -> memref<10000x128xf32, #tpu.memory_space<vmem_shared>>
      tpu.enqueue_indirect_dma source(%arg13 : memref<80x128xf32, #tpu.memory_space<vmem>>) target(%dma_start3A_260 : memref<10000x128xf32, #tpu.memory_space<vmem_shared>>) offsets(%arg11 : memref<80xi32, #tpu.memory_space<vmem>>) semaphore(%arg18 : memref<!tpu.dma_semaphore, #tpu.memory_space<semaphore_mem>>) {add = true}
      %dma_wait3A_261 = arith.constant 0 : i32
      %dma_wait3A_262 = arith.constant 0 : i32
      %dma_wait3A_263 = tpu.memref_slice %arg2[%dma_wait3A_261, %dma_wait3A_262] : memref<10000x128xf32, #tpu.memory_space<hbm>> -> memref<10000x128xf32, #tpu.memory_space<hbm>>
      tpu.wait_indirect_dma semaphore(%arg17 : memref<!tpu.dma_semaphore, #tpu.memory_space<semaphore_mem>>) src(%dma_wait3A_263 : memref<10000x128xf32, #tpu.memory_space<hbm>>) dst(%arg14 : memref<80x128xf32, #tpu.memory_space<vmem>>)
      %dma_start3A_264 = arith.constant 0 : i32
      %dma_start3A_265 = arith.constant 0 : i32
      %dma_start3A_266 = tpu.memref_slice %arg15[%dma_start3A_264, %dma_start3A_265] : memref<10000x128xf32, #tpu.memory_space<vmem_shared>> -> memref<10000x128xf32, #tpu.memory_space<vmem_shared>>
      tpu.enqueue_indirect_dma source(%arg14 : memref<80x128xf32, #tpu.memory_space<vmem>>) target(%dma_start3A_266 : memref<10000x128xf32, #tpu.memory_space<vmem_shared>>) offsets(%arg12 : memref<80xi32, #tpu.memory_space<vmem>>) semaphore(%arg19 : memref<!tpu.dma_semaphore, #tpu.memory_space<semaphore_mem>>) {add = true}
      %dma_wait3A_267 = arith.constant 0 : i32
      %dma_wait3A_268 = arith.constant 0 : i32
      %dma_wait3A_269 = tpu.memref_slice %arg15[%dma_wait3A_267, %dma_wait3A_268] : memref<10000x128xf32, #tpu.memory_space<vmem_shared>> -> memref<10000x128xf32, #tpu.memory_space<vmem_shared>>
      tpu.wait_indirect_dma semaphore(%arg18 : memref<!tpu.dma_semaphore, #tpu.memory_space<semaphore_mem>>) src(%arg13 : memref<80x128xf32, #tpu.memory_space<vmem>>) dst(%dma_wait3A_269 : memref<10000x128xf32, #tpu.memory_space<vmem_shared>>)
      %add3A_270 = arith.constant 1 : i32
      %add3A_271 = arith.addi %scan3A_254, %add3A_270 : i32
      %mul3A_272 = arith.constant 2 : i32
      %mul3A_273 = arith.muli %add3A_271, %mul3A_272 : i32
      %add3A_274 = arith.constant 0 : i32
      %add3A_275 = arith.addi %mul3A_273, %add3A_274 : i32
      %mul3A_276 = arith.constant 80 : i32
      %mul3A_277 = arith.muli %add3A_275, %mul3A_276 : i32
      %add3A_278 = arith.constant 0 : i32
      %add3A_279 = arith.addi %mul3A_277, %add3A_278 : i32
      %get3A_280 = arith.index_cast %add3A_279 : i32 to index
      %get3A_281 = tpu.vector_load %arg7[%get3A_280] {strides = array<i32>} : memref<10000xi32, #tpu.memory_space<vmem>>, vector<16xi32>,
      %get3A_282 = vector.shape_cast %get3A_281 : vector<16xi32> to vector<16xi32>
      %swap3A_283 = arith.constant 0 : index
      %swap3A_284 = tpu.vector_load %arg9[%swap3A_283] {strides = array<i32>} : memref<80xi32, #tpu.memory_space<vmem>>, vector<16xi32>,
      %swap3A_285 = vector.shape_cast %swap3A_284 : vector<16xi32> to vector<16xi32>
      %swap3A_286 = vector.shape_cast %get3A_282 : vector<16xi32> to vector<16xi32>
      tpu.vector_store %arg9[%swap3A_283], %swap3A_286 {strides = array<i32>} : memref<80xi32, #tpu.memory_space<vmem>>, vector<16xi32>,
      %add3A_287 = arith.constant 0 : i32
      %add3A_288 = arith.addi %mul3A_277, %add3A_287 : i32
      %get3A_289 = arith.index_cast %add3A_288 : i32 to index
      %get3A_290 = tpu.vector_load %arg8[%get3A_289] {strides = array<i32>} : memref<10000xi32, #tpu.memory_space<vmem>>, vector<16xi32>,
      %get3A_291 = vector.shape_cast %get3A_290 : vector<16xi32> to vector<16xi32>
      %swap3A_292 = arith.constant 0 : index
      %swap3A_293 = tpu.vector_load %arg11[%swap3A_292] {strides = array<i32>} : memref<80xi32, #tpu.memory_space<vmem>>, vector<16xi32>,
      %swap3A_294 = vector.shape_cast %swap3A_293 : vector<16xi32> to vector<16xi32>
      %swap3A_295 = vector.shape_cast %get3A_291 : vector<16xi32> to vector<16xi32>
      tpu.vector_store %arg11[%swap3A_292], %swap3A_295 {strides = array<i32>} : memref<80xi32, #tpu.memory_space<vmem>>, vector<16xi32>,
      %add3A_296 = arith.constant 16 : i32
      %add3A_297 = arith.addi %mul3A_277, %add3A_296 : i32
      %get3A_298 = arith.index_cast %add3A_297 : i32 to index
      %get3A_299 = tpu.vector_load %arg7[%get3A_298] {strides = array<i32>} : memref<10000xi32, #tpu.memory_space<vmem>>, vector<16xi32>,
      %get3A_300 = vector.shape_cast %get3A_299 : vector<16xi32> to vector<16xi32>
      %swap3A_301 = arith.constant 16 : index
      %swap3A_302 = tpu.vector_load %arg9[%swap3A_301] {strides = array<i32>} : memref<80xi32, #tpu.memory_space<vmem>>, vector<16xi32>,
      %swap3A_303 = vector.shape_cast %swap3A_302 : vector<16xi32> to vector<16xi32>
      %swap3A_304 = vector.shape_cast %get3A_300 : vector<16xi32> to vector<16xi32>
      tpu.vector_store %arg9[%swap3A_301], %swap3A_304 {strides = array<i32>} : memref<80xi32, #tpu.memory_space<vmem>>, vector<16xi32>,
      %add3A_305 = arith.constant 16 : i32
      %add3A_306 = arith.addi %mul3A_277, %add3A_305 : i32
      %get3A_307 = arith.index_cast %add3A_306 : i32 to index
      %get3A_308 = tpu.vector_load %arg8[%get3A_307] {strides = array<i32>} : memref<10000xi32, #tpu.memory_space<vmem>>, vector<16xi32>,
      %get3A_309 = vector.shape_cast %get3A_308 : vector<16xi32> to vector<16xi32>
      %swap3A_310 = arith.constant 16 : index
      %swap3A_311 = tpu.vector_load %arg11[%swap3A_310] {strides = array<i32>} : memref<80xi32, #tpu.memory_space<vmem>>, vector<16xi32>,
      %swap3A_312 = vector.shape_cast %swap3A_311 : vector<16xi32> to vector<16xi32>
      %swap3A_313 = vector.shape_cast %get3A_309 : vector<16xi32> to vector<16xi32>
      tpu.vector_store %arg11[%swap3A_310], %swap3A_313 {strides = array<i32>} : memref<80xi32, #tpu.memory_space<vmem>>, vector<16xi32>,
      %add3A_314 = arith.constant 32 : i32
      %add3A_315 = arith.addi %mul3A_277, %add3A_314 : i32
      %get3A_316 = arith.index_cast %add3A_315 : i32 to index
      %get3A_317 = tpu.vector_load %arg7[%get3A_316] {strides = array<i32>} : memref<10000xi32, #tpu.memory_space<vmem>>, vector<16xi32>,
      %get3A_318 = vector.shape_cast %get3A_317 : vector<16xi32> to vector<16xi32>
      %swap3A_319 = arith.constant 32 : index
      %swap3A_320 = tpu.vector_load %arg9[%swap3A_319] {strides = array<i32>} : memref<80xi32, #tpu.memory_space<vmem>>, vector<16xi32>,
      %swap3A_321 = vector.shape_cast %swap3A_320 : vector<16xi32> to vector<16xi32>
      %swap3A_322 = vector.shape_cast %get3A_318 : vector<16xi32> to vector<16xi32>
      tpu.vector_store %arg9[%swap3A_319], %swap3A_322 {strides = array<i32>} : memref<80xi32, #tpu.memory_space<vmem>>, vector<16xi32>,
      %add3A_323 = arith.constant 32 : i32
      %add3A_324 = arith.addi %mul3A_277, %add3A_323 : i32
      %get3A_325 = arith.index_cast %add3A_324 : i32 to index
      %get3A_326 = tpu.vector_load %arg8[%get3A_325] {strides = array<i32>} : memref<10000xi32, #tpu.memory_space<vmem>>, vector<16xi32>,
      %get3A_327 = vector.shape_cast %get3A_326 : vector<16xi32> to vector<16xi32>
      %swap3A_328 = arith.constant 32 : index
      %swap3A_329 = tpu.vector_load %arg11[%swap3A_328] {strides = array<i32>} : memref<80xi32, #tpu.memory_space<vmem>>, vector<16xi32>,
      %swap3A_330 = vector.shape_cast %swap3A_329 : vector<16xi32> to vector<16xi32>
      %swap3A_331 = vector.shape_cast %get3A_327 : vector<16xi32> to vector<16xi32>
      tpu.vector_store %arg11[%swap3A_328], %swap3A_331 {strides = array<i32>} : memref<80xi32, #tpu.memory_space<vmem>>, vector<16xi32>,
      %add3A_332 = arith.constant 48 : i32
      %add3A_333 = arith.addi %mul3A_277, %add3A_332 : i32
      %get3A_334 = arith.index_cast %add3A_333 : i32 to index
      %get3A_335 = tpu.vector_load %arg7[%get3A_334] {strides = array<i32>} : memref<10000xi32, #tpu.memory_space<vmem>>, vector<16xi32>,
      %get3A_336 = vector.shape_cast %get3A_335 : vector<16xi32> to vector<16xi32>
      %swap3A_337 = arith.constant 48 : index
      %swap3A_338 = tpu.vector_load %arg9[%swap3A_337] {strides = array<i32>} : memref<80xi32, #tpu.memory_space<vmem>>, vector<16xi32>,
      %swap3A_339 = vector.shape_cast %swap3A_338 : vector<16xi32> to vector<16xi32>
      %swap3A_340 = vector.shape_cast %get3A_336 : vector<16xi32> to vector<16xi32>
      tpu.vector_store %arg9[%swap3A_337], %swap3A_340 {strides = array<i32>} : memref<80xi32, #tpu.memory_space<vmem>>, vector<16xi32>,
      %add3A_341 = arith.constant 48 : i32
      %add3A_342 = arith.addi %mul3A_277, %add3A_341 : i32
      %get3A_343 = arith.index_cast %add3A_342 : i32 to index
      %get3A_344 = tpu.vector_load %arg8[%get3A_343] {strides = array<i32>} : memref<10000xi32, #tpu.memory_space<vmem>>, vector<16xi32>,
      %get3A_345 = vector.shape_cast %get3A_344 : vector<16xi32> to vector<16xi32>
      %swap3A_346 = arith.constant 48 : index
      %swap3A_347 = tpu.vector_load %arg11[%swap3A_346] {strides = array<i32>} : memref<80xi32, #tpu.memory_space<vmem>>, vector<16xi32>,
      %swap3A_348 = vector.shape_cast %swap3A_347 : vector<16xi32> to vector<16xi32>
      %swap3A_349 = vector.shape_cast %get3A_345 : vector<16xi32> to vector<16xi32>
      tpu.vector_store %arg11[%swap3A_346], %swap3A_349 {strides = array<i32>} : memref<80xi32, #tpu.memory_space<vmem>>, vector<16xi32>,
      %add3A_350 = arith.constant 64 : i32
      %add3A_351 = arith.addi %mul3A_277, %add3A_350 : i32
      %get3A_352 = arith.index_cast %add3A_351 : i32 to index
      %get3A_353 = tpu.vector_load %arg7[%get3A_352] {strides = array<i32>} : memref<10000xi32, #tpu.memory_space<vmem>>, vector<16xi32>,
      %get3A_354 = vector.shape_cast %get3A_353 : vector<16xi32> to vector<16xi32>
      %swap3A_355 = arith.constant 64 : index
      %swap3A_356 = tpu.vector_load %arg9[%swap3A_355] {strides = array<i32>} : memref<80xi32, #tpu.memory_space<vmem>>, vector<16xi32>,
      %swap3A_357 = vector.shape_cast %swap3A_356 : vector<16xi32> to vector<16xi32>
      %swap3A_358 = vector.shape_cast %get3A_354 : vector<16xi32> to vector<16xi32>
      tpu.vector_store %arg9[%swap3A_355], %swap3A_358 {strides = array<i32>} : memref<80xi32, #tpu.memory_space<vmem>>, vector<16xi32>,
      %add3A_359 = arith.constant 64 : i32
      %add3A_360 = arith.addi %mul3A_277, %add3A_359 : i32
      %get3A_361 = arith.index_cast %add3A_360 : i32 to index
      %get3A_362 = tpu.vector_load %arg8[%get3A_361] {strides = array<i32>} : memref<10000xi32, #tpu.memory_space<vmem>>, vector<16xi32>,
      %get3A_363 = vector.shape_cast %get3A_362 : vector<16xi32> to vector<16xi32>
      %swap3A_364 = arith.constant 64 : index
      %swap3A_365 = tpu.vector_load %arg11[%swap3A_364] {strides = array<i32>} : memref<80xi32, #tpu.memory_space<vmem>>, vector<16xi32>,
      %swap3A_366 = vector.shape_cast %swap3A_365 : vector<16xi32> to vector<16xi32>
      %swap3A_367 = vector.shape_cast %get3A_363 : vector<16xi32> to vector<16xi32>
      tpu.vector_store %arg11[%swap3A_364], %swap3A_367 {strides = array<i32>} : memref<80xi32, #tpu.memory_space<vmem>>, vector<16xi32>,
      %dma_start3A_368 = arith.constant 0 : i32
      %dma_start3A_369 = arith.constant 0 : i32
      %dma_start3A_370 = tpu.memref_slice %arg2[%dma_start3A_368, %dma_start3A_369] : memref<10000x128xf32, #tpu.memory_space<hbm>> -> memref<10000x128xf32, #tpu.memory_space<hbm>>
      tpu.enqueue_indirect_dma source(%dma_start3A_370 : memref<10000x128xf32, #tpu.memory_space<hbm>>) target(%arg13 : memref<80x128xf32, #tpu.memory_space<vmem>>) offsets(%arg9 : memref<80xi32, #tpu.memory_space<vmem>>) semaphore(%arg16 : memref<!tpu.dma_semaphore, #tpu.memory_space<semaphore_mem>>)
      %dma_wait3A_371 = arith.constant 0 : i32
      %dma_wait3A_372 = arith.constant 0 : i32
      %dma_wait3A_373 = tpu.memref_slice %arg15[%dma_wait3A_371, %dma_wait3A_372] : memref<10000x128xf32, #tpu.memory_space<vmem_shared>> -> memref<10000x128xf32, #tpu.memory_space<vmem_shared>>
      tpu.wait_indirect_dma semaphore(%arg19 : memref<!tpu.dma_semaphore, #tpu.memory_space<semaphore_mem>>) src(%arg14 : memref<80x128xf32, #tpu.memory_space<vmem>>) dst(%dma_wait3A_373 : memref<10000x128xf32, #tpu.memory_space<vmem_shared>>)
      %add3A_374 = arith.constant 1 : i32
      %add3A_375 = arith.addi %scan3A_254, %add3A_374 : i32
      %mul3A_376 = arith.constant 2 : i32
      %mul3A_377 = arith.muli %add3A_375, %mul3A_376 : i32
      %add3A_378 = arith.constant 1 : i32
      %add3A_379 = arith.addi %mul3A_377, %add3A_378 : i32
      %mul3A_380 = arith.constant 80 : i32
      %mul3A_381 = arith.muli %add3A_379, %mul3A_380 : i32
      %add3A_382 = arith.constant 0 : i32
      %add3A_383 = arith.addi %mul3A_381, %add3A_382 : i32
      %get3A_384 = arith.index_cast %add3A_383 : i32 to index
      %get3A_385 = tpu.vector_load %arg7[%get3A_384] {strides = array<i32>} : memref<10000xi32, #tpu.memory_space<vmem>>, vector<16xi32>,
      %get3A_386 = vector.shape_cast %get3A_385 : vector<16xi32> to vector<16xi32>
      %swap3A_387 = arith.constant 0 : index
      %swap3A_388 = tpu.vector_load %arg10[%swap3A_387] {strides = array<i32>} : memref<80xi32, #tpu.memory_space<vmem>>, vector<16xi32>,
      %swap3A_389 = vector.shape_cast %swap3A_388 : vector<16xi32> to vector<16xi32>
      %swap3A_390 = vector.shape_cast %get3A_386 : vector<16xi32> to vector<16xi32>
      tpu.vector_store %arg10[%swap3A_387], %swap3A_390 {strides = array<i32>} : memref<80xi32, #tpu.memory_space<vmem>>, vector<16xi32>,
      %add3A_391 = arith.constant 0 : i32
      %add3A_392 = arith.addi %mul3A_381, %add3A_391 : i32
      %get3A_393 = arith.index_cast %add3A_392 : i32 to index
      %get3A_394 = tpu.vector_load %arg8[%get3A_393] {strides = array<i32>} : memref<10000xi32, #tpu.memory_space<vmem>>, vector<16xi32>,
      %get3A_395 = vector.shape_cast %get3A_394 : vector<16xi32> to vector<16xi32>
      %swap3A_396 = arith.constant 0 : index
      %swap3A_397 = tpu.vector_load %arg12[%swap3A_396] {strides = array<i32>} : memref<80xi32, #tpu.memory_space<vmem>>, vector<16xi32>,
      %swap3A_398 = vector.shape_cast %swap3A_397 : vector<16xi32> to vector<16xi32>
      %swap3A_399 = vector.shape_cast %get3A_395 : vector<16xi32> to vector<16xi32>
      tpu.vector_store %arg12[%swap3A_396], %swap3A_399 {strides = array<i32>} : memref<80xi32, #tpu.memory_space<vmem>>, vector<16xi32>,
      %add3A_400 = arith.constant 16 : i32
      %add3A_401 = arith.addi %mul3A_381, %add3A_400 : i32
      %get3A_402 = arith.index_cast %add3A_401 : i32 to index
      %get3A_403 = tpu.vector_load %arg7[%get3A_402] {strides = array<i32>} : memref<10000xi32, #tpu.memory_space<vmem>>, vector<16xi32>,
      %get3A_404 = vector.shape_cast %get3A_403 : vector<16xi32> to vector<16xi32>
      %swap3A_405 = arith.constant 16 : index
      %swap3A_406 = tpu.vector_load %arg10[%swap3A_405] {strides = array<i32>} : memref<80xi32, #tpu.memory_space<vmem>>, vector<16xi32>,
      %swap3A_407 = vector.shape_cast %swap3A_406 : vector<16xi32> to vector<16xi32>
      %swap3A_408 = vector.shape_cast %get3A_404 : vector<16xi32> to vector<16xi32>
      tpu.vector_store %arg10[%swap3A_405], %swap3A_408 {strides = array<i32>} : memref<80xi32, #tpu.memory_space<vmem>>, vector<16xi32>,
      %add3A_409 = arith.constant 16 : i32
      %add3A_410 = arith.addi %mul3A_381, %add3A_409 : i32
      %get3A_411 = arith.index_cast %add3A_410 : i32 to index
      %get3A_412 = tpu.vector_load %arg8[%get3A_411] {strides = array<i32>} : memref<10000xi32, #tpu.memory_space<vmem>>, vector<16xi32>,
      %get3A_413 = vector.shape_cast %get3A_412 : vector<16xi32> to vector<16xi32>
      %swap3A_414 = arith.constant 16 : index
      %swap3A_415 = tpu.vector_load %arg12[%swap3A_414] {strides = array<i32>} : memref<80xi32, #tpu.memory_space<vmem>>, vector<16xi32>,
      %swap3A_416 = vector.shape_cast %swap3A_415 : vector<16xi32> to vector<16xi32>
      %swap3A_417 = vector.shape_cast %get3A_413 : vector<16xi32> to vector<16xi32>
      tpu.vector_store %arg12[%swap3A_414], %swap3A_417 {strides = array<i32>} : memref<80xi32, #tpu.memory_space<vmem>>, vector<16xi32>,
      %add3A_418 = arith.constant 32 : i32
      %add3A_419 = arith.addi %mul3A_381, %add3A_418 : i32
      %get3A_420 = arith.index_cast %add3A_419 : i32 to index
      %get3A_421 = tpu.vector_load %arg7[%get3A_420] {strides = array<i32>} : memref<10000xi32, #tpu.memory_space<vmem>>, vector<16xi32>,
      %get3A_422 = vector.shape_cast %get3A_421 : vector<16xi32> to vector<16xi32>
      %swap3A_423 = arith.constant 32 : index
      %swap3A_424 = tpu.vector_load %arg10[%swap3A_423] {strides = array<i32>} : memref<80xi32, #tpu.memory_space<vmem>>, vector<16xi32>,
      %swap3A_425 = vector.shape_cast %swap3A_424 : vector<16xi32> to vector<16xi32>
      %swap3A_426 = vector.shape_cast %get3A_422 : vector<16xi32> to vector<16xi32>
      tpu.vector_store %arg10[%swap3A_423], %swap3A_426 {strides = array<i32>} : memref<80xi32, #tpu.memory_space<vmem>>, vector<16xi32>,
      %add3A_427 = arith.constant 32 : i32
      %add3A_428 = arith.addi %mul3A_381, %add3A_427 : i32
      %get3A_429 = arith.index_cast %add3A_428 : i32 to index
      %get3A_430 = tpu.vector_load %arg8[%get3A_429] {strides = array<i32>} : memref<10000xi32, #tpu.memory_space<vmem>>, vector<16xi32>,
      %get3A_431 = vector.shape_cast %get3A_430 : vector<16xi32> to vector<16xi32>
      %swap3A_432 = arith.constant 32 : index
      %swap3A_433 = tpu.vector_load %arg12[%swap3A_432] {strides = array<i32>} : memref<80xi32, #tpu.memory_space<vmem>>, vector<16xi32>,
      %swap3A_434 = vector.shape_cast %swap3A_433 : vector<16xi32> to vector<16xi32>
      %swap3A_435 = vector.shape_cast %get3A_431 : vector<16xi32> to vector<16xi32>
      tpu.vector_store %arg12[%swap3A_432], %swap3A_435 {strides = array<i32>} : memref<80xi32, #tpu.memory_space<vmem>>, vector<16xi32>,
      %add3A_436 = arith.constant 48 : i32
      %add3A_437 = arith.addi %mul3A_381, %add3A_436 : i32
      %get3A_438 = arith.index_cast %add3A_437 : i32 to index
      %get3A_439 = tpu.vector_load %arg7[%get3A_438] {strides = array<i32>} : memref<10000xi32, #tpu.memory_space<vmem>>, vector<16xi32>,
      %get3A_440 = vector.shape_cast %get3A_439 : vector<16xi32> to vector<16xi32>
      %swap3A_441 = arith.constant 48 : index
      %swap3A_442 = tpu.vector_load %arg10[%swap3A_441] {strides = array<i32>} : memref<80xi32, #tpu.memory_space<vmem>>, vector<16xi32>,
      %swap3A_443 = vector.shape_cast %swap3A_442 : vector<16xi32> to vector<16xi32>
      %swap3A_444 = vector.shape_cast %get3A_440 : vector<16xi32> to vector<16xi32>
      tpu.vector_store %arg10[%swap3A_441], %swap3A_444 {strides = array<i32>} : memref<80xi32, #tpu.memory_space<vmem>>, vector<16xi32>,
      %add3A_445 = arith.constant 48 : i32
      %add3A_446 = arith.addi %mul3A_381, %add3A_445 : i32
      %get3A_447 = arith.index_cast %add3A_446 : i32 to index
      %get3A_448 = tpu.vector_load %arg8[%get3A_447] {strides = array<i32>} : memref<10000xi32, #tpu.memory_space<vmem>>, vector<16xi32>,
      %get3A_449 = vector.shape_cast %get3A_448 : vector<16xi32> to vector<16xi32>
      %swap3A_450 = arith.constant 48 : index
      %swap3A_451 = tpu.vector_load %arg12[%swap3A_450] {strides = array<i32>} : memref<80xi32, #tpu.memory_space<vmem>>, vector<16xi32>,
      %swap3A_452 = vector.shape_cast %swap3A_451 : vector<16xi32> to vector<16xi32>
      %swap3A_453 = vector.shape_cast %get3A_449 : vector<16xi32> to vector<16xi32>
      tpu.vector_store %arg12[%swap3A_450], %swap3A_453 {strides = array<i32>} : memref<80xi32, #tpu.memory_space<vmem>>, vector<16xi32>,
      %add3A_454 = arith.constant 64 : i32
      %add3A_455 = arith.addi %mul3A_381, %add3A_454 : i32
      %get3A_456 = arith.index_cast %add3A_455 : i32 to index
      %get3A_457 = tpu.vector_load %arg7[%get3A_456] {strides = array<i32>} : memref<10000xi32, #tpu.memory_space<vmem>>, vector<16xi32>,
      %get3A_458 = vector.shape_cast %get3A_457 : vector<16xi32> to vector<16xi32>
      %swap3A_459 = arith.constant 64 : index
      %swap3A_460 = tpu.vector_load %arg10[%swap3A_459] {strides = array<i32>} : memref<80xi32, #tpu.memory_space<vmem>>, vector<16xi32>,
      %swap3A_461 = vector.shape_cast %swap3A_460 : vector<16xi32> to vector<16xi32>
      %swap3A_462 = vector.shape_cast %get3A_458 : vector<16xi32> to vector<16xi32>
      tpu.vector_store %arg10[%swap3A_459], %swap3A_462 {strides = array<i32>} : memref<80xi32, #tpu.memory_space<vmem>>, vector<16xi32>,
      %add3A_463 = arith.constant 64 : i32
      %add3A_464 = arith.addi %mul3A_381, %add3A_463 : i32
      %get3A_465 = arith.index_cast %add3A_464 : i32 to index
      %get3A_466 = tpu.vector_load %arg8[%get3A_465] {strides = array<i32>} : memref<10000xi32, #tpu.memory_space<vmem>>, vector<16xi32>,
      %get3A_467 = vector.shape_cast %get3A_466 : vector<16xi32> to vector<16xi32>
      %swap3A_468 = arith.constant 64 : index
      %swap3A_469 = tpu.vector_load %arg12[%swap3A_468] {strides = array<i32>} : memref<80xi32, #tpu.memory_space<vmem>>, vector<16xi32>,
      %swap3A_470 = vector.shape_cast %swap3A_469 : vector<16xi32> to vector<16xi32>
      %swap3A_471 = vector.shape_cast %get3A_467 : vector<16xi32> to vector<16xi32>
      tpu.vector_store %arg12[%swap3A_468], %swap3A_471 {strides = array<i32>} : memref<80xi32, #tpu.memory_space<vmem>>, vector<16xi32>,
      %dma_start3A_472 = arith.constant 0 : i32
      %dma_start3A_473 = arith.constant 0 : i32
      %dma_start3A_474 = tpu.memref_slice %arg2[%dma_start3A_472, %dma_start3A_473] : memref<10000x128xf32, #tpu.memory_space<hbm>> -> memref<10000x128xf32, #tpu.memory_space<hbm>>
      tpu.enqueue_indirect_dma source(%dma_start3A_474 : memref<10000x128xf32, #tpu.memory_space<hbm>>) target(%arg14 : memref<80x128xf32, #tpu.memory_space<vmem>>) offsets(%arg10 : memref<80xi32, #tpu.memory_space<vmem>>) semaphore(%arg17 : memref<!tpu.dma_semaphore, #tpu.memory_space<semaphore_mem>>)
    }
    %scan3A_154 = arith.constant 61 : i32
    %dma_wait3A = arith.constant 0 : i32
    %dma_wait3A_155 = arith.constant 0 : i32
    %dma_wait3A_156 = tpu.memref_slice %arg2[%dma_wait3A, %dma_wait3A_155] : memref<10000x128xf32, #tpu.memory_space<hbm>> -> memref<10000x128xf32, #tpu.memory_space<hbm>>
    tpu.wait_indirect_dma semaphore(%arg16 : memref<!tpu.dma_semaphore, #tpu.memory_space<semaphore_mem>>) src(%dma_wait3A_156 : memref<10000x128xf32, #tpu.memory_space<hbm>>) dst(%arg13 : memref<80x128xf32, #tpu.memory_space<vmem>>)
    %dma_start3A_157 = arith.constant 0 : i32
    %dma_start3A_158 = arith.constant 0 : i32
    %dma_start3A_159 = tpu.memref_slice %arg15[%dma_start3A_157, %dma_start3A_158] : memref<10000x128xf32, #tpu.memory_space<vmem_shared>> -> memref<10000x128xf32, #tpu.memory_space<vmem_shared>>
    tpu.enqueue_indirect_dma source(%arg13 : memref<80x128xf32, #tpu.memory_space<vmem>>) target(%dma_start3A_159 : memref<10000x128xf32, #tpu.memory_space<vmem_shared>>) offsets(%arg11 : memref<80xi32, #tpu.memory_space<vmem>>) semaphore(%arg18 : memref<!tpu.dma_semaphore, #tpu.memory_space<semaphore_mem>>) {add = true}
    %dma_wait3A_160 = arith.constant 0 : i32
    %dma_wait3A_161 = arith.constant 0 : i32
    %dma_wait3A_162 = tpu.memref_slice %arg2[%dma_wait3A_160, %dma_wait3A_161] : memref<10000x128xf32, #tpu.memory_space<hbm>> -> memref<10000x128xf32, #tpu.memory_space<hbm>>
    tpu.wait_indirect_dma semaphore(%arg17 : memref<!tpu.dma_semaphore, #tpu.memory_space<semaphore_mem>>) src(%dma_wait3A_162 : memref<10000x128xf32, #tpu.memory_space<hbm>>) dst(%arg14 : memref<80x128xf32, #tpu.memory_space<vmem>>)
    %dma_start3A_163 = arith.constant 0 : i32
    %dma_start3A_164 = arith.constant 0 : i32
    %dma_start3A_165 = tpu.memref_slice %arg15[%dma_start3A_163, %dma_start3A_164] : memref<10000x128xf32, #tpu.memory_space<vmem_shared>> -> memref<10000x128xf32, #tpu.memory_space<vmem_shared>>
    tpu.enqueue_indirect_dma source(%arg14 : memref<80x128xf32, #tpu.memory_space<vmem>>) target(%dma_start3A_165 : memref<10000x128xf32, #tpu.memory_space<vmem_shared>>) offsets(%arg12 : memref<80xi32, #tpu.memory_space<vmem>>) semaphore(%arg19 : memref<!tpu.dma_semaphore, #tpu.memory_space<semaphore_mem>>) {add = true}
    %dma_wait3A_166 = arith.constant 0 : i32
    %dma_wait3A_167 = arith.constant 0 : i32
    %dma_wait3A_168 = tpu.memref_slice %arg15[%dma_wait3A_166, %dma_wait3A_167] : memref<10000x128xf32, #tpu.memory_space<vmem_shared>> -> memref<10000x128xf32, #tpu.memory_space<vmem_shared>>
    tpu.wait_indirect_dma semaphore(%arg18 : memref<!tpu.dma_semaphore, #tpu.memory_space<semaphore_mem>>) src(%arg13 : memref<80x128xf32, #tpu.memory_space<vmem>>) dst(%dma_wait3A_168 : memref<10000x128xf32, #tpu.memory_space<vmem_shared>>)
    %dma_wait3A_169 = arith.constant 0 : i32
    %dma_wait3A_170 = arith.constant 0 : i32
    %dma_wait3A_171 = tpu.memref_slice %arg15[%dma_wait3A_169, %dma_wait3A_170] : memref<10000x128xf32, #tpu.memory_space<vmem_shared>> -> memref<10000x128xf32, #tpu.memory_space<vmem_shared>>
    tpu.wait_indirect_dma semaphore(%arg19 : memref<!tpu.dma_semaphore, #tpu.memory_space<semaphore_mem>>) src(%arg14 : memref<80x128xf32, #tpu.memory_space<vmem>>) dst(%dma_wait3A_171 : memref<10000x128xf32, #tpu.memory_space<vmem_shared>>)
    %get3A_172 = arith.constant 9920 : index
    %get3A_173 = tpu.vector_load %arg7[%get3A_172] {strides = array<i32>} : memref<10000xi32, #tpu.memory_space<vmem>>, vector<16xi32>,
    %get3A_174 = vector.shape_cast %get3A_173 : vector<16xi32> to vector<16xi32>
    %swap3A_175 = arith.constant 0 : index
    %swap3A_176 = tpu.vector_load %arg9[%swap3A_175] {strides = array<i32>} : memref<80xi32, #tpu.memory_space<vmem>>, vector<16xi32>,
    %swap3A_177 = vector.shape_cast %swap3A_176 : vector<16xi32> to vector<16xi32>
    %swap3A_178 = vector.shape_cast %get3A_174 : vector<16xi32> to vector<16xi32>
    tpu.vector_store %arg9[%swap3A_175], %swap3A_178 {strides = array<i32>} : memref<80xi32, #tpu.memory_space<vmem>>, vector<16xi32>,
    %get3A_179 = arith.constant 9920 : index
    %get3A_180 = tpu.vector_load %arg8[%get3A_179] {strides = array<i32>} : memref<10000xi32, #tpu.memory_space<vmem>>, vector<16xi32>,
    %get3A_181 = vector.shape_cast %get3A_180 : vector<16xi32> to vector<16xi32>
    %swap3A_182 = arith.constant 0 : index
    %swap3A_183 = tpu.vector_load %arg11[%swap3A_182] {strides = array<i32>} : memref<80xi32, #tpu.memory_space<vmem>>, vector<16xi32>,
    %swap3A_184 = vector.shape_cast %swap3A_183 : vector<16xi32> to vector<16xi32>
    %swap3A_185 = vector.shape_cast %get3A_181 : vector<16xi32> to vector<16xi32>
    tpu.vector_store %arg11[%swap3A_182], %swap3A_185 {strides = array<i32>} : memref<80xi32, #tpu.memory_space<vmem>>, vector<16xi32>,
    %get3A_186 = arith.constant 9936 : index
    %get3A_187 = tpu.vector_load %arg7[%get3A_186] {strides = array<i32>} : memref<10000xi32, #tpu.memory_space<vmem>>, vector<16xi32>,
    %get3A_188 = vector.shape_cast %get3A_187 : vector<16xi32> to vector<16xi32>
    %swap3A_189 = arith.constant 16 : index
    %swap3A_190 = tpu.vector_load %arg9[%swap3A_189] {strides = array<i32>} : memref<80xi32, #tpu.memory_space<vmem>>, vector<16xi32>,
    %swap3A_191 = vector.shape_cast %swap3A_190 : vector<16xi32> to vector<16xi32>
    %swap3A_192 = vector.shape_cast %get3A_188 : vector<16xi32> to vector<16xi32>
    tpu.vector_store %arg9[%swap3A_189], %swap3A_192 {strides = array<i32>} : memref<80xi32, #tpu.memory_space<vmem>>, vector<16xi32>,
    %get3A_193 = arith.constant 9936 : index
    %get3A_194 = tpu.vector_load %arg8[%get3A_193] {strides = array<i32>} : memref<10000xi32, #tpu.memory_space<vmem>>, vector<16xi32>,
    %get3A_195 = vector.shape_cast %get3A_194 : vector<16xi32> to vector<16xi32>
    %swap3A_196 = arith.constant 16 : index
    %swap3A_197 = tpu.vector_load %arg11[%swap3A_196] {strides = array<i32>} : memref<80xi32, #tpu.memory_space<vmem>>, vector<16xi32>,
    %swap3A_198 = vector.shape_cast %swap3A_197 : vector<16xi32> to vector<16xi32>
    %swap3A_199 = vector.shape_cast %get3A_195 : vector<16xi32> to vector<16xi32>
    tpu.vector_store %arg11[%swap3A_196], %swap3A_199 {strides = array<i32>} : memref<80xi32, #tpu.memory_space<vmem>>, vector<16xi32>,
    %get3A_200 = arith.constant 9952 : index
    %get3A_201 = tpu.vector_load %arg7[%get3A_200] {strides = array<i32>} : memref<10000xi32, #tpu.memory_space<vmem>>, vector<16xi32>,
    %get3A_202 = vector.shape_cast %get3A_201 : vector<16xi32> to vector<16xi32>
    %swap3A_203 = arith.constant 32 : index
    %swap3A_204 = tpu.vector_load %arg9[%swap3A_203] {strides = array<i32>} : memref<80xi32, #tpu.memory_space<vmem>>, vector<16xi32>,
    %swap3A_205 = vector.shape_cast %swap3A_204 : vector<16xi32> to vector<16xi32>
    %swap3A_206 = vector.shape_cast %get3A_202 : vector<16xi32> to vector<16xi32>
    tpu.vector_store %arg9[%swap3A_203], %swap3A_206 {strides = array<i32>} : memref<80xi32, #tpu.memory_space<vmem>>, vector<16xi32>,
    %get3A_207 = arith.constant 9952 : index
    %get3A_208 = tpu.vector_load %arg8[%get3A_207] {strides = array<i32>} : memref<10000xi32, #tpu.memory_space<vmem>>, vector<16xi32>,
    %get3A_209 = vector.shape_cast %get3A_208 : vector<16xi32> to vector<16xi32>
    %swap3A_210 = arith.constant 32 : index
    %swap3A_211 = tpu.vector_load %arg11[%swap3A_210] {strides = array<i32>} : memref<80xi32, #tpu.memory_space<vmem>>, vector<16xi32>,
    %swap3A_212 = vector.shape_cast %swap3A_211 : vector<16xi32> to vector<16xi32>
    %swap3A_213 = vector.shape_cast %get3A_209 : vector<16xi32> to vector<16xi32>
    tpu.vector_store %arg11[%swap3A_210], %swap3A_213 {strides = array<i32>} : memref<80xi32, #tpu.memory_space<vmem>>, vector<16xi32>,
    %get3A_214 = arith.constant 9968 : index
    %get3A_215 = tpu.vector_load %arg7[%get3A_214] {strides = array<i32>} : memref<10000xi32, #tpu.memory_space<vmem>>, vector<16xi32>,
    %get3A_216 = vector.shape_cast %get3A_215 : vector<16xi32> to vector<16xi32>
    %swap3A_217 = arith.constant 48 : index
    %swap3A_218 = tpu.vector_load %arg9[%swap3A_217] {strides = array<i32>} : memref<80xi32, #tpu.memory_space<vmem>>, vector<16xi32>,
    %swap3A_219 = vector.shape_cast %swap3A_218 : vector<16xi32> to vector<16xi32>
    %swap3A_220 = vector.shape_cast %get3A_216 : vector<16xi32> to vector<16xi32>
    tpu.vector_store %arg9[%swap3A_217], %swap3A_220 {strides = array<i32>} : memref<80xi32, #tpu.memory_space<vmem>>, vector<16xi32>,
    %get3A_221 = arith.constant 9968 : index
    %get3A_222 = tpu.vector_load %arg8[%get3A_221] {strides = array<i32>} : memref<10000xi32, #tpu.memory_space<vmem>>, vector<16xi32>,
    %get3A_223 = vector.shape_cast %get3A_222 : vector<16xi32> to vector<16xi32>
    %swap3A_224 = arith.constant 48 : index
    %swap3A_225 = tpu.vector_load %arg11[%swap3A_224] {strides = array<i32>} : memref<80xi32, #tpu.memory_space<vmem>>, vector<16xi32>,
    %swap3A_226 = vector.shape_cast %swap3A_225 : vector<16xi32> to vector<16xi32>
    %swap3A_227 = vector.shape_cast %get3A_223 : vector<16xi32> to vector<16xi32>
    tpu.vector_store %arg11[%swap3A_224], %swap3A_227 {strides = array<i32>} : memref<80xi32, #tpu.memory_space<vmem>>, vector<16xi32>,
    %get3A_228 = arith.constant 9984 : index
    %get3A_229 = tpu.vector_load %arg7[%get3A_228] {strides = array<i32>} : memref<10000xi32, #tpu.memory_space<vmem>>, vector<16xi32>,
    %get3A_230 = vector.shape_cast %get3A_229 : vector<16xi32> to vector<16xi32>
    %swap3A_231 = arith.constant 64 : index
    %swap3A_232 = tpu.vector_load %arg9[%swap3A_231] {strides = array<i32>} : memref<80xi32, #tpu.memory_space<vmem>>, vector<16xi32>,
    %swap3A_233 = vector.shape_cast %swap3A_232 : vector<16xi32> to vector<16xi32>
    %swap3A_234 = vector.shape_cast %get3A_230 : vector<16xi32> to vector<16xi32>
    tpu.vector_store %arg9[%swap3A_231], %swap3A_234 {strides = array<i32>} : memref<80xi32, #tpu.memory_space<vmem>>, vector<16xi32>,
    %get3A_235 = arith.constant 9984 : index
    %get3A_236 = tpu.vector_load %arg8[%get3A_235] {strides = array<i32>} : memref<10000xi32, #tpu.memory_space<vmem>>, vector<16xi32>,
    %get3A_237 = vector.shape_cast %get3A_236 : vector<16xi32> to vector<16xi32>
    %swap3A_238 = arith.constant 64 : index
    %swap3A_239 = tpu.vector_load %arg11[%swap3A_238] {strides = array<i32>} : memref<80xi32, #tpu.memory_space<vmem>>, vector<16xi32>,
    %swap3A_240 = vector.shape_cast %swap3A_239 : vector<16xi32> to vector<16xi32>
    %swap3A_241 = vector.shape_cast %get3A_237 : vector<16xi32> to vector<16xi32>
    tpu.vector_store %arg11[%swap3A_238], %swap3A_241 {strides = array<i32>} : memref<80xi32, #tpu.memory_space<vmem>>, vector<16xi32>,
    %dma_start3A_242 = arith.constant 0 : i32
    %dma_start3A_243 = arith.constant 0 : i32
    %dma_start3A_244 = tpu.memref_slice %arg2[%dma_start3A_242, %dma_start3A_243] : memref<10000x128xf32, #tpu.memory_space<hbm>> -> memref<10000x128xf32, #tpu.memory_space<hbm>>
    tpu.enqueue_indirect_dma source(%dma_start3A_244 : memref<10000x128xf32, #tpu.memory_space<hbm>>) target(%arg13 : memref<80x128xf32, #tpu.memory_space<vmem>>) offsets(%arg9 : memref<80xi32, #tpu.memory_space<vmem>>) semaphore(%arg16 : memref<!tpu.dma_semaphore, #tpu.memory_space<semaphore_mem>>)
    %dma_wait3A_245 = arith.constant 0 : i32
    %dma_wait3A_246 = arith.constant 0 : i32
    %dma_wait3A_247 = tpu.memref_slice %arg2[%dma_wait3A_245, %dma_wait3A_246] : memref<10000x128xf32, #tpu.memory_space<hbm>> -> memref<10000x128xf32, #tpu.memory_space<hbm>>
    tpu.wait_indirect_dma semaphore(%arg16 : memref<!tpu.dma_semaphore, #tpu.memory_space<semaphore_mem>>) src(%dma_wait3A_247 : memref<10000x128xf32, #tpu.memory_space<hbm>>) dst(%arg13 : memref<80x128xf32, #tpu.memory_space<vmem>>)
    "tpu.region"() ({
      %run_scoped3A = tpu.sem_alloc : memref<!tpu.dma_semaphore, #tpu.memory_space<semaphore_mem>>
      %dma_start3A_254 = arith.constant 0 : i32
      %dma_start3A_255 = arith.constant 0 : i32
      %dma_start3A_256 = tpu.memref_slice %arg15[%dma_start3A_254, %dma_start3A_255] : memref<10000x128xf32, #tpu.memory_space<vmem_shared>> -> memref<10000x128xf32, #tpu.memory_space<vmem_shared>>
      tpu.enqueue_indirect_dma source(%arg13 : memref<80x128xf32, #tpu.memory_space<vmem>>) target(%dma_start3A_256 : memref<10000x128xf32, #tpu.memory_space<vmem_shared>>) offsets(%arg11 : memref<80xi32, #tpu.memory_space<vmem>>) semaphore(%run_scoped3A : memref<!tpu.dma_semaphore, #tpu.memory_space<semaphore_mem>>) {add = true}
      %dma_wait3A_257 = arith.constant 0 : i32
      %dma_wait3A_258 = arith.constant 0 : i32
      %dma_wait3A_259 = tpu.memref_slice %arg15[%dma_wait3A_257, %dma_wait3A_258] : memref<10000x128xf32, #tpu.memory_space<vmem_shared>> -> memref<10000x128xf32, #tpu.memory_space<vmem_shared>>
      tpu.wait_indirect_dma semaphore(%run_scoped3A : memref<!tpu.dma_semaphore, #tpu.memory_space<semaphore_mem>>) src(%arg13 : memref<80x128xf32, #tpu.memory_space<vmem>>) dst(%dma_wait3A_259 : memref<10000x128xf32, #tpu.memory_space<vmem_shared>>)
      tpu.yield
    }) : () -> ()
    %barrier3A_248 = arith.constant 0 : index
    tpu.barrier barrier_id(%barrier3A_248)
    "tpu.region"() ({
      %run_scoped3A = tpu.sem_alloc : memref<!tpu.dma_semaphore, #tpu.memory_space<semaphore_mem>>
      %dma_start3A_254 = arith.constant 0 : i32
      %dma_start3A_255 = tpu.memref_slice %arg6[%arg0, %mul3A_4, %dma_start3A_254] : memref<2x10000x128xf32, #tpu.memory_space<hbm>> -> memref<1x624x128xf32, #tpu.memory_space<hbm>>
      %dma_start3A_256 = tpu.memref_squeeze %dma_start3A_255 : memref<1x624x128xf32, #tpu.memory_space<hbm>> -> memref<624x128xf32, #tpu.memory_space<hbm>>
      %dma_start3A_257 = arith.constant 0 : i32
      %dma_start3A_258 = tpu.memref_slice %arg15[%mul3A_4, %dma_start3A_257] : memref<10000x128xf32, #tpu.memory_space<vmem_shared>> -> memref<624x128xf32, #tpu.memory_space<vmem_shared>>
      tpu.enqueue_dma source(%dma_start3A_258 : memref<624x128xf32, #tpu.memory_space<vmem_shared>>) target(%dma_start3A_256 : memref<624x128xf32, #tpu.memory_space<hbm>>) target_semaphore(%run_scoped3A : memref<!tpu.dma_semaphore, #tpu.memory_space<semaphore_mem>>)
      %dma_wait3A_259 = arith.constant 0 : i32
      %dma_wait3A_260 = tpu.memref_slice %arg6[%arg0, %mul3A_4, %dma_wait3A_259] : memref<2x10000x128xf32, #tpu.memory_space<hbm>> -> memref<1x624x128xf32, #tpu.memory_space<hbm>>
      %dma_wait3A_261 = tpu.memref_squeeze %dma_wait3A_260 : memref<1x624x128xf32, #tpu.memory_space<hbm>> -> memref<624x128xf32, #tpu.memory_space<hbm>>
      %dma_wait3A_262 = arith.constant 0 : i32
      %dma_wait3A_263 = tpu.memref_slice %arg15[%mul3A_4, %dma_wait3A_262] : memref<10000x128xf32, #tpu.memory_space<vmem_shared>> -> memref<624x128xf32, #tpu.memory_space<vmem_shared>>
      tpu.wait_dma2 semaphore(%run_scoped3A : memref<!tpu.dma_semaphore, #tpu.memory_space<semaphore_mem>>) src(%dma_wait3A_263 : memref<624x128xf32, #tpu.memory_space<vmem_shared>>) dst(%dma_wait3A_261 : memref<624x128xf32, #tpu.memory_space<hbm>>)
      tpu.yield
    }) : () -> ()
    %eq3A_249 = arith.constant 15 : i32
    %eq3A_250 = arith.cmpi eq, %arg1, %eq3A_249 : i32
    %convert_element_type3A_251 = arith.extui %eq3A_250 : i1 to i32
    %cond3A_252 = arith.constant 0 : i32
    %cond3A_253 = arith.cmpi ne, %convert_element_type3A_251, %cond3A_252 : i32
    scf.if %cond3A_253 {
      "tpu.region"() ({
        %run_scoped3A = tpu.sem_alloc : memref<!tpu.dma_semaphore, #tpu.memory_space<semaphore_mem>>
        %dma_start3A_254 = arith.constant 9984 : i32
        %dma_start3A_255 = arith.constant 0 : i32
        %dma_start3A_256 = tpu.memref_slice %arg6[%arg0, %dma_start3A_254, %dma_start3A_255] : memref<2x10000x128xf32, #tpu.memory_space<hbm>> -> memref<1x16x128xf32, #tpu.memory_space<hbm>>
        %dma_start3A_257 = tpu.memref_squeeze %dma_start3A_256 : memref<1x16x128xf32, #tpu.memory_space<hbm>> -> memref<16x128xf32, #tpu.memory_space<hbm>>
        %dma_start3A_258 = arith.constant 9984 : i32
        %dma_start3A_259 = arith.constant 0 : i32
        %dma_start3A_260 = tpu.memref_slice %arg15[%dma_start3A_258, %dma_start3A_259] : memref<10000x128xf32, #tpu.memory_space<vmem_shared>> -> memref<16x128xf32, #tpu.memory_space<vmem_shared>>
        tpu.enqueue_dma source(%dma_start3A_260 : memref<16x128xf32, #tpu.memory_space<vmem_shared>>) target(%dma_start3A_257 : memref<16x128xf32, #tpu.memory_space<hbm>>) target_semaphore(%run_scoped3A : memref<!tpu.dma_semaphore, #tpu.memory_space<semaphore_mem>>)
        %dma_wait3A_261 = arith.constant 9984 : i32
        %dma_wait3A_262 = arith.constant 0 : i32
        %dma_wait3A_263 = tpu.memref_slice %arg6[%arg0, %dma_wait3A_261, %dma_wait3A_262] : memref<2x10000x128xf32, #tpu.memory_space<hbm>> -> memref<1x16x128xf32, #tpu.memory_space<hbm>>
        %dma_wait3A_264 = tpu.memref_squeeze %dma_wait3A_263 : memref<1x16x128xf32, #tpu.memory_space<hbm>> -> memref<16x128xf32, #tpu.memory_space<hbm>>
        %dma_wait3A_265 = arith.constant 9984 : i32
        %dma_wait3A_266 = arith.constant 0 : i32
        %dma_wait3A_267 = tpu.memref_slice %arg15[%dma_wait3A_265, %dma_wait3A_266] : memref<10000x128xf32, #tpu.memory_space<vmem_shared>> -> memref<16x128xf32, #tpu.memory_space<vmem_shared>>
        tpu.wait_dma2 semaphore(%run_scoped3A : memref<!tpu.dma_semaphore, #tpu.memory_space<semaphore_mem>>) src(%dma_wait3A_267 : memref<16x128xf32, #tpu.memory_space<vmem_shared>>) dst(%dma_wait3A_264 : memref<16x128xf32, #tpu.memory_space<hbm>>)
        tpu.yield
      }) : () -> ()
    } else {
    }
    return
  }
}

#map = affine_map<(d0, d1) -> (0)>
#map1 = affine_map<(d0, d1) -> (0, 0)>
#map2 = affine_map<(d0, d1) -> (0, 0, 0)>
module attributes {stable_mosaic.version = 14 : i64} {
  func.func @sage_degree_sc(%arg0: i32, %arg1: i32, %arg2: memref<320000xi32, #tpu.memory_space<hbm>>, %arg3: memref<10000x128xf32, #tpu.memory_space<hbm>>, %arg4: memref<80x128xf32, #tpu.memory_space<hbm>>, %arg5: memref<2x10000x128xf32, #tpu.memory_space<hbm>>, %arg6: memref<10000xi32, #tpu.memory_space<vmem>>, %arg7: memref<80xi32, #tpu.memory_space<vmem>>, %arg8: memref<80x128xf32, #tpu.memory_space<vmem>>, %arg9: memref<10000x128xf32, #tpu.memory_space<vmem_shared>>) attributes {dimension_semantics = [#tpu.dimension_semantics<core_parallel>, #tpu.dimension_semantics<subcore_parallel>], iteration_bounds = array<i64: 2, 16>, scalar_prefetch = 0 : i64, scratch_operands = 4 : i64, tpu.core_type = #tpu.core_type<sc_vector_subcore>, window_params = [{transform_indices = #map}, {transform_indices = #map1}, {transform_indices = #map1}, {transform_indices = #map2}]} {
    %mul3A = arith.constant 2 : i32
    %mul3A_0 = arith.muli %arg1, %mul3A : i32
    %add3A = arith.addi %mul3A_0, %arg0 : i32
    %mul3A_1 = arith.constant 10000 : i32
    %mul3A_2 = arith.muli %add3A, %mul3A_1 : i32
    %mul3A_3 = arith.constant 624 : i32
    %mul3A_4 = arith.muli %arg1, %mul3A_3 : i32
    "tpu.region"() ({
      %run_scoped3A = tpu.sem_alloc : memref<!tpu.dma_semaphore, #tpu.memory_space<semaphore_mem>>
      %dma_start3A = arith.constant 0 : i32
      %dma_start3A_18 = tpu.memref_slice %arg9[%mul3A_4, %dma_start3A] : memref<10000x128xf32, #tpu.memory_space<vmem_shared>> -> memref<624x128xf32, #tpu.memory_space<vmem_shared>>
      %dma_start3A_19 = arith.constant 0 : i32
      %dma_start3A_20 = tpu.memref_slice %arg3[%mul3A_4, %dma_start3A_19] : memref<10000x128xf32, #tpu.memory_space<hbm>> -> memref<624x128xf32, #tpu.memory_space<hbm>>
      tpu.enqueue_dma source(%dma_start3A_20 : memref<624x128xf32, #tpu.memory_space<hbm>>) target(%dma_start3A_18 : memref<624x128xf32, #tpu.memory_space<vmem_shared>>) target_semaphore(%run_scoped3A : memref<!tpu.dma_semaphore, #tpu.memory_space<semaphore_mem>>)
      %dma_wait3A = arith.constant 0 : i32
      %dma_wait3A_21 = tpu.memref_slice %arg9[%mul3A_4, %dma_wait3A] : memref<10000x128xf32, #tpu.memory_space<vmem_shared>> -> memref<624x128xf32, #tpu.memory_space<vmem_shared>>
      %dma_wait3A_22 = arith.constant 0 : i32
      %dma_wait3A_23 = tpu.memref_slice %arg3[%mul3A_4, %dma_wait3A_22] : memref<10000x128xf32, #tpu.memory_space<hbm>> -> memref<624x128xf32, #tpu.memory_space<hbm>>
      tpu.wait_dma2 semaphore(%run_scoped3A : memref<!tpu.dma_semaphore, #tpu.memory_space<semaphore_mem>>) src(%dma_wait3A_23 : memref<624x128xf32, #tpu.memory_space<hbm>>) dst(%dma_wait3A_21 : memref<624x128xf32, #tpu.memory_space<vmem_shared>>)
      tpu.yield
    }) : () -> ()
    %eq3A = arith.constant 15 : i32
    %eq3A_5 = arith.cmpi eq, %arg1, %eq3A : i32
    %convert_element_type3A = arith.extui %eq3A_5 : i1 to i32
    %cond3A = arith.constant 0 : i32
    %cond3A_6 = arith.cmpi ne, %convert_element_type3A, %cond3A : i32
    scf.if %cond3A_6 {
      "tpu.region"() ({
        %run_scoped3A = tpu.sem_alloc : memref<!tpu.dma_semaphore, #tpu.memory_space<semaphore_mem>>
        %dma_start3A = arith.constant 9984 : i32
        %dma_start3A_18 = arith.constant 0 : i32
        %dma_start3A_19 = tpu.memref_slice %arg9[%dma_start3A, %dma_start3A_18] : memref<10000x128xf32, #tpu.memory_space<vmem_shared>> -> memref<16x128xf32, #tpu.memory_space<vmem_shared>>
        %dma_start3A_20 = arith.constant 9984 : i32
        %dma_start3A_21 = arith.constant 0 : i32
        %dma_start3A_22 = tpu.memref_slice %arg3[%dma_start3A_20, %dma_start3A_21] : memref<10000x128xf32, #tpu.memory_space<hbm>> -> memref<16x128xf32, #tpu.memory_space<hbm>>
        tpu.enqueue_dma source(%dma_start3A_22 : memref<16x128xf32, #tpu.memory_space<hbm>>) target(%dma_start3A_19 : memref<16x128xf32, #tpu.memory_space<vmem_shared>>) target_semaphore(%run_scoped3A : memref<!tpu.dma_semaphore, #tpu.memory_space<semaphore_mem>>)
        %dma_wait3A = arith.constant 9984 : i32
        %dma_wait3A_23 = arith.constant 0 : i32
        %dma_wait3A_24 = tpu.memref_slice %arg9[%dma_wait3A, %dma_wait3A_23] : memref<10000x128xf32, #tpu.memory_space<vmem_shared>> -> memref<16x128xf32, #tpu.memory_space<vmem_shared>>
        %dma_wait3A_25 = arith.constant 9984 : i32
        %dma_wait3A_26 = arith.constant 0 : i32
        %dma_wait3A_27 = tpu.memref_slice %arg3[%dma_wait3A_25, %dma_wait3A_26] : memref<10000x128xf32, #tpu.memory_space<hbm>> -> memref<16x128xf32, #tpu.memory_space<hbm>>
        tpu.wait_dma2 semaphore(%run_scoped3A : memref<!tpu.dma_semaphore, #tpu.memory_space<semaphore_mem>>) src(%dma_wait3A_27 : memref<16x128xf32, #tpu.memory_space<hbm>>) dst(%dma_wait3A_24 : memref<16x128xf32, #tpu.memory_space<vmem_shared>>)
        tpu.yield
      }) : () -> ()
    } else {
    }
    "tpu.region"() ({
      %run_scoped3A = tpu.sem_alloc : memref<!tpu.dma_semaphore, #tpu.memory_space<semaphore_mem>>
      tpu.enqueue_dma source(%arg4 : memref<80x128xf32, #tpu.memory_space<hbm>>) target(%arg8 : memref<80x128xf32, #tpu.memory_space<vmem>>) target_semaphore(%run_scoped3A : memref<!tpu.dma_semaphore, #tpu.memory_space<semaphore_mem>>)
      tpu.wait_dma2 semaphore(%run_scoped3A : memref<!tpu.dma_semaphore, #tpu.memory_space<semaphore_mem>>) src(%arg4 : memref<80x128xf32, #tpu.memory_space<hbm>>) dst(%arg8 : memref<80x128xf32, #tpu.memory_space<vmem>>)
      tpu.yield
    }) : () -> ()
    "tpu.region"() ({
      %run_scoped3A = tpu.sem_alloc : memref<!tpu.dma_semaphore, #tpu.memory_space<semaphore_mem>>
      %dma_start3A = tpu.memref_slice %arg2[%mul3A_2] : memref<320000xi32, #tpu.memory_space<hbm>> -> memref<10000xi32, #tpu.memory_space<hbm>>
      %dma_start3A_18 = tpu.memref_slice %arg2[%mul3A_2] : memref<320000xi32, #tpu.memory_space<hbm>> -> memref<10000xi32, #tpu.memory_space<hbm>>
      tpu.enqueue_dma source(%dma_start3A_18 : memref<10000xi32, #tpu.memory_space<hbm>>) target(%arg6 : memref<10000xi32, #tpu.memory_space<vmem>>) target_semaphore(%run_scoped3A : memref<!tpu.dma_semaphore, #tpu.memory_space<semaphore_mem>>)
      %dma_wait3A = tpu.memref_slice %arg2[%mul3A_2] : memref<320000xi32, #tpu.memory_space<hbm>> -> memref<10000xi32, #tpu.memory_space<hbm>>
      %dma_wait3A_19 = tpu.memref_slice %arg2[%mul3A_2] : memref<320000xi32, #tpu.memory_space<hbm>> -> memref<10000xi32, #tpu.memory_space<hbm>>
      tpu.wait_dma2 semaphore(%run_scoped3A : memref<!tpu.dma_semaphore, #tpu.memory_space<semaphore_mem>>) src(%dma_wait3A_19 : memref<10000xi32, #tpu.memory_space<hbm>>) dst(%arg6 : memref<10000xi32, #tpu.memory_space<vmem>>)
      tpu.yield
    }) : () -> ()
    %barrier3A = arith.constant 0 : index
    tpu.barrier barrier_id(%barrier3A)
    %scan3A = arith.constant 0 : i32
    %scan3A_7 = arith.constant 0 : i32
    %scan3A_8 = arith.constant 125 : i32
    %scan3A_9 = arith.addi %scan3A_7, %scan3A_8 : i32
    %scan3A_10 = arith.constant 1 : i32
    scf.for %scan3A_18 = %scan3A_7 to %scan3A_9 step %scan3A_10  : i32 {
      %mul3A_19 = arith.constant 80 : i32
      %mul3A_20 = arith.muli %scan3A_18, %mul3A_19 : i32
      %add3A_21 = arith.constant 0 : i32
      %add3A_22 = arith.addi %mul3A_20, %add3A_21 : i32
      %get3A = arith.index_cast %add3A_22 : i32 to index
      %get3A_23 = tpu.vector_load %arg6[%get3A] {strides = array<i32>} : memref<10000xi32, #tpu.memory_space<vmem>>, vector<16xi32>,
      %get3A_24 = vector.shape_cast %get3A_23 : vector<16xi32> to vector<16xi32>
      %swap3A = arith.constant 0 : index
      %swap3A_25 = tpu.vector_load %arg7[%swap3A] {strides = array<i32>} : memref<80xi32, #tpu.memory_space<vmem>>, vector<16xi32>,
      %swap3A_26 = vector.shape_cast %swap3A_25 : vector<16xi32> to vector<16xi32>
      %swap3A_27 = vector.shape_cast %get3A_24 : vector<16xi32> to vector<16xi32>
      tpu.vector_store %arg7[%swap3A], %swap3A_27 {strides = array<i32>} : memref<80xi32, #tpu.memory_space<vmem>>, vector<16xi32>,
      %add3A_28 = arith.constant 16 : i32
      %add3A_29 = arith.addi %mul3A_20, %add3A_28 : i32
      %get3A_30 = arith.index_cast %add3A_29 : i32 to index
      %get3A_31 = tpu.vector_load %arg6[%get3A_30] {strides = array<i32>} : memref<10000xi32, #tpu.memory_space<vmem>>, vector<16xi32>,
      %get3A_32 = vector.shape_cast %get3A_31 : vector<16xi32> to vector<16xi32>
      %swap3A_33 = arith.constant 16 : index
      %swap3A_34 = tpu.vector_load %arg7[%swap3A_33] {strides = array<i32>} : memref<80xi32, #tpu.memory_space<vmem>>, vector<16xi32>,
      %swap3A_35 = vector.shape_cast %swap3A_34 : vector<16xi32> to vector<16xi32>
      %swap3A_36 = vector.shape_cast %get3A_32 : vector<16xi32> to vector<16xi32>
      tpu.vector_store %arg7[%swap3A_33], %swap3A_36 {strides = array<i32>} : memref<80xi32, #tpu.memory_space<vmem>>, vector<16xi32>,
      %add3A_37 = arith.constant 32 : i32
      %add3A_38 = arith.addi %mul3A_20, %add3A_37 : i32
      %get3A_39 = arith.index_cast %add3A_38 : i32 to index
      %get3A_40 = tpu.vector_load %arg6[%get3A_39] {strides = array<i32>} : memref<10000xi32, #tpu.memory_space<vmem>>, vector<16xi32>,
      %get3A_41 = vector.shape_cast %get3A_40 : vector<16xi32> to vector<16xi32>
      %swap3A_42 = arith.constant 32 : index
      %swap3A_43 = tpu.vector_load %arg7[%swap3A_42] {strides = array<i32>} : memref<80xi32, #tpu.memory_space<vmem>>, vector<16xi32>,
      %swap3A_44 = vector.shape_cast %swap3A_43 : vector<16xi32> to vector<16xi32>
      %swap3A_45 = vector.shape_cast %get3A_41 : vector<16xi32> to vector<16xi32>
      tpu.vector_store %arg7[%swap3A_42], %swap3A_45 {strides = array<i32>} : memref<80xi32, #tpu.memory_space<vmem>>, vector<16xi32>,
      %add3A_46 = arith.constant 48 : i32
      %add3A_47 = arith.addi %mul3A_20, %add3A_46 : i32
      %get3A_48 = arith.index_cast %add3A_47 : i32 to index
      %get3A_49 = tpu.vector_load %arg6[%get3A_48] {strides = array<i32>} : memref<10000xi32, #tpu.memory_space<vmem>>, vector<16xi32>,
      %get3A_50 = vector.shape_cast %get3A_49 : vector<16xi32> to vector<16xi32>
      %swap3A_51 = arith.constant 48 : index
      %swap3A_52 = tpu.vector_load %arg7[%swap3A_51] {strides = array<i32>} : memref<80xi32, #tpu.memory_space<vmem>>, vector<16xi32>,
      %swap3A_53 = vector.shape_cast %swap3A_52 : vector<16xi32> to vector<16xi32>
      %swap3A_54 = vector.shape_cast %get3A_50 : vector<16xi32> to vector<16xi32>
      tpu.vector_store %arg7[%swap3A_51], %swap3A_54 {strides = array<i32>} : memref<80xi32, #tpu.memory_space<vmem>>, vector<16xi32>,
      %add3A_55 = arith.constant 64 : i32
      %add3A_56 = arith.addi %mul3A_20, %add3A_55 : i32
      %get3A_57 = arith.index_cast %add3A_56 : i32 to index
      %get3A_58 = tpu.vector_load %arg6[%get3A_57] {strides = array<i32>} : memref<10000xi32, #tpu.memory_space<vmem>>, vector<16xi32>,
      %get3A_59 = vector.shape_cast %get3A_58 : vector<16xi32> to vector<16xi32>
      %swap3A_60 = arith.constant 64 : index
      %swap3A_61 = tpu.vector_load %arg7[%swap3A_60] {strides = array<i32>} : memref<80xi32, #tpu.memory_space<vmem>>, vector<16xi32>,
      %swap3A_62 = vector.shape_cast %swap3A_61 : vector<16xi32> to vector<16xi32>
      %swap3A_63 = vector.shape_cast %get3A_59 : vector<16xi32> to vector<16xi32>
      tpu.vector_store %arg7[%swap3A_60], %swap3A_63 {strides = array<i32>} : memref<80xi32, #tpu.memory_space<vmem>>, vector<16xi32>,
      "tpu.region"() ({
        %run_scoped3A = tpu.sem_alloc : memref<!tpu.dma_semaphore, #tpu.memory_space<semaphore_mem>>
        %dma_start3A = arith.constant 0 : i32
        %dma_start3A_64 = arith.constant 0 : i32
        %dma_start3A_65 = tpu.memref_slice %arg9[%dma_start3A, %dma_start3A_64] : memref<10000x128xf32, #tpu.memory_space<vmem_shared>> -> memref<10000x128xf32, #tpu.memory_space<vmem_shared>>
        tpu.enqueue_indirect_dma source(%arg8 : memref<80x128xf32, #tpu.memory_space<vmem>>) target(%dma_start3A_65 : memref<10000x128xf32, #tpu.memory_space<vmem_shared>>) offsets(%arg7 : memref<80xi32, #tpu.memory_space<vmem>>) semaphore(%run_scoped3A : memref<!tpu.dma_semaphore, #tpu.memory_space<semaphore_mem>>) {add = true}
        %dma_wait3A = arith.constant 0 : i32
        %dma_wait3A_66 = arith.constant 0 : i32
        %dma_wait3A_67 = tpu.memref_slice %arg9[%dma_wait3A, %dma_wait3A_66] : memref<10000x128xf32, #tpu.memory_space<vmem_shared>> -> memref<10000x128xf32, #tpu.memory_space<vmem_shared>>
        tpu.wait_indirect_dma semaphore(%run_scoped3A : memref<!tpu.dma_semaphore, #tpu.memory_space<semaphore_mem>>) src(%arg8 : memref<80x128xf32, #tpu.memory_space<vmem>>) dst(%dma_wait3A_67 : memref<10000x128xf32, #tpu.memory_space<vmem_shared>>)
        tpu.yield
      }) : () -> ()
    }
    %scan3A_11 = arith.constant 125 : i32
    %barrier3A_12 = arith.constant 0 : index
    tpu.barrier barrier_id(%barrier3A_12)
    "tpu.region"() ({
      %run_scoped3A = tpu.sem_alloc : memref<!tpu.dma_semaphore, #tpu.memory_space<semaphore_mem>>
      %dma_start3A = arith.constant 0 : i32
      %dma_start3A_18 = tpu.memref_slice %arg5[%arg0, %mul3A_4, %dma_start3A] : memref<2x10000x128xf32, #tpu.memory_space<hbm>> -> memref<1x624x128xf32, #tpu.memory_space<hbm>>
      %dma_start3A_19 = tpu.memref_squeeze %dma_start3A_18 : memref<1x624x128xf32, #tpu.memory_space<hbm>> -> memref<624x128xf32, #tpu.memory_space<hbm>>
      %dma_start3A_20 = arith.constant 0 : i32
      %dma_start3A_21 = tpu.memref_slice %arg9[%mul3A_4, %dma_start3A_20] : memref<10000x128xf32, #tpu.memory_space<vmem_shared>> -> memref<624x128xf32, #tpu.memory_space<vmem_shared>>
      tpu.enqueue_dma source(%dma_start3A_21 : memref<624x128xf32, #tpu.memory_space<vmem_shared>>) target(%dma_start3A_19 : memref<624x128xf32, #tpu.memory_space<hbm>>) target_semaphore(%run_scoped3A : memref<!tpu.dma_semaphore, #tpu.memory_space<semaphore_mem>>)
      %dma_wait3A = arith.constant 0 : i32
      %dma_wait3A_22 = tpu.memref_slice %arg5[%arg0, %mul3A_4, %dma_wait3A] : memref<2x10000x128xf32, #tpu.memory_space<hbm>> -> memref<1x624x128xf32, #tpu.memory_space<hbm>>
      %dma_wait3A_23 = tpu.memref_squeeze %dma_wait3A_22 : memref<1x624x128xf32, #tpu.memory_space<hbm>> -> memref<624x128xf32, #tpu.memory_space<hbm>>
      %dma_wait3A_24 = arith.constant 0 : i32
      %dma_wait3A_25 = tpu.memref_slice %arg9[%mul3A_4, %dma_wait3A_24] : memref<10000x128xf32, #tpu.memory_space<vmem_shared>> -> memref<624x128xf32, #tpu.memory_space<vmem_shared>>
      tpu.wait_dma2 semaphore(%run_scoped3A : memref<!tpu.dma_semaphore, #tpu.memory_space<semaphore_mem>>) src(%dma_wait3A_25 : memref<624x128xf32, #tpu.memory_space<vmem_shared>>) dst(%dma_wait3A_23 : memref<624x128xf32, #tpu.memory_space<hbm>>)
      tpu.yield
    }) : () -> ()
    %eq3A_13 = arith.constant 15 : i32
    %eq3A_14 = arith.cmpi eq, %arg1, %eq3A_13 : i32
    %convert_element_type3A_15 = arith.extui %eq3A_14 : i1 to i32
    %cond3A_16 = arith.constant 0 : i32
    %cond3A_17 = arith.cmpi ne, %convert_element_type3A_15, %cond3A_16 : i32
    scf.if %cond3A_17 {
      "tpu.region"() ({
        %run_scoped3A = tpu.sem_alloc : memref<!tpu.dma_semaphore, #tpu.memory_space<semaphore_mem>>
        %dma_start3A = arith.constant 9984 : i32
        %dma_start3A_18 = arith.constant 0 : i32
        %dma_start3A_19 = tpu.memref_slice %arg5[%arg0, %dma_start3A, %dma_start3A_18] : memref<2x10000x128xf32, #tpu.memory_space<hbm>> -> memref<1x16x128xf32, #tpu.memory_space<hbm>>
        %dma_start3A_20 = tpu.memref_squeeze %dma_start3A_19 : memref<1x16x128xf32, #tpu.memory_space<hbm>> -> memref<16x128xf32, #tpu.memory_space<hbm>>
        %dma_start3A_21 = arith.constant 9984 : i32
        %dma_start3A_22 = arith.constant 0 : i32
        %dma_start3A_23 = tpu.memref_slice %arg9[%dma_start3A_21, %dma_start3A_22] : memref<10000x128xf32, #tpu.memory_space<vmem_shared>> -> memref<16x128xf32, #tpu.memory_space<vmem_shared>>
        tpu.enqueue_dma source(%dma_start3A_23 : memref<16x128xf32, #tpu.memory_space<vmem_shared>>) target(%dma_start3A_20 : memref<16x128xf32, #tpu.memory_space<hbm>>) target_semaphore(%run_scoped3A : memref<!tpu.dma_semaphore, #tpu.memory_space<semaphore_mem>>)
        %dma_wait3A = arith.constant 9984 : i32
        %dma_wait3A_24 = arith.constant 0 : i32
        %dma_wait3A_25 = tpu.memref_slice %arg5[%arg0, %dma_wait3A, %dma_wait3A_24] : memref<2x10000x128xf32, #tpu.memory_space<hbm>> -> memref<1x16x128xf32, #tpu.memory_space<hbm>>
        %dma_wait3A_26 = tpu.memref_squeeze %dma_wait3A_25 : memref<1x16x128xf32, #tpu.memory_space<hbm>> -> memref<16x128xf32, #tpu.memory_space<hbm>>
        %dma_wait3A_27 = arith.constant 9984 : i32
        %dma_wait3A_28 = arith.constant 0 : i32
        %dma_wait3A_29 = tpu.memref_slice %arg9[%dma_wait3A_27, %dma_wait3A_28] : memref<10000x128xf32, #tpu.memory_space<vmem_shared>> -> memref<16x128xf32, #tpu.memory_space<vmem_shared>>
        tpu.wait_dma2 semaphore(%run_scoped3A : memref<!tpu.dma_semaphore, #tpu.memory_space<semaphore_mem>>) src(%dma_wait3A_29 : memref<16x128xf32, #tpu.memory_space<vmem_shared>>) dst(%dma_wait3A_26 : memref<16x128xf32, #tpu.memory_space<hbm>>)
        tpu.yield
      }) : () -> ()
    } else {
    }
    return
  }
}

#map = affine_map<(d0, d1) -> (0, 0)>
#map1 = affine_map<(d0, d1) -> (0)>
#map2 = affine_map<(d0, d1) -> (0, 0, 0)>
module attributes {stable_mosaic.version = 14 : i64} {
  func.func @sage_segment_sum_sc(%arg0: i32, %arg1: i32, %arg2: memref<10000x128xf32, #tpu.memory_space<hbm>>, %arg3: memref<320000xi32, #tpu.memory_space<hbm>>, %arg4: memref<320000xi32, #tpu.memory_space<hbm>>, %arg5: memref<10000x128xf32, #tpu.memory_space<hbm>>, %arg6: memref<2x10000x128xf32, #tpu.memory_space<hbm>>, %arg7: memref<10000xi32, #tpu.memory_space<vmem>>, %arg8: memref<10000xi32, #tpu.memory_space<vmem>>, %arg9: memref<80xi32, #tpu.memory_space<vmem>>, %arg10: memref<80xi32, #tpu.memory_space<vmem>>, %arg11: memref<80xi32, #tpu.memory_space<vmem>>, %arg12: memref<80xi32, #tpu.memory_space<vmem>>, %arg13: memref<80x128xf32, #tpu.memory_space<vmem>>, %arg14: memref<80x128xf32, #tpu.memory_space<vmem>>, %arg15: memref<10000x128xf32, #tpu.memory_space<vmem_shared>>, %arg16: memref<!tpu.dma_semaphore, #tpu.memory_space<semaphore_mem>>, %arg17: memref<!tpu.dma_semaphore, #tpu.memory_space<semaphore_mem>>, %arg18: memref<!tpu.dma_semaphore, #tpu.memory_space<semaphore_mem>>, %arg19: memref<!tpu.dma_semaphore, #tpu.memory_space<semaphore_mem>>) attributes {dimension_semantics = [#tpu.dimension_semantics<core_parallel>, #tpu.dimension_semantics<subcore_parallel>], iteration_bounds = array<i64: 2, 16>, scalar_prefetch = 0 : i64, scratch_operands = 13 : i64, tpu.core_type = #tpu.core_type<sc_vector_subcore>, window_params = [{transform_indices = #map}, {transform_indices = #map1}, {transform_indices = #map1}, {transform_indices = #map}, {transform_indices = #map2}]} {
    %mul3A = arith.constant 2 : i32
    %mul3A_0 = arith.muli %arg1, %mul3A : i32
    %add3A = arith.addi %mul3A_0, %arg0 : i32
    %mul3A_1 = arith.constant 10000 : i32
    %mul3A_2 = arith.muli %add3A, %mul3A_1 : i32
    %mul3A_3 = arith.constant 624 : i32
    %mul3A_4 = arith.muli %arg1, %mul3A_3 : i32
    "tpu.region"() ({
      %run_scoped3A = tpu.sem_alloc : memref<!tpu.dma_semaphore, #tpu.memory_space<semaphore_mem>>
      %dma_start3A_254 = arith.constant 0 : i32
      %dma_start3A_255 = tpu.memref_slice %arg15[%mul3A_4, %dma_start3A_254] : memref<10000x128xf32, #tpu.memory_space<vmem_shared>> -> memref<624x128xf32, #tpu.memory_space<vmem_shared>>
      %dma_start3A_256 = arith.constant 0 : i32
      %dma_start3A_257 = tpu.memref_slice %arg5[%mul3A_4, %dma_start3A_256] : memref<10000x128xf32, #tpu.memory_space<hbm>> -> memref<624x128xf32, #tpu.memory_space<hbm>>
      tpu.enqueue_dma source(%dma_start3A_257 : memref<624x128xf32, #tpu.memory_space<hbm>>) target(%dma_start3A_255 : memref<624x128xf32, #tpu.memory_space<vmem_shared>>) target_semaphore(%run_scoped3A : memref<!tpu.dma_semaphore, #tpu.memory_space<semaphore_mem>>)
      %dma_wait3A_258 = arith.constant 0 : i32
      %dma_wait3A_259 = tpu.memref_slice %arg15[%mul3A_4, %dma_wait3A_258] : memref<10000x128xf32, #tpu.memory_space<vmem_shared>> -> memref<624x128xf32, #tpu.memory_space<vmem_shared>>
      %dma_wait3A_260 = arith.constant 0 : i32
      %dma_wait3A_261 = tpu.memref_slice %arg5[%mul3A_4, %dma_wait3A_260] : memref<10000x128xf32, #tpu.memory_space<hbm>> -> memref<624x128xf32, #tpu.memory_space<hbm>>
      tpu.wait_dma2 semaphore(%run_scoped3A : memref<!tpu.dma_semaphore, #tpu.memory_space<semaphore_mem>>) src(%dma_wait3A_261 : memref<624x128xf32, #tpu.memory_space<hbm>>) dst(%dma_wait3A_259 : memref<624x128xf32, #tpu.memory_space<vmem_shared>>)
      tpu.yield
    }) : () -> ()
    %eq3A = arith.constant 15 : i32
    %eq3A_5 = arith.cmpi eq, %arg1, %eq3A : i32
    %convert_element_type3A = arith.extui %eq3A_5 : i1 to i32
    %cond3A = arith.constant 0 : i32
    %cond3A_6 = arith.cmpi ne, %convert_element_type3A, %cond3A : i32
    scf.if %cond3A_6 {
      "tpu.region"() ({
        %run_scoped3A = tpu.sem_alloc : memref<!tpu.dma_semaphore, #tpu.memory_space<semaphore_mem>>
        %dma_start3A_254 = arith.constant 9984 : i32
        %dma_start3A_255 = arith.constant 0 : i32
        %dma_start3A_256 = tpu.memref_slice %arg15[%dma_start3A_254, %dma_start3A_255] : memref<10000x128xf32, #tpu.memory_space<vmem_shared>> -> memref<16x128xf32, #tpu.memory_space<vmem_shared>>
        %dma_start3A_257 = arith.constant 9984 : i32
        %dma_start3A_258 = arith.constant 0 : i32
        %dma_start3A_259 = tpu.memref_slice %arg5[%dma_start3A_257, %dma_start3A_258] : memref<10000x128xf32, #tpu.memory_space<hbm>> -> memref<16x128xf32, #tpu.memory_space<hbm>>
        tpu.enqueue_dma source(%dma_start3A_259 : memref<16x128xf32, #tpu.memory_space<hbm>>) target(%dma_start3A_256 : memref<16x128xf32, #tpu.memory_space<vmem_shared>>) target_semaphore(%run_scoped3A : memref<!tpu.dma_semaphore, #tpu.memory_space<semaphore_mem>>)
        %dma_wait3A_260 = arith.constant 9984 : i32
        %dma_wait3A_261 = arith.constant 0 : i32
        %dma_wait3A_262 = tpu.memref_slice %arg15[%dma_wait3A_260, %dma_wait3A_261] : memref<10000x128xf32, #tpu.memory_space<vmem_shared>> -> memref<16x128xf32, #tpu.memory_space<vmem_shared>>
        %dma_wait3A_263 = arith.constant 9984 : i32
        %dma_wait3A_264 = arith.constant 0 : i32
        %dma_wait3A_265 = tpu.memref_slice %arg5[%dma_wait3A_263, %dma_wait3A_264] : memref<10000x128xf32, #tpu.memory_space<hbm>> -> memref<16x128xf32, #tpu.memory_space<hbm>>
        tpu.wait_dma2 semaphore(%run_scoped3A : memref<!tpu.dma_semaphore, #tpu.memory_space<semaphore_mem>>) src(%dma_wait3A_265 : memref<16x128xf32, #tpu.memory_space<hbm>>) dst(%dma_wait3A_262 : memref<16x128xf32, #tpu.memory_space<vmem_shared>>)
        tpu.yield
      }) : () -> ()
    } else {
    }
    "tpu.region"() ({
      %run_scoped3A = tpu.sem_alloc : memref<!tpu.dma_semaphore, #tpu.memory_space<semaphore_mem>>
      %dma_start3A_254 = tpu.memref_slice %arg3[%mul3A_2] : memref<320000xi32, #tpu.memory_space<hbm>> -> memref<10000xi32, #tpu.memory_space<hbm>>
      %dma_start3A_255 = tpu.memref_slice %arg3[%mul3A_2] : memref<320000xi32, #tpu.memory_space<hbm>> -> memref<10000xi32, #tpu.memory_space<hbm>>
      tpu.enqueue_dma source(%dma_start3A_255 : memref<10000xi32, #tpu.memory_space<hbm>>) target(%arg7 : memref<10000xi32, #tpu.memory_space<vmem>>) target_semaphore(%run_scoped3A : memref<!tpu.dma_semaphore, #tpu.memory_space<semaphore_mem>>)
      %dma_wait3A_256 = tpu.memref_slice %arg3[%mul3A_2] : memref<320000xi32, #tpu.memory_space<hbm>> -> memref<10000xi32, #tpu.memory_space<hbm>>
      %dma_wait3A_257 = tpu.memref_slice %arg3[%mul3A_2] : memref<320000xi32, #tpu.memory_space<hbm>> -> memref<10000xi32, #tpu.memory_space<hbm>>
      tpu.wait_dma2 semaphore(%run_scoped3A : memref<!tpu.dma_semaphore, #tpu.memory_space<semaphore_mem>>) src(%dma_wait3A_257 : memref<10000xi32, #tpu.memory_space<hbm>>) dst(%arg7 : memref<10000xi32, #tpu.memory_space<vmem>>)
      tpu.yield
    }) : () -> ()
    "tpu.region"() ({
      %run_scoped3A = tpu.sem_alloc : memref<!tpu.dma_semaphore, #tpu.memory_space<semaphore_mem>>
      %dma_start3A_254 = tpu.memref_slice %arg4[%mul3A_2] : memref<320000xi32, #tpu.memory_space<hbm>> -> memref<10000xi32, #tpu.memory_space<hbm>>
      %dma_start3A_255 = tpu.memref_slice %arg4[%mul3A_2] : memref<320000xi32, #tpu.memory_space<hbm>> -> memref<10000xi32, #tpu.memory_space<hbm>>
      tpu.enqueue_dma source(%dma_start3A_255 : memref<10000xi32, #tpu.memory_space<hbm>>) target(%arg8 : memref<10000xi32, #tpu.memory_space<vmem>>) target_semaphore(%run_scoped3A : memref<!tpu.dma_semaphore, #tpu.memory_space<semaphore_mem>>)
      %dma_wait3A_256 = tpu.memref_slice %arg4[%mul3A_2] : memref<320000xi32, #tpu.memory_space<hbm>> -> memref<10000xi32, #tpu.memory_space<hbm>>
      %dma_wait3A_257 = tpu.memref_slice %arg4[%mul3A_2] : memref<320000xi32, #tpu.memory_space<hbm>> -> memref<10000xi32, #tpu.memory_space<hbm>>
      tpu.wait_dma2 semaphore(%run_scoped3A : memref<!tpu.dma_semaphore, #tpu.memory_space<semaphore_mem>>) src(%dma_wait3A_257 : memref<10000xi32, #tpu.memory_space<hbm>>) dst(%arg8 : memref<10000xi32, #tpu.memory_space<vmem>>)
      tpu.yield
    }) : () -> ()
    %barrier3A = arith.constant 0 : index
    tpu.barrier barrier_id(%barrier3A)
    %get3A = arith.constant 0 : index
    %get3A_7 = tpu.vector_load %arg7[%get3A] {strides = array<i32>} : memref<10000xi32, #tpu.memory_space<vmem>>, vector<16xi32>,
    %get3A_8 = vector.shape_cast %get3A_7 : vector<16xi32> to vector<16xi32>
    %swap3A = arith.constant 0 : index
    %swap3A_9 = tpu.vector_load %arg9[%swap3A] {strides = array<i32>} : memref<80xi32, #tpu.memory_space<vmem>>, vector<16xi32>,
    %swap3A_10 = vector.shape_cast %swap3A_9 : vector<16xi32> to vector<16xi32>
    %swap3A_11 = vector.shape_cast %get3A_8 : vector<16xi32> to vector<16xi32>
    tpu.vector_store %arg9[%swap3A], %swap3A_11 {strides = array<i32>} : memref<80xi32, #tpu.memory_space<vmem>>, vector<16xi32>,
    %get3A_12 = arith.constant 0 : index
    %get3A_13 = tpu.vector_load %arg8[%get3A_12] {strides = array<i32>} : memref<10000xi32, #tpu.memory_space<vmem>>, vector<16xi32>,
    %get3A_14 = vector.shape_cast %get3A_13 : vector<16xi32> to vector<16xi32>
    %swap3A_15 = arith.constant 0 : index
    %swap3A_16 = tpu.vector_load %arg11[%swap3A_15] {strides = array<i32>} : memref<80xi32, #tpu.memory_space<vmem>>, vector<16xi32>,
    %swap3A_17 = vector.shape_cast %swap3A_16 : vector<16xi32> to vector<16xi32>
    %swap3A_18 = vector.shape_cast %get3A_14 : vector<16xi32> to vector<16xi32>
    tpu.vector_store %arg11[%swap3A_15], %swap3A_18 {strides = array<i32>} : memref<80xi32, #tpu.memory_space<vmem>>, vector<16xi32>,
    %get3A_19 = arith.constant 16 : index
    %get3A_20 = tpu.vector_load %arg7[%get3A_19] {strides = array<i32>} : memref<10000xi32, #tpu.memory_space<vmem>>, vector<16xi32>,
    %get3A_21 = vector.shape_cast %get3A_20 : vector<16xi32> to vector<16xi32>
    %swap3A_22 = arith.constant 16 : index
    %swap3A_23 = tpu.vector_load %arg9[%swap3A_22] {strides = array<i32>} : memref<80xi32, #tpu.memory_space<vmem>>, vector<16xi32>,
    %swap3A_24 = vector.shape_cast %swap3A_23 : vector<16xi32> to vector<16xi32>
    %swap3A_25 = vector.shape_cast %get3A_21 : vector<16xi32> to vector<16xi32>
    tpu.vector_store %arg9[%swap3A_22], %swap3A_25 {strides = array<i32>} : memref<80xi32, #tpu.memory_space<vmem>>, vector<16xi32>,
    %get3A_26 = arith.constant 16 : index
    %get3A_27 = tpu.vector_load %arg8[%get3A_26] {strides = array<i32>} : memref<10000xi32, #tpu.memory_space<vmem>>, vector<16xi32>,
    %get3A_28 = vector.shape_cast %get3A_27 : vector<16xi32> to vector<16xi32>
    %swap3A_29 = arith.constant 16 : index
    %swap3A_30 = tpu.vector_load %arg11[%swap3A_29] {strides = array<i32>} : memref<80xi32, #tpu.memory_space<vmem>>, vector<16xi32>,
    %swap3A_31 = vector.shape_cast %swap3A_30 : vector<16xi32> to vector<16xi32>
    %swap3A_32 = vector.shape_cast %get3A_28 : vector<16xi32> to vector<16xi32>
    tpu.vector_store %arg11[%swap3A_29], %swap3A_32 {strides = array<i32>} : memref<80xi32, #tpu.memory_space<vmem>>, vector<16xi32>,
    %get3A_33 = arith.constant 32 : index
    %get3A_34 = tpu.vector_load %arg7[%get3A_33] {strides = array<i32>} : memref<10000xi32, #tpu.memory_space<vmem>>, vector<16xi32>,
    %get3A_35 = vector.shape_cast %get3A_34 : vector<16xi32> to vector<16xi32>
    %swap3A_36 = arith.constant 32 : index
    %swap3A_37 = tpu.vector_load %arg9[%swap3A_36] {strides = array<i32>} : memref<80xi32, #tpu.memory_space<vmem>>, vector<16xi32>,
    %swap3A_38 = vector.shape_cast %swap3A_37 : vector<16xi32> to vector<16xi32>
    %swap3A_39 = vector.shape_cast %get3A_35 : vector<16xi32> to vector<16xi32>
    tpu.vector_store %arg9[%swap3A_36], %swap3A_39 {strides = array<i32>} : memref<80xi32, #tpu.memory_space<vmem>>, vector<16xi32>,
    %get3A_40 = arith.constant 32 : index
    %get3A_41 = tpu.vector_load %arg8[%get3A_40] {strides = array<i32>} : memref<10000xi32, #tpu.memory_space<vmem>>, vector<16xi32>,
    %get3A_42 = vector.shape_cast %get3A_41 : vector<16xi32> to vector<16xi32>
    %swap3A_43 = arith.constant 32 : index
    %swap3A_44 = tpu.vector_load %arg11[%swap3A_43] {strides = array<i32>} : memref<80xi32, #tpu.memory_space<vmem>>, vector<16xi32>,
    %swap3A_45 = vector.shape_cast %swap3A_44 : vector<16xi32> to vector<16xi32>
    %swap3A_46 = vector.shape_cast %get3A_42 : vector<16xi32> to vector<16xi32>
    tpu.vector_store %arg11[%swap3A_43], %swap3A_46 {strides = array<i32>} : memref<80xi32, #tpu.memory_space<vmem>>, vector<16xi32>,
    %get3A_47 = arith.constant 48 : index
    %get3A_48 = tpu.vector_load %arg7[%get3A_47] {strides = array<i32>} : memref<10000xi32, #tpu.memory_space<vmem>>, vector<16xi32>,
    %get3A_49 = vector.shape_cast %get3A_48 : vector<16xi32> to vector<16xi32>
    %swap3A_50 = arith.constant 48 : index
    %swap3A_51 = tpu.vector_load %arg9[%swap3A_50] {strides = array<i32>} : memref<80xi32, #tpu.memory_space<vmem>>, vector<16xi32>,
    %swap3A_52 = vector.shape_cast %swap3A_51 : vector<16xi32> to vector<16xi32>
    %swap3A_53 = vector.shape_cast %get3A_49 : vector<16xi32> to vector<16xi32>
    tpu.vector_store %arg9[%swap3A_50], %swap3A_53 {strides = array<i32>} : memref<80xi32, #tpu.memory_space<vmem>>, vector<16xi32>,
    %get3A_54 = arith.constant 48 : index
    %get3A_55 = tpu.vector_load %arg8[%get3A_54] {strides = array<i32>} : memref<10000xi32, #tpu.memory_space<vmem>>, vector<16xi32>,
    %get3A_56 = vector.shape_cast %get3A_55 : vector<16xi32> to vector<16xi32>
    %swap3A_57 = arith.constant 48 : index
    %swap3A_58 = tpu.vector_load %arg11[%swap3A_57] {strides = array<i32>} : memref<80xi32, #tpu.memory_space<vmem>>, vector<16xi32>,
    %swap3A_59 = vector.shape_cast %swap3A_58 : vector<16xi32> to vector<16xi32>
    %swap3A_60 = vector.shape_cast %get3A_56 : vector<16xi32> to vector<16xi32>
    tpu.vector_store %arg11[%swap3A_57], %swap3A_60 {strides = array<i32>} : memref<80xi32, #tpu.memory_space<vmem>>, vector<16xi32>,
    %get3A_61 = arith.constant 64 : index
    %get3A_62 = tpu.vector_load %arg7[%get3A_61] {strides = array<i32>} : memref<10000xi32, #tpu.memory_space<vmem>>, vector<16xi32>,
    %get3A_63 = vector.shape_cast %get3A_62 : vector<16xi32> to vector<16xi32>
    %swap3A_64 = arith.constant 64 : index
    %swap3A_65 = tpu.vector_load %arg9[%swap3A_64] {strides = array<i32>} : memref<80xi32, #tpu.memory_space<vmem>>, vector<16xi32>,
    %swap3A_66 = vector.shape_cast %swap3A_65 : vector<16xi32> to vector<16xi32>
    %swap3A_67 = vector.shape_cast %get3A_63 : vector<16xi32> to vector<16xi32>
    tpu.vector_store %arg9[%swap3A_64], %swap3A_67 {strides = array<i32>} : memref<80xi32, #tpu.memory_space<vmem>>, vector<16xi32>,
    %get3A_68 = arith.constant 64 : index
    %get3A_69 = tpu.vector_load %arg8[%get3A_68] {strides = array<i32>} : memref<10000xi32, #tpu.memory_space<vmem>>, vector<16xi32>,
    %get3A_70 = vector.shape_cast %get3A_69 : vector<16xi32> to vector<16xi32>
    %swap3A_71 = arith.constant 64 : index
    %swap3A_72 = tpu.vector_load %arg11[%swap3A_71] {strides = array<i32>} : memref<80xi32, #tpu.memory_space<vmem>>, vector<16xi32>,
    %swap3A_73 = vector.shape_cast %swap3A_72 : vector<16xi32> to vector<16xi32>
    %swap3A_74 = vector.shape_cast %get3A_70 : vector<16xi32> to vector<16xi32>
    tpu.vector_store %arg11[%swap3A_71], %swap3A_74 {strides = array<i32>} : memref<80xi32, #tpu.memory_space<vmem>>, vector<16xi32>,
    %dma_start3A = arith.constant 0 : i32
    %dma_start3A_75 = arith.constant 0 : i32
    %dma_start3A_76 = tpu.memref_slice %arg2[%dma_start3A, %dma_start3A_75] : memref<10000x128xf32, #tpu.memory_space<hbm>> -> memref<10000x128xf32, #tpu.memory_space<hbm>>
    tpu.enqueue_indirect_dma source(%dma_start3A_76 : memref<10000x128xf32, #tpu.memory_space<hbm>>) target(%arg13 : memref<80x128xf32, #tpu.memory_space<vmem>>) offsets(%arg9 : memref<80xi32, #tpu.memory_space<vmem>>) semaphore(%arg16 : memref<!tpu.dma_semaphore, #tpu.memory_space<semaphore_mem>>)
    %get3A_77 = arith.constant 80 : index
    %get3A_78 = tpu.vector_load %arg7[%get3A_77] {strides = array<i32>} : memref<10000xi32, #tpu.memory_space<vmem>>, vector<16xi32>,
    %get3A_79 = vector.shape_cast %get3A_78 : vector<16xi32> to vector<16xi32>
    %swap3A_80 = arith.constant 0 : index
    %swap3A_81 = tpu.vector_load %arg10[%swap3A_80] {strides = array<i32>} : memref<80xi32, #tpu.memory_space<vmem>>, vector<16xi32>,
    %swap3A_82 = vector.shape_cast %swap3A_81 : vector<16xi32> to vector<16xi32>
    %swap3A_83 = vector.shape_cast %get3A_79 : vector<16xi32> to vector<16xi32>
    tpu.vector_store %arg10[%swap3A_80], %swap3A_83 {strides = array<i32>} : memref<80xi32, #tpu.memory_space<vmem>>, vector<16xi32>,
    %get3A_84 = arith.constant 80 : index
    %get3A_85 = tpu.vector_load %arg8[%get3A_84] {strides = array<i32>} : memref<10000xi32, #tpu.memory_space<vmem>>, vector<16xi32>,
    %get3A_86 = vector.shape_cast %get3A_85 : vector<16xi32> to vector<16xi32>
    %swap3A_87 = arith.constant 0 : index
    %swap3A_88 = tpu.vector_load %arg12[%swap3A_87] {strides = array<i32>} : memref<80xi32, #tpu.memory_space<vmem>>, vector<16xi32>,
    %swap3A_89 = vector.shape_cast %swap3A_88 : vector<16xi32> to vector<16xi32>
    %swap3A_90 = vector.shape_cast %get3A_86 : vector<16xi32> to vector<16xi32>
    tpu.vector_store %arg12[%swap3A_87], %swap3A_90 {strides = array<i32>} : memref<80xi32, #tpu.memory_space<vmem>>, vector<16xi32>,
    %get3A_91 = arith.constant 96 : index
    %get3A_92 = tpu.vector_load %arg7[%get3A_91] {strides = array<i32>} : memref<10000xi32, #tpu.memory_space<vmem>>, vector<16xi32>,
    %get3A_93 = vector.shape_cast %get3A_92 : vector<16xi32> to vector<16xi32>
    %swap3A_94 = arith.constant 16 : index
    %swap3A_95 = tpu.vector_load %arg10[%swap3A_94] {strides = array<i32>} : memref<80xi32, #tpu.memory_space<vmem>>, vector<16xi32>,
    %swap3A_96 = vector.shape_cast %swap3A_95 : vector<16xi32> to vector<16xi32>
    %swap3A_97 = vector.shape_cast %get3A_93 : vector<16xi32> to vector<16xi32>
    tpu.vector_store %arg10[%swap3A_94], %swap3A_97 {strides = array<i32>} : memref<80xi32, #tpu.memory_space<vmem>>, vector<16xi32>,
    %get3A_98 = arith.constant 96 : index
    %get3A_99 = tpu.vector_load %arg8[%get3A_98] {strides = array<i32>} : memref<10000xi32, #tpu.memory_space<vmem>>, vector<16xi32>,
    %get3A_100 = vector.shape_cast %get3A_99 : vector<16xi32> to vector<16xi32>
    %swap3A_101 = arith.constant 16 : index
    %swap3A_102 = tpu.vector_load %arg12[%swap3A_101] {strides = array<i32>} : memref<80xi32, #tpu.memory_space<vmem>>, vector<16xi32>,
    %swap3A_103 = vector.shape_cast %swap3A_102 : vector<16xi32> to vector<16xi32>
    %swap3A_104 = vector.shape_cast %get3A_100 : vector<16xi32> to vector<16xi32>
    tpu.vector_store %arg12[%swap3A_101], %swap3A_104 {strides = array<i32>} : memref<80xi32, #tpu.memory_space<vmem>>, vector<16xi32>,
    %get3A_105 = arith.constant 112 : index
    %get3A_106 = tpu.vector_load %arg7[%get3A_105] {strides = array<i32>} : memref<10000xi32, #tpu.memory_space<vmem>>, vector<16xi32>,
    %get3A_107 = vector.shape_cast %get3A_106 : vector<16xi32> to vector<16xi32>
    %swap3A_108 = arith.constant 32 : index
    %swap3A_109 = tpu.vector_load %arg10[%swap3A_108] {strides = array<i32>} : memref<80xi32, #tpu.memory_space<vmem>>, vector<16xi32>,
    %swap3A_110 = vector.shape_cast %swap3A_109 : vector<16xi32> to vector<16xi32>
    %swap3A_111 = vector.shape_cast %get3A_107 : vector<16xi32> to vector<16xi32>
    tpu.vector_store %arg10[%swap3A_108], %swap3A_111 {strides = array<i32>} : memref<80xi32, #tpu.memory_space<vmem>>, vector<16xi32>,
    %get3A_112 = arith.constant 112 : index
    %get3A_113 = tpu.vector_load %arg8[%get3A_112] {strides = array<i32>} : memref<10000xi32, #tpu.memory_space<vmem>>, vector<16xi32>,
    %get3A_114 = vector.shape_cast %get3A_113 : vector<16xi32> to vector<16xi32>
    %swap3A_115 = arith.constant 32 : index
    %swap3A_116 = tpu.vector_load %arg12[%swap3A_115] {strides = array<i32>} : memref<80xi32, #tpu.memory_space<vmem>>, vector<16xi32>,
    %swap3A_117 = vector.shape_cast %swap3A_116 : vector<16xi32> to vector<16xi32>
    %swap3A_118 = vector.shape_cast %get3A_114 : vector<16xi32> to vector<16xi32>
    tpu.vector_store %arg12[%swap3A_115], %swap3A_118 {strides = array<i32>} : memref<80xi32, #tpu.memory_space<vmem>>, vector<16xi32>,
    %get3A_119 = arith.constant 128 : index
    %get3A_120 = tpu.vector_load %arg7[%get3A_119] {strides = array<i32>} : memref<10000xi32, #tpu.memory_space<vmem>>, vector<16xi32>,
    %get3A_121 = vector.shape_cast %get3A_120 : vector<16xi32> to vector<16xi32>
    %swap3A_122 = arith.constant 48 : index
    %swap3A_123 = tpu.vector_load %arg10[%swap3A_122] {strides = array<i32>} : memref<80xi32, #tpu.memory_space<vmem>>, vector<16xi32>,
    %swap3A_124 = vector.shape_cast %swap3A_123 : vector<16xi32> to vector<16xi32>
    %swap3A_125 = vector.shape_cast %get3A_121 : vector<16xi32> to vector<16xi32>
    tpu.vector_store %arg10[%swap3A_122], %swap3A_125 {strides = array<i32>} : memref<80xi32, #tpu.memory_space<vmem>>, vector<16xi32>,
    %get3A_126 = arith.constant 128 : index
    %get3A_127 = tpu.vector_load %arg8[%get3A_126] {strides = array<i32>} : memref<10000xi32, #tpu.memory_space<vmem>>, vector<16xi32>,
    %get3A_128 = vector.shape_cast %get3A_127 : vector<16xi32> to vector<16xi32>
    %swap3A_129 = arith.constant 48 : index
    %swap3A_130 = tpu.vector_load %arg12[%swap3A_129] {strides = array<i32>} : memref<80xi32, #tpu.memory_space<vmem>>, vector<16xi32>,
    %swap3A_131 = vector.shape_cast %swap3A_130 : vector<16xi32> to vector<16xi32>
    %swap3A_132 = vector.shape_cast %get3A_128 : vector<16xi32> to vector<16xi32>
    tpu.vector_store %arg12[%swap3A_129], %swap3A_132 {strides = array<i32>} : memref<80xi32, #tpu.memory_space<vmem>>, vector<16xi32>,
    %get3A_133 = arith.constant 144 : index
    %get3A_134 = tpu.vector_load %arg7[%get3A_133] {strides = array<i32>} : memref<10000xi32, #tpu.memory_space<vmem>>, vector<16xi32>,
    %get3A_135 = vector.shape_cast %get3A_134 : vector<16xi32> to vector<16xi32>
    %swap3A_136 = arith.constant 64 : index
    %swap3A_137 = tpu.vector_load %arg10[%swap3A_136] {strides = array<i32>} : memref<80xi32, #tpu.memory_space<vmem>>, vector<16xi32>,
    %swap3A_138 = vector.shape_cast %swap3A_137 : vector<16xi32> to vector<16xi32>
    %swap3A_139 = vector.shape_cast %get3A_135 : vector<16xi32> to vector<16xi32>
    tpu.vector_store %arg10[%swap3A_136], %swap3A_139 {strides = array<i32>} : memref<80xi32, #tpu.memory_space<vmem>>, vector<16xi32>,
    %get3A_140 = arith.constant 144 : index
    %get3A_141 = tpu.vector_load %arg8[%get3A_140] {strides = array<i32>} : memref<10000xi32, #tpu.memory_space<vmem>>, vector<16xi32>,
    %get3A_142 = vector.shape_cast %get3A_141 : vector<16xi32> to vector<16xi32>
    %swap3A_143 = arith.constant 64 : index
    %swap3A_144 = tpu.vector_load %arg12[%swap3A_143] {strides = array<i32>} : memref<80xi32, #tpu.memory_space<vmem>>, vector<16xi32>,
    %swap3A_145 = vector.shape_cast %swap3A_144 : vector<16xi32> to vector<16xi32>
    %swap3A_146 = vector.shape_cast %get3A_142 : vector<16xi32> to vector<16xi32>
    tpu.vector_store %arg12[%swap3A_143], %swap3A_146 {strides = array<i32>} : memref<80xi32, #tpu.memory_space<vmem>>, vector<16xi32>,
    %dma_start3A_147 = arith.constant 0 : i32
    %dma_start3A_148 = arith.constant 0 : i32
    %dma_start3A_149 = tpu.memref_slice %arg2[%dma_start3A_147, %dma_start3A_148] : memref<10000x128xf32, #tpu.memory_space<hbm>> -> memref<10000x128xf32, #tpu.memory_space<hbm>>
    tpu.enqueue_indirect_dma source(%dma_start3A_149 : memref<10000x128xf32, #tpu.memory_space<hbm>>) target(%arg14 : memref<80x128xf32, #tpu.memory_space<vmem>>) offsets(%arg10 : memref<80xi32, #tpu.memory_space<vmem>>) semaphore(%arg17 : memref<!tpu.dma_semaphore, #tpu.memory_space<semaphore_mem>>)
    %scan3A = arith.constant 0 : i32
    %scan3A_150 = arith.constant 0 : i32
    %scan3A_151 = arith.constant 61 : i32
    %scan3A_152 = arith.addi %scan3A_150, %scan3A_151 : i32
    %scan3A_153 = arith.constant 1 : i32
    scf.for %scan3A_254 = %scan3A_150 to %scan3A_152 step %scan3A_153  : i32 {
      %dma_wait3A_255 = arith.constant 0 : i32
      %dma_wait3A_256 = arith.constant 0 : i32
      %dma_wait3A_257 = tpu.memref_slice %arg2[%dma_wait3A_255, %dma_wait3A_256] : memref<10000x128xf32, #tpu.memory_space<hbm>> -> memref<10000x128xf32, #tpu.memory_space<hbm>>
      tpu.wait_indirect_dma semaphore(%arg16 : memref<!tpu.dma_semaphore, #tpu.memory_space<semaphore_mem>>) src(%dma_wait3A_257 : memref<10000x128xf32, #tpu.memory_space<hbm>>) dst(%arg13 : memref<80x128xf32, #tpu.memory_space<vmem>>)
      %dma_start3A_258 = arith.constant 0 : i32
      %dma_start3A_259 = arith.constant 0 : i32
      %dma_start3A_260 = tpu.memref_slice %arg15[%dma_start3A_258, %dma_start3A_259] : memref<10000x128xf32, #tpu.memory_space<vmem_shared>> -> memref<10000x128xf32, #tpu.memory_space<vmem_shared>>
      tpu.enqueue_indirect_dma source(%arg13 : memref<80x128xf32, #tpu.memory_space<vmem>>) target(%dma_start3A_260 : memref<10000x128xf32, #tpu.memory_space<vmem_shared>>) offsets(%arg11 : memref<80xi32, #tpu.memory_space<vmem>>) semaphore(%arg18 : memref<!tpu.dma_semaphore, #tpu.memory_space<semaphore_mem>>) {add = true}
      %dma_wait3A_261 = arith.constant 0 : i32
      %dma_wait3A_262 = arith.constant 0 : i32
      %dma_wait3A_263 = tpu.memref_slice %arg2[%dma_wait3A_261, %dma_wait3A_262] : memref<10000x128xf32, #tpu.memory_space<hbm>> -> memref<10000x128xf32, #tpu.memory_space<hbm>>
      tpu.wait_indirect_dma semaphore(%arg17 : memref<!tpu.dma_semaphore, #tpu.memory_space<semaphore_mem>>) src(%dma_wait3A_263 : memref<10000x128xf32, #tpu.memory_space<hbm>>) dst(%arg14 : memref<80x128xf32, #tpu.memory_space<vmem>>)
      %dma_start3A_264 = arith.constant 0 : i32
      %dma_start3A_265 = arith.constant 0 : i32
      %dma_start3A_266 = tpu.memref_slice %arg15[%dma_start3A_264, %dma_start3A_265] : memref<10000x128xf32, #tpu.memory_space<vmem_shared>> -> memref<10000x128xf32, #tpu.memory_space<vmem_shared>>
      tpu.enqueue_indirect_dma source(%arg14 : memref<80x128xf32, #tpu.memory_space<vmem>>) target(%dma_start3A_266 : memref<10000x128xf32, #tpu.memory_space<vmem_shared>>) offsets(%arg12 : memref<80xi32, #tpu.memory_space<vmem>>) semaphore(%arg19 : memref<!tpu.dma_semaphore, #tpu.memory_space<semaphore_mem>>) {add = true}
      %dma_wait3A_267 = arith.constant 0 : i32
      %dma_wait3A_268 = arith.constant 0 : i32
      %dma_wait3A_269 = tpu.memref_slice %arg15[%dma_wait3A_267, %dma_wait3A_268] : memref<10000x128xf32, #tpu.memory_space<vmem_shared>> -> memref<10000x128xf32, #tpu.memory_space<vmem_shared>>
      tpu.wait_indirect_dma semaphore(%arg18 : memref<!tpu.dma_semaphore, #tpu.memory_space<semaphore_mem>>) src(%arg13 : memref<80x128xf32, #tpu.memory_space<vmem>>) dst(%dma_wait3A_269 : memref<10000x128xf32, #tpu.memory_space<vmem_shared>>)
      %add3A_270 = arith.constant 1 : i32
      %add3A_271 = arith.addi %scan3A_254, %add3A_270 : i32
      %mul3A_272 = arith.constant 2 : i32
      %mul3A_273 = arith.muli %add3A_271, %mul3A_272 : i32
      %add3A_274 = arith.constant 0 : i32
      %add3A_275 = arith.addi %mul3A_273, %add3A_274 : i32
      %mul3A_276 = arith.constant 80 : i32
      %mul3A_277 = arith.muli %add3A_275, %mul3A_276 : i32
      %add3A_278 = arith.constant 0 : i32
      %add3A_279 = arith.addi %mul3A_277, %add3A_278 : i32
      %get3A_280 = arith.index_cast %add3A_279 : i32 to index
      %get3A_281 = tpu.vector_load %arg7[%get3A_280] {strides = array<i32>} : memref<10000xi32, #tpu.memory_space<vmem>>, vector<16xi32>,
      %get3A_282 = vector.shape_cast %get3A_281 : vector<16xi32> to vector<16xi32>
      %swap3A_283 = arith.constant 0 : index
      %swap3A_284 = tpu.vector_load %arg9[%swap3A_283] {strides = array<i32>} : memref<80xi32, #tpu.memory_space<vmem>>, vector<16xi32>,
      %swap3A_285 = vector.shape_cast %swap3A_284 : vector<16xi32> to vector<16xi32>
      %swap3A_286 = vector.shape_cast %get3A_282 : vector<16xi32> to vector<16xi32>
      tpu.vector_store %arg9[%swap3A_283], %swap3A_286 {strides = array<i32>} : memref<80xi32, #tpu.memory_space<vmem>>, vector<16xi32>,
      %add3A_287 = arith.constant 0 : i32
      %add3A_288 = arith.addi %mul3A_277, %add3A_287 : i32
      %get3A_289 = arith.index_cast %add3A_288 : i32 to index
      %get3A_290 = tpu.vector_load %arg8[%get3A_289] {strides = array<i32>} : memref<10000xi32, #tpu.memory_space<vmem>>, vector<16xi32>,
      %get3A_291 = vector.shape_cast %get3A_290 : vector<16xi32> to vector<16xi32>
      %swap3A_292 = arith.constant 0 : index
      %swap3A_293 = tpu.vector_load %arg11[%swap3A_292] {strides = array<i32>} : memref<80xi32, #tpu.memory_space<vmem>>, vector<16xi32>,
      %swap3A_294 = vector.shape_cast %swap3A_293 : vector<16xi32> to vector<16xi32>
      %swap3A_295 = vector.shape_cast %get3A_291 : vector<16xi32> to vector<16xi32>
      tpu.vector_store %arg11[%swap3A_292], %swap3A_295 {strides = array<i32>} : memref<80xi32, #tpu.memory_space<vmem>>, vector<16xi32>,
      %add3A_296 = arith.constant 16 : i32
      %add3A_297 = arith.addi %mul3A_277, %add3A_296 : i32
      %get3A_298 = arith.index_cast %add3A_297 : i32 to index
      %get3A_299 = tpu.vector_load %arg7[%get3A_298] {strides = array<i32>} : memref<10000xi32, #tpu.memory_space<vmem>>, vector<16xi32>,
      %get3A_300 = vector.shape_cast %get3A_299 : vector<16xi32> to vector<16xi32>
      %swap3A_301 = arith.constant 16 : index
      %swap3A_302 = tpu.vector_load %arg9[%swap3A_301] {strides = array<i32>} : memref<80xi32, #tpu.memory_space<vmem>>, vector<16xi32>,
      %swap3A_303 = vector.shape_cast %swap3A_302 : vector<16xi32> to vector<16xi32>
      %swap3A_304 = vector.shape_cast %get3A_300 : vector<16xi32> to vector<16xi32>
      tpu.vector_store %arg9[%swap3A_301], %swap3A_304 {strides = array<i32>} : memref<80xi32, #tpu.memory_space<vmem>>, vector<16xi32>,
      %add3A_305 = arith.constant 16 : i32
      %add3A_306 = arith.addi %mul3A_277, %add3A_305 : i32
      %get3A_307 = arith.index_cast %add3A_306 : i32 to index
      %get3A_308 = tpu.vector_load %arg8[%get3A_307] {strides = array<i32>} : memref<10000xi32, #tpu.memory_space<vmem>>, vector<16xi32>,
      %get3A_309 = vector.shape_cast %get3A_308 : vector<16xi32> to vector<16xi32>
      %swap3A_310 = arith.constant 16 : index
      %swap3A_311 = tpu.vector_load %arg11[%swap3A_310] {strides = array<i32>} : memref<80xi32, #tpu.memory_space<vmem>>, vector<16xi32>,
      %swap3A_312 = vector.shape_cast %swap3A_311 : vector<16xi32> to vector<16xi32>
      %swap3A_313 = vector.shape_cast %get3A_309 : vector<16xi32> to vector<16xi32>
      tpu.vector_store %arg11[%swap3A_310], %swap3A_313 {strides = array<i32>} : memref<80xi32, #tpu.memory_space<vmem>>, vector<16xi32>,
      %add3A_314 = arith.constant 32 : i32
      %add3A_315 = arith.addi %mul3A_277, %add3A_314 : i32
      %get3A_316 = arith.index_cast %add3A_315 : i32 to index
      %get3A_317 = tpu.vector_load %arg7[%get3A_316] {strides = array<i32>} : memref<10000xi32, #tpu.memory_space<vmem>>, vector<16xi32>,
      %get3A_318 = vector.shape_cast %get3A_317 : vector<16xi32> to vector<16xi32>
      %swap3A_319 = arith.constant 32 : index
      %swap3A_320 = tpu.vector_load %arg9[%swap3A_319] {strides = array<i32>} : memref<80xi32, #tpu.memory_space<vmem>>, vector<16xi32>,
      %swap3A_321 = vector.shape_cast %swap3A_320 : vector<16xi32> to vector<16xi32>
      %swap3A_322 = vector.shape_cast %get3A_318 : vector<16xi32> to vector<16xi32>
      tpu.vector_store %arg9[%swap3A_319], %swap3A_322 {strides = array<i32>} : memref<80xi32, #tpu.memory_space<vmem>>, vector<16xi32>,
      %add3A_323 = arith.constant 32 : i32
      %add3A_324 = arith.addi %mul3A_277, %add3A_323 : i32
      %get3A_325 = arith.index_cast %add3A_324 : i32 to index
      %get3A_326 = tpu.vector_load %arg8[%get3A_325] {strides = array<i32>} : memref<10000xi32, #tpu.memory_space<vmem>>, vector<16xi32>,
      %get3A_327 = vector.shape_cast %get3A_326 : vector<16xi32> to vector<16xi32>
      %swap3A_328 = arith.constant 32 : index
      %swap3A_329 = tpu.vector_load %arg11[%swap3A_328] {strides = array<i32>} : memref<80xi32, #tpu.memory_space<vmem>>, vector<16xi32>,
      %swap3A_330 = vector.shape_cast %swap3A_329 : vector<16xi32> to vector<16xi32>
      %swap3A_331 = vector.shape_cast %get3A_327 : vector<16xi32> to vector<16xi32>
      tpu.vector_store %arg11[%swap3A_328], %swap3A_331 {strides = array<i32>} : memref<80xi32, #tpu.memory_space<vmem>>, vector<16xi32>,
      %add3A_332 = arith.constant 48 : i32
      %add3A_333 = arith.addi %mul3A_277, %add3A_332 : i32
      %get3A_334 = arith.index_cast %add3A_333 : i32 to index
      %get3A_335 = tpu.vector_load %arg7[%get3A_334] {strides = array<i32>} : memref<10000xi32, #tpu.memory_space<vmem>>, vector<16xi32>,
      %get3A_336 = vector.shape_cast %get3A_335 : vector<16xi32> to vector<16xi32>
      %swap3A_337 = arith.constant 48 : index
      %swap3A_338 = tpu.vector_load %arg9[%swap3A_337] {strides = array<i32>} : memref<80xi32, #tpu.memory_space<vmem>>, vector<16xi32>,
      %swap3A_339 = vector.shape_cast %swap3A_338 : vector<16xi32> to vector<16xi32>
      %swap3A_340 = vector.shape_cast %get3A_336 : vector<16xi32> to vector<16xi32>
      tpu.vector_store %arg9[%swap3A_337], %swap3A_340 {strides = array<i32>} : memref<80xi32, #tpu.memory_space<vmem>>, vector<16xi32>,
      %add3A_341 = arith.constant 48 : i32
      %add3A_342 = arith.addi %mul3A_277, %add3A_341 : i32
      %get3A_343 = arith.index_cast %add3A_342 : i32 to index
      %get3A_344 = tpu.vector_load %arg8[%get3A_343] {strides = array<i32>} : memref<10000xi32, #tpu.memory_space<vmem>>, vector<16xi32>,
      %get3A_345 = vector.shape_cast %get3A_344 : vector<16xi32> to vector<16xi32>
      %swap3A_346 = arith.constant 48 : index
      %swap3A_347 = tpu.vector_load %arg11[%swap3A_346] {strides = array<i32>} : memref<80xi32, #tpu.memory_space<vmem>>, vector<16xi32>,
      %swap3A_348 = vector.shape_cast %swap3A_347 : vector<16xi32> to vector<16xi32>
      %swap3A_349 = vector.shape_cast %get3A_345 : vector<16xi32> to vector<16xi32>
      tpu.vector_store %arg11[%swap3A_346], %swap3A_349 {strides = array<i32>} : memref<80xi32, #tpu.memory_space<vmem>>, vector<16xi32>,
      %add3A_350 = arith.constant 64 : i32
      %add3A_351 = arith.addi %mul3A_277, %add3A_350 : i32
      %get3A_352 = arith.index_cast %add3A_351 : i32 to index
      %get3A_353 = tpu.vector_load %arg7[%get3A_352] {strides = array<i32>} : memref<10000xi32, #tpu.memory_space<vmem>>, vector<16xi32>,
      %get3A_354 = vector.shape_cast %get3A_353 : vector<16xi32> to vector<16xi32>
      %swap3A_355 = arith.constant 64 : index
      %swap3A_356 = tpu.vector_load %arg9[%swap3A_355] {strides = array<i32>} : memref<80xi32, #tpu.memory_space<vmem>>, vector<16xi32>,
      %swap3A_357 = vector.shape_cast %swap3A_356 : vector<16xi32> to vector<16xi32>
      %swap3A_358 = vector.shape_cast %get3A_354 : vector<16xi32> to vector<16xi32>
      tpu.vector_store %arg9[%swap3A_355], %swap3A_358 {strides = array<i32>} : memref<80xi32, #tpu.memory_space<vmem>>, vector<16xi32>,
      %add3A_359 = arith.constant 64 : i32
      %add3A_360 = arith.addi %mul3A_277, %add3A_359 : i32
      %get3A_361 = arith.index_cast %add3A_360 : i32 to index
      %get3A_362 = tpu.vector_load %arg8[%get3A_361] {strides = array<i32>} : memref<10000xi32, #tpu.memory_space<vmem>>, vector<16xi32>,
      %get3A_363 = vector.shape_cast %get3A_362 : vector<16xi32> to vector<16xi32>
      %swap3A_364 = arith.constant 64 : index
      %swap3A_365 = tpu.vector_load %arg11[%swap3A_364] {strides = array<i32>} : memref<80xi32, #tpu.memory_space<vmem>>, vector<16xi32>,
      %swap3A_366 = vector.shape_cast %swap3A_365 : vector<16xi32> to vector<16xi32>
      %swap3A_367 = vector.shape_cast %get3A_363 : vector<16xi32> to vector<16xi32>
      tpu.vector_store %arg11[%swap3A_364], %swap3A_367 {strides = array<i32>} : memref<80xi32, #tpu.memory_space<vmem>>, vector<16xi32>,
      %dma_start3A_368 = arith.constant 0 : i32
      %dma_start3A_369 = arith.constant 0 : i32
      %dma_start3A_370 = tpu.memref_slice %arg2[%dma_start3A_368, %dma_start3A_369] : memref<10000x128xf32, #tpu.memory_space<hbm>> -> memref<10000x128xf32, #tpu.memory_space<hbm>>
      tpu.enqueue_indirect_dma source(%dma_start3A_370 : memref<10000x128xf32, #tpu.memory_space<hbm>>) target(%arg13 : memref<80x128xf32, #tpu.memory_space<vmem>>) offsets(%arg9 : memref<80xi32, #tpu.memory_space<vmem>>) semaphore(%arg16 : memref<!tpu.dma_semaphore, #tpu.memory_space<semaphore_mem>>)
      %dma_wait3A_371 = arith.constant 0 : i32
      %dma_wait3A_372 = arith.constant 0 : i32
      %dma_wait3A_373 = tpu.memref_slice %arg15[%dma_wait3A_371, %dma_wait3A_372] : memref<10000x128xf32, #tpu.memory_space<vmem_shared>> -> memref<10000x128xf32, #tpu.memory_space<vmem_shared>>
      tpu.wait_indirect_dma semaphore(%arg19 : memref<!tpu.dma_semaphore, #tpu.memory_space<semaphore_mem>>) src(%arg14 : memref<80x128xf32, #tpu.memory_space<vmem>>) dst(%dma_wait3A_373 : memref<10000x128xf32, #tpu.memory_space<vmem_shared>>)
      %add3A_374 = arith.constant 1 : i32
      %add3A_375 = arith.addi %scan3A_254, %add3A_374 : i32
      %mul3A_376 = arith.constant 2 : i32
      %mul3A_377 = arith.muli %add3A_375, %mul3A_376 : i32
      %add3A_378 = arith.constant 1 : i32
      %add3A_379 = arith.addi %mul3A_377, %add3A_378 : i32
      %mul3A_380 = arith.constant 80 : i32
      %mul3A_381 = arith.muli %add3A_379, %mul3A_380 : i32
      %add3A_382 = arith.constant 0 : i32
      %add3A_383 = arith.addi %mul3A_381, %add3A_382 : i32
      %get3A_384 = arith.index_cast %add3A_383 : i32 to index
      %get3A_385 = tpu.vector_load %arg7[%get3A_384] {strides = array<i32>} : memref<10000xi32, #tpu.memory_space<vmem>>, vector<16xi32>,
      %get3A_386 = vector.shape_cast %get3A_385 : vector<16xi32> to vector<16xi32>
      %swap3A_387 = arith.constant 0 : index
      %swap3A_388 = tpu.vector_load %arg10[%swap3A_387] {strides = array<i32>} : memref<80xi32, #tpu.memory_space<vmem>>, vector<16xi32>,
      %swap3A_389 = vector.shape_cast %swap3A_388 : vector<16xi32> to vector<16xi32>
      %swap3A_390 = vector.shape_cast %get3A_386 : vector<16xi32> to vector<16xi32>
      tpu.vector_store %arg10[%swap3A_387], %swap3A_390 {strides = array<i32>} : memref<80xi32, #tpu.memory_space<vmem>>, vector<16xi32>,
      %add3A_391 = arith.constant 0 : i32
      %add3A_392 = arith.addi %mul3A_381, %add3A_391 : i32
      %get3A_393 = arith.index_cast %add3A_392 : i32 to index
      %get3A_394 = tpu.vector_load %arg8[%get3A_393] {strides = array<i32>} : memref<10000xi32, #tpu.memory_space<vmem>>, vector<16xi32>,
      %get3A_395 = vector.shape_cast %get3A_394 : vector<16xi32> to vector<16xi32>
      %swap3A_396 = arith.constant 0 : index
      %swap3A_397 = tpu.vector_load %arg12[%swap3A_396] {strides = array<i32>} : memref<80xi32, #tpu.memory_space<vmem>>, vector<16xi32>,
      %swap3A_398 = vector.shape_cast %swap3A_397 : vector<16xi32> to vector<16xi32>
      %swap3A_399 = vector.shape_cast %get3A_395 : vector<16xi32> to vector<16xi32>
      tpu.vector_store %arg12[%swap3A_396], %swap3A_399 {strides = array<i32>} : memref<80xi32, #tpu.memory_space<vmem>>, vector<16xi32>,
      %add3A_400 = arith.constant 16 : i32
      %add3A_401 = arith.addi %mul3A_381, %add3A_400 : i32
      %get3A_402 = arith.index_cast %add3A_401 : i32 to index
      %get3A_403 = tpu.vector_load %arg7[%get3A_402] {strides = array<i32>} : memref<10000xi32, #tpu.memory_space<vmem>>, vector<16xi32>,
      %get3A_404 = vector.shape_cast %get3A_403 : vector<16xi32> to vector<16xi32>
      %swap3A_405 = arith.constant 16 : index
      %swap3A_406 = tpu.vector_load %arg10[%swap3A_405] {strides = array<i32>} : memref<80xi32, #tpu.memory_space<vmem>>, vector<16xi32>,
      %swap3A_407 = vector.shape_cast %swap3A_406 : vector<16xi32> to vector<16xi32>
      %swap3A_408 = vector.shape_cast %get3A_404 : vector<16xi32> to vector<16xi32>
      tpu.vector_store %arg10[%swap3A_405], %swap3A_408 {strides = array<i32>} : memref<80xi32, #tpu.memory_space<vmem>>, vector<16xi32>,
      %add3A_409 = arith.constant 16 : i32
      %add3A_410 = arith.addi %mul3A_381, %add3A_409 : i32
      %get3A_411 = arith.index_cast %add3A_410 : i32 to index
      %get3A_412 = tpu.vector_load %arg8[%get3A_411] {strides = array<i32>} : memref<10000xi32, #tpu.memory_space<vmem>>, vector<16xi32>,
      %get3A_413 = vector.shape_cast %get3A_412 : vector<16xi32> to vector<16xi32>
      %swap3A_414 = arith.constant 16 : index
      %swap3A_415 = tpu.vector_load %arg12[%swap3A_414] {strides = array<i32>} : memref<80xi32, #tpu.memory_space<vmem>>, vector<16xi32>,
      %swap3A_416 = vector.shape_cast %swap3A_415 : vector<16xi32> to vector<16xi32>
      %swap3A_417 = vector.shape_cast %get3A_413 : vector<16xi32> to vector<16xi32>
      tpu.vector_store %arg12[%swap3A_414], %swap3A_417 {strides = array<i32>} : memref<80xi32, #tpu.memory_space<vmem>>, vector<16xi32>,
      %add3A_418 = arith.constant 32 : i32
      %add3A_419 = arith.addi %mul3A_381, %add3A_418 : i32
      %get3A_420 = arith.index_cast %add3A_419 : i32 to index
      %get3A_421 = tpu.vector_load %arg7[%get3A_420] {strides = array<i32>} : memref<10000xi32, #tpu.memory_space<vmem>>, vector<16xi32>,
      %get3A_422 = vector.shape_cast %get3A_421 : vector<16xi32> to vector<16xi32>
      %swap3A_423 = arith.constant 32 : index
      %swap3A_424 = tpu.vector_load %arg10[%swap3A_423] {strides = array<i32>} : memref<80xi32, #tpu.memory_space<vmem>>, vector<16xi32>,
      %swap3A_425 = vector.shape_cast %swap3A_424 : vector<16xi32> to vector<16xi32>
      %swap3A_426 = vector.shape_cast %get3A_422 : vector<16xi32> to vector<16xi32>
      tpu.vector_store %arg10[%swap3A_423], %swap3A_426 {strides = array<i32>} : memref<80xi32, #tpu.memory_space<vmem>>, vector<16xi32>,
      %add3A_427 = arith.constant 32 : i32
      %add3A_428 = arith.addi %mul3A_381, %add3A_427 : i32
      %get3A_429 = arith.index_cast %add3A_428 : i32 to index
      %get3A_430 = tpu.vector_load %arg8[%get3A_429] {strides = array<i32>} : memref<10000xi32, #tpu.memory_space<vmem>>, vector<16xi32>,
      %get3A_431 = vector.shape_cast %get3A_430 : vector<16xi32> to vector<16xi32>
      %swap3A_432 = arith.constant 32 : index
      %swap3A_433 = tpu.vector_load %arg12[%swap3A_432] {strides = array<i32>} : memref<80xi32, #tpu.memory_space<vmem>>, vector<16xi32>,
      %swap3A_434 = vector.shape_cast %swap3A_433 : vector<16xi32> to vector<16xi32>
      %swap3A_435 = vector.shape_cast %get3A_431 : vector<16xi32> to vector<16xi32>
      tpu.vector_store %arg12[%swap3A_432], %swap3A_435 {strides = array<i32>} : memref<80xi32, #tpu.memory_space<vmem>>, vector<16xi32>,
      %add3A_436 = arith.constant 48 : i32
      %add3A_437 = arith.addi %mul3A_381, %add3A_436 : i32
      %get3A_438 = arith.index_cast %add3A_437 : i32 to index
      %get3A_439 = tpu.vector_load %arg7[%get3A_438] {strides = array<i32>} : memref<10000xi32, #tpu.memory_space<vmem>>, vector<16xi32>,
      %get3A_440 = vector.shape_cast %get3A_439 : vector<16xi32> to vector<16xi32>
      %swap3A_441 = arith.constant 48 : index
      %swap3A_442 = tpu.vector_load %arg10[%swap3A_441] {strides = array<i32>} : memref<80xi32, #tpu.memory_space<vmem>>, vector<16xi32>,
      %swap3A_443 = vector.shape_cast %swap3A_442 : vector<16xi32> to vector<16xi32>
      %swap3A_444 = vector.shape_cast %get3A_440 : vector<16xi32> to vector<16xi32>
      tpu.vector_store %arg10[%swap3A_441], %swap3A_444 {strides = array<i32>} : memref<80xi32, #tpu.memory_space<vmem>>, vector<16xi32>,
      %add3A_445 = arith.constant 48 : i32
      %add3A_446 = arith.addi %mul3A_381, %add3A_445 : i32
      %get3A_447 = arith.index_cast %add3A_446 : i32 to index
      %get3A_448 = tpu.vector_load %arg8[%get3A_447] {strides = array<i32>} : memref<10000xi32, #tpu.memory_space<vmem>>, vector<16xi32>,
      %get3A_449 = vector.shape_cast %get3A_448 : vector<16xi32> to vector<16xi32>
      %swap3A_450 = arith.constant 48 : index
      %swap3A_451 = tpu.vector_load %arg12[%swap3A_450] {strides = array<i32>} : memref<80xi32, #tpu.memory_space<vmem>>, vector<16xi32>,
      %swap3A_452 = vector.shape_cast %swap3A_451 : vector<16xi32> to vector<16xi32>
      %swap3A_453 = vector.shape_cast %get3A_449 : vector<16xi32> to vector<16xi32>
      tpu.vector_store %arg12[%swap3A_450], %swap3A_453 {strides = array<i32>} : memref<80xi32, #tpu.memory_space<vmem>>, vector<16xi32>,
      %add3A_454 = arith.constant 64 : i32
      %add3A_455 = arith.addi %mul3A_381, %add3A_454 : i32
      %get3A_456 = arith.index_cast %add3A_455 : i32 to index
      %get3A_457 = tpu.vector_load %arg7[%get3A_456] {strides = array<i32>} : memref<10000xi32, #tpu.memory_space<vmem>>, vector<16xi32>,
      %get3A_458 = vector.shape_cast %get3A_457 : vector<16xi32> to vector<16xi32>
      %swap3A_459 = arith.constant 64 : index
      %swap3A_460 = tpu.vector_load %arg10[%swap3A_459] {strides = array<i32>} : memref<80xi32, #tpu.memory_space<vmem>>, vector<16xi32>,
      %swap3A_461 = vector.shape_cast %swap3A_460 : vector<16xi32> to vector<16xi32>
      %swap3A_462 = vector.shape_cast %get3A_458 : vector<16xi32> to vector<16xi32>
      tpu.vector_store %arg10[%swap3A_459], %swap3A_462 {strides = array<i32>} : memref<80xi32, #tpu.memory_space<vmem>>, vector<16xi32>,
      %add3A_463 = arith.constant 64 : i32
      %add3A_464 = arith.addi %mul3A_381, %add3A_463 : i32
      %get3A_465 = arith.index_cast %add3A_464 : i32 to index
      %get3A_466 = tpu.vector_load %arg8[%get3A_465] {strides = array<i32>} : memref<10000xi32, #tpu.memory_space<vmem>>, vector<16xi32>,
      %get3A_467 = vector.shape_cast %get3A_466 : vector<16xi32> to vector<16xi32>
      %swap3A_468 = arith.constant 64 : index
      %swap3A_469 = tpu.vector_load %arg12[%swap3A_468] {strides = array<i32>} : memref<80xi32, #tpu.memory_space<vmem>>, vector<16xi32>,
      %swap3A_470 = vector.shape_cast %swap3A_469 : vector<16xi32> to vector<16xi32>
      %swap3A_471 = vector.shape_cast %get3A_467 : vector<16xi32> to vector<16xi32>
      tpu.vector_store %arg12[%swap3A_468], %swap3A_471 {strides = array<i32>} : memref<80xi32, #tpu.memory_space<vmem>>, vector<16xi32>,
      %dma_start3A_472 = arith.constant 0 : i32
      %dma_start3A_473 = arith.constant 0 : i32
      %dma_start3A_474 = tpu.memref_slice %arg2[%dma_start3A_472, %dma_start3A_473] : memref<10000x128xf32, #tpu.memory_space<hbm>> -> memref<10000x128xf32, #tpu.memory_space<hbm>>
      tpu.enqueue_indirect_dma source(%dma_start3A_474 : memref<10000x128xf32, #tpu.memory_space<hbm>>) target(%arg14 : memref<80x128xf32, #tpu.memory_space<vmem>>) offsets(%arg10 : memref<80xi32, #tpu.memory_space<vmem>>) semaphore(%arg17 : memref<!tpu.dma_semaphore, #tpu.memory_space<semaphore_mem>>)
    }
    %scan3A_154 = arith.constant 61 : i32
    %dma_wait3A = arith.constant 0 : i32
    %dma_wait3A_155 = arith.constant 0 : i32
    %dma_wait3A_156 = tpu.memref_slice %arg2[%dma_wait3A, %dma_wait3A_155] : memref<10000x128xf32, #tpu.memory_space<hbm>> -> memref<10000x128xf32, #tpu.memory_space<hbm>>
    tpu.wait_indirect_dma semaphore(%arg16 : memref<!tpu.dma_semaphore, #tpu.memory_space<semaphore_mem>>) src(%dma_wait3A_156 : memref<10000x128xf32, #tpu.memory_space<hbm>>) dst(%arg13 : memref<80x128xf32, #tpu.memory_space<vmem>>)
    %dma_start3A_157 = arith.constant 0 : i32
    %dma_start3A_158 = arith.constant 0 : i32
    %dma_start3A_159 = tpu.memref_slice %arg15[%dma_start3A_157, %dma_start3A_158] : memref<10000x128xf32, #tpu.memory_space<vmem_shared>> -> memref<10000x128xf32, #tpu.memory_space<vmem_shared>>
    tpu.enqueue_indirect_dma source(%arg13 : memref<80x128xf32, #tpu.memory_space<vmem>>) target(%dma_start3A_159 : memref<10000x128xf32, #tpu.memory_space<vmem_shared>>) offsets(%arg11 : memref<80xi32, #tpu.memory_space<vmem>>) semaphore(%arg18 : memref<!tpu.dma_semaphore, #tpu.memory_space<semaphore_mem>>) {add = true}
    %dma_wait3A_160 = arith.constant 0 : i32
    %dma_wait3A_161 = arith.constant 0 : i32
    %dma_wait3A_162 = tpu.memref_slice %arg2[%dma_wait3A_160, %dma_wait3A_161] : memref<10000x128xf32, #tpu.memory_space<hbm>> -> memref<10000x128xf32, #tpu.memory_space<hbm>>
    tpu.wait_indirect_dma semaphore(%arg17 : memref<!tpu.dma_semaphore, #tpu.memory_space<semaphore_mem>>) src(%dma_wait3A_162 : memref<10000x128xf32, #tpu.memory_space<hbm>>) dst(%arg14 : memref<80x128xf32, #tpu.memory_space<vmem>>)
    %dma_start3A_163 = arith.constant 0 : i32
    %dma_start3A_164 = arith.constant 0 : i32
    %dma_start3A_165 = tpu.memref_slice %arg15[%dma_start3A_163, %dma_start3A_164] : memref<10000x128xf32, #tpu.memory_space<vmem_shared>> -> memref<10000x128xf32, #tpu.memory_space<vmem_shared>>
    tpu.enqueue_indirect_dma source(%arg14 : memref<80x128xf32, #tpu.memory_space<vmem>>) target(%dma_start3A_165 : memref<10000x128xf32, #tpu.memory_space<vmem_shared>>) offsets(%arg12 : memref<80xi32, #tpu.memory_space<vmem>>) semaphore(%arg19 : memref<!tpu.dma_semaphore, #tpu.memory_space<semaphore_mem>>) {add = true}
    %dma_wait3A_166 = arith.constant 0 : i32
    %dma_wait3A_167 = arith.constant 0 : i32
    %dma_wait3A_168 = tpu.memref_slice %arg15[%dma_wait3A_166, %dma_wait3A_167] : memref<10000x128xf32, #tpu.memory_space<vmem_shared>> -> memref<10000x128xf32, #tpu.memory_space<vmem_shared>>
    tpu.wait_indirect_dma semaphore(%arg18 : memref<!tpu.dma_semaphore, #tpu.memory_space<semaphore_mem>>) src(%arg13 : memref<80x128xf32, #tpu.memory_space<vmem>>) dst(%dma_wait3A_168 : memref<10000x128xf32, #tpu.memory_space<vmem_shared>>)
    %dma_wait3A_169 = arith.constant 0 : i32
    %dma_wait3A_170 = arith.constant 0 : i32
    %dma_wait3A_171 = tpu.memref_slice %arg15[%dma_wait3A_169, %dma_wait3A_170] : memref<10000x128xf32, #tpu.memory_space<vmem_shared>> -> memref<10000x128xf32, #tpu.memory_space<vmem_shared>>
    tpu.wait_indirect_dma semaphore(%arg19 : memref<!tpu.dma_semaphore, #tpu.memory_space<semaphore_mem>>) src(%arg14 : memref<80x128xf32, #tpu.memory_space<vmem>>) dst(%dma_wait3A_171 : memref<10000x128xf32, #tpu.memory_space<vmem_shared>>)
    %get3A_172 = arith.constant 9920 : index
    %get3A_173 = tpu.vector_load %arg7[%get3A_172] {strides = array<i32>} : memref<10000xi32, #tpu.memory_space<vmem>>, vector<16xi32>,
    %get3A_174 = vector.shape_cast %get3A_173 : vector<16xi32> to vector<16xi32>
    %swap3A_175 = arith.constant 0 : index
    %swap3A_176 = tpu.vector_load %arg9[%swap3A_175] {strides = array<i32>} : memref<80xi32, #tpu.memory_space<vmem>>, vector<16xi32>,
    %swap3A_177 = vector.shape_cast %swap3A_176 : vector<16xi32> to vector<16xi32>
    %swap3A_178 = vector.shape_cast %get3A_174 : vector<16xi32> to vector<16xi32>
    tpu.vector_store %arg9[%swap3A_175], %swap3A_178 {strides = array<i32>} : memref<80xi32, #tpu.memory_space<vmem>>, vector<16xi32>,
    %get3A_179 = arith.constant 9920 : index
    %get3A_180 = tpu.vector_load %arg8[%get3A_179] {strides = array<i32>} : memref<10000xi32, #tpu.memory_space<vmem>>, vector<16xi32>,
    %get3A_181 = vector.shape_cast %get3A_180 : vector<16xi32> to vector<16xi32>
    %swap3A_182 = arith.constant 0 : index
    %swap3A_183 = tpu.vector_load %arg11[%swap3A_182] {strides = array<i32>} : memref<80xi32, #tpu.memory_space<vmem>>, vector<16xi32>,
    %swap3A_184 = vector.shape_cast %swap3A_183 : vector<16xi32> to vector<16xi32>
    %swap3A_185 = vector.shape_cast %get3A_181 : vector<16xi32> to vector<16xi32>
    tpu.vector_store %arg11[%swap3A_182], %swap3A_185 {strides = array<i32>} : memref<80xi32, #tpu.memory_space<vmem>>, vector<16xi32>,
    %get3A_186 = arith.constant 9936 : index
    %get3A_187 = tpu.vector_load %arg7[%get3A_186] {strides = array<i32>} : memref<10000xi32, #tpu.memory_space<vmem>>, vector<16xi32>,
    %get3A_188 = vector.shape_cast %get3A_187 : vector<16xi32> to vector<16xi32>
    %swap3A_189 = arith.constant 16 : index
    %swap3A_190 = tpu.vector_load %arg9[%swap3A_189] {strides = array<i32>} : memref<80xi32, #tpu.memory_space<vmem>>, vector<16xi32>,
    %swap3A_191 = vector.shape_cast %swap3A_190 : vector<16xi32> to vector<16xi32>
    %swap3A_192 = vector.shape_cast %get3A_188 : vector<16xi32> to vector<16xi32>
    tpu.vector_store %arg9[%swap3A_189], %swap3A_192 {strides = array<i32>} : memref<80xi32, #tpu.memory_space<vmem>>, vector<16xi32>,
    %get3A_193 = arith.constant 9936 : index
    %get3A_194 = tpu.vector_load %arg8[%get3A_193] {strides = array<i32>} : memref<10000xi32, #tpu.memory_space<vmem>>, vector<16xi32>,
    %get3A_195 = vector.shape_cast %get3A_194 : vector<16xi32> to vector<16xi32>
    %swap3A_196 = arith.constant 16 : index
    %swap3A_197 = tpu.vector_load %arg11[%swap3A_196] {strides = array<i32>} : memref<80xi32, #tpu.memory_space<vmem>>, vector<16xi32>,
    %swap3A_198 = vector.shape_cast %swap3A_197 : vector<16xi32> to vector<16xi32>
    %swap3A_199 = vector.shape_cast %get3A_195 : vector<16xi32> to vector<16xi32>
    tpu.vector_store %arg11[%swap3A_196], %swap3A_199 {strides = array<i32>} : memref<80xi32, #tpu.memory_space<vmem>>, vector<16xi32>,
    %get3A_200 = arith.constant 9952 : index
    %get3A_201 = tpu.vector_load %arg7[%get3A_200] {strides = array<i32>} : memref<10000xi32, #tpu.memory_space<vmem>>, vector<16xi32>,
    %get3A_202 = vector.shape_cast %get3A_201 : vector<16xi32> to vector<16xi32>
    %swap3A_203 = arith.constant 32 : index
    %swap3A_204 = tpu.vector_load %arg9[%swap3A_203] {strides = array<i32>} : memref<80xi32, #tpu.memory_space<vmem>>, vector<16xi32>,
    %swap3A_205 = vector.shape_cast %swap3A_204 : vector<16xi32> to vector<16xi32>
    %swap3A_206 = vector.shape_cast %get3A_202 : vector<16xi32> to vector<16xi32>
    tpu.vector_store %arg9[%swap3A_203], %swap3A_206 {strides = array<i32>} : memref<80xi32, #tpu.memory_space<vmem>>, vector<16xi32>,
    %get3A_207 = arith.constant 9952 : index
    %get3A_208 = tpu.vector_load %arg8[%get3A_207] {strides = array<i32>} : memref<10000xi32, #tpu.memory_space<vmem>>, vector<16xi32>,
    %get3A_209 = vector.shape_cast %get3A_208 : vector<16xi32> to vector<16xi32>
    %swap3A_210 = arith.constant 32 : index
    %swap3A_211 = tpu.vector_load %arg11[%swap3A_210] {strides = array<i32>} : memref<80xi32, #tpu.memory_space<vmem>>, vector<16xi32>,
    %swap3A_212 = vector.shape_cast %swap3A_211 : vector<16xi32> to vector<16xi32>
    %swap3A_213 = vector.shape_cast %get3A_209 : vector<16xi32> to vector<16xi32>
    tpu.vector_store %arg11[%swap3A_210], %swap3A_213 {strides = array<i32>} : memref<80xi32, #tpu.memory_space<vmem>>, vector<16xi32>,
    %get3A_214 = arith.constant 9968 : index
    %get3A_215 = tpu.vector_load %arg7[%get3A_214] {strides = array<i32>} : memref<10000xi32, #tpu.memory_space<vmem>>, vector<16xi32>,
    %get3A_216 = vector.shape_cast %get3A_215 : vector<16xi32> to vector<16xi32>
    %swap3A_217 = arith.constant 48 : index
    %swap3A_218 = tpu.vector_load %arg9[%swap3A_217] {strides = array<i32>} : memref<80xi32, #tpu.memory_space<vmem>>, vector<16xi32>,
    %swap3A_219 = vector.shape_cast %swap3A_218 : vector<16xi32> to vector<16xi32>
    %swap3A_220 = vector.shape_cast %get3A_216 : vector<16xi32> to vector<16xi32>
    tpu.vector_store %arg9[%swap3A_217], %swap3A_220 {strides = array<i32>} : memref<80xi32, #tpu.memory_space<vmem>>, vector<16xi32>,
    %get3A_221 = arith.constant 9968 : index
    %get3A_222 = tpu.vector_load %arg8[%get3A_221] {strides = array<i32>} : memref<10000xi32, #tpu.memory_space<vmem>>, vector<16xi32>,
    %get3A_223 = vector.shape_cast %get3A_222 : vector<16xi32> to vector<16xi32>
    %swap3A_224 = arith.constant 48 : index
    %swap3A_225 = tpu.vector_load %arg11[%swap3A_224] {strides = array<i32>} : memref<80xi32, #tpu.memory_space<vmem>>, vector<16xi32>,
    %swap3A_226 = vector.shape_cast %swap3A_225 : vector<16xi32> to vector<16xi32>
    %swap3A_227 = vector.shape_cast %get3A_223 : vector<16xi32> to vector<16xi32>
    tpu.vector_store %arg11[%swap3A_224], %swap3A_227 {strides = array<i32>} : memref<80xi32, #tpu.memory_space<vmem>>, vector<16xi32>,
    %get3A_228 = arith.constant 9984 : index
    %get3A_229 = tpu.vector_load %arg7[%get3A_228] {strides = array<i32>} : memref<10000xi32, #tpu.memory_space<vmem>>, vector<16xi32>,
    %get3A_230 = vector.shape_cast %get3A_229 : vector<16xi32> to vector<16xi32>
    %swap3A_231 = arith.constant 64 : index
    %swap3A_232 = tpu.vector_load %arg9[%swap3A_231] {strides = array<i32>} : memref<80xi32, #tpu.memory_space<vmem>>, vector<16xi32>,
    %swap3A_233 = vector.shape_cast %swap3A_232 : vector<16xi32> to vector<16xi32>
    %swap3A_234 = vector.shape_cast %get3A_230 : vector<16xi32> to vector<16xi32>
    tpu.vector_store %arg9[%swap3A_231], %swap3A_234 {strides = array<i32>} : memref<80xi32, #tpu.memory_space<vmem>>, vector<16xi32>,
    %get3A_235 = arith.constant 9984 : index
    %get3A_236 = tpu.vector_load %arg8[%get3A_235] {strides = array<i32>} : memref<10000xi32, #tpu.memory_space<vmem>>, vector<16xi32>,
    %get3A_237 = vector.shape_cast %get3A_236 : vector<16xi32> to vector<16xi32>
    %swap3A_238 = arith.constant 64 : index
    %swap3A_239 = tpu.vector_load %arg11[%swap3A_238] {strides = array<i32>} : memref<80xi32, #tpu.memory_space<vmem>>, vector<16xi32>,
    %swap3A_240 = vector.shape_cast %swap3A_239 : vector<16xi32> to vector<16xi32>
    %swap3A_241 = vector.shape_cast %get3A_237 : vector<16xi32> to vector<16xi32>
    tpu.vector_store %arg11[%swap3A_238], %swap3A_241 {strides = array<i32>} : memref<80xi32, #tpu.memory_space<vmem>>, vector<16xi32>,
    %dma_start3A_242 = arith.constant 0 : i32
    %dma_start3A_243 = arith.constant 0 : i32
    %dma_start3A_244 = tpu.memref_slice %arg2[%dma_start3A_242, %dma_start3A_243] : memref<10000x128xf32, #tpu.memory_space<hbm>> -> memref<10000x128xf32, #tpu.memory_space<hbm>>
    tpu.enqueue_indirect_dma source(%dma_start3A_244 : memref<10000x128xf32, #tpu.memory_space<hbm>>) target(%arg13 : memref<80x128xf32, #tpu.memory_space<vmem>>) offsets(%arg9 : memref<80xi32, #tpu.memory_space<vmem>>) semaphore(%arg16 : memref<!tpu.dma_semaphore, #tpu.memory_space<semaphore_mem>>)
    %dma_wait3A_245 = arith.constant 0 : i32
    %dma_wait3A_246 = arith.constant 0 : i32
    %dma_wait3A_247 = tpu.memref_slice %arg2[%dma_wait3A_245, %dma_wait3A_246] : memref<10000x128xf32, #tpu.memory_space<hbm>> -> memref<10000x128xf32, #tpu.memory_space<hbm>>
    tpu.wait_indirect_dma semaphore(%arg16 : memref<!tpu.dma_semaphore, #tpu.memory_space<semaphore_mem>>) src(%dma_wait3A_247 : memref<10000x128xf32, #tpu.memory_space<hbm>>) dst(%arg13 : memref<80x128xf32, #tpu.memory_space<vmem>>)
    "tpu.region"() ({
      %run_scoped3A = tpu.sem_alloc : memref<!tpu.dma_semaphore, #tpu.memory_space<semaphore_mem>>
      %dma_start3A_254 = arith.constant 0 : i32
      %dma_start3A_255 = arith.constant 0 : i32
      %dma_start3A_256 = tpu.memref_slice %arg15[%dma_start3A_254, %dma_start3A_255] : memref<10000x128xf32, #tpu.memory_space<vmem_shared>> -> memref<10000x128xf32, #tpu.memory_space<vmem_shared>>
      tpu.enqueue_indirect_dma source(%arg13 : memref<80x128xf32, #tpu.memory_space<vmem>>) target(%dma_start3A_256 : memref<10000x128xf32, #tpu.memory_space<vmem_shared>>) offsets(%arg11 : memref<80xi32, #tpu.memory_space<vmem>>) semaphore(%run_scoped3A : memref<!tpu.dma_semaphore, #tpu.memory_space<semaphore_mem>>) {add = true}
      %dma_wait3A_257 = arith.constant 0 : i32
      %dma_wait3A_258 = arith.constant 0 : i32
      %dma_wait3A_259 = tpu.memref_slice %arg15[%dma_wait3A_257, %dma_wait3A_258] : memref<10000x128xf32, #tpu.memory_space<vmem_shared>> -> memref<10000x128xf32, #tpu.memory_space<vmem_shared>>
      tpu.wait_indirect_dma semaphore(%run_scoped3A : memref<!tpu.dma_semaphore, #tpu.memory_space<semaphore_mem>>) src(%arg13 : memref<80x128xf32, #tpu.memory_space<vmem>>) dst(%dma_wait3A_259 : memref<10000x128xf32, #tpu.memory_space<vmem_shared>>)
      tpu.yield
    }) : () -> ()
    %barrier3A_248 = arith.constant 0 : index
    tpu.barrier barrier_id(%barrier3A_248)
    "tpu.region"() ({
      %run_scoped3A = tpu.sem_alloc : memref<!tpu.dma_semaphore, #tpu.memory_space<semaphore_mem>>
      %dma_start3A_254 = arith.constant 0 : i32
      %dma_start3A_255 = tpu.memref_slice %arg6[%arg0, %mul3A_4, %dma_start3A_254] : memref<2x10000x128xf32, #tpu.memory_space<hbm>> -> memref<1x624x128xf32, #tpu.memory_space<hbm>>
      %dma_start3A_256 = tpu.memref_squeeze %dma_start3A_255 : memref<1x624x128xf32, #tpu.memory_space<hbm>> -> memref<624x128xf32, #tpu.memory_space<hbm>>
      %dma_start3A_257 = arith.constant 0 : i32
      %dma_start3A_258 = tpu.memref_slice %arg15[%mul3A_4, %dma_start3A_257] : memref<10000x128xf32, #tpu.memory_space<vmem_shared>> -> memref<624x128xf32, #tpu.memory_space<vmem_shared>>
      tpu.enqueue_dma source(%dma_start3A_258 : memref<624x128xf32, #tpu.memory_space<vmem_shared>>) target(%dma_start3A_256 : memref<624x128xf32, #tpu.memory_space<hbm>>) target_semaphore(%run_scoped3A : memref<!tpu.dma_semaphore, #tpu.memory_space<semaphore_mem>>)
      %dma_wait3A_259 = arith.constant 0 : i32
      %dma_wait3A_260 = tpu.memref_slice %arg6[%arg0, %mul3A_4, %dma_wait3A_259] : memref<2x10000x128xf32, #tpu.memory_space<hbm>> -> memref<1x624x128xf32, #tpu.memory_space<hbm>>
      %dma_wait3A_261 = tpu.memref_squeeze %dma_wait3A_260 : memref<1x624x128xf32, #tpu.memory_space<hbm>> -> memref<624x128xf32, #tpu.memory_space<hbm>>
      %dma_wait3A_262 = arith.constant 0 : i32
      %dma_wait3A_263 = tpu.memref_slice %arg15[%mul3A_4, %dma_wait3A_262] : memref<10000x128xf32, #tpu.memory_space<vmem_shared>> -> memref<624x128xf32, #tpu.memory_space<vmem_shared>>
      tpu.wait_dma2 semaphore(%run_scoped3A : memref<!tpu.dma_semaphore, #tpu.memory_space<semaphore_mem>>) src(%dma_wait3A_263 : memref<624x128xf32, #tpu.memory_space<vmem_shared>>) dst(%dma_wait3A_261 : memref<624x128xf32, #tpu.memory_space<hbm>>)
      tpu.yield
    }) : () -> ()
    %eq3A_249 = arith.constant 15 : i32
    %eq3A_250 = arith.cmpi eq, %arg1, %eq3A_249 : i32
    %convert_element_type3A_251 = arith.extui %eq3A_250 : i1 to i32
    %cond3A_252 = arith.constant 0 : i32
    %cond3A_253 = arith.cmpi ne, %convert_element_type3A_251, %cond3A_252 : i32
    scf.if %cond3A_253 {
      "tpu.region"() ({
        %run_scoped3A = tpu.sem_alloc : memref<!tpu.dma_semaphore, #tpu.memory_space<semaphore_mem>>
        %dma_start3A_254 = arith.constant 9984 : i32
        %dma_start3A_255 = arith.constant 0 : i32
        %dma_start3A_256 = tpu.memref_slice %arg6[%arg0, %dma_start3A_254, %dma_start3A_255] : memref<2x10000x128xf32, #tpu.memory_space<hbm>> -> memref<1x16x128xf32, #tpu.memory_space<hbm>>
        %dma_start3A_257 = tpu.memref_squeeze %dma_start3A_256 : memref<1x16x128xf32, #tpu.memory_space<hbm>> -> memref<16x128xf32, #tpu.memory_space<hbm>>
        %dma_start3A_258 = arith.constant 9984 : i32
        %dma_start3A_259 = arith.constant 0 : i32
        %dma_start3A_260 = tpu.memref_slice %arg15[%dma_start3A_258, %dma_start3A_259] : memref<10000x128xf32, #tpu.memory_space<vmem_shared>> -> memref<16x128xf32, #tpu.memory_space<vmem_shared>>
        tpu.enqueue_dma source(%dma_start3A_260 : memref<16x128xf32, #tpu.memory_space<vmem_shared>>) target(%dma_start3A_257 : memref<16x128xf32, #tpu.memory_space<hbm>>) target_semaphore(%run_scoped3A : memref<!tpu.dma_semaphore, #tpu.memory_space<semaphore_mem>>)
        %dma_wait3A_261 = arith.constant 9984 : i32
        %dma_wait3A_262 = arith.constant 0 : i32
        %dma_wait3A_263 = tpu.memref_slice %arg6[%arg0, %dma_wait3A_261, %dma_wait3A_262] : memref<2x10000x128xf32, #tpu.memory_space<hbm>> -> memref<1x16x128xf32, #tpu.memory_space<hbm>>
        %dma_wait3A_264 = tpu.memref_squeeze %dma_wait3A_263 : memref<1x16x128xf32, #tpu.memory_space<hbm>> -> memref<16x128xf32, #tpu.memory_space<hbm>>
        %dma_wait3A_265 = arith.constant 9984 : i32
        %dma_wait3A_266 = arith.constant 0 : i32
        %dma_wait3A_267 = tpu.memref_slice %arg15[%dma_wait3A_265, %dma_wait3A_266] : memref<10000x128xf32, #tpu.memory_space<vmem_shared>> -> memref<16x128xf32, #tpu.memory_space<vmem_shared>>
        tpu.wait_dma2 semaphore(%run_scoped3A : memref<!tpu.dma_semaphore, #tpu.memory_space<semaphore_mem>>) src(%dma_wait3A_267 : memref<16x128xf32, #tpu.memory_space<vmem_shared>>) dst(%dma_wait3A_264 : memref<16x128xf32, #tpu.memory_space<hbm>>)
        tpu.yield
      }) : () -> ()
    } else {
    }
    return
  }
}

#map = affine_map<(d0, d1) -> (0, 0)>
#map1 = affine_map<(d0, d1) -> (0)>
#map2 = affine_map<(d0, d1) -> (0, 0, 0)>
module attributes {stable_mosaic.version = 14 : i64} {
  func.func @sage_segment_sum_sc(%arg0: i32, %arg1: i32, %arg2: memref<10000x128xf32, #tpu.memory_space<hbm>>, %arg3: memref<320000xi32, #tpu.memory_space<hbm>>, %arg4: memref<320000xi32, #tpu.memory_space<hbm>>, %arg5: memref<10000x128xf32, #tpu.memory_space<hbm>>, %arg6: memref<2x10000x128xf32, #tpu.memory_space<hbm>>, %arg7: memref<10000xi32, #tpu.memory_space<vmem>>, %arg8: memref<10000xi32, #tpu.memory_space<vmem>>, %arg9: memref<80xi32, #tpu.memory_space<vmem>>, %arg10: memref<80xi32, #tpu.memory_space<vmem>>, %arg11: memref<80xi32, #tpu.memory_space<vmem>>, %arg12: memref<80xi32, #tpu.memory_space<vmem>>, %arg13: memref<80x128xf32, #tpu.memory_space<vmem>>, %arg14: memref<80x128xf32, #tpu.memory_space<vmem>>, %arg15: memref<10000x128xf32, #tpu.memory_space<vmem_shared>>, %arg16: memref<!tpu.dma_semaphore, #tpu.memory_space<semaphore_mem>>, %arg17: memref<!tpu.dma_semaphore, #tpu.memory_space<semaphore_mem>>, %arg18: memref<!tpu.dma_semaphore, #tpu.memory_space<semaphore_mem>>, %arg19: memref<!tpu.dma_semaphore, #tpu.memory_space<semaphore_mem>>) attributes {dimension_semantics = [#tpu.dimension_semantics<core_parallel>, #tpu.dimension_semantics<subcore_parallel>], iteration_bounds = array<i64: 2, 16>, scalar_prefetch = 0 : i64, scratch_operands = 13 : i64, tpu.core_type = #tpu.core_type<sc_vector_subcore>, window_params = [{transform_indices = #map}, {transform_indices = #map1}, {transform_indices = #map1}, {transform_indices = #map}, {transform_indices = #map2}]} {
    %mul3A = arith.constant 2 : i32
    %mul3A_0 = arith.muli %arg1, %mul3A : i32
    %add3A = arith.addi %mul3A_0, %arg0 : i32
    %mul3A_1 = arith.constant 10000 : i32
    %mul3A_2 = arith.muli %add3A, %mul3A_1 : i32
    %mul3A_3 = arith.constant 624 : i32
    %mul3A_4 = arith.muli %arg1, %mul3A_3 : i32
    "tpu.region"() ({
      %run_scoped3A = tpu.sem_alloc : memref<!tpu.dma_semaphore, #tpu.memory_space<semaphore_mem>>
      %dma_start3A_254 = arith.constant 0 : i32
      %dma_start3A_255 = tpu.memref_slice %arg15[%mul3A_4, %dma_start3A_254] : memref<10000x128xf32, #tpu.memory_space<vmem_shared>> -> memref<624x128xf32, #tpu.memory_space<vmem_shared>>
      %dma_start3A_256 = arith.constant 0 : i32
      %dma_start3A_257 = tpu.memref_slice %arg5[%mul3A_4, %dma_start3A_256] : memref<10000x128xf32, #tpu.memory_space<hbm>> -> memref<624x128xf32, #tpu.memory_space<hbm>>
      tpu.enqueue_dma source(%dma_start3A_257 : memref<624x128xf32, #tpu.memory_space<hbm>>) target(%dma_start3A_255 : memref<624x128xf32, #tpu.memory_space<vmem_shared>>) target_semaphore(%run_scoped3A : memref<!tpu.dma_semaphore, #tpu.memory_space<semaphore_mem>>)
      %dma_wait3A_258 = arith.constant 0 : i32
      %dma_wait3A_259 = tpu.memref_slice %arg15[%mul3A_4, %dma_wait3A_258] : memref<10000x128xf32, #tpu.memory_space<vmem_shared>> -> memref<624x128xf32, #tpu.memory_space<vmem_shared>>
      %dma_wait3A_260 = arith.constant 0 : i32
      %dma_wait3A_261 = tpu.memref_slice %arg5[%mul3A_4, %dma_wait3A_260] : memref<10000x128xf32, #tpu.memory_space<hbm>> -> memref<624x128xf32, #tpu.memory_space<hbm>>
      tpu.wait_dma2 semaphore(%run_scoped3A : memref<!tpu.dma_semaphore, #tpu.memory_space<semaphore_mem>>) src(%dma_wait3A_261 : memref<624x128xf32, #tpu.memory_space<hbm>>) dst(%dma_wait3A_259 : memref<624x128xf32, #tpu.memory_space<vmem_shared>>)
      tpu.yield
    }) : () -> ()
    %eq3A = arith.constant 15 : i32
    %eq3A_5 = arith.cmpi eq, %arg1, %eq3A : i32
    %convert_element_type3A = arith.extui %eq3A_5 : i1 to i32
    %cond3A = arith.constant 0 : i32
    %cond3A_6 = arith.cmpi ne, %convert_element_type3A, %cond3A : i32
    scf.if %cond3A_6 {
      "tpu.region"() ({
        %run_scoped3A = tpu.sem_alloc : memref<!tpu.dma_semaphore, #tpu.memory_space<semaphore_mem>>
        %dma_start3A_254 = arith.constant 9984 : i32
        %dma_start3A_255 = arith.constant 0 : i32
        %dma_start3A_256 = tpu.memref_slice %arg15[%dma_start3A_254, %dma_start3A_255] : memref<10000x128xf32, #tpu.memory_space<vmem_shared>> -> memref<16x128xf32, #tpu.memory_space<vmem_shared>>
        %dma_start3A_257 = arith.constant 9984 : i32
        %dma_start3A_258 = arith.constant 0 : i32
        %dma_start3A_259 = tpu.memref_slice %arg5[%dma_start3A_257, %dma_start3A_258] : memref<10000x128xf32, #tpu.memory_space<hbm>> -> memref<16x128xf32, #tpu.memory_space<hbm>>
        tpu.enqueue_dma source(%dma_start3A_259 : memref<16x128xf32, #tpu.memory_space<hbm>>) target(%dma_start3A_256 : memref<16x128xf32, #tpu.memory_space<vmem_shared>>) target_semaphore(%run_scoped3A : memref<!tpu.dma_semaphore, #tpu.memory_space<semaphore_mem>>)
        %dma_wait3A_260 = arith.constant 9984 : i32
        %dma_wait3A_261 = arith.constant 0 : i32
        %dma_wait3A_262 = tpu.memref_slice %arg15[%dma_wait3A_260, %dma_wait3A_261] : memref<10000x128xf32, #tpu.memory_space<vmem_shared>> -> memref<16x128xf32, #tpu.memory_space<vmem_shared>>
        %dma_wait3A_263 = arith.constant 9984 : i32
        %dma_wait3A_264 = arith.constant 0 : i32
        %dma_wait3A_265 = tpu.memref_slice %arg5[%dma_wait3A_263, %dma_wait3A_264] : memref<10000x128xf32, #tpu.memory_space<hbm>> -> memref<16x128xf32, #tpu.memory_space<hbm>>
        tpu.wait_dma2 semaphore(%run_scoped3A : memref<!tpu.dma_semaphore, #tpu.memory_space<semaphore_mem>>) src(%dma_wait3A_265 : memref<16x128xf32, #tpu.memory_space<hbm>>) dst(%dma_wait3A_262 : memref<16x128xf32, #tpu.memory_space<vmem_shared>>)
        tpu.yield
      }) : () -> ()
    } else {
    }
    "tpu.region"() ({
      %run_scoped3A = tpu.sem_alloc : memref<!tpu.dma_semaphore, #tpu.memory_space<semaphore_mem>>
      %dma_start3A_254 = tpu.memref_slice %arg3[%mul3A_2] : memref<320000xi32, #tpu.memory_space<hbm>> -> memref<10000xi32, #tpu.memory_space<hbm>>
      %dma_start3A_255 = tpu.memref_slice %arg3[%mul3A_2] : memref<320000xi32, #tpu.memory_space<hbm>> -> memref<10000xi32, #tpu.memory_space<hbm>>
      tpu.enqueue_dma source(%dma_start3A_255 : memref<10000xi32, #tpu.memory_space<hbm>>) target(%arg7 : memref<10000xi32, #tpu.memory_space<vmem>>) target_semaphore(%run_scoped3A : memref<!tpu.dma_semaphore, #tpu.memory_space<semaphore_mem>>)
      %dma_wait3A_256 = tpu.memref_slice %arg3[%mul3A_2] : memref<320000xi32, #tpu.memory_space<hbm>> -> memref<10000xi32, #tpu.memory_space<hbm>>
      %dma_wait3A_257 = tpu.memref_slice %arg3[%mul3A_2] : memref<320000xi32, #tpu.memory_space<hbm>> -> memref<10000xi32, #tpu.memory_space<hbm>>
      tpu.wait_dma2 semaphore(%run_scoped3A : memref<!tpu.dma_semaphore, #tpu.memory_space<semaphore_mem>>) src(%dma_wait3A_257 : memref<10000xi32, #tpu.memory_space<hbm>>) dst(%arg7 : memref<10000xi32, #tpu.memory_space<vmem>>)
      tpu.yield
    }) : () -> ()
    "tpu.region"() ({
      %run_scoped3A = tpu.sem_alloc : memref<!tpu.dma_semaphore, #tpu.memory_space<semaphore_mem>>
      %dma_start3A_254 = tpu.memref_slice %arg4[%mul3A_2] : memref<320000xi32, #tpu.memory_space<hbm>> -> memref<10000xi32, #tpu.memory_space<hbm>>
      %dma_start3A_255 = tpu.memref_slice %arg4[%mul3A_2] : memref<320000xi32, #tpu.memory_space<hbm>> -> memref<10000xi32, #tpu.memory_space<hbm>>
      tpu.enqueue_dma source(%dma_start3A_255 : memref<10000xi32, #tpu.memory_space<hbm>>) target(%arg8 : memref<10000xi32, #tpu.memory_space<vmem>>) target_semaphore(%run_scoped3A : memref<!tpu.dma_semaphore, #tpu.memory_space<semaphore_mem>>)
      %dma_wait3A_256 = tpu.memref_slice %arg4[%mul3A_2] : memref<320000xi32, #tpu.memory_space<hbm>> -> memref<10000xi32, #tpu.memory_space<hbm>>
      %dma_wait3A_257 = tpu.memref_slice %arg4[%mul3A_2] : memref<320000xi32, #tpu.memory_space<hbm>> -> memref<10000xi32, #tpu.memory_space<hbm>>
      tpu.wait_dma2 semaphore(%run_scoped3A : memref<!tpu.dma_semaphore, #tpu.memory_space<semaphore_mem>>) src(%dma_wait3A_257 : memref<10000xi32, #tpu.memory_space<hbm>>) dst(%arg8 : memref<10000xi32, #tpu.memory_space<vmem>>)
      tpu.yield
    }) : () -> ()
    %barrier3A = arith.constant 0 : index
    tpu.barrier barrier_id(%barrier3A)
    %get3A = arith.constant 0 : index
    %get3A_7 = tpu.vector_load %arg7[%get3A] {strides = array<i32>} : memref<10000xi32, #tpu.memory_space<vmem>>, vector<16xi32>,
    %get3A_8 = vector.shape_cast %get3A_7 : vector<16xi32> to vector<16xi32>
    %swap3A = arith.constant 0 : index
    %swap3A_9 = tpu.vector_load %arg9[%swap3A] {strides = array<i32>} : memref<80xi32, #tpu.memory_space<vmem>>, vector<16xi32>,
    %swap3A_10 = vector.shape_cast %swap3A_9 : vector<16xi32> to vector<16xi32>
    %swap3A_11 = vector.shape_cast %get3A_8 : vector<16xi32> to vector<16xi32>
    tpu.vector_store %arg9[%swap3A], %swap3A_11 {strides = array<i32>} : memref<80xi32, #tpu.memory_space<vmem>>, vector<16xi32>,
    %get3A_12 = arith.constant 0 : index
    %get3A_13 = tpu.vector_load %arg8[%get3A_12] {strides = array<i32>} : memref<10000xi32, #tpu.memory_space<vmem>>, vector<16xi32>,
    %get3A_14 = vector.shape_cast %get3A_13 : vector<16xi32> to vector<16xi32>
    %swap3A_15 = arith.constant 0 : index
    %swap3A_16 = tpu.vector_load %arg11[%swap3A_15] {strides = array<i32>} : memref<80xi32, #tpu.memory_space<vmem>>, vector<16xi32>,
    %swap3A_17 = vector.shape_cast %swap3A_16 : vector<16xi32> to vector<16xi32>
    %swap3A_18 = vector.shape_cast %get3A_14 : vector<16xi32> to vector<16xi32>
    tpu.vector_store %arg11[%swap3A_15], %swap3A_18 {strides = array<i32>} : memref<80xi32, #tpu.memory_space<vmem>>, vector<16xi32>,
    %get3A_19 = arith.constant 16 : index
    %get3A_20 = tpu.vector_load %arg7[%get3A_19] {strides = array<i32>} : memref<10000xi32, #tpu.memory_space<vmem>>, vector<16xi32>,
    %get3A_21 = vector.shape_cast %get3A_20 : vector<16xi32> to vector<16xi32>
    %swap3A_22 = arith.constant 16 : index
    %swap3A_23 = tpu.vector_load %arg9[%swap3A_22] {strides = array<i32>} : memref<80xi32, #tpu.memory_space<vmem>>, vector<16xi32>,
    %swap3A_24 = vector.shape_cast %swap3A_23 : vector<16xi32> to vector<16xi32>
    %swap3A_25 = vector.shape_cast %get3A_21 : vector<16xi32> to vector<16xi32>
    tpu.vector_store %arg9[%swap3A_22], %swap3A_25 {strides = array<i32>} : memref<80xi32, #tpu.memory_space<vmem>>, vector<16xi32>,
    %get3A_26 = arith.constant 16 : index
    %get3A_27 = tpu.vector_load %arg8[%get3A_26] {strides = array<i32>} : memref<10000xi32, #tpu.memory_space<vmem>>, vector<16xi32>,
    %get3A_28 = vector.shape_cast %get3A_27 : vector<16xi32> to vector<16xi32>
    %swap3A_29 = arith.constant 16 : index
    %swap3A_30 = tpu.vector_load %arg11[%swap3A_29] {strides = array<i32>} : memref<80xi32, #tpu.memory_space<vmem>>, vector<16xi32>,
    %swap3A_31 = vector.shape_cast %swap3A_30 : vector<16xi32> to vector<16xi32>
    %swap3A_32 = vector.shape_cast %get3A_28 : vector<16xi32> to vector<16xi32>
    tpu.vector_store %arg11[%swap3A_29], %swap3A_32 {strides = array<i32>} : memref<80xi32, #tpu.memory_space<vmem>>, vector<16xi32>,
    %get3A_33 = arith.constant 32 : index
    %get3A_34 = tpu.vector_load %arg7[%get3A_33] {strides = array<i32>} : memref<10000xi32, #tpu.memory_space<vmem>>, vector<16xi32>,
    %get3A_35 = vector.shape_cast %get3A_34 : vector<16xi32> to vector<16xi32>
    %swap3A_36 = arith.constant 32 : index
    %swap3A_37 = tpu.vector_load %arg9[%swap3A_36] {strides = array<i32>} : memref<80xi32, #tpu.memory_space<vmem>>, vector<16xi32>,
    %swap3A_38 = vector.shape_cast %swap3A_37 : vector<16xi32> to vector<16xi32>
    %swap3A_39 = vector.shape_cast %get3A_35 : vector<16xi32> to vector<16xi32>
    tpu.vector_store %arg9[%swap3A_36], %swap3A_39 {strides = array<i32>} : memref<80xi32, #tpu.memory_space<vmem>>, vector<16xi32>,
    %get3A_40 = arith.constant 32 : index
    %get3A_41 = tpu.vector_load %arg8[%get3A_40] {strides = array<i32>} : memref<10000xi32, #tpu.memory_space<vmem>>, vector<16xi32>,
    %get3A_42 = vector.shape_cast %get3A_41 : vector<16xi32> to vector<16xi32>
    %swap3A_43 = arith.constant 32 : index
    %swap3A_44 = tpu.vector_load %arg11[%swap3A_43] {strides = array<i32>} : memref<80xi32, #tpu.memory_space<vmem>>, vector<16xi32>,
    %swap3A_45 = vector.shape_cast %swap3A_44 : vector<16xi32> to vector<16xi32>
    %swap3A_46 = vector.shape_cast %get3A_42 : vector<16xi32> to vector<16xi32>
    tpu.vector_store %arg11[%swap3A_43], %swap3A_46 {strides = array<i32>} : memref<80xi32, #tpu.memory_space<vmem>>, vector<16xi32>,
    %get3A_47 = arith.constant 48 : index
    %get3A_48 = tpu.vector_load %arg7[%get3A_47] {strides = array<i32>} : memref<10000xi32, #tpu.memory_space<vmem>>, vector<16xi32>,
    %get3A_49 = vector.shape_cast %get3A_48 : vector<16xi32> to vector<16xi32>
    %swap3A_50 = arith.constant 48 : index
    %swap3A_51 = tpu.vector_load %arg9[%swap3A_50] {strides = array<i32>} : memref<80xi32, #tpu.memory_space<vmem>>, vector<16xi32>,
    %swap3A_52 = vector.shape_cast %swap3A_51 : vector<16xi32> to vector<16xi32>
    %swap3A_53 = vector.shape_cast %get3A_49 : vector<16xi32> to vector<16xi32>
    tpu.vector_store %arg9[%swap3A_50], %swap3A_53 {strides = array<i32>} : memref<80xi32, #tpu.memory_space<vmem>>, vector<16xi32>,
    %get3A_54 = arith.constant 48 : index
    %get3A_55 = tpu.vector_load %arg8[%get3A_54] {strides = array<i32>} : memref<10000xi32, #tpu.memory_space<vmem>>, vector<16xi32>,
    %get3A_56 = vector.shape_cast %get3A_55 : vector<16xi32> to vector<16xi32>
    %swap3A_57 = arith.constant 48 : index
    %swap3A_58 = tpu.vector_load %arg11[%swap3A_57] {strides = array<i32>} : memref<80xi32, #tpu.memory_space<vmem>>, vector<16xi32>,
    %swap3A_59 = vector.shape_cast %swap3A_58 : vector<16xi32> to vector<16xi32>
    %swap3A_60 = vector.shape_cast %get3A_56 : vector<16xi32> to vector<16xi32>
    tpu.vector_store %arg11[%swap3A_57], %swap3A_60 {strides = array<i32>} : memref<80xi32, #tpu.memory_space<vmem>>, vector<16xi32>,
    %get3A_61 = arith.constant 64 : index
    %get3A_62 = tpu.vector_load %arg7[%get3A_61] {strides = array<i32>} : memref<10000xi32, #tpu.memory_space<vmem>>, vector<16xi32>,
    %get3A_63 = vector.shape_cast %get3A_62 : vector<16xi32> to vector<16xi32>
    %swap3A_64 = arith.constant 64 : index
    %swap3A_65 = tpu.vector_load %arg9[%swap3A_64] {strides = array<i32>} : memref<80xi32, #tpu.memory_space<vmem>>, vector<16xi32>,
    %swap3A_66 = vector.shape_cast %swap3A_65 : vector<16xi32> to vector<16xi32>
    %swap3A_67 = vector.shape_cast %get3A_63 : vector<16xi32> to vector<16xi32>
    tpu.vector_store %arg9[%swap3A_64], %swap3A_67 {strides = array<i32>} : memref<80xi32, #tpu.memory_space<vmem>>, vector<16xi32>,
    %get3A_68 = arith.constant 64 : index
    %get3A_69 = tpu.vector_load %arg8[%get3A_68] {strides = array<i32>} : memref<10000xi32, #tpu.memory_space<vmem>>, vector<16xi32>,
    %get3A_70 = vector.shape_cast %get3A_69 : vector<16xi32> to vector<16xi32>
    %swap3A_71 = arith.constant 64 : index
    %swap3A_72 = tpu.vector_load %arg11[%swap3A_71] {strides = array<i32>} : memref<80xi32, #tpu.memory_space<vmem>>, vector<16xi32>,
    %swap3A_73 = vector.shape_cast %swap3A_72 : vector<16xi32> to vector<16xi32>
    %swap3A_74 = vector.shape_cast %get3A_70 : vector<16xi32> to vector<16xi32>
    tpu.vector_store %arg11[%swap3A_71], %swap3A_74 {strides = array<i32>} : memref<80xi32, #tpu.memory_space<vmem>>, vector<16xi32>,
    %dma_start3A = arith.constant 0 : i32
    %dma_start3A_75 = arith.constant 0 : i32
    %dma_start3A_76 = tpu.memref_slice %arg2[%dma_start3A, %dma_start3A_75] : memref<10000x128xf32, #tpu.memory_space<hbm>> -> memref<10000x128xf32, #tpu.memory_space<hbm>>
    tpu.enqueue_indirect_dma source(%dma_start3A_76 : memref<10000x128xf32, #tpu.memory_space<hbm>>) target(%arg13 : memref<80x128xf32, #tpu.memory_space<vmem>>) offsets(%arg9 : memref<80xi32, #tpu.memory_space<vmem>>) semaphore(%arg16 : memref<!tpu.dma_semaphore, #tpu.memory_space<semaphore_mem>>)
    %get3A_77 = arith.constant 80 : index
    %get3A_78 = tpu.vector_load %arg7[%get3A_77] {strides = array<i32>} : memref<10000xi32, #tpu.memory_space<vmem>>, vector<16xi32>,
    %get3A_79 = vector.shape_cast %get3A_78 : vector<16xi32> to vector<16xi32>
    %swap3A_80 = arith.constant 0 : index
    %swap3A_81 = tpu.vector_load %arg10[%swap3A_80] {strides = array<i32>} : memref<80xi32, #tpu.memory_space<vmem>>, vector<16xi32>,
    %swap3A_82 = vector.shape_cast %swap3A_81 : vector<16xi32> to vector<16xi32>
    %swap3A_83 = vector.shape_cast %get3A_79 : vector<16xi32> to vector<16xi32>
    tpu.vector_store %arg10[%swap3A_80], %swap3A_83 {strides = array<i32>} : memref<80xi32, #tpu.memory_space<vmem>>, vector<16xi32>,
    %get3A_84 = arith.constant 80 : index
    %get3A_85 = tpu.vector_load %arg8[%get3A_84] {strides = array<i32>} : memref<10000xi32, #tpu.memory_space<vmem>>, vector<16xi32>,
    %get3A_86 = vector.shape_cast %get3A_85 : vector<16xi32> to vector<16xi32>
    %swap3A_87 = arith.constant 0 : index
    %swap3A_88 = tpu.vector_load %arg12[%swap3A_87] {strides = array<i32>} : memref<80xi32, #tpu.memory_space<vmem>>, vector<16xi32>,
    %swap3A_89 = vector.shape_cast %swap3A_88 : vector<16xi32> to vector<16xi32>
    %swap3A_90 = vector.shape_cast %get3A_86 : vector<16xi32> to vector<16xi32>
    tpu.vector_store %arg12[%swap3A_87], %swap3A_90 {strides = array<i32>} : memref<80xi32, #tpu.memory_space<vmem>>, vector<16xi32>,
    %get3A_91 = arith.constant 96 : index
    %get3A_92 = tpu.vector_load %arg7[%get3A_91] {strides = array<i32>} : memref<10000xi32, #tpu.memory_space<vmem>>, vector<16xi32>,
    %get3A_93 = vector.shape_cast %get3A_92 : vector<16xi32> to vector<16xi32>
    %swap3A_94 = arith.constant 16 : index
    %swap3A_95 = tpu.vector_load %arg10[%swap3A_94] {strides = array<i32>} : memref<80xi32, #tpu.memory_space<vmem>>, vector<16xi32>,
    %swap3A_96 = vector.shape_cast %swap3A_95 : vector<16xi32> to vector<16xi32>
    %swap3A_97 = vector.shape_cast %get3A_93 : vector<16xi32> to vector<16xi32>
    tpu.vector_store %arg10[%swap3A_94], %swap3A_97 {strides = array<i32>} : memref<80xi32, #tpu.memory_space<vmem>>, vector<16xi32>,
    %get3A_98 = arith.constant 96 : index
    %get3A_99 = tpu.vector_load %arg8[%get3A_98] {strides = array<i32>} : memref<10000xi32, #tpu.memory_space<vmem>>, vector<16xi32>,
    %get3A_100 = vector.shape_cast %get3A_99 : vector<16xi32> to vector<16xi32>
    %swap3A_101 = arith.constant 16 : index
    %swap3A_102 = tpu.vector_load %arg12[%swap3A_101] {strides = array<i32>} : memref<80xi32, #tpu.memory_space<vmem>>, vector<16xi32>,
    %swap3A_103 = vector.shape_cast %swap3A_102 : vector<16xi32> to vector<16xi32>
    %swap3A_104 = vector.shape_cast %get3A_100 : vector<16xi32> to vector<16xi32>
    tpu.vector_store %arg12[%swap3A_101], %swap3A_104 {strides = array<i32>} : memref<80xi32, #tpu.memory_space<vmem>>, vector<16xi32>,
    %get3A_105 = arith.constant 112 : index
    %get3A_106 = tpu.vector_load %arg7[%get3A_105] {strides = array<i32>} : memref<10000xi32, #tpu.memory_space<vmem>>, vector<16xi32>,
    %get3A_107 = vector.shape_cast %get3A_106 : vector<16xi32> to vector<16xi32>
    %swap3A_108 = arith.constant 32 : index
    %swap3A_109 = tpu.vector_load %arg10[%swap3A_108] {strides = array<i32>} : memref<80xi32, #tpu.memory_space<vmem>>, vector<16xi32>,
    %swap3A_110 = vector.shape_cast %swap3A_109 : vector<16xi32> to vector<16xi32>
    %swap3A_111 = vector.shape_cast %get3A_107 : vector<16xi32> to vector<16xi32>
    tpu.vector_store %arg10[%swap3A_108], %swap3A_111 {strides = array<i32>} : memref<80xi32, #tpu.memory_space<vmem>>, vector<16xi32>,
    %get3A_112 = arith.constant 112 : index
    %get3A_113 = tpu.vector_load %arg8[%get3A_112] {strides = array<i32>} : memref<10000xi32, #tpu.memory_space<vmem>>, vector<16xi32>,
    %get3A_114 = vector.shape_cast %get3A_113 : vector<16xi32> to vector<16xi32>
    %swap3A_115 = arith.constant 32 : index
    %swap3A_116 = tpu.vector_load %arg12[%swap3A_115] {strides = array<i32>} : memref<80xi32, #tpu.memory_space<vmem>>, vector<16xi32>,
    %swap3A_117 = vector.shape_cast %swap3A_116 : vector<16xi32> to vector<16xi32>
    %swap3A_118 = vector.shape_cast %get3A_114 : vector<16xi32> to vector<16xi32>
    tpu.vector_store %arg12[%swap3A_115], %swap3A_118 {strides = array<i32>} : memref<80xi32, #tpu.memory_space<vmem>>, vector<16xi32>,
    %get3A_119 = arith.constant 128 : index
    %get3A_120 = tpu.vector_load %arg7[%get3A_119] {strides = array<i32>} : memref<10000xi32, #tpu.memory_space<vmem>>, vector<16xi32>,
    %get3A_121 = vector.shape_cast %get3A_120 : vector<16xi32> to vector<16xi32>
    %swap3A_122 = arith.constant 48 : index
    %swap3A_123 = tpu.vector_load %arg10[%swap3A_122] {strides = array<i32>} : memref<80xi32, #tpu.memory_space<vmem>>, vector<16xi32>,
    %swap3A_124 = vector.shape_cast %swap3A_123 : vector<16xi32> to vector<16xi32>
    %swap3A_125 = vector.shape_cast %get3A_121 : vector<16xi32> to vector<16xi32>
    tpu.vector_store %arg10[%swap3A_122], %swap3A_125 {strides = array<i32>} : memref<80xi32, #tpu.memory_space<vmem>>, vector<16xi32>,
    %get3A_126 = arith.constant 128 : index
    %get3A_127 = tpu.vector_load %arg8[%get3A_126] {strides = array<i32>} : memref<10000xi32, #tpu.memory_space<vmem>>, vector<16xi32>,
    %get3A_128 = vector.shape_cast %get3A_127 : vector<16xi32> to vector<16xi32>
    %swap3A_129 = arith.constant 48 : index
    %swap3A_130 = tpu.vector_load %arg12[%swap3A_129] {strides = array<i32>} : memref<80xi32, #tpu.memory_space<vmem>>, vector<16xi32>,
    %swap3A_131 = vector.shape_cast %swap3A_130 : vector<16xi32> to vector<16xi32>
    %swap3A_132 = vector.shape_cast %get3A_128 : vector<16xi32> to vector<16xi32>
    tpu.vector_store %arg12[%swap3A_129], %swap3A_132 {strides = array<i32>} : memref<80xi32, #tpu.memory_space<vmem>>, vector<16xi32>,
    %get3A_133 = arith.constant 144 : index
    %get3A_134 = tpu.vector_load %arg7[%get3A_133] {strides = array<i32>} : memref<10000xi32, #tpu.memory_space<vmem>>, vector<16xi32>,
    %get3A_135 = vector.shape_cast %get3A_134 : vector<16xi32> to vector<16xi32>
    %swap3A_136 = arith.constant 64 : index
    %swap3A_137 = tpu.vector_load %arg10[%swap3A_136] {strides = array<i32>} : memref<80xi32, #tpu.memory_space<vmem>>, vector<16xi32>,
    %swap3A_138 = vector.shape_cast %swap3A_137 : vector<16xi32> to vector<16xi32>
    %swap3A_139 = vector.shape_cast %get3A_135 : vector<16xi32> to vector<16xi32>
    tpu.vector_store %arg10[%swap3A_136], %swap3A_139 {strides = array<i32>} : memref<80xi32, #tpu.memory_space<vmem>>, vector<16xi32>,
    %get3A_140 = arith.constant 144 : index
    %get3A_141 = tpu.vector_load %arg8[%get3A_140] {strides = array<i32>} : memref<10000xi32, #tpu.memory_space<vmem>>, vector<16xi32>,
    %get3A_142 = vector.shape_cast %get3A_141 : vector<16xi32> to vector<16xi32>
    %swap3A_143 = arith.constant 64 : index
    %swap3A_144 = tpu.vector_load %arg12[%swap3A_143] {strides = array<i32>} : memref<80xi32, #tpu.memory_space<vmem>>, vector<16xi32>,
    %swap3A_145 = vector.shape_cast %swap3A_144 : vector<16xi32> to vector<16xi32>
    %swap3A_146 = vector.shape_cast %get3A_142 : vector<16xi32> to vector<16xi32>
    tpu.vector_store %arg12[%swap3A_143], %swap3A_146 {strides = array<i32>} : memref<80xi32, #tpu.memory_space<vmem>>, vector<16xi32>,
    %dma_start3A_147 = arith.constant 0 : i32
    %dma_start3A_148 = arith.constant 0 : i32
    %dma_start3A_149 = tpu.memref_slice %arg2[%dma_start3A_147, %dma_start3A_148] : memref<10000x128xf32, #tpu.memory_space<hbm>> -> memref<10000x128xf32, #tpu.memory_space<hbm>>
    tpu.enqueue_indirect_dma source(%dma_start3A_149 : memref<10000x128xf32, #tpu.memory_space<hbm>>) target(%arg14 : memref<80x128xf32, #tpu.memory_space<vmem>>) offsets(%arg10 : memref<80xi32, #tpu.memory_space<vmem>>) semaphore(%arg17 : memref<!tpu.dma_semaphore, #tpu.memory_space<semaphore_mem>>)
    %scan3A = arith.constant 0 : i32
    %scan3A_150 = arith.constant 0 : i32
    %scan3A_151 = arith.constant 61 : i32
    %scan3A_152 = arith.addi %scan3A_150, %scan3A_151 : i32
    %scan3A_153 = arith.constant 1 : i32
    scf.for %scan3A_254 = %scan3A_150 to %scan3A_152 step %scan3A_153  : i32 {
      %dma_wait3A_255 = arith.constant 0 : i32
      %dma_wait3A_256 = arith.constant 0 : i32
      %dma_wait3A_257 = tpu.memref_slice %arg2[%dma_wait3A_255, %dma_wait3A_256] : memref<10000x128xf32, #tpu.memory_space<hbm>> -> memref<10000x128xf32, #tpu.memory_space<hbm>>
      tpu.wait_indirect_dma semaphore(%arg16 : memref<!tpu.dma_semaphore, #tpu.memory_space<semaphore_mem>>) src(%dma_wait3A_257 : memref<10000x128xf32, #tpu.memory_space<hbm>>) dst(%arg13 : memref<80x128xf32, #tpu.memory_space<vmem>>)
      %dma_start3A_258 = arith.constant 0 : i32
      %dma_start3A_259 = arith.constant 0 : i32
      %dma_start3A_260 = tpu.memref_slice %arg15[%dma_start3A_258, %dma_start3A_259] : memref<10000x128xf32, #tpu.memory_space<vmem_shared>> -> memref<10000x128xf32, #tpu.memory_space<vmem_shared>>
      tpu.enqueue_indirect_dma source(%arg13 : memref<80x128xf32, #tpu.memory_space<vmem>>) target(%dma_start3A_260 : memref<10000x128xf32, #tpu.memory_space<vmem_shared>>) offsets(%arg11 : memref<80xi32, #tpu.memory_space<vmem>>) semaphore(%arg18 : memref<!tpu.dma_semaphore, #tpu.memory_space<semaphore_mem>>) {add = true}
      %dma_wait3A_261 = arith.constant 0 : i32
      %dma_wait3A_262 = arith.constant 0 : i32
      %dma_wait3A_263 = tpu.memref_slice %arg2[%dma_wait3A_261, %dma_wait3A_262] : memref<10000x128xf32, #tpu.memory_space<hbm>> -> memref<10000x128xf32, #tpu.memory_space<hbm>>
      tpu.wait_indirect_dma semaphore(%arg17 : memref<!tpu.dma_semaphore, #tpu.memory_space<semaphore_mem>>) src(%dma_wait3A_263 : memref<10000x128xf32, #tpu.memory_space<hbm>>) dst(%arg14 : memref<80x128xf32, #tpu.memory_space<vmem>>)
      %dma_start3A_264 = arith.constant 0 : i32
      %dma_start3A_265 = arith.constant 0 : i32
      %dma_start3A_266 = tpu.memref_slice %arg15[%dma_start3A_264, %dma_start3A_265] : memref<10000x128xf32, #tpu.memory_space<vmem_shared>> -> memref<10000x128xf32, #tpu.memory_space<vmem_shared>>
      tpu.enqueue_indirect_dma source(%arg14 : memref<80x128xf32, #tpu.memory_space<vmem>>) target(%dma_start3A_266 : memref<10000x128xf32, #tpu.memory_space<vmem_shared>>) offsets(%arg12 : memref<80xi32, #tpu.memory_space<vmem>>) semaphore(%arg19 : memref<!tpu.dma_semaphore, #tpu.memory_space<semaphore_mem>>) {add = true}
      %dma_wait3A_267 = arith.constant 0 : i32
      %dma_wait3A_268 = arith.constant 0 : i32
      %dma_wait3A_269 = tpu.memref_slice %arg15[%dma_wait3A_267, %dma_wait3A_268] : memref<10000x128xf32, #tpu.memory_space<vmem_shared>> -> memref<10000x128xf32, #tpu.memory_space<vmem_shared>>
      tpu.wait_indirect_dma semaphore(%arg18 : memref<!tpu.dma_semaphore, #tpu.memory_space<semaphore_mem>>) src(%arg13 : memref<80x128xf32, #tpu.memory_space<vmem>>) dst(%dma_wait3A_269 : memref<10000x128xf32, #tpu.memory_space<vmem_shared>>)
      %add3A_270 = arith.constant 1 : i32
      %add3A_271 = arith.addi %scan3A_254, %add3A_270 : i32
      %mul3A_272 = arith.constant 2 : i32
      %mul3A_273 = arith.muli %add3A_271, %mul3A_272 : i32
      %add3A_274 = arith.constant 0 : i32
      %add3A_275 = arith.addi %mul3A_273, %add3A_274 : i32
      %mul3A_276 = arith.constant 80 : i32
      %mul3A_277 = arith.muli %add3A_275, %mul3A_276 : i32
      %add3A_278 = arith.constant 0 : i32
      %add3A_279 = arith.addi %mul3A_277, %add3A_278 : i32
      %get3A_280 = arith.index_cast %add3A_279 : i32 to index
      %get3A_281 = tpu.vector_load %arg7[%get3A_280] {strides = array<i32>} : memref<10000xi32, #tpu.memory_space<vmem>>, vector<16xi32>,
      %get3A_282 = vector.shape_cast %get3A_281 : vector<16xi32> to vector<16xi32>
      %swap3A_283 = arith.constant 0 : index
      %swap3A_284 = tpu.vector_load %arg9[%swap3A_283] {strides = array<i32>} : memref<80xi32, #tpu.memory_space<vmem>>, vector<16xi32>,
      %swap3A_285 = vector.shape_cast %swap3A_284 : vector<16xi32> to vector<16xi32>
      %swap3A_286 = vector.shape_cast %get3A_282 : vector<16xi32> to vector<16xi32>
      tpu.vector_store %arg9[%swap3A_283], %swap3A_286 {strides = array<i32>} : memref<80xi32, #tpu.memory_space<vmem>>, vector<16xi32>,
      %add3A_287 = arith.constant 0 : i32
      %add3A_288 = arith.addi %mul3A_277, %add3A_287 : i32
      %get3A_289 = arith.index_cast %add3A_288 : i32 to index
      %get3A_290 = tpu.vector_load %arg8[%get3A_289] {strides = array<i32>} : memref<10000xi32, #tpu.memory_space<vmem>>, vector<16xi32>,
      %get3A_291 = vector.shape_cast %get3A_290 : vector<16xi32> to vector<16xi32>
      %swap3A_292 = arith.constant 0 : index
      %swap3A_293 = tpu.vector_load %arg11[%swap3A_292] {strides = array<i32>} : memref<80xi32, #tpu.memory_space<vmem>>, vector<16xi32>,
      %swap3A_294 = vector.shape_cast %swap3A_293 : vector<16xi32> to vector<16xi32>
      %swap3A_295 = vector.shape_cast %get3A_291 : vector<16xi32> to vector<16xi32>
      tpu.vector_store %arg11[%swap3A_292], %swap3A_295 {strides = array<i32>} : memref<80xi32, #tpu.memory_space<vmem>>, vector<16xi32>,
      %add3A_296 = arith.constant 16 : i32
      %add3A_297 = arith.addi %mul3A_277, %add3A_296 : i32
      %get3A_298 = arith.index_cast %add3A_297 : i32 to index
      %get3A_299 = tpu.vector_load %arg7[%get3A_298] {strides = array<i32>} : memref<10000xi32, #tpu.memory_space<vmem>>, vector<16xi32>,
      %get3A_300 = vector.shape_cast %get3A_299 : vector<16xi32> to vector<16xi32>
      %swap3A_301 = arith.constant 16 : index
      %swap3A_302 = tpu.vector_load %arg9[%swap3A_301] {strides = array<i32>} : memref<80xi32, #tpu.memory_space<vmem>>, vector<16xi32>,
      %swap3A_303 = vector.shape_cast %swap3A_302 : vector<16xi32> to vector<16xi32>
      %swap3A_304 = vector.shape_cast %get3A_300 : vector<16xi32> to vector<16xi32>
      tpu.vector_store %arg9[%swap3A_301], %swap3A_304 {strides = array<i32>} : memref<80xi32, #tpu.memory_space<vmem>>, vector<16xi32>,
      %add3A_305 = arith.constant 16 : i32
      %add3A_306 = arith.addi %mul3A_277, %add3A_305 : i32
      %get3A_307 = arith.index_cast %add3A_306 : i32 to index
      %get3A_308 = tpu.vector_load %arg8[%get3A_307] {strides = array<i32>} : memref<10000xi32, #tpu.memory_space<vmem>>, vector<16xi32>,
      %get3A_309 = vector.shape_cast %get3A_308 : vector<16xi32> to vector<16xi32>
      %swap3A_310 = arith.constant 16 : index
      %swap3A_311 = tpu.vector_load %arg11[%swap3A_310] {strides = array<i32>} : memref<80xi32, #tpu.memory_space<vmem>>, vector<16xi32>,
      %swap3A_312 = vector.shape_cast %swap3A_311 : vector<16xi32> to vector<16xi32>
      %swap3A_313 = vector.shape_cast %get3A_309 : vector<16xi32> to vector<16xi32>
      tpu.vector_store %arg11[%swap3A_310], %swap3A_313 {strides = array<i32>} : memref<80xi32, #tpu.memory_space<vmem>>, vector<16xi32>,
      %add3A_314 = arith.constant 32 : i32
      %add3A_315 = arith.addi %mul3A_277, %add3A_314 : i32
      %get3A_316 = arith.index_cast %add3A_315 : i32 to index
      %get3A_317 = tpu.vector_load %arg7[%get3A_316] {strides = array<i32>} : memref<10000xi32, #tpu.memory_space<vmem>>, vector<16xi32>,
      %get3A_318 = vector.shape_cast %get3A_317 : vector<16xi32> to vector<16xi32>
      %swap3A_319 = arith.constant 32 : index
      %swap3A_320 = tpu.vector_load %arg9[%swap3A_319] {strides = array<i32>} : memref<80xi32, #tpu.memory_space<vmem>>, vector<16xi32>,
      %swap3A_321 = vector.shape_cast %swap3A_320 : vector<16xi32> to vector<16xi32>
      %swap3A_322 = vector.shape_cast %get3A_318 : vector<16xi32> to vector<16xi32>
      tpu.vector_store %arg9[%swap3A_319], %swap3A_322 {strides = array<i32>} : memref<80xi32, #tpu.memory_space<vmem>>, vector<16xi32>,
      %add3A_323 = arith.constant 32 : i32
      %add3A_324 = arith.addi %mul3A_277, %add3A_323 : i32
      %get3A_325 = arith.index_cast %add3A_324 : i32 to index
      %get3A_326 = tpu.vector_load %arg8[%get3A_325] {strides = array<i32>} : memref<10000xi32, #tpu.memory_space<vmem>>, vector<16xi32>,
      %get3A_327 = vector.shape_cast %get3A_326 : vector<16xi32> to vector<16xi32>
      %swap3A_328 = arith.constant 32 : index
      %swap3A_329 = tpu.vector_load %arg11[%swap3A_328] {strides = array<i32>} : memref<80xi32, #tpu.memory_space<vmem>>, vector<16xi32>,
      %swap3A_330 = vector.shape_cast %swap3A_329 : vector<16xi32> to vector<16xi32>
      %swap3A_331 = vector.shape_cast %get3A_327 : vector<16xi32> to vector<16xi32>
      tpu.vector_store %arg11[%swap3A_328], %swap3A_331 {strides = array<i32>} : memref<80xi32, #tpu.memory_space<vmem>>, vector<16xi32>,
      %add3A_332 = arith.constant 48 : i32
      %add3A_333 = arith.addi %mul3A_277, %add3A_332 : i32
      %get3A_334 = arith.index_cast %add3A_333 : i32 to index
      %get3A_335 = tpu.vector_load %arg7[%get3A_334] {strides = array<i32>} : memref<10000xi32, #tpu.memory_space<vmem>>, vector<16xi32>,
      %get3A_336 = vector.shape_cast %get3A_335 : vector<16xi32> to vector<16xi32>
      %swap3A_337 = arith.constant 48 : index
      %swap3A_338 = tpu.vector_load %arg9[%swap3A_337] {strides = array<i32>} : memref<80xi32, #tpu.memory_space<vmem>>, vector<16xi32>,
      %swap3A_339 = vector.shape_cast %swap3A_338 : vector<16xi32> to vector<16xi32>
      %swap3A_340 = vector.shape_cast %get3A_336 : vector<16xi32> to vector<16xi32>
      tpu.vector_store %arg9[%swap3A_337], %swap3A_340 {strides = array<i32>} : memref<80xi32, #tpu.memory_space<vmem>>, vector<16xi32>,
      %add3A_341 = arith.constant 48 : i32
      %add3A_342 = arith.addi %mul3A_277, %add3A_341 : i32
      %get3A_343 = arith.index_cast %add3A_342 : i32 to index
      %get3A_344 = tpu.vector_load %arg8[%get3A_343] {strides = array<i32>} : memref<10000xi32, #tpu.memory_space<vmem>>, vector<16xi32>,
      %get3A_345 = vector.shape_cast %get3A_344 : vector<16xi32> to vector<16xi32>
      %swap3A_346 = arith.constant 48 : index
      %swap3A_347 = tpu.vector_load %arg11[%swap3A_346] {strides = array<i32>} : memref<80xi32, #tpu.memory_space<vmem>>, vector<16xi32>,
      %swap3A_348 = vector.shape_cast %swap3A_347 : vector<16xi32> to vector<16xi32>
      %swap3A_349 = vector.shape_cast %get3A_345 : vector<16xi32> to vector<16xi32>
      tpu.vector_store %arg11[%swap3A_346], %swap3A_349 {strides = array<i32>} : memref<80xi32, #tpu.memory_space<vmem>>, vector<16xi32>,
      %add3A_350 = arith.constant 64 : i32
      %add3A_351 = arith.addi %mul3A_277, %add3A_350 : i32
      %get3A_352 = arith.index_cast %add3A_351 : i32 to index
      %get3A_353 = tpu.vector_load %arg7[%get3A_352] {strides = array<i32>} : memref<10000xi32, #tpu.memory_space<vmem>>, vector<16xi32>,
      %get3A_354 = vector.shape_cast %get3A_353 : vector<16xi32> to vector<16xi32>
      %swap3A_355 = arith.constant 64 : index
      %swap3A_356 = tpu.vector_load %arg9[%swap3A_355] {strides = array<i32>} : memref<80xi32, #tpu.memory_space<vmem>>, vector<16xi32>,
      %swap3A_357 = vector.shape_cast %swap3A_356 : vector<16xi32> to vector<16xi32>
      %swap3A_358 = vector.shape_cast %get3A_354 : vector<16xi32> to vector<16xi32>
      tpu.vector_store %arg9[%swap3A_355], %swap3A_358 {strides = array<i32>} : memref<80xi32, #tpu.memory_space<vmem>>, vector<16xi32>,
      %add3A_359 = arith.constant 64 : i32
      %add3A_360 = arith.addi %mul3A_277, %add3A_359 : i32
      %get3A_361 = arith.index_cast %add3A_360 : i32 to index
      %get3A_362 = tpu.vector_load %arg8[%get3A_361] {strides = array<i32>} : memref<10000xi32, #tpu.memory_space<vmem>>, vector<16xi32>,
      %get3A_363 = vector.shape_cast %get3A_362 : vector<16xi32> to vector<16xi32>
      %swap3A_364 = arith.constant 64 : index
      %swap3A_365 = tpu.vector_load %arg11[%swap3A_364] {strides = array<i32>} : memref<80xi32, #tpu.memory_space<vmem>>, vector<16xi32>,
      %swap3A_366 = vector.shape_cast %swap3A_365 : vector<16xi32> to vector<16xi32>
      %swap3A_367 = vector.shape_cast %get3A_363 : vector<16xi32> to vector<16xi32>
      tpu.vector_store %arg11[%swap3A_364], %swap3A_367 {strides = array<i32>} : memref<80xi32, #tpu.memory_space<vmem>>, vector<16xi32>,
      %dma_start3A_368 = arith.constant 0 : i32
      %dma_start3A_369 = arith.constant 0 : i32
      %dma_start3A_370 = tpu.memref_slice %arg2[%dma_start3A_368, %dma_start3A_369] : memref<10000x128xf32, #tpu.memory_space<hbm>> -> memref<10000x128xf32, #tpu.memory_space<hbm>>
      tpu.enqueue_indirect_dma source(%dma_start3A_370 : memref<10000x128xf32, #tpu.memory_space<hbm>>) target(%arg13 : memref<80x128xf32, #tpu.memory_space<vmem>>) offsets(%arg9 : memref<80xi32, #tpu.memory_space<vmem>>) semaphore(%arg16 : memref<!tpu.dma_semaphore, #tpu.memory_space<semaphore_mem>>)
      %dma_wait3A_371 = arith.constant 0 : i32
      %dma_wait3A_372 = arith.constant 0 : i32
      %dma_wait3A_373 = tpu.memref_slice %arg15[%dma_wait3A_371, %dma_wait3A_372] : memref<10000x128xf32, #tpu.memory_space<vmem_shared>> -> memref<10000x128xf32, #tpu.memory_space<vmem_shared>>
      tpu.wait_indirect_dma semaphore(%arg19 : memref<!tpu.dma_semaphore, #tpu.memory_space<semaphore_mem>>) src(%arg14 : memref<80x128xf32, #tpu.memory_space<vmem>>) dst(%dma_wait3A_373 : memref<10000x128xf32, #tpu.memory_space<vmem_shared>>)
      %add3A_374 = arith.constant 1 : i32
      %add3A_375 = arith.addi %scan3A_254, %add3A_374 : i32
      %mul3A_376 = arith.constant 2 : i32
      %mul3A_377 = arith.muli %add3A_375, %mul3A_376 : i32
      %add3A_378 = arith.constant 1 : i32
      %add3A_379 = arith.addi %mul3A_377, %add3A_378 : i32
      %mul3A_380 = arith.constant 80 : i32
      %mul3A_381 = arith.muli %add3A_379, %mul3A_380 : i32
      %add3A_382 = arith.constant 0 : i32
      %add3A_383 = arith.addi %mul3A_381, %add3A_382 : i32
      %get3A_384 = arith.index_cast %add3A_383 : i32 to index
      %get3A_385 = tpu.vector_load %arg7[%get3A_384] {strides = array<i32>} : memref<10000xi32, #tpu.memory_space<vmem>>, vector<16xi32>,
      %get3A_386 = vector.shape_cast %get3A_385 : vector<16xi32> to vector<16xi32>
      %swap3A_387 = arith.constant 0 : index
      %swap3A_388 = tpu.vector_load %arg10[%swap3A_387] {strides = array<i32>} : memref<80xi32, #tpu.memory_space<vmem>>, vector<16xi32>,
      %swap3A_389 = vector.shape_cast %swap3A_388 : vector<16xi32> to vector<16xi32>
      %swap3A_390 = vector.shape_cast %get3A_386 : vector<16xi32> to vector<16xi32>
      tpu.vector_store %arg10[%swap3A_387], %swap3A_390 {strides = array<i32>} : memref<80xi32, #tpu.memory_space<vmem>>, vector<16xi32>,
      %add3A_391 = arith.constant 0 : i32
      %add3A_392 = arith.addi %mul3A_381, %add3A_391 : i32
      %get3A_393 = arith.index_cast %add3A_392 : i32 to index
      %get3A_394 = tpu.vector_load %arg8[%get3A_393] {strides = array<i32>} : memref<10000xi32, #tpu.memory_space<vmem>>, vector<16xi32>,
      %get3A_395 = vector.shape_cast %get3A_394 : vector<16xi32> to vector<16xi32>
      %swap3A_396 = arith.constant 0 : index
      %swap3A_397 = tpu.vector_load %arg12[%swap3A_396] {strides = array<i32>} : memref<80xi32, #tpu.memory_space<vmem>>, vector<16xi32>,
      %swap3A_398 = vector.shape_cast %swap3A_397 : vector<16xi32> to vector<16xi32>
      %swap3A_399 = vector.shape_cast %get3A_395 : vector<16xi32> to vector<16xi32>
      tpu.vector_store %arg12[%swap3A_396], %swap3A_399 {strides = array<i32>} : memref<80xi32, #tpu.memory_space<vmem>>, vector<16xi32>,
      %add3A_400 = arith.constant 16 : i32
      %add3A_401 = arith.addi %mul3A_381, %add3A_400 : i32
      %get3A_402 = arith.index_cast %add3A_401 : i32 to index
      %get3A_403 = tpu.vector_load %arg7[%get3A_402] {strides = array<i32>} : memref<10000xi32, #tpu.memory_space<vmem>>, vector<16xi32>,
      %get3A_404 = vector.shape_cast %get3A_403 : vector<16xi32> to vector<16xi32>
      %swap3A_405 = arith.constant 16 : index
      %swap3A_406 = tpu.vector_load %arg10[%swap3A_405] {strides = array<i32>} : memref<80xi32, #tpu.memory_space<vmem>>, vector<16xi32>,
      %swap3A_407 = vector.shape_cast %swap3A_406 : vector<16xi32> to vector<16xi32>
      %swap3A_408 = vector.shape_cast %get3A_404 : vector<16xi32> to vector<16xi32>
      tpu.vector_store %arg10[%swap3A_405], %swap3A_408 {strides = array<i32>} : memref<80xi32, #tpu.memory_space<vmem>>, vector<16xi32>,
      %add3A_409 = arith.constant 16 : i32
      %add3A_410 = arith.addi %mul3A_381, %add3A_409 : i32
      %get3A_411 = arith.index_cast %add3A_410 : i32 to index
      %get3A_412 = tpu.vector_load %arg8[%get3A_411] {strides = array<i32>} : memref<10000xi32, #tpu.memory_space<vmem>>, vector<16xi32>,
      %get3A_413 = vector.shape_cast %get3A_412 : vector<16xi32> to vector<16xi32>
      %swap3A_414 = arith.constant 16 : index
      %swap3A_415 = tpu.vector_load %arg12[%swap3A_414] {strides = array<i32>} : memref<80xi32, #tpu.memory_space<vmem>>, vector<16xi32>,
      %swap3A_416 = vector.shape_cast %swap3A_415 : vector<16xi32> to vector<16xi32>
      %swap3A_417 = vector.shape_cast %get3A_413 : vector<16xi32> to vector<16xi32>
      tpu.vector_store %arg12[%swap3A_414], %swap3A_417 {strides = array<i32>} : memref<80xi32, #tpu.memory_space<vmem>>, vector<16xi32>,
      %add3A_418 = arith.constant 32 : i32
      %add3A_419 = arith.addi %mul3A_381, %add3A_418 : i32
      %get3A_420 = arith.index_cast %add3A_419 : i32 to index
      %get3A_421 = tpu.vector_load %arg7[%get3A_420] {strides = array<i32>} : memref<10000xi32, #tpu.memory_space<vmem>>, vector<16xi32>,
      %get3A_422 = vector.shape_cast %get3A_421 : vector<16xi32> to vector<16xi32>
      %swap3A_423 = arith.constant 32 : index
      %swap3A_424 = tpu.vector_load %arg10[%swap3A_423] {strides = array<i32>} : memref<80xi32, #tpu.memory_space<vmem>>, vector<16xi32>,
      %swap3A_425 = vector.shape_cast %swap3A_424 : vector<16xi32> to vector<16xi32>
      %swap3A_426 = vector.shape_cast %get3A_422 : vector<16xi32> to vector<16xi32>
      tpu.vector_store %arg10[%swap3A_423], %swap3A_426 {strides = array<i32>} : memref<80xi32, #tpu.memory_space<vmem>>, vector<16xi32>,
      %add3A_427 = arith.constant 32 : i32
      %add3A_428 = arith.addi %mul3A_381, %add3A_427 : i32
      %get3A_429 = arith.index_cast %add3A_428 : i32 to index
      %get3A_430 = tpu.vector_load %arg8[%get3A_429] {strides = array<i32>} : memref<10000xi32, #tpu.memory_space<vmem>>, vector<16xi32>,
      %get3A_431 = vector.shape_cast %get3A_430 : vector<16xi32> to vector<16xi32>
      %swap3A_432 = arith.constant 32 : index
      %swap3A_433 = tpu.vector_load %arg12[%swap3A_432] {strides = array<i32>} : memref<80xi32, #tpu.memory_space<vmem>>, vector<16xi32>,
      %swap3A_434 = vector.shape_cast %swap3A_433 : vector<16xi32> to vector<16xi32>
      %swap3A_435 = vector.shape_cast %get3A_431 : vector<16xi32> to vector<16xi32>
      tpu.vector_store %arg12[%swap3A_432], %swap3A_435 {strides = array<i32>} : memref<80xi32, #tpu.memory_space<vmem>>, vector<16xi32>,
      %add3A_436 = arith.constant 48 : i32
      %add3A_437 = arith.addi %mul3A_381, %add3A_436 : i32
      %get3A_438 = arith.index_cast %add3A_437 : i32 to index
      %get3A_439 = tpu.vector_load %arg7[%get3A_438] {strides = array<i32>} : memref<10000xi32, #tpu.memory_space<vmem>>, vector<16xi32>,
      %get3A_440 = vector.shape_cast %get3A_439 : vector<16xi32> to vector<16xi32>
      %swap3A_441 = arith.constant 48 : index
      %swap3A_442 = tpu.vector_load %arg10[%swap3A_441] {strides = array<i32>} : memref<80xi32, #tpu.memory_space<vmem>>, vector<16xi32>,
      %swap3A_443 = vector.shape_cast %swap3A_442 : vector<16xi32> to vector<16xi32>
      %swap3A_444 = vector.shape_cast %get3A_440 : vector<16xi32> to vector<16xi32>
      tpu.vector_store %arg10[%swap3A_441], %swap3A_444 {strides = array<i32>} : memref<80xi32, #tpu.memory_space<vmem>>, vector<16xi32>,
      %add3A_445 = arith.constant 48 : i32
      %add3A_446 = arith.addi %mul3A_381, %add3A_445 : i32
      %get3A_447 = arith.index_cast %add3A_446 : i32 to index
      %get3A_448 = tpu.vector_load %arg8[%get3A_447] {strides = array<i32>} : memref<10000xi32, #tpu.memory_space<vmem>>, vector<16xi32>,
      %get3A_449 = vector.shape_cast %get3A_448 : vector<16xi32> to vector<16xi32>
      %swap3A_450 = arith.constant 48 : index
      %swap3A_451 = tpu.vector_load %arg12[%swap3A_450] {strides = array<i32>} : memref<80xi32, #tpu.memory_space<vmem>>, vector<16xi32>,
      %swap3A_452 = vector.shape_cast %swap3A_451 : vector<16xi32> to vector<16xi32>
      %swap3A_453 = vector.shape_cast %get3A_449 : vector<16xi32> to vector<16xi32>
      tpu.vector_store %arg12[%swap3A_450], %swap3A_453 {strides = array<i32>} : memref<80xi32, #tpu.memory_space<vmem>>, vector<16xi32>,
      %add3A_454 = arith.constant 64 : i32
      %add3A_455 = arith.addi %mul3A_381, %add3A_454 : i32
      %get3A_456 = arith.index_cast %add3A_455 : i32 to index
      %get3A_457 = tpu.vector_load %arg7[%get3A_456] {strides = array<i32>} : memref<10000xi32, #tpu.memory_space<vmem>>, vector<16xi32>,
      %get3A_458 = vector.shape_cast %get3A_457 : vector<16xi32> to vector<16xi32>
      %swap3A_459 = arith.constant 64 : index
      %swap3A_460 = tpu.vector_load %arg10[%swap3A_459] {strides = array<i32>} : memref<80xi32, #tpu.memory_space<vmem>>, vector<16xi32>,
      %swap3A_461 = vector.shape_cast %swap3A_460 : vector<16xi32> to vector<16xi32>
      %swap3A_462 = vector.shape_cast %get3A_458 : vector<16xi32> to vector<16xi32>
      tpu.vector_store %arg10[%swap3A_459], %swap3A_462 {strides = array<i32>} : memref<80xi32, #tpu.memory_space<vmem>>, vector<16xi32>,
      %add3A_463 = arith.constant 64 : i32
      %add3A_464 = arith.addi %mul3A_381, %add3A_463 : i32
      %get3A_465 = arith.index_cast %add3A_464 : i32 to index
      %get3A_466 = tpu.vector_load %arg8[%get3A_465] {strides = array<i32>} : memref<10000xi32, #tpu.memory_space<vmem>>, vector<16xi32>,
      %get3A_467 = vector.shape_cast %get3A_466 : vector<16xi32> to vector<16xi32>
      %swap3A_468 = arith.constant 64 : index
      %swap3A_469 = tpu.vector_load %arg12[%swap3A_468] {strides = array<i32>} : memref<80xi32, #tpu.memory_space<vmem>>, vector<16xi32>,
      %swap3A_470 = vector.shape_cast %swap3A_469 : vector<16xi32> to vector<16xi32>
      %swap3A_471 = vector.shape_cast %get3A_467 : vector<16xi32> to vector<16xi32>
      tpu.vector_store %arg12[%swap3A_468], %swap3A_471 {strides = array<i32>} : memref<80xi32, #tpu.memory_space<vmem>>, vector<16xi32>,
      %dma_start3A_472 = arith.constant 0 : i32
      %dma_start3A_473 = arith.constant 0 : i32
      %dma_start3A_474 = tpu.memref_slice %arg2[%dma_start3A_472, %dma_start3A_473] : memref<10000x128xf32, #tpu.memory_space<hbm>> -> memref<10000x128xf32, #tpu.memory_space<hbm>>
      tpu.enqueue_indirect_dma source(%dma_start3A_474 : memref<10000x128xf32, #tpu.memory_space<hbm>>) target(%arg14 : memref<80x128xf32, #tpu.memory_space<vmem>>) offsets(%arg10 : memref<80xi32, #tpu.memory_space<vmem>>) semaphore(%arg17 : memref<!tpu.dma_semaphore, #tpu.memory_space<semaphore_mem>>)
    }
    %scan3A_154 = arith.constant 61 : i32
    %dma_wait3A = arith.constant 0 : i32
    %dma_wait3A_155 = arith.constant 0 : i32
    %dma_wait3A_156 = tpu.memref_slice %arg2[%dma_wait3A, %dma_wait3A_155] : memref<10000x128xf32, #tpu.memory_space<hbm>> -> memref<10000x128xf32, #tpu.memory_space<hbm>>
    tpu.wait_indirect_dma semaphore(%arg16 : memref<!tpu.dma_semaphore, #tpu.memory_space<semaphore_mem>>) src(%dma_wait3A_156 : memref<10000x128xf32, #tpu.memory_space<hbm>>) dst(%arg13 : memref<80x128xf32, #tpu.memory_space<vmem>>)
    %dma_start3A_157 = arith.constant 0 : i32
    %dma_start3A_158 = arith.constant 0 : i32
    %dma_start3A_159 = tpu.memref_slice %arg15[%dma_start3A_157, %dma_start3A_158] : memref<10000x128xf32, #tpu.memory_space<vmem_shared>> -> memref<10000x128xf32, #tpu.memory_space<vmem_shared>>
    tpu.enqueue_indirect_dma source(%arg13 : memref<80x128xf32, #tpu.memory_space<vmem>>) target(%dma_start3A_159 : memref<10000x128xf32, #tpu.memory_space<vmem_shared>>) offsets(%arg11 : memref<80xi32, #tpu.memory_space<vmem>>) semaphore(%arg18 : memref<!tpu.dma_semaphore, #tpu.memory_space<semaphore_mem>>) {add = true}
    %dma_wait3A_160 = arith.constant 0 : i32
    %dma_wait3A_161 = arith.constant 0 : i32
    %dma_wait3A_162 = tpu.memref_slice %arg2[%dma_wait3A_160, %dma_wait3A_161] : memref<10000x128xf32, #tpu.memory_space<hbm>> -> memref<10000x128xf32, #tpu.memory_space<hbm>>
    tpu.wait_indirect_dma semaphore(%arg17 : memref<!tpu.dma_semaphore, #tpu.memory_space<semaphore_mem>>) src(%dma_wait3A_162 : memref<10000x128xf32, #tpu.memory_space<hbm>>) dst(%arg14 : memref<80x128xf32, #tpu.memory_space<vmem>>)
    %dma_start3A_163 = arith.constant 0 : i32
    %dma_start3A_164 = arith.constant 0 : i32
    %dma_start3A_165 = tpu.memref_slice %arg15[%dma_start3A_163, %dma_start3A_164] : memref<10000x128xf32, #tpu.memory_space<vmem_shared>> -> memref<10000x128xf32, #tpu.memory_space<vmem_shared>>
    tpu.enqueue_indirect_dma source(%arg14 : memref<80x128xf32, #tpu.memory_space<vmem>>) target(%dma_start3A_165 : memref<10000x128xf32, #tpu.memory_space<vmem_shared>>) offsets(%arg12 : memref<80xi32, #tpu.memory_space<vmem>>) semaphore(%arg19 : memref<!tpu.dma_semaphore, #tpu.memory_space<semaphore_mem>>) {add = true}
    %dma_wait3A_166 = arith.constant 0 : i32
    %dma_wait3A_167 = arith.constant 0 : i32
    %dma_wait3A_168 = tpu.memref_slice %arg15[%dma_wait3A_166, %dma_wait3A_167] : memref<10000x128xf32, #tpu.memory_space<vmem_shared>> -> memref<10000x128xf32, #tpu.memory_space<vmem_shared>>
    tpu.wait_indirect_dma semaphore(%arg18 : memref<!tpu.dma_semaphore, #tpu.memory_space<semaphore_mem>>) src(%arg13 : memref<80x128xf32, #tpu.memory_space<vmem>>) dst(%dma_wait3A_168 : memref<10000x128xf32, #tpu.memory_space<vmem_shared>>)
    %dma_wait3A_169 = arith.constant 0 : i32
    %dma_wait3A_170 = arith.constant 0 : i32
    %dma_wait3A_171 = tpu.memref_slice %arg15[%dma_wait3A_169, %dma_wait3A_170] : memref<10000x128xf32, #tpu.memory_space<vmem_shared>> -> memref<10000x128xf32, #tpu.memory_space<vmem_shared>>
    tpu.wait_indirect_dma semaphore(%arg19 : memref<!tpu.dma_semaphore, #tpu.memory_space<semaphore_mem>>) src(%arg14 : memref<80x128xf32, #tpu.memory_space<vmem>>) dst(%dma_wait3A_171 : memref<10000x128xf32, #tpu.memory_space<vmem_shared>>)
    %get3A_172 = arith.constant 9920 : index
    %get3A_173 = tpu.vector_load %arg7[%get3A_172] {strides = array<i32>} : memref<10000xi32, #tpu.memory_space<vmem>>, vector<16xi32>,
    %get3A_174 = vector.shape_cast %get3A_173 : vector<16xi32> to vector<16xi32>
    %swap3A_175 = arith.constant 0 : index
    %swap3A_176 = tpu.vector_load %arg9[%swap3A_175] {strides = array<i32>} : memref<80xi32, #tpu.memory_space<vmem>>, vector<16xi32>,
    %swap3A_177 = vector.shape_cast %swap3A_176 : vector<16xi32> to vector<16xi32>
    %swap3A_178 = vector.shape_cast %get3A_174 : vector<16xi32> to vector<16xi32>
    tpu.vector_store %arg9[%swap3A_175], %swap3A_178 {strides = array<i32>} : memref<80xi32, #tpu.memory_space<vmem>>, vector<16xi32>,
    %get3A_179 = arith.constant 9920 : index
    %get3A_180 = tpu.vector_load %arg8[%get3A_179] {strides = array<i32>} : memref<10000xi32, #tpu.memory_space<vmem>>, vector<16xi32>,
    %get3A_181 = vector.shape_cast %get3A_180 : vector<16xi32> to vector<16xi32>
    %swap3A_182 = arith.constant 0 : index
    %swap3A_183 = tpu.vector_load %arg11[%swap3A_182] {strides = array<i32>} : memref<80xi32, #tpu.memory_space<vmem>>, vector<16xi32>,
    %swap3A_184 = vector.shape_cast %swap3A_183 : vector<16xi32> to vector<16xi32>
    %swap3A_185 = vector.shape_cast %get3A_181 : vector<16xi32> to vector<16xi32>
    tpu.vector_store %arg11[%swap3A_182], %swap3A_185 {strides = array<i32>} : memref<80xi32, #tpu.memory_space<vmem>>, vector<16xi32>,
    %get3A_186 = arith.constant 9936 : index
    %get3A_187 = tpu.vector_load %arg7[%get3A_186] {strides = array<i32>} : memref<10000xi32, #tpu.memory_space<vmem>>, vector<16xi32>,
    %get3A_188 = vector.shape_cast %get3A_187 : vector<16xi32> to vector<16xi32>
    %swap3A_189 = arith.constant 16 : index
    %swap3A_190 = tpu.vector_load %arg9[%swap3A_189] {strides = array<i32>} : memref<80xi32, #tpu.memory_space<vmem>>, vector<16xi32>,
    %swap3A_191 = vector.shape_cast %swap3A_190 : vector<16xi32> to vector<16xi32>
    %swap3A_192 = vector.shape_cast %get3A_188 : vector<16xi32> to vector<16xi32>
    tpu.vector_store %arg9[%swap3A_189], %swap3A_192 {strides = array<i32>} : memref<80xi32, #tpu.memory_space<vmem>>, vector<16xi32>,
    %get3A_193 = arith.constant 9936 : index
    %get3A_194 = tpu.vector_load %arg8[%get3A_193] {strides = array<i32>} : memref<10000xi32, #tpu.memory_space<vmem>>, vector<16xi32>,
    %get3A_195 = vector.shape_cast %get3A_194 : vector<16xi32> to vector<16xi32>
    %swap3A_196 = arith.constant 16 : index
    %swap3A_197 = tpu.vector_load %arg11[%swap3A_196] {strides = array<i32>} : memref<80xi32, #tpu.memory_space<vmem>>, vector<16xi32>,
    %swap3A_198 = vector.shape_cast %swap3A_197 : vector<16xi32> to vector<16xi32>
    %swap3A_199 = vector.shape_cast %get3A_195 : vector<16xi32> to vector<16xi32>
    tpu.vector_store %arg11[%swap3A_196], %swap3A_199 {strides = array<i32>} : memref<80xi32, #tpu.memory_space<vmem>>, vector<16xi32>,
    %get3A_200 = arith.constant 9952 : index
    %get3A_201 = tpu.vector_load %arg7[%get3A_200] {strides = array<i32>} : memref<10000xi32, #tpu.memory_space<vmem>>, vector<16xi32>,
    %get3A_202 = vector.shape_cast %get3A_201 : vector<16xi32> to vector<16xi32>
    %swap3A_203 = arith.constant 32 : index
    %swap3A_204 = tpu.vector_load %arg9[%swap3A_203] {strides = array<i32>} : memref<80xi32, #tpu.memory_space<vmem>>, vector<16xi32>,
    %swap3A_205 = vector.shape_cast %swap3A_204 : vector<16xi32> to vector<16xi32>
    %swap3A_206 = vector.shape_cast %get3A_202 : vector<16xi32> to vector<16xi32>
    tpu.vector_store %arg9[%swap3A_203], %swap3A_206 {strides = array<i32>} : memref<80xi32, #tpu.memory_space<vmem>>, vector<16xi32>,
    %get3A_207 = arith.constant 9952 : index
    %get3A_208 = tpu.vector_load %arg8[%get3A_207] {strides = array<i32>} : memref<10000xi32, #tpu.memory_space<vmem>>, vector<16xi32>,
    %get3A_209 = vector.shape_cast %get3A_208 : vector<16xi32> to vector<16xi32>
    %swap3A_210 = arith.constant 32 : index
    %swap3A_211 = tpu.vector_load %arg11[%swap3A_210] {strides = array<i32>} : memref<80xi32, #tpu.memory_space<vmem>>, vector<16xi32>,
    %swap3A_212 = vector.shape_cast %swap3A_211 : vector<16xi32> to vector<16xi32>
    %swap3A_213 = vector.shape_cast %get3A_209 : vector<16xi32> to vector<16xi32>
    tpu.vector_store %arg11[%swap3A_210], %swap3A_213 {strides = array<i32>} : memref<80xi32, #tpu.memory_space<vmem>>, vector<16xi32>,
    %get3A_214 = arith.constant 9968 : index
    %get3A_215 = tpu.vector_load %arg7[%get3A_214] {strides = array<i32>} : memref<10000xi32, #tpu.memory_space<vmem>>, vector<16xi32>,
    %get3A_216 = vector.shape_cast %get3A_215 : vector<16xi32> to vector<16xi32>
    %swap3A_217 = arith.constant 48 : index
    %swap3A_218 = tpu.vector_load %arg9[%swap3A_217] {strides = array<i32>} : memref<80xi32, #tpu.memory_space<vmem>>, vector<16xi32>,
    %swap3A_219 = vector.shape_cast %swap3A_218 : vector<16xi32> to vector<16xi32>
    %swap3A_220 = vector.shape_cast %get3A_216 : vector<16xi32> to vector<16xi32>
    tpu.vector_store %arg9[%swap3A_217], %swap3A_220 {strides = array<i32>} : memref<80xi32, #tpu.memory_space<vmem>>, vector<16xi32>,
    %get3A_221 = arith.constant 9968 : index
    %get3A_222 = tpu.vector_load %arg8[%get3A_221] {strides = array<i32>} : memref<10000xi32, #tpu.memory_space<vmem>>, vector<16xi32>,
    %get3A_223 = vector.shape_cast %get3A_222 : vector<16xi32> to vector<16xi32>
    %swap3A_224 = arith.constant 48 : index
    %swap3A_225 = tpu.vector_load %arg11[%swap3A_224] {strides = array<i32>} : memref<80xi32, #tpu.memory_space<vmem>>, vector<16xi32>,
    %swap3A_226 = vector.shape_cast %swap3A_225 : vector<16xi32> to vector<16xi32>
    %swap3A_227 = vector.shape_cast %get3A_223 : vector<16xi32> to vector<16xi32>
    tpu.vector_store %arg11[%swap3A_224], %swap3A_227 {strides = array<i32>} : memref<80xi32, #tpu.memory_space<vmem>>, vector<16xi32>,
    %get3A_228 = arith.constant 9984 : index
    %get3A_229 = tpu.vector_load %arg7[%get3A_228] {strides = array<i32>} : memref<10000xi32, #tpu.memory_space<vmem>>, vector<16xi32>,
    %get3A_230 = vector.shape_cast %get3A_229 : vector<16xi32> to vector<16xi32>
    %swap3A_231 = arith.constant 64 : index
    %swap3A_232 = tpu.vector_load %arg9[%swap3A_231] {strides = array<i32>} : memref<80xi32, #tpu.memory_space<vmem>>, vector<16xi32>,
    %swap3A_233 = vector.shape_cast %swap3A_232 : vector<16xi32> to vector<16xi32>
    %swap3A_234 = vector.shape_cast %get3A_230 : vector<16xi32> to vector<16xi32>
    tpu.vector_store %arg9[%swap3A_231], %swap3A_234 {strides = array<i32>} : memref<80xi32, #tpu.memory_space<vmem>>, vector<16xi32>,
    %get3A_235 = arith.constant 9984 : index
    %get3A_236 = tpu.vector_load %arg8[%get3A_235] {strides = array<i32>} : memref<10000xi32, #tpu.memory_space<vmem>>, vector<16xi32>,
    %get3A_237 = vector.shape_cast %get3A_236 : vector<16xi32> to vector<16xi32>
    %swap3A_238 = arith.constant 64 : index
    %swap3A_239 = tpu.vector_load %arg11[%swap3A_238] {strides = array<i32>} : memref<80xi32, #tpu.memory_space<vmem>>, vector<16xi32>,
    %swap3A_240 = vector.shape_cast %swap3A_239 : vector<16xi32> to vector<16xi32>
    %swap3A_241 = vector.shape_cast %get3A_237 : vector<16xi32> to vector<16xi32>
    tpu.vector_store %arg11[%swap3A_238], %swap3A_241 {strides = array<i32>} : memref<80xi32, #tpu.memory_space<vmem>>, vector<16xi32>,
    %dma_start3A_242 = arith.constant 0 : i32
    %dma_start3A_243 = arith.constant 0 : i32
    %dma_start3A_244 = tpu.memref_slice %arg2[%dma_start3A_242, %dma_start3A_243] : memref<10000x128xf32, #tpu.memory_space<hbm>> -> memref<10000x128xf32, #tpu.memory_space<hbm>>
    tpu.enqueue_indirect_dma source(%dma_start3A_244 : memref<10000x128xf32, #tpu.memory_space<hbm>>) target(%arg13 : memref<80x128xf32, #tpu.memory_space<vmem>>) offsets(%arg9 : memref<80xi32, #tpu.memory_space<vmem>>) semaphore(%arg16 : memref<!tpu.dma_semaphore, #tpu.memory_space<semaphore_mem>>)
    %dma_wait3A_245 = arith.constant 0 : i32
    %dma_wait3A_246 = arith.constant 0 : i32
    %dma_wait3A_247 = tpu.memref_slice %arg2[%dma_wait3A_245, %dma_wait3A_246] : memref<10000x128xf32, #tpu.memory_space<hbm>> -> memref<10000x128xf32, #tpu.memory_space<hbm>>
    tpu.wait_indirect_dma semaphore(%arg16 : memref<!tpu.dma_semaphore, #tpu.memory_space<semaphore_mem>>) src(%dma_wait3A_247 : memref<10000x128xf32, #tpu.memory_space<hbm>>) dst(%arg13 : memref<80x128xf32, #tpu.memory_space<vmem>>)
    "tpu.region"() ({
      %run_scoped3A = tpu.sem_alloc : memref<!tpu.dma_semaphore, #tpu.memory_space<semaphore_mem>>
      %dma_start3A_254 = arith.constant 0 : i32
      %dma_start3A_255 = arith.constant 0 : i32
      %dma_start3A_256 = tpu.memref_slice %arg15[%dma_start3A_254, %dma_start3A_255] : memref<10000x128xf32, #tpu.memory_space<vmem_shared>> -> memref<10000x128xf32, #tpu.memory_space<vmem_shared>>
      tpu.enqueue_indirect_dma source(%arg13 : memref<80x128xf32, #tpu.memory_space<vmem>>) target(%dma_start3A_256 : memref<10000x128xf32, #tpu.memory_space<vmem_shared>>) offsets(%arg11 : memref<80xi32, #tpu.memory_space<vmem>>) semaphore(%run_scoped3A : memref<!tpu.dma_semaphore, #tpu.memory_space<semaphore_mem>>) {add = true}
      %dma_wait3A_257 = arith.constant 0 : i32
      %dma_wait3A_258 = arith.constant 0 : i32
      %dma_wait3A_259 = tpu.memref_slice %arg15[%dma_wait3A_257, %dma_wait3A_258] : memref<10000x128xf32, #tpu.memory_space<vmem_shared>> -> memref<10000x128xf32, #tpu.memory_space<vmem_shared>>
      tpu.wait_indirect_dma semaphore(%run_scoped3A : memref<!tpu.dma_semaphore, #tpu.memory_space<semaphore_mem>>) src(%arg13 : memref<80x128xf32, #tpu.memory_space<vmem>>) dst(%dma_wait3A_259 : memref<10000x128xf32, #tpu.memory_space<vmem_shared>>)
      tpu.yield
    }) : () -> ()
    %barrier3A_248 = arith.constant 0 : index
    tpu.barrier barrier_id(%barrier3A_248)
    "tpu.region"() ({
      %run_scoped3A = tpu.sem_alloc : memref<!tpu.dma_semaphore, #tpu.memory_space<semaphore_mem>>
      %dma_start3A_254 = arith.constant 0 : i32
      %dma_start3A_255 = tpu.memref_slice %arg6[%arg0, %mul3A_4, %dma_start3A_254] : memref<2x10000x128xf32, #tpu.memory_space<hbm>> -> memref<1x624x128xf32, #tpu.memory_space<hbm>>
      %dma_start3A_256 = tpu.memref_squeeze %dma_start3A_255 : memref<1x624x128xf32, #tpu.memory_space<hbm>> -> memref<624x128xf32, #tpu.memory_space<hbm>>
      %dma_start3A_257 = arith.constant 0 : i32
      %dma_start3A_258 = tpu.memref_slice %arg15[%mul3A_4, %dma_start3A_257] : memref<10000x128xf32, #tpu.memory_space<vmem_shared>> -> memref<624x128xf32, #tpu.memory_space<vmem_shared>>
      tpu.enqueue_dma source(%dma_start3A_258 : memref<624x128xf32, #tpu.memory_space<vmem_shared>>) target(%dma_start3A_256 : memref<624x128xf32, #tpu.memory_space<hbm>>) target_semaphore(%run_scoped3A : memref<!tpu.dma_semaphore, #tpu.memory_space<semaphore_mem>>)
      %dma_wait3A_259 = arith.constant 0 : i32
      %dma_wait3A_260 = tpu.memref_slice %arg6[%arg0, %mul3A_4, %dma_wait3A_259] : memref<2x10000x128xf32, #tpu.memory_space<hbm>> -> memref<1x624x128xf32, #tpu.memory_space<hbm>>
      %dma_wait3A_261 = tpu.memref_squeeze %dma_wait3A_260 : memref<1x624x128xf32, #tpu.memory_space<hbm>> -> memref<624x128xf32, #tpu.memory_space<hbm>>
      %dma_wait3A_262 = arith.constant 0 : i32
      %dma_wait3A_263 = tpu.memref_slice %arg15[%mul3A_4, %dma_wait3A_262] : memref<10000x128xf32, #tpu.memory_space<vmem_shared>> -> memref<624x128xf32, #tpu.memory_space<vmem_shared>>
      tpu.wait_dma2 semaphore(%run_scoped3A : memref<!tpu.dma_semaphore, #tpu.memory_space<semaphore_mem>>) src(%dma_wait3A_263 : memref<624x128xf32, #tpu.memory_space<vmem_shared>>) dst(%dma_wait3A_261 : memref<624x128xf32, #tpu.memory_space<hbm>>)
      tpu.yield
    }) : () -> ()
    %eq3A_249 = arith.constant 15 : i32
    %eq3A_250 = arith.cmpi eq, %arg1, %eq3A_249 : i32
    %convert_element_type3A_251 = arith.extui %eq3A_250 : i1 to i32
    %cond3A_252 = arith.constant 0 : i32
    %cond3A_253 = arith.cmpi ne, %convert_element_type3A_251, %cond3A_252 : i32
    scf.if %cond3A_253 {
      "tpu.region"() ({
        %run_scoped3A = tpu.sem_alloc : memref<!tpu.dma_semaphore, #tpu.memory_space<semaphore_mem>>
        %dma_start3A_254 = arith.constant 9984 : i32
        %dma_start3A_255 = arith.constant 0 : i32
        %dma_start3A_256 = tpu.memref_slice %arg6[%arg0, %dma_start3A_254, %dma_start3A_255] : memref<2x10000x128xf32, #tpu.memory_space<hbm>> -> memref<1x16x128xf32, #tpu.memory_space<hbm>>
        %dma_start3A_257 = tpu.memref_squeeze %dma_start3A_256 : memref<1x16x128xf32, #tpu.memory_space<hbm>> -> memref<16x128xf32, #tpu.memory_space<hbm>>
        %dma_start3A_258 = arith.constant 9984 : i32
        %dma_start3A_259 = arith.constant 0 : i32
        %dma_start3A_260 = tpu.memref_slice %arg15[%dma_start3A_258, %dma_start3A_259] : memref<10000x128xf32, #tpu.memory_space<vmem_shared>> -> memref<16x128xf32, #tpu.memory_space<vmem_shared>>
        tpu.enqueue_dma source(%dma_start3A_260 : memref<16x128xf32, #tpu.memory_space<vmem_shared>>) target(%dma_start3A_257 : memref<16x128xf32, #tpu.memory_space<hbm>>) target_semaphore(%run_scoped3A : memref<!tpu.dma_semaphore, #tpu.memory_space<semaphore_mem>>)
        %dma_wait3A_261 = arith.constant 9984 : i32
        %dma_wait3A_262 = arith.constant 0 : i32
        %dma_wait3A_263 = tpu.memref_slice %arg6[%arg0, %dma_wait3A_261, %dma_wait3A_262] : memref<2x10000x128xf32, #tpu.memory_space<hbm>> -> memref<1x16x128xf32, #tpu.memory_space<hbm>>
        %dma_wait3A_264 = tpu.memref_squeeze %dma_wait3A_263 : memref<1x16x128xf32, #tpu.memory_space<hbm>> -> memref<16x128xf32, #tpu.memory_space<hbm>>
        %dma_wait3A_265 = arith.constant 9984 : i32
        %dma_wait3A_266 = arith.constant 0 : i32
        %dma_wait3A_267 = tpu.memref_slice %arg15[%dma_wait3A_265, %dma_wait3A_266] : memref<10000x128xf32, #tpu.memory_space<vmem_shared>> -> memref<16x128xf32, #tpu.memory_space<vmem_shared>>
        tpu.wait_dma2 semaphore(%run_scoped3A : memref<!tpu.dma_semaphore, #tpu.memory_space<semaphore_mem>>) src(%dma_wait3A_267 : memref<16x128xf32, #tpu.memory_space<vmem_shared>>) dst(%dma_wait3A_264 : memref<16x128xf32, #tpu.memory_space<hbm>>)
        tpu.yield
      }) : () -> ()
    } else {
    }
    return
  }
}

module attributes {stable_mosaic.version = 14 : i64} {
  func.func @sage_in_proj_tc(%arg0: i32, %arg1: memref<2000x128xf32, #tpu.memory_space<vmem>>, %arg2: memref<128x128xf32, #tpu.memory_space<vmem>>, %arg3: memref<1x128xf32, #tpu.memory_space<vmem>>, %arg4: memref<2000x128xf32, #tpu.memory_space<vmem>>, %arg5: memref<2000x128xf32, #tpu.memory_space<vmem>>) attributes {dimension_semantics = [#tpu.dimension_semantics<arbitrary>], iteration_bounds = array<i64: 5>, scalar_prefetch = 0 : i64, scratch_operands = 0 : i64, tpu.core_type = #tpu.core_type<tc>, window_params = [{transform_indices = @transform_0, window_bounds = array<i64: 2000, 128>}, {pipeline_mode = #tpu.pipeline_mode<synchronous>, transform_indices = @transform_1, window_bounds = array<i64: 128, 128>}, {pipeline_mode = #tpu.pipeline_mode<synchronous>, transform_indices = @transform_2, window_bounds = array<i64: 1, 128>}, {transform_indices = @transform_3, window_bounds = array<i64: 2000, 128>}, {transform_indices = @transform_4, window_bounds = array<i64: 2000, 128>}]} {
    %get3A = arith.constant 0 : index
    %get3A_0 = arith.constant 0 : index
    %get3A_1 = vector.load %arg1[%get3A, %get3A_0] : memref<2000x128xf32, #tpu.memory_space<vmem>>, vector<2000x128xf32>
    %get3A_2 = arith.constant 0 : index
    %get3A_3 = arith.constant 0 : index
    %get3A_4 = vector.load %arg2[%get3A_2, %get3A_3] : memref<128x128xf32, #tpu.memory_space<vmem>>, vector<128x128xf32>
    %dot_general3A = arith.constant dense<0.000000e+00> : vector<2000x128xf32>
    %dot_general3A_5 = tpu.matmul %get3A_1, %get3A_4, %dot_general3A {dimension_numbers = #tpu.dot_dimension_numbers<[1], [0], [0], [1], [0, 0, 1, 1], [], []>, transpose_lhs_hint = false} : vector<2000x128xf32>, vector<128x128xf32>, vector<2000x128xf32> -> vector<2000x128xf32>
    %get3A_6 = arith.constant 0 : index
    %get3A_7 = arith.constant 0 : index
    %get3A_8 = vector.load %arg3[%get3A_6, %get3A_7] : memref<1x128xf32, #tpu.memory_space<vmem>>, vector<1x128xf32>
    %add3A = vector.broadcast %get3A_8 : vector<1x128xf32> to vector<2000x128xf32>
    %add3A_9 = arith.addf %dot_general3A_5, %add3A : vector<2000x128xf32>
    %swap3A = arith.constant 0 : index
    %swap3A_10 = arith.constant 0 : index
    %swap3A_11 = vector.load %arg4[%swap3A, %swap3A_10] : memref<2000x128xf32, #tpu.memory_space<vmem>>, vector<2000x128xf32>
    tpu.vector_store %arg4[%swap3A, %swap3A_10], %add3A_9 {strides = array<i32>} : memref<2000x128xf32, #tpu.memory_space<vmem>>, vector<2000x128xf32>,
    %max3A = arith.constant 0.000000e+00 : f32
    %max3A_12 = vector.broadcast %max3A : f32 to vector<2000x128xf32>
    %max3A_13 = arith.maximumf %add3A_9, %max3A_12 : vector<2000x128xf32>
    %swap3A_14 = arith.constant 0 : index
    %swap3A_15 = arith.constant 0 : index
    %swap3A_16 = vector.load %arg5[%swap3A_14, %swap3A_15] : memref<2000x128xf32, #tpu.memory_space<vmem>>, vector<2000x128xf32>
    tpu.vector_store %arg5[%swap3A_14, %swap3A_15], %max3A_13 {strides = array<i32>} : memref<2000x128xf32, #tpu.memory_space<vmem>>, vector<2000x128xf32>,
    return
  }
  func.func @transform_0(%arg0: i32) -> (i32, i32) {
    %c0_i32 = arith.constant 0 : i32
    %c0_i32_0 = arith.constant 0 : i32
    return %arg0, %c0_i32 : i32, i32
  }
  func.func @transform_1(%arg0: i32) -> (i32, i32) {
    %c0_i32 = arith.constant 0 : i32
    %c0_i32_0 = arith.constant 0 : i32
    %c0_i32_1 = arith.constant 0 : i32
    return %c0_i32, %c0_i32_0 : i32, i32
  }
  func.func @transform_2(%arg0: i32) -> (i32, i32) {
    %c0_i32 = arith.constant 0 : i32
    %c0_i32_0 = arith.constant 0 : i32
    %c0_i32_1 = arith.constant 0 : i32
    return %c0_i32, %c0_i32_0 : i32, i32
  }
  func.func @transform_3(%arg0: i32) -> (i32, i32) {
    %c0_i32 = arith.constant 0 : i32
    %c0_i32_0 = arith.constant 0 : i32
    return %arg0, %c0_i32 : i32, i32
  }
  func.func @transform_4(%arg0: i32) -> (i32, i32) {
    %c0_i32 = arith.constant 0 : i32
    %c0_i32_0 = arith.constant 0 : i32
    return %arg0, %c0_i32 : i32, i32
  }
}

module attributes {stable_mosaic.version = 14 : i64} {
  func.func @sage_combine_mid_tc(%arg0: i32, %arg1: memref<2000x128xf32, #tpu.memory_space<vmem>>, %arg2: memref<2000x128xf32, #tpu.memory_space<vmem>>, %arg3: memref<2000x128xf32, #tpu.memory_space<vmem>>, %arg4: memref<2000x128xf32, #tpu.memory_space<vmem>>, %arg5: memref<2000x128xf32, #tpu.memory_space<vmem>>, %arg6: memref<2000x128xf32, #tpu.memory_space<vmem>>, %arg7: memref<128x128xf32, #tpu.memory_space<vmem>>, %arg8: memref<1x128xf32, #tpu.memory_space<vmem>>, %arg9: memref<128x128xf32, #tpu.memory_space<vmem>>, %arg10: memref<2000x128xf32, #tpu.memory_space<vmem>>) attributes {dimension_semantics = [#tpu.dimension_semantics<arbitrary>], iteration_bounds = array<i64: 5>, scalar_prefetch = 0 : i64, scratch_operands = 0 : i64, tpu.core_type = #tpu.core_type<tc>, window_params = [{transform_indices = @transform_0, window_bounds = array<i64: 2000, 128>}, {transform_indices = @transform_1, window_bounds = array<i64: 2000, 128>}, {transform_indices = @transform_2, window_bounds = array<i64: 2000, 128>}, {transform_indices = @transform_3, window_bounds = array<i64: 2000, 128>}, {transform_indices = @transform_4, window_bounds = array<i64: 2000, 128>}, {transform_indices = @transform_5, window_bounds = array<i64: 2000, 128>}, {pipeline_mode = #tpu.pipeline_mode<synchronous>, transform_indices = @transform_6, window_bounds = array<i64: 128, 128>}, {pipeline_mode = #tpu.pipeline_mode<synchronous>, transform_indices = @transform_7, window_bounds = array<i64: 1, 128>}, {pipeline_mode = #tpu.pipeline_mode<synchronous>, transform_indices = @transform_8, window_bounds = array<i64: 128, 128>}, {transform_indices = @transform_9, window_bounds = array<i64: 2000, 128>}]} {
    %get3A = arith.constant 0 : index
    %get3A_0 = arith.constant 0 : index
    %get3A_1 = vector.load %arg3[%get3A, %get3A_0] : memref<2000x128xf32, #tpu.memory_space<vmem>>, vector<2000x128xf32>
    %slice3A = vector.extract_strided_slice %get3A_1 {offsets = [0, 0], sizes = [2000, 1], strides = [1, 1]} : vector<2000x128xf32> to vector<2000x1xf32>
    %get3A_2 = arith.constant 0 : index
    %get3A_3 = arith.constant 0 : index
    %get3A_4 = vector.load %arg4[%get3A_2, %get3A_3] : memref<2000x128xf32, #tpu.memory_space<vmem>>, vector<2000x128xf32>
    %slice3A_5 = vector.extract_strided_slice %get3A_4 {offsets = [0, 0], sizes = [2000, 1], strides = [1, 1]} : vector<2000x128xf32> to vector<2000x1xf32>
    %add3A = arith.addf %slice3A, %slice3A_5 : vector<2000x1xf32>
    %max3A = arith.constant 1.000000e+00 : f32
    %max3A_6 = vector.broadcast %max3A : f32 to vector<2000x1xf32>
    %max3A_7 = arith.maximumf %add3A, %max3A_6 : vector<2000x1xf32>
    %div3A = arith.constant 1.000000e+00 : f32
    %div3A_8 = vector.broadcast %div3A : f32 to vector<2000x1xf32>
    %div3A_9 = arith.divf %div3A_8, %max3A_7 : vector<2000x1xf32>
    %get3A_10 = arith.constant 0 : index
    %get3A_11 = arith.constant 0 : index
    %get3A_12 = vector.load %arg1[%get3A_10, %get3A_11] : memref<2000x128xf32, #tpu.memory_space<vmem>>, vector<2000x128xf32>
    %get3A_13 = arith.constant 0 : index
    %get3A_14 = arith.constant 0 : index
    %get3A_15 = vector.load %arg2[%get3A_13, %get3A_14] : memref<2000x128xf32, #tpu.memory_space<vmem>>, vector<2000x128xf32>
    %add3A_16 = arith.addf %get3A_12, %get3A_15 : vector<2000x128xf32>
    %mul3A = vector.broadcast %div3A_9 : vector<2000x1xf32> to vector<2000x128xf32>
    %mul3A_17 = arith.mulf %add3A_16, %mul3A : vector<2000x128xf32>
    %get3A_18 = arith.constant 0 : index
    %get3A_19 = arith.constant 0 : index
    %get3A_20 = vector.load %arg7[%get3A_18, %get3A_19] : memref<128x128xf32, #tpu.memory_space<vmem>>, vector<128x128xf32>
    %dot_general3A = arith.constant dense<0.000000e+00> : vector<2000x128xf32>
    %dot_general3A_21 = tpu.matmul %mul3A_17, %get3A_20, %dot_general3A {dimension_numbers = #tpu.dot_dimension_numbers<[1], [0], [0], [1], [0, 0, 1, 1], [], []>, transpose_lhs_hint = false} : vector<2000x128xf32>, vector<128x128xf32>, vector<2000x128xf32> -> vector<2000x128xf32>
    %get3A_22 = arith.constant 0 : index
    %get3A_23 = arith.constant 0 : index
    %get3A_24 = vector.load %arg5[%get3A_22, %get3A_23] : memref<2000x128xf32, #tpu.memory_space<vmem>>, vector<2000x128xf32>
    %get3A_25 = arith.constant 0 : index
    %get3A_26 = arith.constant 0 : index
    %get3A_27 = vector.load %arg9[%get3A_25, %get3A_26] : memref<128x128xf32, #tpu.memory_space<vmem>>, vector<128x128xf32>
    %dot_general3A_28 = arith.constant dense<0.000000e+00> : vector<2000x128xf32>
    %dot_general3A_29 = tpu.matmul %get3A_24, %get3A_27, %dot_general3A_28 {dimension_numbers = #tpu.dot_dimension_numbers<[1], [0], [0], [1], [0, 0, 1, 1], [], []>, transpose_lhs_hint = false} : vector<2000x128xf32>, vector<128x128xf32>, vector<2000x128xf32> -> vector<2000x128xf32>
    %add3A_30 = arith.addf %dot_general3A_21, %dot_general3A_29 : vector<2000x128xf32>
    %get3A_31 = arith.constant 0 : index
    %get3A_32 = arith.constant 0 : index
    %get3A_33 = vector.load %arg8[%get3A_31, %get3A_32] : memref<1x128xf32, #tpu.memory_space<vmem>>, vector<1x128xf32>
    %add3A_34 = vector.broadcast %get3A_33 : vector<1x128xf32> to vector<2000x128xf32>
    %add3A_35 = arith.addf %add3A_30, %add3A_34 : vector<2000x128xf32>
    %max3A_36 = arith.constant 0.000000e+00 : f32
    %max3A_37 = vector.broadcast %max3A_36 : f32 to vector<2000x128xf32>
    %max3A_38 = arith.maximumf %add3A_35, %max3A_37 : vector<2000x128xf32>
    %get3A_39 = arith.constant 0 : index
    %get3A_40 = arith.constant 0 : index
    %get3A_41 = vector.load %arg6[%get3A_39, %get3A_40] : memref<2000x128xf32, #tpu.memory_space<vmem>>, vector<2000x128xf32>
    %mul3A_42 = arith.constant 2.000000e-01 : f32
    %mul3A_43 = vector.broadcast %mul3A_42 : f32 to vector<2000x128xf32>
    %mul3A_44 = arith.mulf %mul3A_43, %get3A_41 : vector<2000x128xf32>
    %add3A_45 = arith.addf %max3A_38, %mul3A_44 : vector<2000x128xf32>
    %swap3A = arith.constant 0 : index
    %swap3A_46 = arith.constant 0 : index
    %swap3A_47 = vector.load %arg10[%swap3A, %swap3A_46] : memref<2000x128xf32, #tpu.memory_space<vmem>>, vector<2000x128xf32>
    tpu.vector_store %arg10[%swap3A, %swap3A_46], %add3A_45 {strides = array<i32>} : memref<2000x128xf32, #tpu.memory_space<vmem>>, vector<2000x128xf32>,
    return
  }
  func.func @transform_0(%arg0: i32) -> (i32, i32) {
    %c0_i32 = arith.constant 0 : i32
    %c0_i32_0 = arith.constant 0 : i32
    return %arg0, %c0_i32 : i32, i32
  }
  func.func @transform_1(%arg0: i32) -> (i32, i32) {
    %c0_i32 = arith.constant 0 : i32
    %c0_i32_0 = arith.constant 0 : i32
    return %arg0, %c0_i32 : i32, i32
  }
  func.func @transform_2(%arg0: i32) -> (i32, i32) {
    %c0_i32 = arith.constant 0 : i32
    %c0_i32_0 = arith.constant 0 : i32
    return %arg0, %c0_i32 : i32, i32
  }
  func.func @transform_3(%arg0: i32) -> (i32, i32) {
    %c0_i32 = arith.constant 0 : i32
    %c0_i32_0 = arith.constant 0 : i32
    return %arg0, %c0_i32 : i32, i32
  }
  func.func @transform_4(%arg0: i32) -> (i32, i32) {
    %c0_i32 = arith.constant 0 : i32
    %c0_i32_0 = arith.constant 0 : i32
    return %arg0, %c0_i32 : i32, i32
  }
  func.func @transform_5(%arg0: i32) -> (i32, i32) {
    %c0_i32 = arith.constant 0 : i32
    %c0_i32_0 = arith.constant 0 : i32
    return %arg0, %c0_i32 : i32, i32
  }
  func.func @transform_6(%arg0: i32) -> (i32, i32) {
    %c0_i32 = arith.constant 0 : i32
    %c0_i32_0 = arith.constant 0 : i32
    %c0_i32_1 = arith.constant 0 : i32
    return %c0_i32, %c0_i32_0 : i32, i32
  }
  func.func @transform_7(%arg0: i32) -> (i32, i32) {
    %c0_i32 = arith.constant 0 : i32
    %c0_i32_0 = arith.constant 0 : i32
    %c0_i32_1 = arith.constant 0 : i32
    return %c0_i32, %c0_i32_0 : i32, i32
  }
  func.func @transform_8(%arg0: i32) -> (i32, i32) {
    %c0_i32 = arith.constant 0 : i32
    %c0_i32_0 = arith.constant 0 : i32
    %c0_i32_1 = arith.constant 0 : i32
    return %c0_i32, %c0_i32_0 : i32, i32
  }
  func.func @transform_9(%arg0: i32) -> (i32, i32) {
    %c0_i32 = arith.constant 0 : i32
    %c0_i32_0 = arith.constant 0 : i32
    return %arg0, %c0_i32 : i32, i32
  }
}

module attributes {stable_mosaic.version = 14 : i64} {
  func.func @sage_combine_last_tc(%arg0: i32, %arg1: memref<2000x128xf32, #tpu.memory_space<vmem>>, %arg2: memref<2000x128xf32, #tpu.memory_space<vmem>>, %arg3: memref<2000x128xf32, #tpu.memory_space<vmem>>, %arg4: memref<2000x128xf32, #tpu.memory_space<vmem>>, %arg5: memref<2000x128xf32, #tpu.memory_space<vmem>>, %arg6: memref<128x128xf32, #tpu.memory_space<vmem>>, %arg7: memref<1x128xf32, #tpu.memory_space<vmem>>, %arg8: memref<128x128xf32, #tpu.memory_space<vmem>>, %arg9: memref<2000x128xf32, #tpu.memory_space<vmem>>) attributes {dimension_semantics = [#tpu.dimension_semantics<arbitrary>], iteration_bounds = array<i64: 5>, scalar_prefetch = 0 : i64, scratch_operands = 0 : i64, tpu.core_type = #tpu.core_type<tc>, window_params = [{transform_indices = @transform_0, window_bounds = array<i64: 2000, 128>}, {transform_indices = @transform_1, window_bounds = array<i64: 2000, 128>}, {transform_indices = @transform_2, window_bounds = array<i64: 2000, 128>}, {transform_indices = @transform_3, window_bounds = array<i64: 2000, 128>}, {transform_indices = @transform_4, window_bounds = array<i64: 2000, 128>}, {pipeline_mode = #tpu.pipeline_mode<synchronous>, transform_indices = @transform_5, window_bounds = array<i64: 128, 128>}, {pipeline_mode = #tpu.pipeline_mode<synchronous>, transform_indices = @transform_6, window_bounds = array<i64: 1, 128>}, {pipeline_mode = #tpu.pipeline_mode<synchronous>, transform_indices = @transform_7, window_bounds = array<i64: 128, 128>}, {transform_indices = @transform_8, window_bounds = array<i64: 2000, 128>}]} {
    %get3A = arith.constant 0 : index
    %get3A_0 = arith.constant 0 : index
    %get3A_1 = vector.load %arg3[%get3A, %get3A_0] : memref<2000x128xf32, #tpu.memory_space<vmem>>, vector<2000x128xf32>
    %slice3A = vector.extract_strided_slice %get3A_1 {offsets = [0, 0], sizes = [2000, 1], strides = [1, 1]} : vector<2000x128xf32> to vector<2000x1xf32>
    %get3A_2 = arith.constant 0 : index
    %get3A_3 = arith.constant 0 : index
    %get3A_4 = vector.load %arg4[%get3A_2, %get3A_3] : memref<2000x128xf32, #tpu.memory_space<vmem>>, vector<2000x128xf32>
    %slice3A_5 = vector.extract_strided_slice %get3A_4 {offsets = [0, 0], sizes = [2000, 1], strides = [1, 1]} : vector<2000x128xf32> to vector<2000x1xf32>
    %add3A = arith.addf %slice3A, %slice3A_5 : vector<2000x1xf32>
    %max3A = arith.constant 1.000000e+00 : f32
    %max3A_6 = vector.broadcast %max3A : f32 to vector<2000x1xf32>
    %max3A_7 = arith.maximumf %add3A, %max3A_6 : vector<2000x1xf32>
    %div3A = arith.constant 1.000000e+00 : f32
    %div3A_8 = vector.broadcast %div3A : f32 to vector<2000x1xf32>
    %div3A_9 = arith.divf %div3A_8, %max3A_7 : vector<2000x1xf32>
    %get3A_10 = arith.constant 0 : index
    %get3A_11 = arith.constant 0 : index
    %get3A_12 = vector.load %arg1[%get3A_10, %get3A_11] : memref<2000x128xf32, #tpu.memory_space<vmem>>, vector<2000x128xf32>
    %get3A_13 = arith.constant 0 : index
    %get3A_14 = arith.constant 0 : index
    %get3A_15 = vector.load %arg2[%get3A_13, %get3A_14] : memref<2000x128xf32, #tpu.memory_space<vmem>>, vector<2000x128xf32>
    %add3A_16 = arith.addf %get3A_12, %get3A_15 : vector<2000x128xf32>
    %mul3A = vector.broadcast %div3A_9 : vector<2000x1xf32> to vector<2000x128xf32>
    %mul3A_17 = arith.mulf %add3A_16, %mul3A : vector<2000x128xf32>
    %get3A_18 = arith.constant 0 : index
    %get3A_19 = arith.constant 0 : index
    %get3A_20 = vector.load %arg6[%get3A_18, %get3A_19] : memref<128x128xf32, #tpu.memory_space<vmem>>, vector<128x128xf32>
    %dot_general3A = arith.constant dense<0.000000e+00> : vector<2000x128xf32>
    %dot_general3A_21 = tpu.matmul %mul3A_17, %get3A_20, %dot_general3A {dimension_numbers = #tpu.dot_dimension_numbers<[1], [0], [0], [1], [0, 0, 1, 1], [], []>, transpose_lhs_hint = false} : vector<2000x128xf32>, vector<128x128xf32>, vector<2000x128xf32> -> vector<2000x128xf32>
    %get3A_22 = arith.constant 0 : index
    %get3A_23 = arith.constant 0 : index
    %get3A_24 = vector.load %arg5[%get3A_22, %get3A_23] : memref<2000x128xf32, #tpu.memory_space<vmem>>, vector<2000x128xf32>
    %get3A_25 = arith.constant 0 : index
    %get3A_26 = arith.constant 0 : index
    %get3A_27 = vector.load %arg8[%get3A_25, %get3A_26] : memref<128x128xf32, #tpu.memory_space<vmem>>, vector<128x128xf32>
    %dot_general3A_28 = arith.constant dense<0.000000e+00> : vector<2000x128xf32>
    %dot_general3A_29 = tpu.matmul %get3A_24, %get3A_27, %dot_general3A_28 {dimension_numbers = #tpu.dot_dimension_numbers<[1], [0], [0], [1], [0, 0, 1, 1], [], []>, transpose_lhs_hint = false} : vector<2000x128xf32>, vector<128x128xf32>, vector<2000x128xf32> -> vector<2000x128xf32>
    %add3A_30 = arith.addf %dot_general3A_21, %dot_general3A_29 : vector<2000x128xf32>
    %get3A_31 = arith.constant 0 : index
    %get3A_32 = arith.constant 0 : index
    %get3A_33 = vector.load %arg7[%get3A_31, %get3A_32] : memref<1x128xf32, #tpu.memory_space<vmem>>, vector<1x128xf32>
    %add3A_34 = vector.broadcast %get3A_33 : vector<1x128xf32> to vector<2000x128xf32>
    %add3A_35 = arith.addf %add3A_30, %add3A_34 : vector<2000x128xf32>
    %reduce_max3A = arith.constant dense<0xFF800000> : vector<2000xf32>
    %reduce_max3A_36 = vector.multi_reduction <maximumf>, %add3A_35, %reduce_max3A [1] : vector<2000x128xf32> to vector<2000xf32>
    %broadcast_in_dim3A = vector.shape_cast %reduce_max3A_36 : vector<2000xf32> to vector<2000x1xf32>
    %sub3A = vector.broadcast %broadcast_in_dim3A : vector<2000x1xf32> to vector<2000x128xf32>
    %sub3A_37 = arith.subf %add3A_35, %sub3A : vector<2000x128xf32>
    %exp3A = math.exp %sub3A_37 : vector<2000x128xf32>
    %reduce_sum3A = arith.constant dense<0.000000e+00> : vector<2000xf32>
    %reduce_sum3A_38 = vector.multi_reduction <add>, %exp3A, %reduce_sum3A [1] : vector<2000x128xf32> to vector<2000xf32>
    %broadcast_in_dim3A_39 = vector.shape_cast %reduce_sum3A_38 : vector<2000xf32> to vector<2000x1xf32>
    %log3A = math.log %broadcast_in_dim3A_39 : vector<2000x1xf32>
    %sub3A_40 = vector.broadcast %log3A : vector<2000x1xf32> to vector<2000x128xf32>
    %sub3A_41 = arith.subf %sub3A_37, %sub3A_40 : vector<2000x128xf32>
    %swap3A = arith.constant 0 : index
    %swap3A_42 = arith.constant 0 : index
    %swap3A_43 = vector.load %arg9[%swap3A, %swap3A_42] : memref<2000x128xf32, #tpu.memory_space<vmem>>, vector<2000x128xf32>
    tpu.vector_store %arg9[%swap3A, %swap3A_42], %sub3A_41 {strides = array<i32>} : memref<2000x128xf32, #tpu.memory_space<vmem>>, vector<2000x128xf32>,
    return
  }
  func.func @transform_0(%arg0: i32) -> (i32, i32) {
    %c0_i32 = arith.constant 0 : i32
    %c0_i32_0 = arith.constant 0 : i32
    return %arg0, %c0_i32 : i32, i32
  }
  func.func @transform_1(%arg0: i32) -> (i32, i32) {
    %c0_i32 = arith.constant 0 : i32
    %c0_i32_0 = arith.constant 0 : i32
    return %arg0, %c0_i32 : i32, i32
  }
  func.func @transform_2(%arg0: i32) -> (i32, i32) {
    %c0_i32 = arith.constant 0 : i32
    %c0_i32_0 = arith.constant 0 : i32
    return %arg0, %c0_i32 : i32, i32
  }
  func.func @transform_3(%arg0: i32) -> (i32, i32) {
    %c0_i32 = arith.constant 0 : i32
    %c0_i32_0 = arith.constant 0 : i32
    return %arg0, %c0_i32 : i32, i32
  }
  func.func @transform_4(%arg0: i32) -> (i32, i32) {
    %c0_i32 = arith.constant 0 : i32
    %c0_i32_0 = arith.constant 0 : i32
    return %arg0, %c0_i32 : i32, i32
  }
  func.func @transform_5(%arg0: i32) -> (i32, i32) {
    %c0_i32 = arith.constant 0 : i32
    %c0_i32_0 = arith.constant 0 : i32
    %c0_i32_1 = arith.constant 0 : i32
    return %c0_i32, %c0_i32_0 : i32, i32
  }
  func.func @transform_6(%arg0: i32) -> (i32, i32) {
    %c0_i32 = arith.constant 0 : i32
    %c0_i32_0 = arith.constant 0 : i32
    %c0_i32_1 = arith.constant 0 : i32
    return %c0_i32, %c0_i32_0 : i32, i32
  }
  func.func @transform_7(%arg0: i32) -> (i32, i32) {
    %c0_i32 = arith.constant 0 : i32
    %c0_i32_0 = arith.constant 0 : i32
    %c0_i32_1 = arith.constant 0 : i32
    return %c0_i32, %c0_i32_0 : i32, i32
  }
  func.func @transform_8(%arg0: i32) -> (i32, i32) {
    %c0_i32 = arith.constant 0 : i32
    %c0_i32_0 = arith.constant 0 : i32
    return %arg0, %c0_i32 : i32, i32
  }
}

</mosaic_0001>

<sc_bundles>
// kernel: sage_degree_sc.3.cloned.1.call-start
scs
__scs_entry_jumppad:
0x0: {  	(pc) =	sbr.rel $0x88, $3  }
0x1: {  	(tag) =	ssettag $0x0;
	lr =	simm.s32 $0x1  }
0x2: {  	[smem:$0x3F94] =	sst lr;
	_ =	strace $0xD0000000  }
0x3: {  	_ = 	snop  }
0x4: {  	_ = 	snop  }
0x5: {  	_ = 	snop  }
0x6: {  	_ = 	snop  }
0x7: {  	_ = 	snop  }
__scs_overlays_trampoline_lowered:
0x8: {  	[smem:$0x3FA3] =	sst s0  }
0x9: {  	[smem:$0x3FA4] =	sst s1  }
0xa: {  	[smem:$0x3FA5] =	sst s2  }
0xb: {  	[smem:$0x3FA6] =	sst s3  }
0xc: {  	[smem:$0x3FA7] =	sst s4  }
0xd: {  	[smem:$0x3FA8] =	sst s5  }
0xe: {  	[smem:$0x3FA9] =	sst s6  }
0xf: {  	[smem:$0x3FAA] =	sst s7  }
0x10: {  	[smem:$0x3FAB] =	sst s8  }
0x11: {  	[smem:$0x3FAC] =	sst s9;
	s0 =	simm.s32 @!p0 $0x0  }
0x12: {  	s1 =	sld [smem:$0x3F92];
	s0 =	simm.s32 @p0 $0x1  }
0x13: {  	[smem:$0x3FAD] =	sst s0;
	s0 =	simm.s32 @!p1 $0x0  }
0x14: {  	s2 =	sld [smem:$0x3F91];
	s0 =	simm.s32 @p1 $0x1  }
0x15: {  	[smem:$0x3FAE] =	sst s0;
	s0 =	simm.s32 @!p2 $0x0  }
0x16: {  	s3 =	sld [smem:$0x3FDB];
	s0 =	simm.s32 @p2 $0x1  }
0x17: {  	s4 =	simm.s32 $0x1BF5;
	[smem:$0x3FB0] =	sst s0  }
0x18: {  	s0 =	sld [smem:$0x3F93];
	_ =	swait.ge [sflag:s4], $0x0  }
0x19: {  	s7 =	sld [smem:$0x3F94]  }
0x1a: {  	s8 =	sadd.s32 $0xFFFFE003, lr  }
0x1b: {  	s9 =	sadd.s32 $0xFFFFFEF7, lr;
	s5 =	simm.s32 $0xFFFFFFFF;
	p2 =	slt.u32 s8, $0xFFFFF086  }
0x1c: {  	p1 =	slt.u32 s9, $0xF7A;
	s5 =	simm.s32 @!p2 $0x0  }
0x1d: {  	s5 =	simm.s32 @p1 $0x1;
	p0 =	seq.s32 s7, s2  }
0x1e: {  	s7 =	smul.u32 @!p0 $0xF7A, s2;
	p2 =	seq.s32 @!p0 s5, $0x0  }
0x1f: {  	s9 =	smul.u32 $0xF7A, s1;
	s8 =	simm.s32 @!p0 $0x1BF5;
	p2 =	por !p2, p0  }
0x20: {  	[sflag:s8] =	ssyncset.s32 @!p0 $0xFFFFF086;
	s6 =	sadd.s32 @!p0 s3, s7;
	s7 =	simm.s32 @!p0 $0x108  }
0x21: {  	s3 =	sadd.s32 s3, s9;
	s6 =	sadd.s32 @!p0 $0x88, s6;
	s7 =	simm.s32 @p2 $0x1082  }
0x22: {  	[simem:s7], [sflag:s8] =	dma.local @!p0 [hbm:s6], $0xF7A  }
0x23: {  	s9 =	sor.u32 $0xD0000000, s2;
	s6 =	simm.s32 $0x108;
	_ =	swait.ge @!p0 [sflag:s8], $0x0  }
0x24: {  	s3 =	sadd.s32 $0x88, s3;
	s6 =	simm.s32 @!p1 $0x1082;
	[sflag:s4] =	ssyncset.s32 $0xFFFFF086  }
0x25: {  	[simem:s6], [sflag:s4] =	dma.local [hbm:s3], $0xF7A  }
0x26: {  	[smem:$0x3F94] =	sst s1;
	(tag) =	ssettag s2;
	_ =	strace s9  }
0x27: {  	s1 =	sld [smem:$0x3FA4]  }
0x28: {  	s2 =	sld [smem:$0x3FA5]  }
0x29: {  	s4 =	sld [smem:$0x3FA7]  }
0x2a: {  	p0 =	seq.s32 s5, $0x0;
	s5 =	sld [smem:$0x3FA8]  }
0x2b: {  	s6 =	sld [smem:$0x3FA9]  }
0x2c: {  	s7 =	sld [smem:$0x3FAA]  }
0x2d: {  	s3 =	simm.s32 $0x108;
	s8 =	sld [smem:$0x3FAB]  }
0x2e: {  	s3 =	simm.s32 @!p0 $0x1082;
	s9 =	sld [smem:$0x3FAC]  }
0x2f: {  	lr =	sadd.s32 s0, s3;
	s0 =	sld [smem:$0x3FA3]  }
0x30: {  	s3 =	sld [smem:$0x3FA6]  }
0x31: {  	[smem:$0x3FAF] =	sst s10  }
0x32: {  	s10 =	sld [smem:$0x3FAD];
	_ =	sdelay $0x3  }
0x33: {  	p0 =	seq.s32 s10, $0x1;
	s10 =	sld [smem:$0x3FAF];
	_ =	sdelay $0x3  }
0x34: {  	[smem:$0x3FAF] =	sst s10  }
0x35: {  	s10 =	sld [smem:$0x3FAE];
	_ =	sdelay $0x3  }
0x36: {  	p1 =	seq.s32 s10, $0x1;
	s10 =	sld [smem:$0x3FAF];
	_ =	sdelay $0x3  }
0x37: {  	[smem:$0x3FAF] =	sst s10  }
0x38: {  	s10 =	sld [smem:$0x3FB0]  }
0x39: {  	_ = 	snop;
	(pc) =	sbr.ind lr, $3  }
0x3a: {  	_ = 	snop  }
0x3b: {  	_ = 	snop  }
0x3c: {  	p2 =	seq.s32 s10, $0x1;
	s10 =	sld [smem:$0x3FAF]  }
0x3d: {  	_ =	shalt  }
0x3e: {  	_ =	shalt  }
0x3f: {  	_ =	shalt  }
0x40: {  	_ =	shalt  }
0x41: {  	_ =	shalt  }
0x42: {  	_ =	shalt  }
0x43: {  	_ =	shalt  }
0x44: {  	_ =	shalt  }
0x45: {  	_ =	shalt  }
0x46: {  	_ =	shalt  }
0x47: {  	_ =	shalt  }
0x48: {  	_ =	shalt  }
0x49: {  	_ =	shalt  }
0x4a: {  	_ =	shalt  }
0x4b: {  	_ =	shalt  }
0x4c: {  	_ =	shalt  }
0x4d: {  	_ =	shalt  }
0x4e: {  	_ =	shalt  }
0x4f: {  	_ =	shalt  }
0x50: {  	_ =	shalt  }
0x51: {  	_ =	shalt  }
0x52: {  	_ =	shalt  }
0x53: {  	_ =	shalt  }
0x54: {  	_ =	shalt  }
0x55: {  	_ =	shalt  }
0x56: {  	_ =	shalt  }
0x57: {  	_ =	shalt  }
0x58: {  	_ =	shalt  }
0x59: {  	_ =	shalt  }
0x5a: {  	_ =	shalt  }
0x5b: {  	_ =	shalt  }
0x5c: {  	_ =	shalt  }
0x5d: {  	_ =	shalt  }
0x5e: {  	_ =	shalt  }
0x5f: {  	_ =	shalt  }
0x60: {  	_ =	shalt  }
0x61: {  	_ =	shalt  }
0x62: {  	_ =	shalt  }
0x63: {  	_ =	shalt  }
0x64: {  	_ =	shalt  }
0x65: {  	_ =	shalt  }
0x66: {  	_ =	shalt  }
0x67: {  	_ =	shalt  }
0x68: {  	_ =	shalt  }
0x69: {  	_ =	shalt  }
0x6a: {  	_ =	shalt  }
0x6b: {  	_ =	shalt  }
0x6c: {  	_ =	shalt  }
0x6d: {  	_ =	shalt  }
0x6e: {  	_ =	shalt  }
0x6f: {  	_ =	shalt  }
0x70: {  	_ =	shalt  }
0x71: {  	_ =	shalt  }
0x72: {  	_ =	shalt  }
0x73: {  	_ =	shalt  }
0x74: {  	_ =	shalt  }
0x75: {  	_ =	shalt  }
0x76: {  	_ =	shalt  }
0x77: {  	_ =	shalt  }
0x78: {  	_ =	shalt  }
0x79: {  	_ =	shalt  }
0x7a: {  	_ =	shalt  }
0x7b: {  	_ =	shalt  }
0x7c: {  	_ =	shalt  }
0x7d: {  	_ =	shalt  }
0x7e: {  	_ =	shalt  }
0x7f: {  	_ =	shalt  }
0x80: {  	_ =	shalt  }
0x81: {  	_ =	shalt  }
0x82: {  	_ =	shalt  }
0x83: {  	_ =	shalt  }
0x84: {  	_ =	shalt  }
0x85: {  	_ =	shalt  }
0x86: {  	_ =	shalt  }
0x87: {  	_ =	shalt  }
.Lfunc_end0:
.L_simem_size_0:
called_computation_lowered:
.L_overlay_start_0:
0x88: {  	s2 =	sld [smem:$0x3FD9]  }
0x89: {  	s3 =	sld [smem:$0x3FFE];
	_ =	sdelay $0x1  }
0x8a: {  	s1 =	srdreg.scid  }
0x8b: {  	s0 =	sand.u32 $0x1, s1  }
0x8c: {  	s17 =	sshll.u32 s0, $0xA;
	s2 =	sadd.s32 s3, s2  }
0x8d: {  	s2 =	sadd.s32 s2, s17  }
0x8e: {  	[smem:$0x3FBB] =	sst s2  }
0x8f: {  	_ = 	snop  }
0x90: {  	s18 =	sld [smem:$0x3FD0];
	(tm) =	ssettm $0x1  }
0x91: {  	s19 =	sld [smem:$0x3FFB];
	_ =	sdelay $0x3  }
0x92: {  	_ =	strace s19  }
0x93: {  	s2 =	sld [smem:$0x3FFC];
	_ =	sdelay $0x3  }
0x94: {  	_ =	strace s2  }
0x95: {  	s2 =	sld [smem:$0x3FFD];
	_ =	sdelay $0x3  }
0x96: {  	_ =	strace s2  }
0x97: {  	_ =	strace $0x8FFFFFFF  }
0x98: {  	s20 =	sld [smem:$0x3FDB];
	_ =	sdelay $0x1  }
0x99: {  	s4 =	simm.s32 $_scs_section_size  }
0x9a: {  	s5 =	simm.s32 $_size__tile_overlayer_lowered;
	s6 =	simm.s32 $_tile_overlayer_lowered  }
0x9b: {  	s7 =	simm.s32 $0x1BFF;
	s21 =	sshll.u32 s6, $0x1;
	s4 =	sadd.s32 s4, s20  }
0x9c: {  	s22 =	simm.s32 $0x0;
	s5 =	sshll.u32 s5, $0x1;
	s6 =	sadd.s32 s21, s4  }
0x9d: {  	[timem:s22], [sflag:s7] =	dma.local [hbm:s6], s5  }
0x9e: {  	_ =	swait.ge [sflag:s7], s5  }
0x9f: {  	s5 =	ssub.s32 $0x0, s5;
	[sflag:s7] =	ssyncset.done $0x0  }
0xa0: {  	[sflag:s7] =	ssyncadd.s32 s5;
	_ =	sdelay $0x1  }
0xa1: {  	s23 =	simm.s32 $0x1B8B  }
0xa2: {  	_ =	swait.ge [sflag:s23], $0x1  }
0xa3: {  	[sflag:s23] =	ssyncset.done $0x0  }
0xa4: {  	[sflag:s23] =	ssyncadd.s32 $0xFFFFFFFF  }
0xa5: {  	s5 =	sld [smem:$0x0]  }
0xa6: {  	s6 =	sand.u32 $0xFFFFFFFE, s1  }
0xa7: {  	p0 =	sne.s32 s1, s6  }
0xa8: {  	s6 =	sshll.u32 @p0 s6, $0xE  }
0xa9: {  	s6 =	sadd.s32 @p0 $0x11B8D, s6;
	s7 =	sshll.u32 @p0 s5, $0x11  }
0xaa: {  	s6 =	sor.u32 @p0 s7, s6  }
0xab: {  	[sflag:s6] =	ssyncadd.remote.s32 @p0 $0x1;
	_ =	sdelay $0x1  }
0xac: {  	s6 =	simm.s32 @p0 $0x1B8D  }
0xad: {  	_ =	swait.eq @p0 [sflag:s6], $0x1  }
0xae: {  	[sflag:s6] =	ssyncadd.s32 @p0 $0xFFFFFFFF  }
0xaf: {  	s7 =	sshll.u32 @!p0 s1, $0xE  }
0xb0: {  	s7 =	sor.u32 @!p0 $0x4000, s7;
	s6 =	simm.s32 @!p0 $0x1B8D  }
0xb1: {  	s5 =	sshll.u32 @!p0 s5, $0x11;
	s7 =	sadd.s32 @!p0 $0x11B8D, s7;
	_ =	swait.eq @!p0 [sflag:s6], $0x1  }
0xb2: {  	s5 =	sor.u32 @!p0 s5, s7;
	[sflag:s6] =	ssyncadd.s32 @!p0 $0xFFFFFFFF  }
0xb3: {  	s25 =	simm.s32 $0x1B8E;
	s24 =	sld [smem:$0x3FFE];
	[sflag:s5] =	ssyncadd.remote.s32 @!p0 $0x1  }
0xb4: {  	s26 =	simm.s32 $execute0_lowered;
	[smem:$0x3FD2] =	sst s25  }
0xb5: {  	s6 =	sshll.u32 s26, $0x1;
	_ =	strace $0x80000049;
	[dreg:$0x1] =	wrdreg $0xFFFFFFFF  }
0xb6: {  	s28 =	simm.s32 $_size_execute0_lowered;
	s4 =	sadd.s32 s4, s6;
	[dreg:$0x0] =	wrdreg $0x0  }
0xb7: {  	s6 =	sshll.u32 s28, $0x1;
	[dreg:$0x2] =	wrdreg s4  }
0xb8: {  	[dreg:$0x3] =	wrdreg s6  }
0xb9: {  	[dreg:$0x4] =	wrdreg $0xC0  }
0xba: {  	_ =	task [dreg:s22], $0x5FFFF  }
0xbb: {  	[dreg:$0x1] =	wrdreg $0xFFFFFFFF  }
0xbc: {  	[dreg:$0x0] =	wrdreg $0x60  }
0xbd: {  	[dreg:$0x2] =	wrdreg s24  }
0xbe: {  	[dreg:$0x3] =	wrdreg s18  }
0xbf: {  	[dreg:$0x4] =	wrdreg $0x50000  }
0xc0: {  	[dreg:$0x5] =	wrdreg $0x9  }
0xc1: {  	_ =	task.clear_ibuf [dreg:s22], $0x6FFFF;
	_ =	strace $0x90000049  }
0xc2: {  	s29 =	simm.s32 $0x9;
	_ =	strace $0x8000004B  }
0xc3: {  	_ =	swait.ge [sflag:s29], $0x1  }
0xc4: {  	[sflag:s29] =	ssyncadd.s32 $0xFFFFFFFF  }
0xc5: {  	_ =	strace $0x9000004B  }
0xc6: {  	_ =	sfence  }
0xc7: {  	s30 =	sld [smem:$0x0];
	_ =	sdelay $0x2  }
0xc8: {  	s31 =	sshll.u32 s1, $0xD;
	s1 =	sshrl.u32 s1, $0x2  }
0xc9: {  	s4 =	sand.u32 $0x4000, s31;
	s1 =	sadd.s32 s1, s30  }
0xca: {  	s0 =	sor.u32 s4, s0;
	s1 =	sshll.u32 s1, $0x11  }
0xcb: {  	s0 =	sor.u32 s1, s0  }
0xcc: {  	s0 =	sadd.s32 $0x8F2B, s0  }
0xcd: {  	[sflag:s0] =	ssyncadd.remote.s32 $0x1  }
0xce: {  	_ =	sfence.sel $0xFFFF  }
0xcf: {  	[dreg:$0x0] =	wrdreg $0xFFFFFFFF;
	(pc) =	sbr.abs _section_cstart, $3  }
0xd0: {  	[dreg:$0x1] =	wrdreg $0xFFFFFFFF  }
0xd1: {  	_ =	task.clear_ibuf [dreg:s22], $0x2FFFF;
	_ =	strace $0x9FFFFFFF  }
0xd2: {  	(tm) =	ssettm $0x7FFFFFFF  }
0xd3: {  	_ =	shalt  }
tec
execute0_lowered:
.L_overlay_start_1:
0x0: {  	(tag) =	ssettag $0x1  }
0x1: {  	s5 =	rddreg [dreg:$0x0]  }
0x2: {  	s7 =	rddreg [dreg:$0x1]  }
0x3: {  	s1 =	srdreg.scid;
	s0 =	stileid.u32  }
0x4: {  	s2 =	rddreg [dreg:$0x2];
	s3 =	simm.s32 $0x0;
	s17 =	simm.s32 $0x2780  }
0x5: {  	s18 =	simm.s32 $0x0;
	s6 =	sand.u32 $0x1, s1;
	s1 =	rddreg [dreg:$0x3]  }
0x6: {  	s4 =	sshll.u32 s0, $0x1;
	[smem:$0x7FF] =	sst s3;
	s10 =	smul.u32 $0x4E000, s0  }
0x7: {  	s12 =	smul.u32 $0x13800, s0;
	s13 =	sadd.s32 $0xB4000, s5;
	s29 =	sshll.u32 s0, $0x6  }
0x8: {  	s16 =	sadd.s32 $0x138000, s2;
	p0 =	sne.s32 s0, $0xF;
	s4 =	sor.u32 s6, s4  }
0x9: {  	_ =	strace $0x8000004A;
	s9 =	ssub.s32 $0x2, s6;
	s14 =	smul.u32 $0x138800, s6  }
0xa: {  	s6 =	sor.u32 $0x1C01, s29;
	s4 =	smul.u32 $0x4E2, s4;
	s11 =	sshrl.u32 s9, $0x1  }
0xb: {  	s26 =	sshrl.u32 s10, $0x2;
	s28 =	sshrl.u32 s12, $0x3;
	s11 =	ssub.s32 s9, s11  }
0xc: {  	s15 =	sadd.s32 s26, s2;
	s30 =	sadd.s32 s12, s14;
	s31 =	sshrl.u32 s14, $0x3  }
0xd: {  	s14 =	sshrl.u32 @!p0 s16, $0x3;
	s16 =	simm.s32 $0x50;
	s8 =	sadd.s32 s4, s5  }
0xe: {  	s4 =	sadd.s32 $0xB3A00, s5;
	s5 =	sadd.s32 s7, s28;
	s7 =	sadd.s32 $0x27000, s7  }
0xf: {  	s9 =	sshrl.u32 s30, $0x3;
	s10 =	sadd.s32 s13, s31;
	s11 =	smax.u32 s11, $0x1  }
0x10: {  	s12 =	sshrl.u32 s15, $0x3;
	s15 =	simm.s32 $0x2800;
	s8 =	sadd.s32 $0x3800, s8  }
0x11: {  	s9 =	sadd.s32 s13, s9;
	s10 =	sadd.s32 $0x27000, s10;
	s13 =	simm.s32 $0x1  }
.LBB2_1:
0x12: {  	[spmem:s12], [sflag:s6] =	dma.local [hbm:s5], $0x2700  }
0x13: {  	_ =	swait.ge [sflag:s13], $0x2700  }
0x14: {  	[sflag:s13] =	ssyncset.done $0x0  }
0x15: {  	s19 =	simm.s32 @!p0 $0x1;
	[sflag:s13] =	ssyncadd.s32 $0xFFFFD900  }
0x16: {  	[spmem:s14], [sflag:s6] =	dma.local @!p0 [hbm:s7], $0x100  }
0x17: {  	_ =	swait.ge @!p0 [sflag:s19], $0x100  }
0x18: {  	[sflag:s19] =	ssyncset.done @!p0 $0x0  }
0x19: {  	[sflag:s19] =	ssyncadd.s32 @!p0 $0xFFFFFF00  }
0x1a: {  	[tilespmem:s15], [sflag:$0x1] =	stream.linear.gather [hbm4b:s4+s3], $0x2800, $0x38;
	[tilespmem:$0x18880] =	vst v63  }
0x1b: {  	_ =	swait.ge [sflag:s13], $0x2800  }
0x1c: {  	[sflag:s13] =	ssyncset.done $0x0  }
0x1d: {  	[sflag:s13] =	ssyncadd.s32 $0xFFFFD800  }
0x1e: {  	[tilespmem:s3], [sflag:$0x1] =	stream.linear.gather [hbm4b:s8+s3], $0x2710, $0x38;
	[tilespmem:$0x18880] =	vst v63  }
0x1f: {  	_ =	swait.ge [sflag:s13], $0x2710  }
0x20: {  	[sflag:s13] =	ssyncset.done $0x0  }
0x21: {  	[sflag:s13] =	ssyncadd.s32 $0xFFFFD8F0  }
0x22: {  	s31 =	simm.s32 $0x0;
	[bflag:$0x0] =	sbarrier.arrive $0xFFFF  }
0x23: {  	v0 =	vld [tilespmem:s31+$0x0];
	_ =	sdelay $0x4  }
0x24: {  	[tilespmem:$0x2780] =	vst v0  }
0x25: {  	v0 =	vld [tilespmem:s31+$0x10];
	_ =	sdelay $0x4  }
0x26: {  	[tilespmem:$0x2790] =	vst v0  }
0x27: {  	v0 =	vld [tilespmem:s31+$0x20];
	_ =	sdelay $0x4  }
0x28: {  	[tilespmem:$0x27A0] =	vst v0  }
0x29: {  	v0 =	vld [tilespmem:s31+$0x30];
	_ =	sdelay $0x4  }
0x2a: {  	[tilespmem:$0x27B0] =	vst v0  }
0x2b: {  	v0 =	vld [tilespmem:s31+$0x40];
	_ =	sdelay $0x4  }
0x2c: {  	[tilespmem:$0x27C0] =	vst v0  }
0x2d: {  	[spmem:s2] =	stream.indirect.scatter.add.f32 [tilespmem:s15], [sflag:$0x1], $0x80, s17, s16, $0xb8;
	[tilespmem:$0x18880] =	vst v63  }
0x2e: {  	_ =	swait.ge [sflag:s13], $0x2800  }
0x2f: {  	s20 =	simm.s32 $0x280;
	s19 =	simm.s32 $0x140;
	[sflag:s13] =	ssyncset.done $0x0  }
.LBB2_2:
0x30: {  	s21 =	sshra.s32 s19, $0x2  }
0x31: {  	[sflag:s13] =	ssyncadd.s32 $0xFFFFD800;
	s19 =	smov.u32 s20;
	s22 =	sadd.s32 $0x140, s20  }
0x32: {  	p1 =	sne.s32 s20, $0x9B00;
	v0 =	vld [tilespmem:s21+$0x0];
	_ =	sdelay $0x4  }
0x33: {  	[tilespmem:$0x2780] =	vst v0  }
0x34: {  	v0 =	vld [tilespmem:s21+$0x10];
	_ =	sdelay $0x4  }
0x35: {  	[tilespmem:$0x2790] =	vst v0  }
0x36: {  	v0 =	vld [tilespmem:s21+$0x20];
	_ =	sdelay $0x4  }
0x37: {  	[tilespmem:$0x27A0] =	vst v0  }
0x38: {  	v0 =	vld [tilespmem:s21+$0x30];
	_ =	sdelay $0x4  }
0x39: {  	[tilespmem:$0x27B0] =	vst v0  }
0x3a: {  	v0 =	vld [tilespmem:s21+$0x40];
	_ =	sdelay $0x3  }
.Ltmp0:
0x3b: {  	(pc) =	sbr.rel @p1 .LBB2_2-.Ltmp0, $4  }
0x3c: {  	[tilespmem:$0x27C0] =	vst v0  }
0x3d: {  	[spmem:s2] =	stream.indirect.scatter.add.f32 [tilespmem:s15], [sflag:$0x1], $0x80, s17, s16, $0xb8;
	[tilespmem:$0x18880] =	vst v63  }
0x3e: {  	_ =	swait.ge [sflag:s13], $0x2800  }
0x3f: {  	s20 =	smov.u32 s22;
	[sflag:s13] =	ssyncset.done $0x0  }
0x40: {  	s19 =	sshra.s32 s19, $0x2;
	[sflag:s13] =	ssyncadd.s32 $0xFFFFD800  }
0x41: {  	v0 =	vld [tilespmem:s19+$0x0];
	_ =	sdelay $0x4  }
0x42: {  	[tilespmem:$0x2780] =	vst v0  }
0x43: {  	v0 =	vld [tilespmem:s19+$0x10];
	_ =	sdelay $0x4  }
0x44: {  	[tilespmem:$0x2790] =	vst v0  }
0x45: {  	v0 =	vld [tilespmem:s19+$0x20];
	_ =	sdelay $0x4  }
0x46: {  	[tilespmem:$0x27A0] =	vst v0  }
0x47: {  	v0 =	vld [tilespmem:s19+$0x30];
	_ =	sdelay $0x4  }
0x48: {  	[tilespmem:$0x27B0] =	vst v0  }
0x49: {  	v0 =	vld [tilespmem:s19+$0x40];
	_ =	sdelay $0x4  }
0x4a: {  	[tilespmem:$0x27C0] =	vst v0  }
0x4b: {  	[spmem:s2] =	stream.indirect.scatter.add.f32 [tilespmem:s15], [sflag:$0x1], $0x80, s17, s16, $0xb8;
	[tilespmem:$0x18880] =	vst v63  }
0x4c: {  	_ =	swait.ge [sflag:s13], $0x2800  }
0x4d: {  	[sflag:s13] =	ssyncset.done $0x0  }
0x4e: {  	[sflag:s13] =	ssyncadd.s32 $0xFFFFD800  }
0x4f: {  	[bflag:$0x0] =	sbarrier.arrive $0xFFFF  }
0x50: {  	[hbm:s9], [sflag:s6] =	dma.local [spmem:s12], $0x2700  }
0x51: {  	s18 =	sadd.s32 $0x1, s18;
	_ =	swait.ge [sflag:s13], $0x2700  }
0x52: {  	p1 =	sne.s32 s18, s11;
	[sflag:s13] =	ssyncset.done $0x0  }
.Ltmp1:
0x53: {  	s19 =	simm.s32 @!p0 $0x1;
	[sflag:s13] =	ssyncadd.s32 $0xFFFFD900;
	(pc) =	sbr.rel @p1 .LBB2_1-.Ltmp1, $4  }
0x54: {  	[hbm:s10], [sflag:s6] =	dma.local @!p0 [spmem:s14], $0x100  }
0x55: {  	_ =	swait.ge @!p0 [sflag:s19], $0x100  }
0x56: {  	[sflag:s19] =	ssyncset.done @!p0 $0x0  }
0x57: {  	[sflag:s19] =	ssyncadd.s32 @!p0 $0xFFFFFF00  }
0x58: {  	_ =	sfence.sel $0x180000  }
0x59: {  	[bflag:$0x0] =	sbarrier.arrive $0xFFFF  }
0x5a: {  	p0 =	sne.s32 s0, $0x0;
	_ =	strace $0x9000004A  }
0x5b: {  	s0 =	sadd.s32 @!p0 $0x100000, s1;
	[bflag:$0x2] =	sbarrier.arrive $0xFFFF  }
0x5c: {  	[sflag:s0] =	ssyncadd.tile.s32 @!p0 $0x1;
	_ =	shalt  }
.Lfunc_end2:
_tile_overlayer_lowered:
.L_overlay_start_2:
0x5d: {  	(tag) =	ssettag $0x2  }
0x5e: {  	s0 =	rddreg [dreg:$0x0];
	s2 =	stileid.u32  }
0x5f: {  	s1 =	rddreg [dreg:$0x1];
	p0 =	sne.s32 s2, $0x0  }
0x60: {  	s3 =	rddreg [dreg:$0x2];
	[bflag:$0x3] =	sbarrier.arrive $0xFFFF;
	s2 =	simm.s32 @!p0 $0x1C01  }
0x61: {  	[timem:s3], [sflag:s2] =	dma.local @!p0 [hbm:s0], s1  }
0x62: {  	s0 =	simm.s32 @!p0 $0x1  }
0x63: {  	_ =	swait.ge @!p0 [sflag:s0], s1  }
0x64: {  	s1 =	ssub.s32 @!p0 $0x0, s1;
	[sflag:s0] =	ssyncset.done @!p0 $0x0  }
0x65: {  	[sflag:s0] =	ssyncadd.s32 @!p0 s1  }
0x66: {  	[bflag:$0x3] =	sbarrier.arrive $0xFFFF  }
0x67: {  	_ =	shalt  }

// kernel: sage_segment_sum_sc.11.cloned.1.call-start
scs
__scs_entry_jumppad:
0x0: {  	(pc) =	sbr.rel $0x88, $3  }
0x1: {  	(tag) =	ssettag $0x0;
	lr =	simm.s32 $0x1  }
0x2: {  	[smem:$0x3F94] =	sst lr;
	_ =	strace $0xD0000000  }
0x3: {  	_ = 	snop  }
0x4: {  	_ = 	snop  }
0x5: {  	_ = 	snop  }
0x6: {  	_ = 	snop  }
0x7: {  	_ = 	snop  }
__scs_overlays_trampoline_lowered:
0x8: {  	[smem:$0x3FA3] =	sst s0  }
0x9: {  	[smem:$0x3FA4] =	sst s1  }
0xa: {  	[smem:$0x3FA5] =	sst s2  }
0xb: {  	[smem:$0x3FA6] =	sst s3  }
0xc: {  	[smem:$0x3FA7] =	sst s4  }
0xd: {  	[smem:$0x3FA8] =	sst s5  }
0xe: {  	[smem:$0x3FA9] =	sst s6  }
0xf: {  	[smem:$0x3FAA] =	sst s7  }
0x10: {  	[smem:$0x3FAB] =	sst s8  }
0x11: {  	[smem:$0x3FAC] =	sst s9;
	s0 =	simm.s32 @!p0 $0x0  }
0x12: {  	s1 =	sld [smem:$0x3F92];
	s0 =	simm.s32 @p0 $0x1  }
0x13: {  	[smem:$0x3FAD] =	sst s0;
	s0 =	simm.s32 @!p1 $0x0  }
0x14: {  	s2 =	sld [smem:$0x3F91];
	s0 =	simm.s32 @p1 $0x1  }
0x15: {  	[smem:$0x3FAE] =	sst s0;
	s0 =	simm.s32 @!p2 $0x0  }
0x16: {  	s3 =	sld [smem:$0x3FDB];
	s0 =	simm.s32 @p2 $0x1  }
0x17: {  	s4 =	simm.s32 $0x1BF5;
	[smem:$0x3FB0] =	sst s0  }
0x18: {  	s0 =	sld [smem:$0x3F93];
	_ =	swait.ge [sflag:s4], $0x0  }
0x19: {  	s7 =	sld [smem:$0x3F94]  }
0x1a: {  	s8 =	sadd.s32 $0xFFFFE003, lr  }
0x1b: {  	s9 =	sadd.s32 $0xFFFFFEF7, lr;
	s5 =	simm.s32 $0xFFFFFFFF;
	p2 =	slt.u32 s8, $0xFFFFF086  }
0x1c: {  	p1 =	slt.u32 s9, $0xF7A;
	s5 =	simm.s32 @!p2 $0x0  }
0x1d: {  	s5 =	simm.s32 @p1 $0x1;
	p0 =	seq.s32 s7, s2  }
0x1e: {  	s7 =	smul.u32 @!p0 $0xF7A, s2;
	p2 =	seq.s32 @!p0 s5, $0x0  }
0x1f: {  	s9 =	smul.u32 $0xF7A, s1;
	s8 =	simm.s32 @!p0 $0x1BF5;
	p2 =	por !p2, p0  }
0x20: {  	[sflag:s8] =	ssyncset.s32 @!p0 $0xFFFFF086;
	s6 =	sadd.s32 @!p0 s3, s7;
	s7 =	simm.s32 @!p0 $0x108  }
0x21: {  	s3 =	sadd.s32 s3, s9;
	s6 =	sadd.s32 @!p0 $0x88, s6;
	s7 =	simm.s32 @p2 $0x1082  }
0x22: {  	[simem:s7], [sflag:s8] =	dma.local @!p0 [hbm:s6], $0xF7A  }
0x23: {  	s9 =	sor.u32 $0xD0000000, s2;
	s6 =	simm.s32 $0x108;
	_ =	swait.ge @!p0 [sflag:s8], $0x0  }
0x24: {  	s3 =	sadd.s32 $0x88, s3;
	s6 =	simm.s32 @!p1 $0x1082;
	[sflag:s4] =	ssyncset.s32 $0xFFFFF086  }
0x25: {  	[simem:s6], [sflag:s4] =	dma.local [hbm:s3], $0xF7A  }
0x26: {  	[smem:$0x3F94] =	sst s1;
	(tag) =	ssettag s2;
	_ =	strace s9  }
0x27: {  	s1 =	sld [smem:$0x3FA4]  }
0x28: {  	s2 =	sld [smem:$0x3FA5]  }
0x29: {  	s4 =	sld [smem:$0x3FA7]  }
0x2a: {  	p0 =	seq.s32 s5, $0x0;
	s5 =	sld [smem:$0x3FA8]  }
0x2b: {  	s6 =	sld [smem:$0x3FA9]  }
0x2c: {  	s7 =	sld [smem:$0x3FAA]  }
0x2d: {  	s3 =	simm.s32 $0x108;
	s8 =	sld [smem:$0x3FAB]  }
0x2e: {  	s3 =	simm.s32 @!p0 $0x1082;
	s9 =	sld [smem:$0x3FAC]  }
0x2f: {  	lr =	sadd.s32 s0, s3;
	s0 =	sld [smem:$0x3FA3]  }
0x30: {  	s3 =	sld [smem:$0x3FA6]  }
0x31: {  	[smem:$0x3FAF] =	sst s10  }
0x32: {  	s10 =	sld [smem:$0x3FAD];
	_ =	sdelay $0x3  }
0x33: {  	p0 =	seq.s32 s10, $0x1;
	s10 =	sld [smem:$0x3FAF];
	_ =	sdelay $0x3  }
0x34: {  	[smem:$0x3FAF] =	sst s10  }
0x35: {  	s10 =	sld [smem:$0x3FAE];
	_ =	sdelay $0x3  }
0x36: {  	p1 =	seq.s32 s10, $0x1;
	s10 =	sld [smem:$0x3FAF];
	_ =	sdelay $0x3  }
0x37: {  	[smem:$0x3FAF] =	sst s10  }
0x38: {  	s10 =	sld [smem:$0x3FB0]  }
0x39: {  	_ = 	snop;
	(pc) =	sbr.ind lr, $3  }
0x3a: {  	_ = 	snop  }
0x3b: {  	_ = 	snop  }
0x3c: {  	p2 =	seq.s32 s10, $0x1;
	s10 =	sld [smem:$0x3FAF]  }
0x3d: {  	_ =	shalt  }
0x3e: {  	_ =	shalt  }
0x3f: {  	_ =	shalt  }
0x40: {  	_ =	shalt  }
0x41: {  	_ =	shalt  }
0x42: {  	_ =	shalt  }
0x43: {  	_ =	shalt  }
0x44: {  	_ =	shalt  }
0x45: {  	_ =	shalt  }
0x46: {  	_ =	shalt  }
0x47: {  	_ =	shalt  }
0x48: {  	_ =	shalt  }
0x49: {  	_ =	shalt  }
0x4a: {  	_ =	shalt  }
0x4b: {  	_ =	shalt  }
0x4c: {  	_ =	shalt  }
0x4d: {  	_ =	shalt  }
0x4e: {  	_ =	shalt  }
0x4f: {  	_ =	shalt  }
0x50: {  	_ =	shalt  }
0x51: {  	_ =	shalt  }
0x52: {  	_ =	shalt  }
0x53: {  	_ =	shalt  }
0x54: {  	_ =	shalt  }
0x55: {  	_ =	shalt  }
0x56: {  	_ =	shalt  }
0x57: {  	_ =	shalt  }
0x58: {  	_ =	shalt  }
0x59: {  	_ =	shalt  }
0x5a: {  	_ =	shalt  }
0x5b: {  	_ =	shalt  }
0x5c: {  	_ =	shalt  }
0x5d: {  	_ =	shalt  }
0x5e: {  	_ =	shalt  }
0x5f: {  	_ =	shalt  }
0x60: {  	_ =	shalt  }
0x61: {  	_ =	shalt  }
0x62: {  	_ =	shalt  }
0x63: {  	_ =	shalt  }
0x64: {  	_ =	shalt  }
0x65: {  	_ =	shalt  }
0x66: {  	_ =	shalt  }
0x67: {  	_ =	shalt  }
0x68: {  	_ =	shalt  }
0x69: {  	_ =	shalt  }
0x6a: {  	_ =	shalt  }
0x6b: {  	_ =	shalt  }
0x6c: {  	_ =	shalt  }
0x6d: {  	_ =	shalt  }
0x6e: {  	_ =	shalt  }
0x6f: {  	_ =	shalt  }
0x70: {  	_ =	shalt  }
0x71: {  	_ =	shalt  }
0x72: {  	_ =	shalt  }
0x73: {  	_ =	shalt  }
0x74: {  	_ =	shalt  }
0x75: {  	_ =	shalt  }
0x76: {  	_ =	shalt  }
0x77: {  	_ =	shalt  }
0x78: {  	_ =	shalt  }
0x79: {  	_ =	shalt  }
0x7a: {  	_ =	shalt  }
0x7b: {  	_ =	shalt  }
0x7c: {  	_ =	shalt  }
0x7d: {  	_ =	shalt  }
0x7e: {  	_ =	shalt  }
0x7f: {  	_ =	shalt  }
0x80: {  	_ =	shalt  }
0x81: {  	_ =	shalt  }
0x82: {  	_ =	shalt  }
0x83: {  	_ =	shalt  }
0x84: {  	_ =	shalt  }
0x85: {  	_ =	shalt  }
0x86: {  	_ =	shalt  }
0x87: {  	_ =	shalt  }
.Lfunc_end0:
.L_simem_size_0:
called_computation.3_lowered:
.L_overlay_start_0:
0x88: {  	s2 =	sld [smem:$0x3FD9]  }
0x89: {  	s3 =	sld [smem:$0x3FFE];
	_ =	sdelay $0x1  }
0x8a: {  	s1 =	srdreg.scid  }
0x8b: {  	s0 =	sand.u32 $0x1, s1  }
0x8c: {  	s17 =	sshll.u32 s0, $0xA;
	s2 =	sadd.s32 s3, s2  }
0x8d: {  	s2 =	sadd.s32 s2, s17  }
0x8e: {  	[smem:$0x3FBB] =	sst s2  }
0x8f: {  	_ = 	snop  }
0x90: {  	s2 =	sld [smem:$0x3FD0];
	(tm) =	ssettm $0x1  }
0x91: {  	s18 =	sld [smem:$0x3FFB];
	_ =	sdelay $0x3  }
0x92: {  	_ =	strace s18  }
0x93: {  	s3 =	sld [smem:$0x3FFC];
	_ =	sdelay $0x3  }
0x94: {  	_ =	strace s3  }
0x95: {  	s3 =	sld [smem:$0x3FFD];
	_ =	sdelay $0x3  }
0x96: {  	_ =	strace s3  }
0x97: {  	_ =	strace $0x8FFFFFFF  }
0x98: {  	s19 =	sld [smem:$0x3FDB];
	_ =	sdelay $0x1  }
0x99: {  	s4 =	simm.s32 $_scs_section_size  }
0x9a: {  	s5 =	simm.s32 $_size__tile_overlayer_lowered;
	s6 =	simm.s32 $_tile_overlayer_lowered  }
0x9b: {  	s22 =	simm.s32 $0x1BFF;
	s21 =	sshll.u32 s6, $0x1;
	s3 =	sadd.s32 s4, s19  }
0x9c: {  	s7 =	simm.s32 $0x0;
	s20 =	sshll.u32 s5, $0x1;
	s5 =	sadd.s32 s21, s3  }
0x9d: {  	[timem:s7], [sflag:s22] =	dma.local [hbm:s5], s20  }
0x9e: {  	_ =	swait.ge [sflag:s22], s20  }
0x9f: {  	s4 =	ssub.s32 $0x0, s20;
	[sflag:s22] =	ssyncset.done $0x0  }
0xa0: {  	[sflag:s22] =	ssyncadd.s32 s4;
	_ =	sdelay $0x1  }
0xa1: {  	s23 =	simm.s32 $0x1B8B  }
0xa2: {  	_ =	swait.ge [sflag:s23], $0x1  }
0xa3: {  	[sflag:s23] =	ssyncset.done $0x0  }
0xa4: {  	s25 =	simm.s32 $0x1B8E;
	s24 =	sld [smem:$0x3FFE];
	[sflag:s23] =	ssyncadd.s32 $0xFFFFFFFF  }
0xa5: {  	s26 =	simm.s32 $execute0_lowered;
	[smem:$0x3FD2] =	sst s25  }
0xa6: {  	s5 =	sshll.u32 s26, $0x1;
	_ =	strace $0x8000004F;
	[dreg:$0x1] =	wrdreg $0xFFFFFFFF  }
0xa7: {  	s28 =	simm.s32 $_size_execute0_lowered;
	s3 =	sadd.s32 s3, s5;
	[dreg:$0x0] =	wrdreg $0x0  }
0xa8: {  	s5 =	sshll.u32 s28, $0x1;
	[dreg:$0x2] =	wrdreg s3  }
0xa9: {  	[dreg:$0x3] =	wrdreg s5  }
0xaa: {  	[dreg:$0x4] =	wrdreg $0xC0  }
0xab: {  	_ =	task [dreg:s7], $0x5FFFF  }
0xac: {  	[dreg:$0x1] =	wrdreg $0xFFFFFFFF  }
0xad: {  	[dreg:$0x0] =	wrdreg $0x60  }
0xae: {  	[dreg:$0x2] =	wrdreg s24  }
0xaf: {  	[dreg:$0x3] =	wrdreg s2  }
0xb0: {  	[dreg:$0x4] =	wrdreg $0xA1000  }
0xb1: {  	[dreg:$0x5] =	wrdreg $0x9  }
0xb2: {  	_ =	task.clear_ibuf [dreg:s7], $0x6FFFF;
	_ =	strace $0x9000004F  }
0xb3: {  	s29 =	simm.s32 $0x9;
	_ =	strace $0x80000051  }
0xb4: {  	_ =	swait.ge [sflag:s29], $0x1  }
0xb5: {  	[sflag:s29] =	ssyncadd.s32 $0xFFFFFFFF  }
0xb6: {  	_ =	strace $0x90000051  }
0xb7: {  	_ =	sfence  }
0xb8: {  	s30 =	sld [smem:$0x0];
	_ =	sdelay $0x2  }
0xb9: {  	s31 =	sshll.u32 s1, $0xD;
	s1 =	sshrl.u32 s1, $0x2  }
0xba: {  	s3 =	sand.u32 $0x4000, s31;
	s1 =	sadd.s32 s1, s30  }
0xbb: {  	s0 =	sor.u32 s3, s0;
	s1 =	sshll.u32 s1, $0x11  }
0xbc: {  	s0 =	sor.u32 s1, s0  }
0xbd: {  	s0 =	sadd.s32 $0x8F2B, s0  }
0xbe: {  	[sflag:s0] =	ssyncadd.remote.s32 $0x1  }
0xbf: {  	_ =	sfence.sel $0xFFFF  }
0xc0: {  	[dreg:$0x0] =	wrdreg $0xFFFFFFFF;
	(pc) =	sbr.abs _section_cstart, $3  }
0xc1: {  	[dreg:$0x1] =	wrdreg $0xFFFFFFFF  }
0xc2: {  	_ =	task.clear_ibuf [dreg:s7], $0x2FFFF;
	_ =	strace $0x9FFFFFFF  }
0xc3: {  	(tm) =	ssettm $0x7FFFFFFF  }
tec
execute0_lowered:
.L_overlay_start_1:
0x0: {  	(tag) =	ssettag $0x1  }
0x1: {  	s0 =	rddreg [dreg:$0x0]  }
0x2: {  	s1 =	rddreg [dreg:$0x1]  }
0x3: {  	s3 =	srdreg.scid;
	s14 =	stileid.u32  }
0x4: {  	s2 =	rddreg [dreg:$0x2];
	s16 =	simm.s32 $0x2780;
	s17 =	simm.s32 $0x50  }
0x5: {  	s18 =	simm.s32 $0x4F00;
	s19 =	simm.s32 $0x5100;
	s20 =	simm.s32 $0x4F80  }
0x6: {  	s21 =	simm.s32 $0x7900;
	s22 =	simm.s32 $0x1;
	s28 =	simm.s32 $0x4  }
0x7: {  	s29 =	simm.s32 $0x0;
	s5 =	sand.u32 $0x1, s3;
	s7 =	smul.u32 $0x4E000, s14  }
0x8: {  	s4 =	sshll.u32 s14, $0x1;
	s3 =	simm.s32 $0x0;
	s10 =	smul.u32 $0x13800, s14  }
0x9: {  	s25 =	sshll.u32 s14, $0x6;
	s15 =	sadd.s32 $0x138000, s2;
	p0 =	sne.s32 s14, $0xF  }
0xa: {  	s14 =	simm.s32 $0x5;
	s4 =	sor.u32 s5, s4;
	[smem:$0x7FF] =	sst s3  }
0xb: {  	s23 =	ssub.s32 $0x2, s5;
	s26 =	smul.u32 $0x138800, s5;
	s15 =	sshrl.u32 @!p0 s15, $0x3  }
0xc: {  	s6 =	smul.u32 $0x4E2, s4;
	_ =	strace $0x80000050;
	s4 =	sadd.s32 $0x17400, s0  }
0xd: {  	s8 =	sshrl.u32 s23, $0x1;
	s7 =	sshrl.u32 s7, $0x2;
	s24 =	sshrl.u32 s10, $0x3  }
0xe: {  	s12 =	ssub.s32 s23, s8;
	s13 =	sadd.s32 s7, s2;
	s5 =	sadd.s32 s1, s24  }
0xf: {  	s7 =	sadd.s32 $0x27000, s1;
	s30 =	sadd.s32 s10, s26;
	s31 =	sshrl.u32 s26, $0x3  }
0x10: {  	s23 =	simm.s32 $0x5000;
	s24 =	simm.s32 $0x2;
	s26 =	simm.s32 $0x3  }
0x11: {  	s9 =	sadd.s32 s6, s0;
	s0 =	sadd.s32 $0x3E600, s0;
	s6 =	sor.u32 $0x1C05, s25  }
0x12: {  	s1 =	sshrl.u32 s30, $0x3;
	s12 =	smax.u32 s12, $0x1;
	s13 =	sshrl.u32 s13, $0x3  }
0x13: {  	s25 =	simm.s32 $0x5080;
	s8 =	sadd.s32 $0xD600, s9;
	s11 =	sadd.s32 s0, s31  }
0x14: {  	s9 =	sadd.s32 $0x3800, s9;
	s10 =	sadd.s32 s0, s1;
	s11 =	sadd.s32 $0x27000, s11  }
.LBB2_1:
0x15: {  	[spmem:s13], [sflag:s6] =	dma.local [hbm:s5], $0x2700  }
0x16: {  	_ =	swait.ge [sflag:s14], $0x2700  }
0x17: {  	[sflag:s14] =	ssyncset.done $0x0  }
0x18: {  	s0 =	simm.s32 @!p0 $0x5;
	[sflag:s14] =	ssyncadd.s32 $0xFFFFD900  }
0x19: {  	[spmem:s15], [sflag:s6] =	dma.local @!p0 [hbm:s7], $0x100  }
0x1a: {  	_ =	swait.ge @!p0 [sflag:s0], $0x100  }
0x1b: {  	[sflag:s0] =	ssyncset.done @!p0 $0x0  }
0x1c: {  	[sflag:s0] =	ssyncadd.s32 @!p0 $0xFFFFFF00  }
0x1d: {  	[tilespmem:s3], [sflag:$0x5] =	stream.linear.gather [hbm4b:s8+s3], $0x2710, $0x38;
	[tilespmem:$0x1D980] =	vst v63  }
0x1e: {  	_ =	swait.ge [sflag:s14], $0x2710  }
0x1f: {  	[sflag:s14] =	ssyncset.done $0x0  }
0x20: {  	[sflag:s14] =	ssyncadd.s32 $0xFFFFD8F0  }
0x21: {  	[tilespmem:s16], [sflag:$0x5] =	stream.linear.gather [hbm4b:s9+s3], $0x2710, $0x38;
	[tilespmem:$0x1D980] =	vst v63  }
0x22: {  	_ =	swait.ge [sflag:s14], $0x2710  }
0x23: {  	[sflag:s14] =	ssyncset.done $0x0  }
0x24: {  	[sflag:s14] =	ssyncadd.s32 $0xFFFFD8F0  }
0x25: {  	[bflag:$0x0] =	sbarrier.arrive $0xFFFF  }
0x26: {  	v0 =	vld [tilespmem:$0x0]  }
0x27: {  	v1 =	vld [tilespmem:$0x2780]  }
0x28: {  	v2 =	vld [tilespmem:$0x10]  }
0x29: {  	v3 =	vld [tilespmem:$0x2790]  }
0x2a: {  	v4 =	vld [tilespmem:$0x20]  }
0x2b: {  	v47 =	vld [tilespmem:$0x27A0];
	[tilespmem:$0x4F00] =	vst v0  }
0x2c: {  	v48 =	vld [tilespmem:$0x30];
	[tilespmem:$0x5000] =	vst v1  }
0x2d: {  	v49 =	vld [tilespmem:$0x27B0];
	[tilespmem:$0x4F10] =	vst v2  }
0x2e: {  	v50 =	vld [tilespmem:$0x40];
	[tilespmem:$0x5010] =	vst v3  }
0x2f: {  	v51 =	vld [tilespmem:$0x27C0];
	[tilespmem:$0x4F20] =	vst v4  }
0x30: {  	[tilespmem:$0x5020] =	vst v47  }
0x31: {  	[tilespmem:$0x4F30] =	vst v48  }
0x32: {  	[tilespmem:$0x5030] =	vst v49  }
0x33: {  	[tilespmem:$0x4F40] =	vst v50  }
0x34: {  	[tilespmem:$0x5040] =	vst v51  }
0x35: {  	[tilespmem:s19], [sflag:$0x1] =	stream.indirect.gather [hbm4b:s4+s17], $0x80, s18, s17, $0xb8;
	[tilespmem:$0x1D980] =	vst v63  }
0x36: {  	v52 =	vld [tilespmem:$0x50]  }
0x37: {  	v53 =	vld [tilespmem:$0x27D0]  }
0x38: {  	v54 =	vld [tilespmem:$0x60]  }
0x39: {  	v55 =	vld [tilespmem:$0x27E0]  }
0x3a: {  	v56 =	vld [tilespmem:$0x70]  }
0x3b: {  	v57 =	vld [tilespmem:$0x27F0];
	[tilespmem:$0x4F80] =	vst v52  }
0x3c: {  	v58 =	vld [tilespmem:$0x80];
	[tilespmem:$0x5080] =	vst v53  }
0x3d: {  	v59 =	vld [tilespmem:$0x2800];
	[tilespmem:$0x4F90] =	vst v54  }
0x3e: {  	v60 =	vld [tilespmem:$0x90];
	[tilespmem:$0x5090] =	vst v55  }
0x3f: {  	v61 =	vld [tilespmem:$0x2810];
	[tilespmem:$0x4FA0] =	vst v56  }
0x40: {  	[tilespmem:$0x50A0] =	vst v57  }
0x41: {  	[tilespmem:$0x4FB0] =	vst v58  }
0x42: {  	[tilespmem:$0x50B0] =	vst v59  }
0x43: {  	[tilespmem:$0x4FC0] =	vst v60  }
0x44: {  	[tilespmem:$0x50C0] =	vst v61  }
0x45: {  	[tilespmem:s21], [sflag:$0x2] =	stream.indirect.gather [hbm4b:s4+s17], $0x80, s20, s17, $0xb8;
	[tilespmem:$0x1D980] =	vst v63  }
0x46: {  	_ =	swait.ge [sflag:s22], $0x2800  }
0x47: {  	[sflag:s22] =	ssyncset.done $0x0  }
0x48: {  	[sflag:s22] =	ssyncadd.s32 $0xFFFFD800  }
0x49: {  	[spmem:s2] =	stream.indirect.scatter.add.f32 [tilespmem:s19], [sflag:$0x3], $0x80, s23, s17, $0xb8;
	[tilespmem:$0x1D980] =	vst v63  }
0x4a: {  	_ =	swait.ge [sflag:s24], $0x2800  }
0x4b: {  	[sflag:s24] =	ssyncset.done $0x0  }
0x4c: {  	[sflag:s24] =	ssyncadd.s32 $0xFFFFD800  }
0x4d: {  	[spmem:s2] =	stream.indirect.scatter.add.f32 [tilespmem:s21], [sflag:$0x4], $0x80, s25, s17, $0xb8;
	[tilespmem:$0x1D980] =	vst v63  }
0x4e: {  	_ =	swait.ge [sflag:s26], $0x2800  }
0x4f: {  	[sflag:s26] =	ssyncset.done $0x0  }
0x50: {  	s0 =	simm.s32 $0x130;
	[sflag:s26] =	ssyncadd.s32 $0xFFFFD800  }
0x51: {  	v62 =	vld [tilespmem:s0+$0xFFFFFF70];
	_ =	sdelay $0x4  }
0x52: {  	s1 =	simm.s32 $0x28B0;
	[tilespmem:$0x4F00] =	vst v62  }
0x53: {  	v0 =	vld [tilespmem:s1+$0xFFFFFF70];
	_ =	sdelay $0x4  }
0x54: {  	[tilespmem:$0x5000] =	vst v0  }
0x55: {  	v0 =	vld [tilespmem:s0+$0xFFFFFF80];
	_ =	sdelay $0x4  }
0x56: {  	[tilespmem:$0x4F10] =	vst v0  }
0x57: {  	v0 =	vld [tilespmem:s1+$0xFFFFFF80];
	_ =	sdelay $0x4  }
0x58: {  	[tilespmem:$0x5010] =	vst v0  }
0x59: {  	v0 =	vld [tilespmem:s0+$0xFFFFFF90];
	_ =	sdelay $0x4  }
0x5a: {  	[tilespmem:$0x4F20] =	vst v0  }
0x5b: {  	v0 =	vld [tilespmem:s1+$0xFFFFFF90];
	_ =	sdelay $0x4  }
0x5c: {  	[tilespmem:$0x5020] =	vst v0  }
0x5d: {  	v0 =	vld [tilespmem:s0+$0xFFFFFFA0];
	_ =	sdelay $0x4  }
0x5e: {  	[tilespmem:$0x4F30] =	vst v0  }
0x5f: {  	v0 =	vld [tilespmem:s1+$0xFFFFFFA0];
	_ =	sdelay $0x4  }
0x60: {  	[tilespmem:$0x5030] =	vst v0  }
0x61: {  	v0 =	vld [tilespmem:s0+$0xFFFFFFB0];
	_ =	sdelay $0x4  }
0x62: {  	[tilespmem:$0x4F40] =	vst v0  }
0x63: {  	v0 =	vld [tilespmem:s1+$0xFFFFFFB0];
	_ =	sdelay $0x4  }
0x64: {  	[tilespmem:$0x5040] =	vst v0  }
0x65: {  	[tilespmem:s19], [sflag:$0x1] =	stream.indirect.gather [hbm4b:s4+s17], $0x80, s18, s17, $0xb8;
	[tilespmem:$0x1D980] =	vst v63  }
0x66: {  	_ =	swait.ge [sflag:s28], $0x2800  }
0x67: {  	[sflag:s28] =	ssyncset.done $0x0  }
0x68: {  	[sflag:s28] =	ssyncadd.s32 $0xFFFFD800  }
0x69: {  	v63 =	vld [tilespmem:s0+$0xFFFFFFC0];
	_ =	sdelay $0x4  }
0x6a: {  	[tilespmem:$0x4F80] =	vst v63  }
0x6b: {  	v0 =	vld [tilespmem:s1+$0xFFFFFFC0];
	_ =	sdelay $0x4  }
0x6c: {  	[tilespmem:$0x5080] =	vst v0  }
0x6d: {  	v0 =	vld [tilespmem:s0+$0xFFFFFFD0];
	_ =	sdelay $0x4  }
0x6e: {  	[tilespmem:$0x4F90] =	vst v0  }
0x6f: {  	v0 =	vld [tilespmem:s1+$0xFFFFFFD0];
	_ =	sdelay $0x4  }
0x70: {  	[tilespmem:$0x5090] =	vst v0  }
0x71: {  	v0 =	vld [tilespmem:s0+$0xFFFFFFE0];
	_ =	sdelay $0x4  }
0x72: {  	[tilespmem:$0x4FA0] =	vst v0  }
0x73: {  	v0 =	vld [tilespmem:s1+$0xFFFFFFE0];
	_ =	sdelay $0x3  }
0x74: {  	s30 =	simm.s32 $0xA0  }
0x75: {  	s30 =	sand.u32 $0x7FE0, s30;
	[tilespmem:$0x50A0] =	vst v0  }
0x76: {  	v0 =	vld [tilespmem:s30+$0x80];
	_ =	sdelay $0x4  }
0x77: {  	[tilespmem:$0x4FB0] =	vst v0  }
0x78: {  	v0 =	vld [tilespmem:s30+$0x2800];
	_ =	sdelay $0x4  }
0x79: {  	[tilespmem:$0x50B0] =	vst v0  }
0x7a: {  	v0 =	vld [tilespmem:s0+$0x0];
	_ =	sdelay $0x4  }
0x7b: {  	[tilespmem:$0x4FC0] =	vst v0  }
0x7c: {  	v0 =	vld [tilespmem:s1+$0x0];
	_ =	sdelay $0x4  }
0x7d: {  	s31 =	simm.s32 $0x2950;
	s30 =	simm.s32 $0x140;
	s1 =	simm.s32 $0x1D0;
	[tilespmem:$0x50C0] =	vst v0  }
.LBB2_2:
0x7e: {  	[tilespmem:s21], [sflag:$0x2] =	stream.indirect.gather [hbm4b:s4+s17], $0x80, s20, s17, $0xb8;
	[tilespmem:$0x1D980] =	vst v63  }
0x7f: {  	s0 =	smov.u32 s30  }
0x80: {  	p1 =	sne.s32 s30, $0x2620;
	s30 =	sadd.s32 $0xA0, s30;
	_ =	swait.ge [sflag:s22], $0x2800  }
0x81: {  	[sflag:s22] =	ssyncset.done $0x0  }
0x82: {  	[sflag:s22] =	ssyncadd.s32 $0xFFFFD800  }
0x83: {  	[spmem:s2] =	stream.indirect.scatter.add.f32 [tilespmem:s19], [sflag:$0x3], $0x80, s23, s17, $0xb8;
	[tilespmem:$0x1D980] =	vst v63  }
0x84: {  	_ =	swait.ge [sflag:s24], $0x2800  }
0x85: {  	[sflag:s24] =	ssyncset.done $0x0  }
0x86: {  	[sflag:s24] =	ssyncadd.s32 $0xFFFFD800  }
0x87: {  	[spmem:s2] =	stream.indirect.scatter.add.f32 [tilespmem:s21], [sflag:$0x4], $0x80, s25, s17, $0xb8;
	[tilespmem:$0x1D980] =	vst v63  }
0x88: {  	_ =	swait.ge [sflag:s26], $0x2800  }
0x89: {  	[sflag:s26] =	ssyncset.done $0x0  }
0x8a: {  	[sflag:s26] =	ssyncadd.s32 $0xFFFFD800  }
0x8b: {  	v0 =	vld [tilespmem:s1+$0xFFFFFF70];
	_ =	sdelay $0x4  }
0x8c: {  	[tilespmem:$0x4F00] =	vst v0  }
0x8d: {  	v0 =	vld [tilespmem:s31+$0xFFFFFF70];
	_ =	sdelay $0x4  }
0x8e: {  	[tilespmem:$0x5000] =	vst v0  }
0x8f: {  	v0 =	vld [tilespmem:s1+$0xFFFFFF80];
	_ =	sdelay $0x4  }
0x90: {  	[tilespmem:$0x4F10] =	vst v0  }
0x91: {  	v0 =	vld [tilespmem:s31+$0xFFFFFF80];
	_ =	sdelay $0x4  }
0x92: {  	[tilespmem:$0x5010] =	vst v0  }
0x93: {  	v0 =	vld [tilespmem:s1+$0xFFFFFF90];
	_ =	sdelay $0x4  }
0x94: {  	[tilespmem:$0x4F20] =	vst v0  }
0x95: {  	v0 =	vld [tilespmem:s31+$0xFFFFFF90];
	_ =	sdelay $0x4  }
0x96: {  	[tilespmem:$0x5020] =	vst v0  }
0x97: {  	v0 =	vld [tilespmem:s1+$0xFFFFFFA0];
	_ =	sdelay $0x4  }
0x98: {  	[tilespmem:$0x4F30] =	vst v0  }
0x99: {  	v0 =	vld [tilespmem:s31+$0xFFFFFFA0];
	_ =	sdelay $0x4  }
0x9a: {  	[tilespmem:$0x5030] =	vst v0  }
0x9b: {  	v0 =	vld [tilespmem:s1+$0xFFFFFFB0];
	_ =	sdelay $0x4  }
0x9c: {  	[tilespmem:$0x4F40] =	vst v0  }
0x9d: {  	v0 =	vld [tilespmem:s31+$0xFFFFFFB0];
	_ =	sdelay $0x4  }
0x9e: {  	[tilespmem:$0x5040] =	vst v0  }
0x9f: {  	[tilespmem:s19], [sflag:$0x1] =	stream.indirect.gather [hbm4b:s4+s17], $0x80, s18, s17, $0xb8;
	[tilespmem:$0x1D980] =	vst v63  }
0xa0: {  	_ =	swait.ge [sflag:s28], $0x2800  }
0xa1: {  	[sflag:s28] =	ssyncset.done $0x0  }
0xa2: {  	[sflag:s28] =	ssyncadd.s32 $0xFFFFD800  }
0xa3: {  	v0 =	vld [tilespmem:s1+$0xFFFFFFC0];
	_ =	sdelay $0x4  }
0xa4: {  	[tilespmem:$0x4F80] =	vst v0  }
0xa5: {  	v0 =	vld [tilespmem:s31+$0xFFFFFFC0];
	_ =	sdelay $0x4  }
0xa6: {  	[tilespmem:$0x5080] =	vst v0  }
0xa7: {  	v0 =	vld [tilespmem:s1+$0xFFFFFFD0];
	_ =	sdelay $0x4  }
0xa8: {  	[tilespmem:$0x4F90] =	vst v0  }
0xa9: {  	v0 =	vld [tilespmem:s31+$0xFFFFFFD0];
	_ =	sdelay $0x4  }
0xaa: {  	[tilespmem:$0x5090] =	vst v0  }
0xab: {  	v0 =	vld [tilespmem:s1+$0xFFFFFFE0];
	_ =	sdelay $0x4  }
0xac: {  	[tilespmem:$0x4FA0] =	vst v0  }
0xad: {  	v0 =	vld [tilespmem:s31+$0xFFFFFFE0];
	_ =	sdelay $0x4  }
0xae: {  	s0 =	sand.u32 $0x7FE0, s0;
	[tilespmem:$0x50A0] =	vst v0  }
0xaf: {  	v0 =	vld [tilespmem:s0+$0x80];
	_ =	sdelay $0x4  }
0xb0: {  	[tilespmem:$0x4FB0] =	vst v0  }
0xb1: {  	v0 =	vld [tilespmem:s0+$0x2800];
	_ =	sdelay $0x4  }
0xb2: {  	[tilespmem:$0x50B0] =	vst v0  }
0xb3: {  	v0 =	vld [tilespmem:s1+$0x0];
	_ =	sdelay $0x4  }
0xb4: {  	[tilespmem:$0x4FC0] =	vst v0  }
0xb5: {  	v0 =	vld [tilespmem:s31+$0x0]  }
.Ltmp0:
0xb6: {  	(pc) =	sbr.rel @p1 .LBB2_2-.Ltmp0, $2  }
0xb7: {  	_ =	sdelay $0x2  }
0xb8: {  	s1 =	sadd.s32 $0xA0, s1;
	s31 =	sadd.s32 $0xA0, s31;
	[tilespmem:$0x50C0] =	vst v0  }
0xb9: {  	[tilespmem:s21], [sflag:$0x2] =	stream.indirect.gather [hbm4b:s4+s17], $0x80, s20, s17, $0xb8;
	[tilespmem:$0x1D980] =	vst v63  }
0xba: {  	_ =	swait.ge [sflag:s22], $0x2800  }
0xbb: {  	[sflag:s22] =	ssyncset.done $0x0  }
0xbc: {  	[sflag:s22] =	ssyncadd.s32 $0xFFFFD800  }
0xbd: {  	[spmem:s2] =	stream.indirect.scatter.add.f32 [tilespmem:s19], [sflag:$0x3], $0x80, s23, s17, $0xb8;
	[tilespmem:$0x1D980] =	vst v63  }
0xbe: {  	_ =	swait.ge [sflag:s24], $0x2800  }
0xbf: {  	[sflag:s24] =	ssyncset.done $0x0  }
0xc0: {  	[sflag:s24] =	ssyncadd.s32 $0xFFFFD800  }
0xc1: {  	[spmem:s2] =	stream.indirect.scatter.add.f32 [tilespmem:s21], [sflag:$0x4], $0x80, s25, s17, $0xb8;
	[tilespmem:$0x1D980] =	vst v63  }
0xc2: {  	_ =	swait.ge [sflag:s26], $0x2800  }
0xc3: {  	[sflag:s26] =	ssyncset.done $0x0  }
0xc4: {  	[sflag:s26] =	ssyncadd.s32 $0xFFFFD800  }
0xc5: {  	_ =	swait.ge [sflag:s28], $0x2800  }
0xc6: {  	[sflag:s28] =	ssyncset.done $0x0  }
0xc7: {  	[sflag:s28] =	ssyncadd.s32 $0xFFFFD800  }
0xc8: {  	v0 =	vld [tilespmem:$0x26C0]  }
0xc9: {  	v1 =	vld [tilespmem:$0x4E40]  }
0xca: {  	v2 =	vld [tilespmem:$0x26D0]  }
0xcb: {  	v3 =	vld [tilespmem:$0x4E50]  }
0xcc: {  	v4 =	vld [tilespmem:$0x26E0]  }
0xcd: {  	v59 =	vld [tilespmem:$0x4E60];
	[tilespmem:$0x4F00] =	vst v0  }
0xce: {  	v60 =	vld [tilespmem:$0x26F0];
	[tilespmem:$0x5000] =	vst v1  }
0xcf: {  	v61 =	vld [tilespmem:$0x4E70];
	[tilespmem:$0x4F10] =	vst v2  }
0xd0: {  	v62 =	vld [tilespmem:$0x2700];
	[tilespmem:$0x5010] =	vst v3  }
0xd1: {  	v63 =	vld [tilespmem:$0x4E80];
	[tilespmem:$0x4F20] =	vst v4  }
0xd2: {  	[tilespmem:$0x5020] =	vst v59  }
0xd3: {  	[tilespmem:$0x4F30] =	vst v60  }
0xd4: {  	[tilespmem:$0x5030] =	vst v61  }
0xd5: {  	[tilespmem:$0x4F40] =	vst v62  }
0xd6: {  	[tilespmem:$0x5040] =	vst v63  }
0xd7: {  	[tilespmem:s19], [sflag:$0x1] =	stream.indirect.gather [hbm4b:s4+s17], $0x80, s18, s17, $0xb8;
	[tilespmem:$0x1D980] =	vst v63  }
0xd8: {  	_ =	swait.ge [sflag:s22], $0x2800  }
0xd9: {  	[sflag:s22] =	ssyncset.done $0x0  }
0xda: {  	[sflag:s22] =	ssyncadd.s32 $0xFFFFD800  }
0xdb: {  	[spmem:s2] =	stream.indirect.scatter.add.f32 [tilespmem:s19], [sflag:$0x5], $0x80, s23, s17, $0xb8;
	[tilespmem:$0x1D980] =	vst v63  }
0xdc: {  	_ =	swait.ge [sflag:s14], $0x2800  }
0xdd: {  	[sflag:s14] =	ssyncset.done $0x0  }
0xde: {  	[sflag:s14] =	ssyncadd.s32 $0xFFFFD800  }
0xdf: {  	[bflag:$0x0] =	sbarrier.arrive $0xFFFF  }
0xe0: {  	[hbm:s10], [sflag:s6] =	dma.local [spmem:s13], $0x2700  }
0xe1: {  	s29 =	sadd.s32 $0x1, s29;
	_ =	swait.ge [sflag:s14], $0x2700  }
0xe2: {  	p1 =	sne.s32 s29, s12;
	[sflag:s14] =	ssyncset.done $0x0  }
.Ltmp1:
0xe3: {  	s0 =	simm.s32 @!p0 $0x5;
	[sflag:s14] =	ssyncadd.s32 $0xFFFFD900;
	(pc) =	sbr.rel @p1 .LBB2_1-.Ltmp1, $4  }
0xe4: {  	[hbm:s11], [sflag:s6] =	dma.local @!p0 [spmem:s15], $0x100  }
0xe5: {  	_ =	swait.ge @!p0 [sflag:s0], $0x100  }
0xe6: {  	[sflag:s0] =	ssyncset.done @!p0 $0x0  }
0xe7: {  	[sflag:s0] =	ssyncadd.s32 @!p0 $0xFFFFFF00  }
0xe8: {  	_ =	sfence.sel $0x180000  }
0xe9: {  	[bflag:$0x0] =	sbarrier.arrive $0xFFFF  }
0xea: {  	_ =	strace $0x90000050  }
0xeb: {  	s0 =	stileid.u32;
	[bflag:$0x2] =	sbarrier.arrive $0xFFFF  }
0xec: {  	p0 =	sne.s32 s0, $0x0;
	s0 =	rddreg [dreg:$0x3]  }
0xed: {  	s0 =	sadd.s32 @!p0 $0x100000, s0  }
0xee: {  	[sflag:s0] =	ssyncadd.tile.s32 @!p0 $0x1;
	_ =	shalt  }
.Lfunc_end2:
_tile_overlayer_lowered:
.L_overlay_start_2:
0xef: {  	(tag) =	ssettag $0x2  }
0xf0: {  	s0 =	rddreg [dreg:$0x0];
	s2 =	stileid.u32  }
0xf1: {  	s1 =	rddreg [dreg:$0x1];
	p0 =	sne.s32 s2, $0x0  }
0xf2: {  	s3 =	rddreg [dreg:$0x2];
	[bflag:$0x3] =	sbarrier.arrive $0xFFFF;
	s2 =	simm.s32 @!p0 $0x1C05  }
0xf3: {  	[timem:s3], [sflag:s2] =	dma.local @!p0 [hbm:s0], s1  }
0xf4: {  	s0 =	simm.s32 @!p0 $0x5  }
0xf5: {  	_ =	swait.ge @!p0 [sflag:s0], s1  }
0xf6: {  	s1 =	ssub.s32 @!p0 $0x0, s1;
	[sflag:s0] =	ssyncset.done @!p0 $0x0  }
0xf7: {  	[sflag:s0] =	ssyncadd.s32 @!p0 s1  }
0xf8: {  	[bflag:$0x3] =	sbarrier.arrive $0xFFFF  }
0xf9: {  	_ =	shalt  }

// kernel: sage_segment_sum_sc.5.cloned.1.call-start
scs
__scs_entry_jumppad:
0x0: {  	(pc) =	sbr.rel $0x88, $3  }
0x1: {  	(tag) =	ssettag $0x0;
	lr =	simm.s32 $0x1  }
0x2: {  	[smem:$0x3F94] =	sst lr;
	_ =	strace $0xD0000000  }
0x3: {  	_ = 	snop  }
0x4: {  	_ = 	snop  }
0x5: {  	_ = 	snop  }
0x6: {  	_ = 	snop  }
0x7: {  	_ = 	snop  }
__scs_overlays_trampoline_lowered:
0x8: {  	[smem:$0x3FA3] =	sst s0  }
0x9: {  	[smem:$0x3FA4] =	sst s1  }
0xa: {  	[smem:$0x3FA5] =	sst s2  }
0xb: {  	[smem:$0x3FA6] =	sst s3  }
0xc: {  	[smem:$0x3FA7] =	sst s4  }
0xd: {  	[smem:$0x3FA8] =	sst s5  }
0xe: {  	[smem:$0x3FA9] =	sst s6  }
0xf: {  	[smem:$0x3FAA] =	sst s7  }
0x10: {  	[smem:$0x3FAB] =	sst s8  }
0x11: {  	[smem:$0x3FAC] =	sst s9;
	s0 =	simm.s32 @!p0 $0x0  }
0x12: {  	s1 =	sld [smem:$0x3F92];
	s0 =	simm.s32 @p0 $0x1  }
0x13: {  	[smem:$0x3FAD] =	sst s0;
	s0 =	simm.s32 @!p1 $0x0  }
0x14: {  	s2 =	sld [smem:$0x3F91];
	s0 =	simm.s32 @p1 $0x1  }
0x15: {  	[smem:$0x3FAE] =	sst s0;
	s0 =	simm.s32 @!p2 $0x0  }
0x16: {  	s3 =	sld [smem:$0x3FDB];
	s0 =	simm.s32 @p2 $0x1  }
0x17: {  	s4 =	simm.s32 $0x1BF5;
	[smem:$0x3FB0] =	sst s0  }
0x18: {  	s0 =	sld [smem:$0x3F93];
	_ =	swait.ge [sflag:s4], $0x0  }
0x19: {  	s7 =	sld [smem:$0x3F94]  }
0x1a: {  	s8 =	sadd.s32 $0xFFFFE003, lr  }
0x1b: {  	s9 =	sadd.s32 $0xFFFFFEF7, lr;
	s5 =	simm.s32 $0xFFFFFFFF;
	p2 =	slt.u32 s8, $0xFFFFF086  }
0x1c: {  	p1 =	slt.u32 s9, $0xF7A;
	s5 =	simm.s32 @!p2 $0x0  }
0x1d: {  	s5 =	simm.s32 @p1 $0x1;
	p0 =	seq.s32 s7, s2  }
0x1e: {  	s7 =	smul.u32 @!p0 $0xF7A, s2;
	p2 =	seq.s32 @!p0 s5, $0x0  }
0x1f: {  	s9 =	smul.u32 $0xF7A, s1;
	s8 =	simm.s32 @!p0 $0x1BF5;
	p2 =	por !p2, p0  }
0x20: {  	[sflag:s8] =	ssyncset.s32 @!p0 $0xFFFFF086;
	s6 =	sadd.s32 @!p0 s3, s7;
	s7 =	simm.s32 @!p0 $0x108  }
0x21: {  	s3 =	sadd.s32 s3, s9;
	s6 =	sadd.s32 @!p0 $0x88, s6;
	s7 =	simm.s32 @p2 $0x1082  }
0x22: {  	[simem:s7], [sflag:s8] =	dma.local @!p0 [hbm:s6], $0xF7A  }
0x23: {  	s9 =	sor.u32 $0xD0000000, s2;
	s6 =	simm.s32 $0x108;
	_ =	swait.ge @!p0 [sflag:s8], $0x0  }
0x24: {  	s3 =	sadd.s32 $0x88, s3;
	s6 =	simm.s32 @!p1 $0x1082;
	[sflag:s4] =	ssyncset.s32 $0xFFFFF086  }
0x25: {  	[simem:s6], [sflag:s4] =	dma.local [hbm:s3], $0xF7A  }
0x26: {  	[smem:$0x3F94] =	sst s1;
	(tag) =	ssettag s2;
	_ =	strace s9  }
0x27: {  	s1 =	sld [smem:$0x3FA4]  }
0x28: {  	s2 =	sld [smem:$0x3FA5]  }
0x29: {  	s4 =	sld [smem:$0x3FA7]  }
0x2a: {  	p0 =	seq.s32 s5, $0x0;
	s5 =	sld [smem:$0x3FA8]  }
0x2b: {  	s6 =	sld [smem:$0x3FA9]  }
0x2c: {  	s7 =	sld [smem:$0x3FAA]  }
0x2d: {  	s3 =	simm.s32 $0x108;
	s8 =	sld [smem:$0x3FAB]  }
0x2e: {  	s3 =	simm.s32 @!p0 $0x1082;
	s9 =	sld [smem:$0x3FAC]  }
0x2f: {  	lr =	sadd.s32 s0, s3;
	s0 =	sld [smem:$0x3FA3]  }
0x30: {  	s3 =	sld [smem:$0x3FA6]  }
0x31: {  	[smem:$0x3FAF] =	sst s10  }
0x32: {  	s10 =	sld [smem:$0x3FAD];
	_ =	sdelay $0x3  }
0x33: {  	p0 =	seq.s32 s10, $0x1;
	s10 =	sld [smem:$0x3FAF];
	_ =	sdelay $0x3  }
0x34: {  	[smem:$0x3FAF] =	sst s10  }
0x35: {  	s10 =	sld [smem:$0x3FAE];
	_ =	sdelay $0x3  }
0x36: {  	p1 =	seq.s32 s10, $0x1;
	s10 =	sld [smem:$0x3FAF];
	_ =	sdelay $0x3  }
0x37: {  	[smem:$0x3FAF] =	sst s10  }
0x38: {  	s10 =	sld [smem:$0x3FB0]  }
0x39: {  	_ = 	snop;
	(pc) =	sbr.ind lr, $3  }
0x3a: {  	_ = 	snop  }
0x3b: {  	_ = 	snop  }
0x3c: {  	p2 =	seq.s32 s10, $0x1;
	s10 =	sld [smem:$0x3FAF]  }
0x3d: {  	_ =	shalt  }
0x3e: {  	_ =	shalt  }
0x3f: {  	_ =	shalt  }
0x40: {  	_ =	shalt  }
0x41: {  	_ =	shalt  }
0x42: {  	_ =	shalt  }
0x43: {  	_ =	shalt  }
0x44: {  	_ =	shalt  }
0x45: {  	_ =	shalt  }
0x46: {  	_ =	shalt  }
0x47: {  	_ =	shalt  }
0x48: {  	_ =	shalt  }
0x49: {  	_ =	shalt  }
0x4a: {  	_ =	shalt  }
0x4b: {  	_ =	shalt  }
0x4c: {  	_ =	shalt  }
0x4d: {  	_ =	shalt  }
0x4e: {  	_ =	shalt  }
0x4f: {  	_ =	shalt  }
0x50: {  	_ =	shalt  }
0x51: {  	_ =	shalt  }
0x52: {  	_ =	shalt  }
0x53: {  	_ =	shalt  }
0x54: {  	_ =	shalt  }
0x55: {  	_ =	shalt  }
0x56: {  	_ =	shalt  }
0x57: {  	_ =	shalt  }
0x58: {  	_ =	shalt  }
0x59: {  	_ =	shalt  }
0x5a: {  	_ =	shalt  }
0x5b: {  	_ =	shalt  }
0x5c: {  	_ =	shalt  }
0x5d: {  	_ =	shalt  }
0x5e: {  	_ =	shalt  }
0x5f: {  	_ =	shalt  }
0x60: {  	_ =	shalt  }
0x61: {  	_ =	shalt  }
0x62: {  	_ =	shalt  }
0x63: {  	_ =	shalt  }
0x64: {  	_ =	shalt  }
0x65: {  	_ =	shalt  }
0x66: {  	_ =	shalt  }
0x67: {  	_ =	shalt  }
0x68: {  	_ =	shalt  }
0x69: {  	_ =	shalt  }
0x6a: {  	_ =	shalt  }
0x6b: {  	_ =	shalt  }
0x6c: {  	_ =	shalt  }
0x6d: {  	_ =	shalt  }
0x6e: {  	_ =	shalt  }
0x6f: {  	_ =	shalt  }
0x70: {  	_ =	shalt  }
0x71: {  	_ =	shalt  }
0x72: {  	_ =	shalt  }
0x73: {  	_ =	shalt  }
0x74: {  	_ =	shalt  }
0x75: {  	_ =	shalt  }
0x76: {  	_ =	shalt  }
0x77: {  	_ =	shalt  }
0x78: {  	_ =	shalt  }
0x79: {  	_ =	shalt  }
0x7a: {  	_ =	shalt  }
0x7b: {  	_ =	shalt  }
0x7c: {  	_ =	shalt  }
0x7d: {  	_ =	shalt  }
0x7e: {  	_ =	shalt  }
0x7f: {  	_ =	shalt  }
0x80: {  	_ =	shalt  }
0x81: {  	_ =	shalt  }
0x82: {  	_ =	shalt  }
0x83: {  	_ =	shalt  }
0x84: {  	_ =	shalt  }
0x85: {  	_ =	shalt  }
0x86: {  	_ =	shalt  }
0x87: {  	_ =	shalt  }
.Lfunc_end0:
.L_simem_size_0:
called_computation.1_lowered:
.L_overlay_start_0:
0x88: {  	s2 =	sld [smem:$0x3FD9]  }
0x89: {  	s3 =	sld [smem:$0x3FFE];
	_ =	sdelay $0x1  }
0x8a: {  	s1 =	srdreg.scid  }
0x8b: {  	s0 =	sand.u32 $0x1, s1  }
0x8c: {  	s17 =	sshll.u32 s0, $0xA;
	s2 =	sadd.s32 s3, s2  }
0x8d: {  	s2 =	sadd.s32 s2, s17  }
0x8e: {  	[smem:$0x3FBB] =	sst s2  }
0x8f: {  	_ = 	snop  }
0x90: {  	s2 =	sld [smem:$0x3FD0];
	(tm) =	ssettm $0x1  }
0x91: {  	s18 =	sld [smem:$0x3FFB];
	_ =	sdelay $0x3  }
0x92: {  	_ =	strace s18  }
0x93: {  	s3 =	sld [smem:$0x3FFC];
	_ =	sdelay $0x3  }
0x94: {  	_ =	strace s3  }
0x95: {  	s3 =	sld [smem:$0x3FFD];
	_ =	sdelay $0x3  }
0x96: {  	_ =	strace s3  }
0x97: {  	_ =	strace $0x8FFFFFFF  }
0x98: {  	s19 =	sld [smem:$0x3FDB];
	_ =	sdelay $0x1  }
0x99: {  	s4 =	simm.s32 $_scs_section_size  }
0x9a: {  	s5 =	simm.s32 $_size__tile_overlayer_lowered;
	s6 =	simm.s32 $_tile_overlayer_lowered  }
0x9b: {  	s22 =	simm.s32 $0x1BFF;
	s21 =	sshll.u32 s6, $0x1;
	s3 =	sadd.s32 s4, s19  }
0x9c: {  	s7 =	simm.s32 $0x0;
	s20 =	sshll.u32 s5, $0x1;
	s5 =	sadd.s32 s21, s3  }
0x9d: {  	[timem:s7], [sflag:s22] =	dma.local [hbm:s5], s20  }
0x9e: {  	_ =	swait.ge [sflag:s22], s20  }
0x9f: {  	s4 =	ssub.s32 $0x0, s20;
	[sflag:s22] =	ssyncset.done $0x0  }
0xa0: {  	[sflag:s22] =	ssyncadd.s32 s4;
	_ =	sdelay $0x1  }
0xa1: {  	s23 =	simm.s32 $0x1B8B  }
0xa2: {  	_ =	swait.ge [sflag:s23], $0x1  }
0xa3: {  	[sflag:s23] =	ssyncset.done $0x0  }
0xa4: {  	s25 =	simm.s32 $0x1B8E;
	s24 =	sld [smem:$0x3FFE];
	[sflag:s23] =	ssyncadd.s32 $0xFFFFFFFF  }
0xa5: {  	s26 =	simm.s32 $execute0_lowered;
	[smem:$0x3FD2] =	sst s25  }
0xa6: {  	s5 =	sshll.u32 s26, $0x1;
	_ =	strace $0x80000046;
	[dreg:$0x1] =	wrdreg $0xFFFFFFFF  }
0xa7: {  	s28 =	simm.s32 $_size_execute0_lowered;
	s3 =	sadd.s32 s3, s5;
	[dreg:$0x0] =	wrdreg $0x0  }
0xa8: {  	s5 =	sshll.u32 s28, $0x1;
	[dreg:$0x2] =	wrdreg s3  }
0xa9: {  	[dreg:$0x3] =	wrdreg s5  }
0xaa: {  	[dreg:$0x4] =	wrdreg $0xC0  }
0xab: {  	_ =	task [dreg:s7], $0x5FFFF  }
0xac: {  	[dreg:$0x1] =	wrdreg $0xFFFFFFFF  }
0xad: {  	[dreg:$0x0] =	wrdreg $0x60  }
0xae: {  	[dreg:$0x2] =	wrdreg s24  }
0xaf: {  	[dreg:$0x3] =	wrdreg s2  }
0xb0: {  	[dreg:$0x4] =	wrdreg $0xA1000  }
0xb1: {  	[dreg:$0x5] =	wrdreg $0xA  }
0xb2: {  	_ =	task.clear_ibuf [dreg:s7], $0x6FFFF;
	_ =	strace $0x90000046  }
0xb3: {  	s29 =	simm.s32 $0xA;
	_ =	strace $0x80000048  }
0xb4: {  	_ =	swait.ge [sflag:s29], $0x1  }
0xb5: {  	[sflag:s29] =	ssyncadd.s32 $0xFFFFFFFF  }
0xb6: {  	_ =	strace $0x90000048  }
0xb7: {  	_ =	sfence  }
0xb8: {  	s30 =	sld [smem:$0x0];
	_ =	sdelay $0x2  }
0xb9: {  	s31 =	sshll.u32 s1, $0xD;
	s1 =	sshrl.u32 s1, $0x2  }
0xba: {  	s3 =	sand.u32 $0x4000, s31;
	s1 =	sadd.s32 s1, s30  }
0xbb: {  	s0 =	sor.u32 s3, s0;
	s1 =	sshll.u32 s1, $0x11  }
0xbc: {  	s0 =	sor.u32 s1, s0  }
0xbd: {  	s0 =	sadd.s32 $0x8F2B, s0  }
0xbe: {  	[sflag:s0] =	ssyncadd.remote.s32 $0x1  }
0xbf: {  	_ =	sfence.sel $0xFFFF  }
0xc0: {  	[dreg:$0x0] =	wrdreg $0xFFFFFFFF;
	(pc) =	sbr.abs _section_cstart, $3  }
0xc1: {  	[dreg:$0x1] =	wrdreg $0xFFFFFFFF  }
0xc2: {  	_ =	task.clear_ibuf [dreg:s7], $0x2FFFF;
	_ =	strace $0x9FFFFFFF  }
0xc3: {  	(tm) =	ssettm $0x7FFFFFFF  }
tec
execute0_lowered:
.L_overlay_start_1:
0x0: {  	(tag) =	ssettag $0x1  }
0x1: {  	s0 =	rddreg [dreg:$0x0]  }
0x2: {  	s1 =	rddreg [dreg:$0x1]  }
0x3: {  	s3 =	srdreg.scid;
	s14 =	stileid.u32  }
0x4: {  	s2 =	rddreg [dreg:$0x2];
	s16 =	simm.s32 $0x2780;
	s17 =	simm.s32 $0x50  }
0x5: {  	s18 =	simm.s32 $0x4F00;
	s19 =	simm.s32 $0x5100;
	s20 =	simm.s32 $0x4F80  }
0x6: {  	s21 =	simm.s32 $0x7900;
	s22 =	simm.s32 $0x1;
	s28 =	simm.s32 $0x4  }
0x7: {  	s29 =	simm.s32 $0x0;
	s5 =	sand.u32 $0x1, s3;
	s7 =	smul.u32 $0x4E000, s14  }
0x8: {  	s4 =	sshll.u32 s14, $0x1;
	s3 =	simm.s32 $0x0;
	s10 =	smul.u32 $0x13800, s14  }
0x9: {  	s25 =	sshll.u32 s14, $0x6;
	s15 =	sadd.s32 $0x138000, s2;
	p0 =	sne.s32 s14, $0xF  }
0xa: {  	s14 =	simm.s32 $0x5;
	s4 =	sor.u32 s5, s4;
	[smem:$0x7FF] =	sst s3  }
0xb: {  	s23 =	ssub.s32 $0x2, s5;
	s26 =	smul.u32 $0x138800, s5;
	s15 =	sshrl.u32 @!p0 s15, $0x3  }
0xc: {  	s6 =	smul.u32 $0x4E2, s4;
	_ =	strace $0x80000047;
	s4 =	sadd.s32 $0x17400, s0  }
0xd: {  	s8 =	sshrl.u32 s23, $0x1;
	s7 =	sshrl.u32 s7, $0x2;
	s24 =	sshrl.u32 s10, $0x3  }
0xe: {  	s12 =	ssub.s32 s23, s8;
	s13 =	sadd.s32 s7, s2;
	s5 =	sadd.s32 s1, s24  }
0xf: {  	s7 =	sadd.s32 $0x27000, s1;
	s30 =	sadd.s32 s10, s26;
	s31 =	sshrl.u32 s26, $0x3  }
0x10: {  	s23 =	simm.s32 $0x5000;
	s24 =	simm.s32 $0x2;
	s26 =	simm.s32 $0x3  }
0x11: {  	s9 =	sadd.s32 s6, s0;
	s0 =	sadd.s32 $0x65800, s0;
	s6 =	sor.u32 $0x1C05, s25  }
0x12: {  	s1 =	sshrl.u32 s30, $0x3;
	s12 =	smax.u32 s12, $0x1;
	s13 =	sshrl.u32 s13, $0x3  }
0x13: {  	s25 =	simm.s32 $0x5080;
	s8 =	sadd.s32 $0xD600, s9;
	s11 =	sadd.s32 s0, s31  }
0x14: {  	s9 =	sadd.s32 $0x3800, s9;
	s10 =	sadd.s32 s0, s1;
	s11 =	sadd.s32 $0x27000, s11  }
.LBB2_1:
0x15: {  	[spmem:s13], [sflag:s6] =	dma.local [hbm:s5], $0x2700  }
0x16: {  	_ =	swait.ge [sflag:s14], $0x2700  }
0x17: {  	[sflag:s14] =	ssyncset.done $0x0  }
0x18: {  	s0 =	simm.s32 @!p0 $0x5;
	[sflag:s14] =	ssyncadd.s32 $0xFFFFD900  }
0x19: {  	[spmem:s15], [sflag:s6] =	dma.local @!p0 [hbm:s7], $0x100  }
0x1a: {  	_ =	swait.ge @!p0 [sflag:s0], $0x100  }
0x1b: {  	[sflag:s0] =	ssyncset.done @!p0 $0x0  }
0x1c: {  	[sflag:s0] =	ssyncadd.s32 @!p0 $0xFFFFFF00  }
0x1d: {  	[tilespmem:s3], [sflag:$0x5] =	stream.linear.gather [hbm4b:s8+s3], $0x2710, $0x38;
	[tilespmem:$0x1D980] =	vst v63  }
0x1e: {  	_ =	swait.ge [sflag:s14], $0x2710  }
0x1f: {  	[sflag:s14] =	ssyncset.done $0x0  }
0x20: {  	[sflag:s14] =	ssyncadd.s32 $0xFFFFD8F0  }
0x21: {  	[tilespmem:s16], [sflag:$0x5] =	stream.linear.gather [hbm4b:s9+s3], $0x2710, $0x38;
	[tilespmem:$0x1D980] =	vst v63  }
0x22: {  	_ =	swait.ge [sflag:s14], $0x2710  }
0x23: {  	[sflag:s14] =	ssyncset.done $0x0  }
0x24: {  	[sflag:s14] =	ssyncadd.s32 $0xFFFFD8F0  }
0x25: {  	[bflag:$0x0] =	sbarrier.arrive $0xFFFF  }
0x26: {  	v0 =	vld [tilespmem:$0x0]  }
0x27: {  	v1 =	vld [tilespmem:$0x2780]  }
0x28: {  	v2 =	vld [tilespmem:$0x10]  }
0x29: {  	v3 =	vld [tilespmem:$0x2790]  }
0x2a: {  	v4 =	vld [tilespmem:$0x20]  }
0x2b: {  	v47 =	vld [tilespmem:$0x27A0];
	[tilespmem:$0x4F00] =	vst v0  }
0x2c: {  	v48 =	vld [tilespmem:$0x30];
	[tilespmem:$0x5000] =	vst v1  }
0x2d: {  	v49 =	vld [tilespmem:$0x27B0];
	[tilespmem:$0x4F10] =	vst v2  }
0x2e: {  	v50 =	vld [tilespmem:$0x40];
	[tilespmem:$0x5010] =	vst v3  }
0x2f: {  	v51 =	vld [tilespmem:$0x27C0];
	[tilespmem:$0x4F20] =	vst v4  }
0x30: {  	[tilespmem:$0x5020] =	vst v47  }
0x31: {  	[tilespmem:$0x4F30] =	vst v48  }
0x32: {  	[tilespmem:$0x5030] =	vst v49  }
0x33: {  	[tilespmem:$0x4F40] =	vst v50  }
0x34: {  	[tilespmem:$0x5040] =	vst v51  }
0x35: {  	[tilespmem:s19], [sflag:$0x1] =	stream.indirect.gather [hbm4b:s4+s17], $0x80, s18, s17, $0xb8;
	[tilespmem:$0x1D980] =	vst v63  }
0x36: {  	v52 =	vld [tilespmem:$0x50]  }
0x37: {  	v53 =	vld [tilespmem:$0x27D0]  }
0x38: {  	v54 =	vld [tilespmem:$0x60]  }
0x39: {  	v55 =	vld [tilespmem:$0x27E0]  }
0x3a: {  	v56 =	vld [tilespmem:$0x70]  }
0x3b: {  	v57 =	vld [tilespmem:$0x27F0];
	[tilespmem:$0x4F80] =	vst v52  }
0x3c: {  	v58 =	vld [tilespmem:$0x80];
	[tilespmem:$0x5080] =	vst v53  }
0x3d: {  	v59 =	vld [tilespmem:$0x2800];
	[tilespmem:$0x4F90] =	vst v54  }
0x3e: {  	v60 =	vld [tilespmem:$0x90];
	[tilespmem:$0x5090] =	vst v55  }
0x3f: {  	v61 =	vld [tilespmem:$0x2810];
	[tilespmem:$0x4FA0] =	vst v56  }
0x40: {  	[tilespmem:$0x50A0] =	vst v57  }
0x41: {  	[tilespmem:$0x4FB0] =	vst v58  }
0x42: {  	[tilespmem:$0x50B0] =	vst v59  }
0x43: {  	[tilespmem:$0x4FC0] =	vst v60  }
0x44: {  	[tilespmem:$0x50C0] =	vst v61  }
0x45: {  	[tilespmem:s21], [sflag:$0x2] =	stream.indirect.gather [hbm4b:s4+s17], $0x80, s20, s17, $0xb8;
	[tilespmem:$0x1D980] =	vst v63  }
0x46: {  	_ =	swait.ge [sflag:s22], $0x2800  }
0x47: {  	[sflag:s22] =	ssyncset.done $0x0  }
0x48: {  	[sflag:s22] =	ssyncadd.s32 $0xFFFFD800  }
0x49: {  	[spmem:s2] =	stream.indirect.scatter.add.f32 [tilespmem:s19], [sflag:$0x3], $0x80, s23, s17, $0xb8;
	[tilespmem:$0x1D980] =	vst v63  }
0x4a: {  	_ =	swait.ge [sflag:s24], $0x2800  }
0x4b: {  	[sflag:s24] =	ssyncset.done $0x0  }
0x4c: {  	[sflag:s24] =	ssyncadd.s32 $0xFFFFD800  }
0x4d: {  	[spmem:s2] =	stream.indirect.scatter.add.f32 [tilespmem:s21], [sflag:$0x4], $0x80, s25, s17, $0xb8;
	[tilespmem:$0x1D980] =	vst v63  }
0x4e: {  	_ =	swait.ge [sflag:s26], $0x2800  }
0x4f: {  	[sflag:s26] =	ssyncset.done $0x0  }
0x50: {  	s0 =	simm.s32 $0x130;
	[sflag:s26] =	ssyncadd.s32 $0xFFFFD800  }
0x51: {  	v62 =	vld [tilespmem:s0+$0xFFFFFF70];
	_ =	sdelay $0x4  }
0x52: {  	s1 =	simm.s32 $0x28B0;
	[tilespmem:$0x4F00] =	vst v62  }
0x53: {  	v0 =	vld [tilespmem:s1+$0xFFFFFF70];
	_ =	sdelay $0x4  }
0x54: {  	[tilespmem:$0x5000] =	vst v0  }
0x55: {  	v0 =	vld [tilespmem:s0+$0xFFFFFF80];
	_ =	sdelay $0x4  }
0x56: {  	[tilespmem:$0x4F10] =	vst v0  }
0x57: {  	v0 =	vld [tilespmem:s1+$0xFFFFFF80];
	_ =	sdelay $0x4  }
0x58: {  	[tilespmem:$0x5010] =	vst v0  }
0x59: {  	v0 =	vld [tilespmem:s0+$0xFFFFFF90];
	_ =	sdelay $0x4  }
0x5a: {  	[tilespmem:$0x4F20] =	vst v0  }
0x5b: {  	v0 =	vld [tilespmem:s1+$0xFFFFFF90];
	_ =	sdelay $0x4  }
0x5c: {  	[tilespmem:$0x5020] =	vst v0  }
0x5d: {  	v0 =	vld [tilespmem:s0+$0xFFFFFFA0];
	_ =	sdelay $0x4  }
0x5e: {  	[tilespmem:$0x4F30] =	vst v0  }
0x5f: {  	v0 =	vld [tilespmem:s1+$0xFFFFFFA0];
	_ =	sdelay $0x4  }
0x60: {  	[tilespmem:$0x5030] =	vst v0  }
0x61: {  	v0 =	vld [tilespmem:s0+$0xFFFFFFB0];
	_ =	sdelay $0x4  }
0x62: {  	[tilespmem:$0x4F40] =	vst v0  }
0x63: {  	v0 =	vld [tilespmem:s1+$0xFFFFFFB0];
	_ =	sdelay $0x4  }
0x64: {  	[tilespmem:$0x5040] =	vst v0  }
0x65: {  	[tilespmem:s19], [sflag:$0x1] =	stream.indirect.gather [hbm4b:s4+s17], $0x80, s18, s17, $0xb8;
	[tilespmem:$0x1D980] =	vst v63  }
0x66: {  	_ =	swait.ge [sflag:s28], $0x2800  }
0x67: {  	[sflag:s28] =	ssyncset.done $0x0  }
0x68: {  	[sflag:s28] =	ssyncadd.s32 $0xFFFFD800  }
0x69: {  	v63 =	vld [tilespmem:s0+$0xFFFFFFC0];
	_ =	sdelay $0x4  }
0x6a: {  	[tilespmem:$0x4F80] =	vst v63  }
0x6b: {  	v0 =	vld [tilespmem:s1+$0xFFFFFFC0];
	_ =	sdelay $0x4  }
0x6c: {  	[tilespmem:$0x5080] =	vst v0  }
0x6d: {  	v0 =	vld [tilespmem:s0+$0xFFFFFFD0];
	_ =	sdelay $0x4  }
0x6e: {  	[tilespmem:$0x4F90] =	vst v0  }
0x6f: {  	v0 =	vld [tilespmem:s1+$0xFFFFFFD0];
	_ =	sdelay $0x4  }
0x70: {  	[tilespmem:$0x5090] =	vst v0  }
0x71: {  	v0 =	vld [tilespmem:s0+$0xFFFFFFE0];
	_ =	sdelay $0x4  }
0x72: {  	[tilespmem:$0x4FA0] =	vst v0  }
0x73: {  	v0 =	vld [tilespmem:s1+$0xFFFFFFE0];
	_ =	sdelay $0x3  }
0x74: {  	s30 =	simm.s32 $0xA0  }
0x75: {  	s30 =	sand.u32 $0x7FE0, s30;
	[tilespmem:$0x50A0] =	vst v0  }
0x76: {  	v0 =	vld [tilespmem:s30+$0x80];
	_ =	sdelay $0x4  }
0x77: {  	[tilespmem:$0x4FB0] =	vst v0  }
0x78: {  	v0 =	vld [tilespmem:s30+$0x2800];
	_ =	sdelay $0x4  }
0x79: {  	[tilespmem:$0x50B0] =	vst v0  }
0x7a: {  	v0 =	vld [tilespmem:s0+$0x0];
	_ =	sdelay $0x4  }
0x7b: {  	[tilespmem:$0x4FC0] =	vst v0  }
0x7c: {  	v0 =	vld [tilespmem:s1+$0x0];
	_ =	sdelay $0x4  }
0x7d: {  	s31 =	simm.s32 $0x2950;
	s30 =	simm.s32 $0x140;
	s1 =	simm.s32 $0x1D0;
	[tilespmem:$0x50C0] =	vst v0  }
.LBB2_2:
0x7e: {  	[tilespmem:s21], [sflag:$0x2] =	stream.indirect.gather [hbm4b:s4+s17], $0x80, s20, s17, $0xb8;
	[tilespmem:$0x1D980] =	vst v63  }
0x7f: {  	s0 =	smov.u32 s30  }
0x80: {  	p1 =	sne.s32 s30, $0x2620;
	s30 =	sadd.s32 $0xA0, s30;
	_ =	swait.ge [sflag:s22], $0x2800  }
0x81: {  	[sflag:s22] =	ssyncset.done $0x0  }
0x82: {  	[sflag:s22] =	ssyncadd.s32 $0xFFFFD800  }
0x83: {  	[spmem:s2] =	stream.indirect.scatter.add.f32 [tilespmem:s19], [sflag:$0x3], $0x80, s23, s17, $0xb8;
	[tilespmem:$0x1D980] =	vst v63  }
0x84: {  	_ =	swait.ge [sflag:s24], $0x2800  }
0x85: {  	[sflag:s24] =	ssyncset.done $0x0  }
0x86: {  	[sflag:s24] =	ssyncadd.s32 $0xFFFFD800  }
0x87: {  	[spmem:s2] =	stream.indirect.scatter.add.f32 [tilespmem:s21], [sflag:$0x4], $0x80, s25, s17, $0xb8;
	[tilespmem:$0x1D980] =	vst v63  }
0x88: {  	_ =	swait.ge [sflag:s26], $0x2800  }
0x89: {  	[sflag:s26] =	ssyncset.done $0x0  }
0x8a: {  	[sflag:s26] =	ssyncadd.s32 $0xFFFFD800  }
0x8b: {  	v0 =	vld [tilespmem:s1+$0xFFFFFF70];
	_ =	sdelay $0x4  }
0x8c: {  	[tilespmem:$0x4F00] =	vst v0  }
0x8d: {  	v0 =	vld [tilespmem:s31+$0xFFFFFF70];
	_ =	sdelay $0x4  }
0x8e: {  	[tilespmem:$0x5000] =	vst v0  }
0x8f: {  	v0 =	vld [tilespmem:s1+$0xFFFFFF80];
	_ =	sdelay $0x4  }
0x90: {  	[tilespmem:$0x4F10] =	vst v0  }
0x91: {  	v0 =	vld [tilespmem:s31+$0xFFFFFF80];
	_ =	sdelay $0x4  }
0x92: {  	[tilespmem:$0x5010] =	vst v0  }
0x93: {  	v0 =	vld [tilespmem:s1+$0xFFFFFF90];
	_ =	sdelay $0x4  }
0x94: {  	[tilespmem:$0x4F20] =	vst v0  }
0x95: {  	v0 =	vld [tilespmem:s31+$0xFFFFFF90];
	_ =	sdelay $0x4  }
0x96: {  	[tilespmem:$0x5020] =	vst v0  }
0x97: {  	v0 =	vld [tilespmem:s1+$0xFFFFFFA0];
	_ =	sdelay $0x4  }
0x98: {  	[tilespmem:$0x4F30] =	vst v0  }
0x99: {  	v0 =	vld [tilespmem:s31+$0xFFFFFFA0];
	_ =	sdelay $0x4  }
0x9a: {  	[tilespmem:$0x5030] =	vst v0  }
0x9b: {  	v0 =	vld [tilespmem:s1+$0xFFFFFFB0];
	_ =	sdelay $0x4  }
0x9c: {  	[tilespmem:$0x4F40] =	vst v0  }
0x9d: {  	v0 =	vld [tilespmem:s31+$0xFFFFFFB0];
	_ =	sdelay $0x4  }
0x9e: {  	[tilespmem:$0x5040] =	vst v0  }
0x9f: {  	[tilespmem:s19], [sflag:$0x1] =	stream.indirect.gather [hbm4b:s4+s17], $0x80, s18, s17, $0xb8;
	[tilespmem:$0x1D980] =	vst v63  }
0xa0: {  	_ =	swait.ge [sflag:s28], $0x2800  }
0xa1: {  	[sflag:s28] =	ssyncset.done $0x0  }
0xa2: {  	[sflag:s28] =	ssyncadd.s32 $0xFFFFD800  }
0xa3: {  	v0 =	vld [tilespmem:s1+$0xFFFFFFC0];
	_ =	sdelay $0x4  }
0xa4: {  	[tilespmem:$0x4F80] =	vst v0  }
0xa5: {  	v0 =	vld [tilespmem:s31+$0xFFFFFFC0];
	_ =	sdelay $0x4  }
0xa6: {  	[tilespmem:$0x5080] =	vst v0  }
0xa7: {  	v0 =	vld [tilespmem:s1+$0xFFFFFFD0];
	_ =	sdelay $0x4  }
0xa8: {  	[tilespmem:$0x4F90] =	vst v0  }
0xa9: {  	v0 =	vld [tilespmem:s31+$0xFFFFFFD0];
	_ =	sdelay $0x4  }
0xaa: {  	[tilespmem:$0x5090] =	vst v0  }
0xab: {  	v0 =	vld [tilespmem:s1+$0xFFFFFFE0];
	_ =	sdelay $0x4  }
0xac: {  	[tilespmem:$0x4FA0] =	vst v0  }
0xad: {  	v0 =	vld [tilespmem:s31+$0xFFFFFFE0];
	_ =	sdelay $0x4  }
0xae: {  	s0 =	sand.u32 $0x7FE0, s0;
	[tilespmem:$0x50A0] =	vst v0  }
0xaf: {  	v0 =	vld [tilespmem:s0+$0x80];
	_ =	sdelay $0x4  }
0xb0: {  	[tilespmem:$0x4FB0] =	vst v0  }
0xb1: {  	v0 =	vld [tilespmem:s0+$0x2800];
	_ =	sdelay $0x4  }
0xb2: {  	[tilespmem:$0x50B0] =	vst v0  }
0xb3: {  	v0 =	vld [tilespmem:s1+$0x0];
	_ =	sdelay $0x4  }
0xb4: {  	[tilespmem:$0x4FC0] =	vst v0  }
0xb5: {  	v0 =	vld [tilespmem:s31+$0x0]  }
.Ltmp0:
0xb6: {  	(pc) =	sbr.rel @p1 .LBB2_2-.Ltmp0, $2  }
0xb7: {  	_ =	sdelay $0x2  }
0xb8: {  	s1 =	sadd.s32 $0xA0, s1;
	s31 =	sadd.s32 $0xA0, s31;
	[tilespmem:$0x50C0] =	vst v0  }
0xb9: {  	[tilespmem:s21], [sflag:$0x2] =	stream.indirect.gather [hbm4b:s4+s17], $0x80, s20, s17, $0xb8;
	[tilespmem:$0x1D980] =	vst v63  }
0xba: {  	_ =	swait.ge [sflag:s22], $0x2800  }
0xbb: {  	[sflag:s22] =	ssyncset.done $0x0  }
0xbc: {  	[sflag:s22] =	ssyncadd.s32 $0xFFFFD800  }
0xbd: {  	[spmem:s2] =	stream.indirect.scatter.add.f32 [tilespmem:s19], [sflag:$0x3], $0x80, s23, s17, $0xb8;
	[tilespmem:$0x1D980] =	vst v63  }
0xbe: {  	_ =	swait.ge [sflag:s24], $0x2800  }
0xbf: {  	[sflag:s24] =	ssyncset.done $0x0  }
0xc0: {  	[sflag:s24] =	ssyncadd.s32 $0xFFFFD800  }
0xc1: {  	[spmem:s2] =	stream.indirect.scatter.add.f32 [tilespmem:s21], [sflag:$0x4], $0x80, s25, s17, $0xb8;
	[tilespmem:$0x1D980] =	vst v63  }
0xc2: {  	_ =	swait.ge [sflag:s26], $0x2800  }
0xc3: {  	[sflag:s26] =	ssyncset.done $0x0  }
0xc4: {  	[sflag:s26] =	ssyncadd.s32 $0xFFFFD800  }
0xc5: {  	_ =	swait.ge [sflag:s28], $0x2800  }
0xc6: {  	[sflag:s28] =	ssyncset.done $0x0  }
0xc7: {  	[sflag:s28] =	ssyncadd.s32 $0xFFFFD800  }
0xc8: {  	v0 =	vld [tilespmem:$0x26C0]  }
0xc9: {  	v1 =	vld [tilespmem:$0x4E40]  }
0xca: {  	v2 =	vld [tilespmem:$0x26D0]  }
0xcb: {  	v3 =	vld [tilespmem:$0x4E50]  }
0xcc: {  	v4 =	vld [tilespmem:$0x26E0]  }
0xcd: {  	v59 =	vld [tilespmem:$0x4E60];
	[tilespmem:$0x4F00] =	vst v0  }
0xce: {  	v60 =	vld [tilespmem:$0x26F0];
	[tilespmem:$0x5000] =	vst v1  }
0xcf: {  	v61 =	vld [tilespmem:$0x4E70];
	[tilespmem:$0x4F10] =	vst v2  }
0xd0: {  	v62 =	vld [tilespmem:$0x2700];
	[tilespmem:$0x5010] =	vst v3  }
0xd1: {  	v63 =	vld [tilespmem:$0x4E80];
	[tilespmem:$0x4F20] =	vst v4  }
0xd2: {  	[tilespmem:$0x5020] =	vst v59  }
0xd3: {  	[tilespmem:$0x4F30] =	vst v60  }
0xd4: {  	[tilespmem:$0x5030] =	vst v61  }
0xd5: {  	[tilespmem:$0x4F40] =	vst v62  }
0xd6: {  	[tilespmem:$0x5040] =	vst v63  }
0xd7: {  	[tilespmem:s19], [sflag:$0x1] =	stream.indirect.gather [hbm4b:s4+s17], $0x80, s18, s17, $0xb8;
	[tilespmem:$0x1D980] =	vst v63  }
0xd8: {  	_ =	swait.ge [sflag:s22], $0x2800  }
0xd9: {  	[sflag:s22] =	ssyncset.done $0x0  }
0xda: {  	[sflag:s22] =	ssyncadd.s32 $0xFFFFD800  }
0xdb: {  	[spmem:s2] =	stream.indirect.scatter.add.f32 [tilespmem:s19], [sflag:$0x5], $0x80, s23, s17, $0xb8;
	[tilespmem:$0x1D980] =	vst v63  }
0xdc: {  	_ =	swait.ge [sflag:s14], $0x2800  }
0xdd: {  	[sflag:s14] =	ssyncset.done $0x0  }
0xde: {  	[sflag:s14] =	ssyncadd.s32 $0xFFFFD800  }
0xdf: {  	[bflag:$0x0] =	sbarrier.arrive $0xFFFF  }
0xe0: {  	[hbm:s10], [sflag:s6] =	dma.local [spmem:s13], $0x2700  }
0xe1: {  	s29 =	sadd.s32 $0x1, s29;
	_ =	swait.ge [sflag:s14], $0x2700  }
0xe2: {  	p1 =	sne.s32 s29, s12;
	[sflag:s14] =	ssyncset.done $0x0  }
.Ltmp1:
0xe3: {  	s0 =	simm.s32 @!p0 $0x5;
	[sflag:s14] =	ssyncadd.s32 $0xFFFFD900;
	(pc) =	sbr.rel @p1 .LBB2_1-.Ltmp1, $4  }
0xe4: {  	[hbm:s11], [sflag:s6] =	dma.local @!p0 [spmem:s15], $0x100  }
0xe5: {  	_ =	swait.ge @!p0 [sflag:s0], $0x100  }
0xe6: {  	[sflag:s0] =	ssyncset.done @!p0 $0x0  }
0xe7: {  	[sflag:s0] =	ssyncadd.s32 @!p0 $0xFFFFFF00  }
0xe8: {  	_ =	sfence.sel $0x180000  }
0xe9: {  	[bflag:$0x0] =	sbarrier.arrive $0xFFFF  }
0xea: {  	_ =	strace $0x90000047  }
0xeb: {  	s0 =	stileid.u32;
	[bflag:$0x2] =	sbarrier.arrive $0xFFFF  }
0xec: {  	p0 =	sne.s32 s0, $0x0;
	s0 =	rddreg [dreg:$0x3]  }
0xed: {  	s0 =	sadd.s32 @!p0 $0x100000, s0  }
0xee: {  	[sflag:s0] =	ssyncadd.tile.s32 @!p0 $0x1;
	_ =	shalt  }
.Lfunc_end2:
_tile_overlayer_lowered:
.L_overlay_start_2:
0xef: {  	(tag) =	ssettag $0x2  }
0xf0: {  	s0 =	rddreg [dreg:$0x0];
	s2 =	stileid.u32  }
0xf1: {  	s1 =	rddreg [dreg:$0x1];
	p0 =	sne.s32 s2, $0x0  }
0xf2: {  	s3 =	rddreg [dreg:$0x2];
	[bflag:$0x3] =	sbarrier.arrive $0xFFFF;
	s2 =	simm.s32 @!p0 $0x1C05  }
0xf3: {  	[timem:s3], [sflag:s2] =	dma.local @!p0 [hbm:s0], s1  }
0xf4: {  	s0 =	simm.s32 @!p0 $0x5  }
0xf5: {  	_ =	swait.ge @!p0 [sflag:s0], s1  }
0xf6: {  	s1 =	ssub.s32 @!p0 $0x0, s1;
	[sflag:s0] =	ssyncset.done @!p0 $0x0  }
0xf7: {  	[sflag:s0] =	ssyncadd.s32 @!p0 s1  }
0xf8: {  	[bflag:$0x3] =	sbarrier.arrive $0xFFFF  }
0xf9: {  	_ =	shalt  }

// kernel: sage_segment_sum_sc.8.cloned.1.call-start
scs
__scs_entry_jumppad:
0x0: {  	(pc) =	sbr.rel $0x88, $3  }
0x1: {  	(tag) =	ssettag $0x0;
	lr =	simm.s32 $0x1  }
0x2: {  	[smem:$0x3F94] =	sst lr;
	_ =	strace $0xD0000000  }
0x3: {  	_ = 	snop  }
0x4: {  	_ = 	snop  }
0x5: {  	_ = 	snop  }
0x6: {  	_ = 	snop  }
0x7: {  	_ = 	snop  }
__scs_overlays_trampoline_lowered:
0x8: {  	[smem:$0x3FA3] =	sst s0  }
0x9: {  	[smem:$0x3FA4] =	sst s1  }
0xa: {  	[smem:$0x3FA5] =	sst s2  }
0xb: {  	[smem:$0x3FA6] =	sst s3  }
0xc: {  	[smem:$0x3FA7] =	sst s4  }
0xd: {  	[smem:$0x3FA8] =	sst s5  }
0xe: {  	[smem:$0x3FA9] =	sst s6  }
0xf: {  	[smem:$0x3FAA] =	sst s7  }
0x10: {  	[smem:$0x3FAB] =	sst s8  }
0x11: {  	[smem:$0x3FAC] =	sst s9;
	s0 =	simm.s32 @!p0 $0x0  }
0x12: {  	s1 =	sld [smem:$0x3F92];
	s0 =	simm.s32 @p0 $0x1  }
0x13: {  	[smem:$0x3FAD] =	sst s0;
	s0 =	simm.s32 @!p1 $0x0  }
0x14: {  	s2 =	sld [smem:$0x3F91];
	s0 =	simm.s32 @p1 $0x1  }
0x15: {  	[smem:$0x3FAE] =	sst s0;
	s0 =	simm.s32 @!p2 $0x0  }
0x16: {  	s3 =	sld [smem:$0x3FDB];
	s0 =	simm.s32 @p2 $0x1  }
0x17: {  	s4 =	simm.s32 $0x1BF5;
	[smem:$0x3FB0] =	sst s0  }
0x18: {  	s0 =	sld [smem:$0x3F93];
	_ =	swait.ge [sflag:s4], $0x0  }
0x19: {  	s7 =	sld [smem:$0x3F94]  }
0x1a: {  	s8 =	sadd.s32 $0xFFFFE003, lr  }
0x1b: {  	s9 =	sadd.s32 $0xFFFFFEF7, lr;
	s5 =	simm.s32 $0xFFFFFFFF;
	p2 =	slt.u32 s8, $0xFFFFF086  }
0x1c: {  	p1 =	slt.u32 s9, $0xF7A;
	s5 =	simm.s32 @!p2 $0x0  }
0x1d: {  	s5 =	simm.s32 @p1 $0x1;
	p0 =	seq.s32 s7, s2  }
0x1e: {  	s7 =	smul.u32 @!p0 $0xF7A, s2;
	p2 =	seq.s32 @!p0 s5, $0x0  }
0x1f: {  	s9 =	smul.u32 $0xF7A, s1;
	s8 =	simm.s32 @!p0 $0x1BF5;
	p2 =	por !p2, p0  }
0x20: {  	[sflag:s8] =	ssyncset.s32 @!p0 $0xFFFFF086;
	s6 =	sadd.s32 @!p0 s3, s7;
	s7 =	simm.s32 @!p0 $0x108  }
0x21: {  	s3 =	sadd.s32 s3, s9;
	s6 =	sadd.s32 @!p0 $0x88, s6;
	s7 =	simm.s32 @p2 $0x1082  }
0x22: {  	[simem:s7], [sflag:s8] =	dma.local @!p0 [hbm:s6], $0xF7A  }
0x23: {  	s9 =	sor.u32 $0xD0000000, s2;
	s6 =	simm.s32 $0x108;
	_ =	swait.ge @!p0 [sflag:s8], $0x0  }
0x24: {  	s3 =	sadd.s32 $0x88, s3;
	s6 =	simm.s32 @!p1 $0x1082;
	[sflag:s4] =	ssyncset.s32 $0xFFFFF086  }
0x25: {  	[simem:s6], [sflag:s4] =	dma.local [hbm:s3], $0xF7A  }
0x26: {  	[smem:$0x3F94] =	sst s1;
	(tag) =	ssettag s2;
	_ =	strace s9  }
0x27: {  	s1 =	sld [smem:$0x3FA4]  }
0x28: {  	s2 =	sld [smem:$0x3FA5]  }
0x29: {  	s4 =	sld [smem:$0x3FA7]  }
0x2a: {  	p0 =	seq.s32 s5, $0x0;
	s5 =	sld [smem:$0x3FA8]  }
0x2b: {  	s6 =	sld [smem:$0x3FA9]  }
0x2c: {  	s7 =	sld [smem:$0x3FAA]  }
0x2d: {  	s3 =	simm.s32 $0x108;
	s8 =	sld [smem:$0x3FAB]  }
0x2e: {  	s3 =	simm.s32 @!p0 $0x1082;
	s9 =	sld [smem:$0x3FAC]  }
0x2f: {  	lr =	sadd.s32 s0, s3;
	s0 =	sld [smem:$0x3FA3]  }
0x30: {  	s3 =	sld [smem:$0x3FA6]  }
0x31: {  	[smem:$0x3FAF] =	sst s10  }
0x32: {  	s10 =	sld [smem:$0x3FAD];
	_ =	sdelay $0x3  }
0x33: {  	p0 =	seq.s32 s10, $0x1;
	s10 =	sld [smem:$0x3FAF];
	_ =	sdelay $0x3  }
0x34: {  	[smem:$0x3FAF] =	sst s10  }
0x35: {  	s10 =	sld [smem:$0x3FAE];
	_ =	sdelay $0x3  }
0x36: {  	p1 =	seq.s32 s10, $0x1;
	s10 =	sld [smem:$0x3FAF];
	_ =	sdelay $0x3  }
0x37: {  	[smem:$0x3FAF] =	sst s10  }
0x38: {  	s10 =	sld [smem:$0x3FB0]  }
0x39: {  	_ = 	snop;
	(pc) =	sbr.ind lr, $3  }
0x3a: {  	_ = 	snop  }
0x3b: {  	_ = 	snop  }
0x3c: {  	p2 =	seq.s32 s10, $0x1;
	s10 =	sld [smem:$0x3FAF]  }
0x3d: {  	_ =	shalt  }
0x3e: {  	_ =	shalt  }
0x3f: {  	_ =	shalt  }
0x40: {  	_ =	shalt  }
0x41: {  	_ =	shalt  }
0x42: {  	_ =	shalt  }
0x43: {  	_ =	shalt  }
0x44: {  	_ =	shalt  }
0x45: {  	_ =	shalt  }
0x46: {  	_ =	shalt  }
0x47: {  	_ =	shalt  }
0x48: {  	_ =	shalt  }
0x49: {  	_ =	shalt  }
0x4a: {  	_ =	shalt  }
0x4b: {  	_ =	shalt  }
0x4c: {  	_ =	shalt  }
0x4d: {  	_ =	shalt  }
0x4e: {  	_ =	shalt  }
0x4f: {  	_ =	shalt  }
0x50: {  	_ =	shalt  }
0x51: {  	_ =	shalt  }
0x52: {  	_ =	shalt  }
0x53: {  	_ =	shalt  }
0x54: {  	_ =	shalt  }
0x55: {  	_ =	shalt  }
0x56: {  	_ =	shalt  }
0x57: {  	_ =	shalt  }
0x58: {  	_ =	shalt  }
0x59: {  	_ =	shalt  }
0x5a: {  	_ =	shalt  }
0x5b: {  	_ =	shalt  }
0x5c: {  	_ =	shalt  }
0x5d: {  	_ =	shalt  }
0x5e: {  	_ =	shalt  }
0x5f: {  	_ =	shalt  }
0x60: {  	_ =	shalt  }
0x61: {  	_ =	shalt  }
0x62: {  	_ =	shalt  }
0x63: {  	_ =	shalt  }
0x64: {  	_ =	shalt  }
0x65: {  	_ =	shalt  }
0x66: {  	_ =	shalt  }
0x67: {  	_ =	shalt  }
0x68: {  	_ =	shalt  }
0x69: {  	_ =	shalt  }
0x6a: {  	_ =	shalt  }
0x6b: {  	_ =	shalt  }
0x6c: {  	_ =	shalt  }
0x6d: {  	_ =	shalt  }
0x6e: {  	_ =	shalt  }
0x6f: {  	_ =	shalt  }
0x70: {  	_ =	shalt  }
0x71: {  	_ =	shalt  }
0x72: {  	_ =	shalt  }
0x73: {  	_ =	shalt  }
0x74: {  	_ =	shalt  }
0x75: {  	_ =	shalt  }
0x76: {  	_ =	shalt  }
0x77: {  	_ =	shalt  }
0x78: {  	_ =	shalt  }
0x79: {  	_ =	shalt  }
0x7a: {  	_ =	shalt  }
0x7b: {  	_ =	shalt  }
0x7c: {  	_ =	shalt  }
0x7d: {  	_ =	shalt  }
0x7e: {  	_ =	shalt  }
0x7f: {  	_ =	shalt  }
0x80: {  	_ =	shalt  }
0x81: {  	_ =	shalt  }
0x82: {  	_ =	shalt  }
0x83: {  	_ =	shalt  }
0x84: {  	_ =	shalt  }
0x85: {  	_ =	shalt  }
0x86: {  	_ =	shalt  }
0x87: {  	_ =	shalt  }
.Lfunc_end0:
.L_simem_size_0:
called_computation.2_lowered:
.L_overlay_start_0:
0x88: {  	s2 =	sld [smem:$0x3FD9]  }
0x89: {  	s3 =	sld [smem:$0x3FFE];
	_ =	sdelay $0x1  }
0x8a: {  	s1 =	srdreg.scid  }
0x8b: {  	s0 =	sand.u32 $0x1, s1  }
0x8c: {  	s17 =	sshll.u32 s0, $0xA;
	s2 =	sadd.s32 s3, s2  }
0x8d: {  	s2 =	sadd.s32 s2, s17  }
0x8e: {  	[smem:$0x3FBB] =	sst s2  }
0x8f: {  	_ = 	snop  }
0x90: {  	s2 =	sld [smem:$0x3FD0];
	(tm) =	ssettm $0x1  }
0x91: {  	s18 =	sld [smem:$0x3FFB];
	_ =	sdelay $0x3  }
0x92: {  	_ =	strace s18  }
0x93: {  	s3 =	sld [smem:$0x3FFC];
	_ =	sdelay $0x3  }
0x94: {  	_ =	strace s3  }
0x95: {  	s3 =	sld [smem:$0x3FFD];
	_ =	sdelay $0x3  }
0x96: {  	_ =	strace s3  }
0x97: {  	_ =	strace $0x8FFFFFFF  }
0x98: {  	s19 =	sld [smem:$0x3FDB];
	_ =	sdelay $0x1  }
0x99: {  	s4 =	simm.s32 $_scs_section_size  }
0x9a: {  	s5 =	simm.s32 $_size__tile_overlayer_lowered;
	s6 =	simm.s32 $_tile_overlayer_lowered  }
0x9b: {  	s22 =	simm.s32 $0x1BFF;
	s21 =	sshll.u32 s6, $0x1;
	s3 =	sadd.s32 s4, s19  }
0x9c: {  	s7 =	simm.s32 $0x0;
	s20 =	sshll.u32 s5, $0x1;
	s5 =	sadd.s32 s21, s3  }
0x9d: {  	[timem:s7], [sflag:s22] =	dma.local [hbm:s5], s20  }
0x9e: {  	_ =	swait.ge [sflag:s22], s20  }
0x9f: {  	s4 =	ssub.s32 $0x0, s20;
	[sflag:s22] =	ssyncset.done $0x0  }
0xa0: {  	[sflag:s22] =	ssyncadd.s32 s4;
	_ =	sdelay $0x1  }
0xa1: {  	s23 =	simm.s32 $0x1B8B  }
0xa2: {  	_ =	swait.ge [sflag:s23], $0x1  }
0xa3: {  	[sflag:s23] =	ssyncset.done $0x0  }
0xa4: {  	s25 =	simm.s32 $0x1B8E;
	s24 =	sld [smem:$0x3FFE];
	[sflag:s23] =	ssyncadd.s32 $0xFFFFFFFF  }
0xa5: {  	s26 =	simm.s32 $execute0_lowered;
	[smem:$0x3FD2] =	sst s25  }
0xa6: {  	s5 =	sshll.u32 s26, $0x1;
	_ =	strace $0x8000004C;
	[dreg:$0x1] =	wrdreg $0xFFFFFFFF  }
0xa7: {  	s28 =	simm.s32 $_size_execute0_lowered;
	s3 =	sadd.s32 s3, s5;
	[dreg:$0x0] =	wrdreg $0x0  }
0xa8: {  	s5 =	sshll.u32 s28, $0x1;
	[dreg:$0x2] =	wrdreg s3  }
0xa9: {  	[dreg:$0x3] =	wrdreg s5  }
0xaa: {  	[dreg:$0x4] =	wrdreg $0xC0  }
0xab: {  	_ =	task [dreg:s7], $0x5FFFF  }
0xac: {  	[dreg:$0x1] =	wrdreg $0xFFFFFFFF  }
0xad: {  	[dreg:$0x0] =	wrdreg $0x60  }
0xae: {  	[dreg:$0x2] =	wrdreg s24  }
0xaf: {  	[dreg:$0x3] =	wrdreg s2  }
0xb0: {  	[dreg:$0x4] =	wrdreg $0xA1000  }
0xb1: {  	[dreg:$0x5] =	wrdreg $0x9  }
0xb2: {  	_ =	task.clear_ibuf [dreg:s7], $0x6FFFF;
	_ =	strace $0x9000004C  }
0xb3: {  	s29 =	simm.s32 $0x9;
	_ =	strace $0x8000004E  }
0xb4: {  	_ =	swait.ge [sflag:s29], $0x1  }
0xb5: {  	[sflag:s29] =	ssyncadd.s32 $0xFFFFFFFF  }
0xb6: {  	_ =	strace $0x9000004E  }
0xb7: {  	_ =	sfence  }
0xb8: {  	s30 =	sld [smem:$0x0];
	_ =	sdelay $0x2  }
0xb9: {  	s31 =	sshll.u32 s1, $0xD;
	s1 =	sshrl.u32 s1, $0x2  }
0xba: {  	s3 =	sand.u32 $0x4000, s31;
	s1 =	sadd.s32 s1, s30  }
0xbb: {  	s0 =	sor.u32 s3, s0;
	s1 =	sshll.u32 s1, $0x11  }
0xbc: {  	s0 =	sor.u32 s1, s0  }
0xbd: {  	s0 =	sadd.s32 $0x8F2B, s0  }
0xbe: {  	[sflag:s0] =	ssyncadd.remote.s32 $0x1  }
0xbf: {  	_ =	sfence.sel $0xFFFF  }
0xc0: {  	[dreg:$0x0] =	wrdreg $0xFFFFFFFF;
	(pc) =	sbr.abs _section_cstart, $3  }
0xc1: {  	[dreg:$0x1] =	wrdreg $0xFFFFFFFF  }
0xc2: {  	_ =	task.clear_ibuf [dreg:s7], $0x2FFFF;
	_ =	strace $0x9FFFFFFF  }
0xc3: {  	(tm) =	ssettm $0x7FFFFFFF  }
tec
execute0_lowered:
.L_overlay_start_1:
0x0: {  	(tag) =	ssettag $0x1  }
0x1: {  	s0 =	rddreg [dreg:$0x0]  }
0x2: {  	s1 =	rddreg [dreg:$0x1]  }
0x3: {  	s3 =	srdreg.scid;
	s14 =	stileid.u32  }
0x4: {  	s2 =	rddreg [dreg:$0x2];
	s16 =	simm.s32 $0x2780;
	s17 =	simm.s32 $0x50  }
0x5: {  	s18 =	simm.s32 $0x4F00;
	s19 =	simm.s32 $0x5100;
	s20 =	simm.s32 $0x4F80  }
0x6: {  	s21 =	simm.s32 $0x7900;
	s22 =	simm.s32 $0x1;
	s28 =	simm.s32 $0x4  }
0x7: {  	s29 =	simm.s32 $0x0;
	s5 =	sand.u32 $0x1, s3;
	s7 =	smul.u32 $0x4E000, s14  }
0x8: {  	s4 =	sshll.u32 s14, $0x1;
	s3 =	simm.s32 $0x0;
	s10 =	smul.u32 $0x13800, s14  }
0x9: {  	s25 =	sshll.u32 s14, $0x6;
	s15 =	sadd.s32 $0x138000, s2;
	p0 =	sne.s32 s14, $0xF  }
0xa: {  	s14 =	simm.s32 $0x5;
	s4 =	sor.u32 s5, s4;
	[smem:$0x7FF] =	sst s3  }
0xb: {  	s23 =	ssub.s32 $0x2, s5;
	s26 =	smul.u32 $0x138800, s5;
	s15 =	sshrl.u32 @!p0 s15, $0x3  }
0xc: {  	s6 =	smul.u32 $0x4E2, s4;
	_ =	strace $0x8000004D;
	s4 =	sadd.s32 $0x17400, s0  }
0xd: {  	s8 =	sshrl.u32 s23, $0x1;
	s7 =	sshrl.u32 s7, $0x2;
	s24 =	sshrl.u32 s10, $0x3  }
0xe: {  	s12 =	ssub.s32 s23, s8;
	s13 =	sadd.s32 s7, s2;
	s5 =	sadd.s32 s1, s24  }
0xf: {  	s7 =	sadd.s32 $0x27000, s1;
	s30 =	sadd.s32 s10, s26;
	s31 =	sshrl.u32 s26, $0x3  }
0x10: {  	s23 =	simm.s32 $0x5000;
	s24 =	simm.s32 $0x2;
	s26 =	simm.s32 $0x3  }
0x11: {  	s9 =	sadd.s32 s6, s0;
	s0 =	sadd.s32 $0x65800, s0;
	s6 =	sor.u32 $0x1C05, s25  }
0x12: {  	s1 =	sshrl.u32 s30, $0x3;
	s12 =	smax.u32 s12, $0x1;
	s13 =	sshrl.u32 s13, $0x3  }
0x13: {  	s25 =	simm.s32 $0x5080;
	s8 =	sadd.s32 $0xD600, s9;
	s11 =	sadd.s32 s0, s31  }
0x14: {  	s9 =	sadd.s32 $0x3800, s9;
	s10 =	sadd.s32 s0, s1;
	s11 =	sadd.s32 $0x27000, s11  }
.LBB2_1:
0x15: {  	[spmem:s13], [sflag:s6] =	dma.local [hbm:s5], $0x2700  }
0x16: {  	_ =	swait.ge [sflag:s14], $0x2700  }
0x17: {  	[sflag:s14] =	ssyncset.done $0x0  }
0x18: {  	s0 =	simm.s32 @!p0 $0x5;
	[sflag:s14] =	ssyncadd.s32 $0xFFFFD900  }
0x19: {  	[spmem:s15], [sflag:s6] =	dma.local @!p0 [hbm:s7], $0x100  }
0x1a: {  	_ =	swait.ge @!p0 [sflag:s0], $0x100  }
0x1b: {  	[sflag:s0] =	ssyncset.done @!p0 $0x0  }
0x1c: {  	[sflag:s0] =	ssyncadd.s32 @!p0 $0xFFFFFF00  }
0x1d: {  	[tilespmem:s3], [sflag:$0x5] =	stream.linear.gather [hbm4b:s8+s3], $0x2710, $0x38;
	[tilespmem:$0x1D980] =	vst v63  }
0x1e: {  	_ =	swait.ge [sflag:s14], $0x2710  }
0x1f: {  	[sflag:s14] =	ssyncset.done $0x0  }
0x20: {  	[sflag:s14] =	ssyncadd.s32 $0xFFFFD8F0  }
0x21: {  	[tilespmem:s16], [sflag:$0x5] =	stream.linear.gather [hbm4b:s9+s3], $0x2710, $0x38;
	[tilespmem:$0x1D980] =	vst v63  }
0x22: {  	_ =	swait.ge [sflag:s14], $0x2710  }
0x23: {  	[sflag:s14] =	ssyncset.done $0x0  }
0x24: {  	[sflag:s14] =	ssyncadd.s32 $0xFFFFD8F0  }
0x25: {  	[bflag:$0x0] =	sbarrier.arrive $0xFFFF  }
0x26: {  	v0 =	vld [tilespmem:$0x0]  }
0x27: {  	v1 =	vld [tilespmem:$0x2780]  }
0x28: {  	v2 =	vld [tilespmem:$0x10]  }
0x29: {  	v3 =	vld [tilespmem:$0x2790]  }
0x2a: {  	v4 =	vld [tilespmem:$0x20]  }
0x2b: {  	v47 =	vld [tilespmem:$0x27A0];
	[tilespmem:$0x4F00] =	vst v0  }
0x2c: {  	v48 =	vld [tilespmem:$0x30];
	[tilespmem:$0x5000] =	vst v1  }
0x2d: {  	v49 =	vld [tilespmem:$0x27B0];
	[tilespmem:$0x4F10] =	vst v2  }
0x2e: {  	v50 =	vld [tilespmem:$0x40];
	[tilespmem:$0x5010] =	vst v3  }
0x2f: {  	v51 =	vld [tilespmem:$0x27C0];
	[tilespmem:$0x4F20] =	vst v4  }
0x30: {  	[tilespmem:$0x5020] =	vst v47  }
0x31: {  	[tilespmem:$0x4F30] =	vst v48  }
0x32: {  	[tilespmem:$0x5030] =	vst v49  }
0x33: {  	[tilespmem:$0x4F40] =	vst v50  }
0x34: {  	[tilespmem:$0x5040] =	vst v51  }
0x35: {  	[tilespmem:s19], [sflag:$0x1] =	stream.indirect.gather [hbm4b:s4+s17], $0x80, s18, s17, $0xb8;
	[tilespmem:$0x1D980] =	vst v63  }
0x36: {  	v52 =	vld [tilespmem:$0x50]  }
0x37: {  	v53 =	vld [tilespmem:$0x27D0]  }
0x38: {  	v54 =	vld [tilespmem:$0x60]  }
0x39: {  	v55 =	vld [tilespmem:$0x27E0]  }
0x3a: {  	v56 =	vld [tilespmem:$0x70]  }
0x3b: {  	v57 =	vld [tilespmem:$0x27F0];
	[tilespmem:$0x4F80] =	vst v52  }
0x3c: {  	v58 =	vld [tilespmem:$0x80];
	[tilespmem:$0x5080] =	vst v53  }
0x3d: {  	v59 =	vld [tilespmem:$0x2800];
	[tilespmem:$0x4F90] =	vst v54  }
0x3e: {  	v60 =	vld [tilespmem:$0x90];
	[tilespmem:$0x5090] =	vst v55  }
0x3f: {  	v61 =	vld [tilespmem:$0x2810];
	[tilespmem:$0x4FA0] =	vst v56  }
0x40: {  	[tilespmem:$0x50A0] =	vst v57  }
0x41: {  	[tilespmem:$0x4FB0] =	vst v58  }
0x42: {  	[tilespmem:$0x50B0] =	vst v59  }
0x43: {  	[tilespmem:$0x4FC0] =	vst v60  }
0x44: {  	[tilespmem:$0x50C0] =	vst v61  }
0x45: {  	[tilespmem:s21], [sflag:$0x2] =	stream.indirect.gather [hbm4b:s4+s17], $0x80, s20, s17, $0xb8;
	[tilespmem:$0x1D980] =	vst v63  }
0x46: {  	_ =	swait.ge [sflag:s22], $0x2800  }
0x47: {  	[sflag:s22] =	ssyncset.done $0x0  }
0x48: {  	[sflag:s22] =	ssyncadd.s32 $0xFFFFD800  }
0x49: {  	[spmem:s2] =	stream.indirect.scatter.add.f32 [tilespmem:s19], [sflag:$0x3], $0x80, s23, s17, $0xb8;
	[tilespmem:$0x1D980] =	vst v63  }
0x4a: {  	_ =	swait.ge [sflag:s24], $0x2800  }
0x4b: {  	[sflag:s24] =	ssyncset.done $0x0  }
0x4c: {  	[sflag:s24] =	ssyncadd.s32 $0xFFFFD800  }
0x4d: {  	[spmem:s2] =	stream.indirect.scatter.add.f32 [tilespmem:s21], [sflag:$0x4], $0x80, s25, s17, $0xb8;
	[tilespmem:$0x1D980] =	vst v63  }
0x4e: {  	_ =	swait.ge [sflag:s26], $0x2800  }
0x4f: {  	[sflag:s26] =	ssyncset.done $0x0  }
0x50: {  	s0 =	simm.s32 $0x130;
	[sflag:s26] =	ssyncadd.s32 $0xFFFFD800  }
0x51: {  	v62 =	vld [tilespmem:s0+$0xFFFFFF70];
	_ =	sdelay $0x4  }
0x52: {  	s1 =	simm.s32 $0x28B0;
	[tilespmem:$0x4F00] =	vst v62  }
0x53: {  	v0 =	vld [tilespmem:s1+$0xFFFFFF70];
	_ =	sdelay $0x4  }
0x54: {  	[tilespmem:$0x5000] =	vst v0  }
0x55: {  	v0 =	vld [tilespmem:s0+$0xFFFFFF80];
	_ =	sdelay $0x4  }
0x56: {  	[tilespmem:$0x4F10] =	vst v0  }
0x57: {  	v0 =	vld [tilespmem:s1+$0xFFFFFF80];
	_ =	sdelay $0x4  }
0x58: {  	[tilespmem:$0x5010] =	vst v0  }
0x59: {  	v0 =	vld [tilespmem:s0+$0xFFFFFF90];
	_ =	sdelay $0x4  }
0x5a: {  	[tilespmem:$0x4F20] =	vst v0  }
0x5b: {  	v0 =	vld [tilespmem:s1+$0xFFFFFF90];
	_ =	sdelay $0x4  }
0x5c: {  	[tilespmem:$0x5020] =	vst v0  }
0x5d: {  	v0 =	vld [tilespmem:s0+$0xFFFFFFA0];
	_ =	sdelay $0x4  }
0x5e: {  	[tilespmem:$0x4F30] =	vst v0  }
0x5f: {  	v0 =	vld [tilespmem:s1+$0xFFFFFFA0];
	_ =	sdelay $0x4  }
0x60: {  	[tilespmem:$0x5030] =	vst v0  }
0x61: {  	v0 =	vld [tilespmem:s0+$0xFFFFFFB0];
	_ =	sdelay $0x4  }
0x62: {  	[tilespmem:$0x4F40] =	vst v0  }
0x63: {  	v0 =	vld [tilespmem:s1+$0xFFFFFFB0];
	_ =	sdelay $0x4  }
0x64: {  	[tilespmem:$0x5040] =	vst v0  }
0x65: {  	[tilespmem:s19], [sflag:$0x1] =	stream.indirect.gather [hbm4b:s4+s17], $0x80, s18, s17, $0xb8;
	[tilespmem:$0x1D980] =	vst v63  }
0x66: {  	_ =	swait.ge [sflag:s28], $0x2800  }
0x67: {  	[sflag:s28] =	ssyncset.done $0x0  }
0x68: {  	[sflag:s28] =	ssyncadd.s32 $0xFFFFD800  }
0x69: {  	v63 =	vld [tilespmem:s0+$0xFFFFFFC0];
	_ =	sdelay $0x4  }
0x6a: {  	[tilespmem:$0x4F80] =	vst v63  }
0x6b: {  	v0 =	vld [tilespmem:s1+$0xFFFFFFC0];
	_ =	sdelay $0x4  }
0x6c: {  	[tilespmem:$0x5080] =	vst v0  }
0x6d: {  	v0 =	vld [tilespmem:s0+$0xFFFFFFD0];
	_ =	sdelay $0x4  }
0x6e: {  	[tilespmem:$0x4F90] =	vst v0  }
0x6f: {  	v0 =	vld [tilespmem:s1+$0xFFFFFFD0];
	_ =	sdelay $0x4  }
0x70: {  	[tilespmem:$0x5090] =	vst v0  }
0x71: {  	v0 =	vld [tilespmem:s0+$0xFFFFFFE0];
	_ =	sdelay $0x4  }
0x72: {  	[tilespmem:$0x4FA0] =	vst v0  }
0x73: {  	v0 =	vld [tilespmem:s1+$0xFFFFFFE0];
	_ =	sdelay $0x3  }
0x74: {  	s30 =	simm.s32 $0xA0  }
0x75: {  	s30 =	sand.u32 $0x7FE0, s30;
	[tilespmem:$0x50A0] =	vst v0  }
0x76: {  	v0 =	vld [tilespmem:s30+$0x80];
	_ =	sdelay $0x4  }
0x77: {  	[tilespmem:$0x4FB0] =	vst v0  }
0x78: {  	v0 =	vld [tilespmem:s30+$0x2800];
	_ =	sdelay $0x4  }
0x79: {  	[tilespmem:$0x50B0] =	vst v0  }
0x7a: {  	v0 =	vld [tilespmem:s0+$0x0];
	_ =	sdelay $0x4  }
0x7b: {  	[tilespmem:$0x4FC0] =	vst v0  }
0x7c: {  	v0 =	vld [tilespmem:s1+$0x0];
	_ =	sdelay $0x4  }
0x7d: {  	s31 =	simm.s32 $0x2950;
	s30 =	simm.s32 $0x140;
	s1 =	simm.s32 $0x1D0;
	[tilespmem:$0x50C0] =	vst v0  }
.LBB2_2:
0x7e: {  	[tilespmem:s21], [sflag:$0x2] =	stream.indirect.gather [hbm4b:s4+s17], $0x80, s20, s17, $0xb8;
	[tilespmem:$0x1D980] =	vst v63  }
0x7f: {  	s0 =	smov.u32 s30  }
0x80: {  	p1 =	sne.s32 s30, $0x2620;
	s30 =	sadd.s32 $0xA0, s30;
	_ =	swait.ge [sflag:s22], $0x2800  }
0x81: {  	[sflag:s22] =	ssyncset.done $0x0  }
0x82: {  	[sflag:s22] =	ssyncadd.s32 $0xFFFFD800  }
0x83: {  	[spmem:s2] =	stream.indirect.scatter.add.f32 [tilespmem:s19], [sflag:$0x3], $0x80, s23, s17, $0xb8;
	[tilespmem:$0x1D980] =	vst v63  }
0x84: {  	_ =	swait.ge [sflag:s24], $0x2800  }
0x85: {  	[sflag:s24] =	ssyncset.done $0x0  }
0x86: {  	[sflag:s24] =	ssyncadd.s32 $0xFFFFD800  }
0x87: {  	[spmem:s2] =	stream.indirect.scatter.add.f32 [tilespmem:s21], [sflag:$0x4], $0x80, s25, s17, $0xb8;
	[tilespmem:$0x1D980] =	vst v63  }
0x88: {  	_ =	swait.ge [sflag:s26], $0x2800  }
0x89: {  	[sflag:s26] =	ssyncset.done $0x0  }
0x8a: {  	[sflag:s26] =	ssyncadd.s32 $0xFFFFD800  }
0x8b: {  	v0 =	vld [tilespmem:s1+$0xFFFFFF70];
	_ =	sdelay $0x4  }
0x8c: {  	[tilespmem:$0x4F00] =	vst v0  }
0x8d: {  	v0 =	vld [tilespmem:s31+$0xFFFFFF70];
	_ =	sdelay $0x4  }
0x8e: {  	[tilespmem:$0x5000] =	vst v0  }
0x8f: {  	v0 =	vld [tilespmem:s1+$0xFFFFFF80];
	_ =	sdelay $0x4  }
0x90: {  	[tilespmem:$0x4F10] =	vst v0  }
0x91: {  	v0 =	vld [tilespmem:s31+$0xFFFFFF80];
	_ =	sdelay $0x4  }
0x92: {  	[tilespmem:$0x5010] =	vst v0  }
0x93: {  	v0 =	vld [tilespmem:s1+$0xFFFFFF90];
	_ =	sdelay $0x4  }
0x94: {  	[tilespmem:$0x4F20] =	vst v0  }
0x95: {  	v0 =	vld [tilespmem:s31+$0xFFFFFF90];
	_ =	sdelay $0x4  }
0x96: {  	[tilespmem:$0x5020] =	vst v0  }
0x97: {  	v0 =	vld [tilespmem:s1+$0xFFFFFFA0];
	_ =	sdelay $0x4  }
0x98: {  	[tilespmem:$0x4F30] =	vst v0  }
0x99: {  	v0 =	vld [tilespmem:s31+$0xFFFFFFA0];
	_ =	sdelay $0x4  }
0x9a: {  	[tilespmem:$0x5030] =	vst v0  }
0x9b: {  	v0 =	vld [tilespmem:s1+$0xFFFFFFB0];
	_ =	sdelay $0x4  }
0x9c: {  	[tilespmem:$0x4F40] =	vst v0  }
0x9d: {  	v0 =	vld [tilespmem:s31+$0xFFFFFFB0];
	_ =	sdelay $0x4  }
0x9e: {  	[tilespmem:$0x5040] =	vst v0  }
0x9f: {  	[tilespmem:s19], [sflag:$0x1] =	stream.indirect.gather [hbm4b:s4+s17], $0x80, s18, s17, $0xb8;
	[tilespmem:$0x1D980] =	vst v63  }
0xa0: {  	_ =	swait.ge [sflag:s28], $0x2800  }
0xa1: {  	[sflag:s28] =	ssyncset.done $0x0  }
0xa2: {  	[sflag:s28] =	ssyncadd.s32 $0xFFFFD800  }
0xa3: {  	v0 =	vld [tilespmem:s1+$0xFFFFFFC0];
	_ =	sdelay $0x4  }
0xa4: {  	[tilespmem:$0x4F80] =	vst v0  }
0xa5: {  	v0 =	vld [tilespmem:s31+$0xFFFFFFC0];
	_ =	sdelay $0x4  }
0xa6: {  	[tilespmem:$0x5080] =	vst v0  }
0xa7: {  	v0 =	vld [tilespmem:s1+$0xFFFFFFD0];
	_ =	sdelay $0x4  }
0xa8: {  	[tilespmem:$0x4F90] =	vst v0  }
0xa9: {  	v0 =	vld [tilespmem:s31+$0xFFFFFFD0];
	_ =	sdelay $0x4  }
0xaa: {  	[tilespmem:$0x5090] =	vst v0  }
0xab: {  	v0 =	vld [tilespmem:s1+$0xFFFFFFE0];
	_ =	sdelay $0x4  }
0xac: {  	[tilespmem:$0x4FA0] =	vst v0  }
0xad: {  	v0 =	vld [tilespmem:s31+$0xFFFFFFE0];
	_ =	sdelay $0x4  }
0xae: {  	s0 =	sand.u32 $0x7FE0, s0;
	[tilespmem:$0x50A0] =	vst v0  }
0xaf: {  	v0 =	vld [tilespmem:s0+$0x80];
	_ =	sdelay $0x4  }
0xb0: {  	[tilespmem:$0x4FB0] =	vst v0  }
0xb1: {  	v0 =	vld [tilespmem:s0+$0x2800];
	_ =	sdelay $0x4  }
0xb2: {  	[tilespmem:$0x50B0] =	vst v0  }
0xb3: {  	v0 =	vld [tilespmem:s1+$0x0];
	_ =	sdelay $0x4  }
0xb4: {  	[tilespmem:$0x4FC0] =	vst v0  }
0xb5: {  	v0 =	vld [tilespmem:s31+$0x0]  }
.Ltmp0:
0xb6: {  	(pc) =	sbr.rel @p1 .LBB2_2-.Ltmp0, $2  }
0xb7: {  	_ =	sdelay $0x2  }
0xb8: {  	s1 =	sadd.s32 $0xA0, s1;
	s31 =	sadd.s32 $0xA0, s31;
	[tilespmem:$0x50C0] =	vst v0  }
0xb9: {  	[tilespmem:s21], [sflag:$0x2] =	stream.indirect.gather [hbm4b:s4+s17], $0x80, s20, s17, $0xb8;
	[tilespmem:$0x1D980] =	vst v63  }
0xba: {  	_ =	swait.ge [sflag:s22], $0x2800  }
0xbb: {  	[sflag:s22] =	ssyncset.done $0x0  }
0xbc: {  	[sflag:s22] =	ssyncadd.s32 $0xFFFFD800  }
0xbd: {  	[spmem:s2] =	stream.indirect.scatter.add.f32 [tilespmem:s19], [sflag:$0x3], $0x80, s23, s17, $0xb8;
	[tilespmem:$0x1D980] =	vst v63  }
0xbe: {  	_ =	swait.ge [sflag:s24], $0x2800  }
0xbf: {  	[sflag:s24] =	ssyncset.done $0x0  }
0xc0: {  	[sflag:s24] =	ssyncadd.s32 $0xFFFFD800  }
0xc1: {  	[spmem:s2] =	stream.indirect.scatter.add.f32 [tilespmem:s21], [sflag:$0x4], $0x80, s25, s17, $0xb8;
	[tilespmem:$0x1D980] =	vst v63  }
0xc2: {  	_ =	swait.ge [sflag:s26], $0x2800  }
0xc3: {  	[sflag:s26] =	ssyncset.done $0x0  }
0xc4: {  	[sflag:s26] =	ssyncadd.s32 $0xFFFFD800  }
0xc5: {  	_ =	swait.ge [sflag:s28], $0x2800  }
0xc6: {  	[sflag:s28] =	ssyncset.done $0x0  }
0xc7: {  	[sflag:s28] =	ssyncadd.s32 $0xFFFFD800  }
0xc8: {  	v0 =	vld [tilespmem:$0x26C0]  }
0xc9: {  	v1 =	vld [tilespmem:$0x4E40]  }
0xca: {  	v2 =	vld [tilespmem:$0x26D0]  }
0xcb: {  	v3 =	vld [tilespmem:$0x4E50]  }
0xcc: {  	v4 =	vld [tilespmem:$0x26E0]  }
0xcd: {  	v59 =	vld [tilespmem:$0x4E60];
	[tilespmem:$0x4F00] =	vst v0  }
0xce: {  	v60 =	vld [tilespmem:$0x26F0];
	[tilespmem:$0x5000] =	vst v1  }
0xcf: {  	v61 =	vld [tilespmem:$0x4E70];
	[tilespmem:$0x4F10] =	vst v2  }
0xd0: {  	v62 =	vld [tilespmem:$0x2700];
	[tilespmem:$0x5010] =	vst v3  }
0xd1: {  	v63 =	vld [tilespmem:$0x4E80];
	[tilespmem:$0x4F20] =	vst v4  }
0xd2: {  	[tilespmem:$0x5020] =	vst v59  }
0xd3: {  	[tilespmem:$0x4F30] =	vst v60  }
0xd4: {  	[tilespmem:$0x5030] =	vst v61  }
0xd5: {  	[tilespmem:$0x4F40] =	vst v62  }
0xd6: {  	[tilespmem:$0x5040] =	vst v63  }
0xd7: {  	[tilespmem:s19], [sflag:$0x1] =	stream.indirect.gather [hbm4b:s4+s17], $0x80, s18, s17, $0xb8;
	[tilespmem:$0x1D980] =	vst v63  }
0xd8: {  	_ =	swait.ge [sflag:s22], $0x2800  }
0xd9: {  	[sflag:s22] =	ssyncset.done $0x0  }
0xda: {  	[sflag:s22] =	ssyncadd.s32 $0xFFFFD800  }
0xdb: {  	[spmem:s2] =	stream.indirect.scatter.add.f32 [tilespmem:s19], [sflag:$0x5], $0x80, s23, s17, $0xb8;
	[tilespmem:$0x1D980] =	vst v63  }
0xdc: {  	_ =	swait.ge [sflag:s14], $0x2800  }
0xdd: {  	[sflag:s14] =	ssyncset.done $0x0  }
0xde: {  	[sflag:s14] =	ssyncadd.s32 $0xFFFFD800  }
0xdf: {  	[bflag:$0x0] =	sbarrier.arrive $0xFFFF  }
0xe0: {  	[hbm:s10], [sflag:s6] =	dma.local [spmem:s13], $0x2700  }
0xe1: {  	s29 =	sadd.s32 $0x1, s29;
	_ =	swait.ge [sflag:s14], $0x2700  }
0xe2: {  	p1 =	sne.s32 s29, s12;
	[sflag:s14] =	ssyncset.done $0x0  }
.Ltmp1:
0xe3: {  	s0 =	simm.s32 @!p0 $0x5;
	[sflag:s14] =	ssyncadd.s32 $0xFFFFD900;
	(pc) =	sbr.rel @p1 .LBB2_1-.Ltmp1, $4  }
0xe4: {  	[hbm:s11], [sflag:s6] =	dma.local @!p0 [spmem:s15], $0x100  }
0xe5: {  	_ =	swait.ge @!p0 [sflag:s0], $0x100  }
0xe6: {  	[sflag:s0] =	ssyncset.done @!p0 $0x0  }
0xe7: {  	[sflag:s0] =	ssyncadd.s32 @!p0 $0xFFFFFF00  }
0xe8: {  	_ =	sfence.sel $0x180000  }
0xe9: {  	[bflag:$0x0] =	sbarrier.arrive $0xFFFF  }
0xea: {  	_ =	strace $0x9000004D  }
0xeb: {  	s0 =	stileid.u32;
	[bflag:$0x2] =	sbarrier.arrive $0xFFFF  }
0xec: {  	p0 =	sne.s32 s0, $0x0;
	s0 =	rddreg [dreg:$0x3]  }
0xed: {  	s0 =	sadd.s32 @!p0 $0x100000, s0  }
0xee: {  	[sflag:s0] =	ssyncadd.tile.s32 @!p0 $0x1;
	_ =	shalt  }
.Lfunc_end2:
_tile_overlayer_lowered:
.L_overlay_start_2:
0xef: {  	(tag) =	ssettag $0x2  }
0xf0: {  	s0 =	rddreg [dreg:$0x0];
	s2 =	stileid.u32  }
0xf1: {  	s1 =	rddreg [dreg:$0x1];
	p0 =	sne.s32 s2, $0x0  }
0xf2: {  	s3 =	rddreg [dreg:$0x2];
	[bflag:$0x3] =	sbarrier.arrive $0xFFFF;
	s2 =	simm.s32 @!p0 $0x1C05  }
0xf3: {  	[timem:s3], [sflag:s2] =	dma.local @!p0 [hbm:s0], s1  }
0xf4: {  	s0 =	simm.s32 @!p0 $0x5  }
0xf5: {  	_ =	swait.ge @!p0 [sflag:s0], s1  }
0xf6: {  	s1 =	ssub.s32 @!p0 $0x0, s1;
	[sflag:s0] =	ssyncset.done @!p0 $0x0  }
0xf7: {  	[sflag:s0] =	ssyncadd.s32 @!p0 s1  }
0xf8: {  	[bflag:$0x3] =	sbarrier.arrive $0xFFFF  }
0xf9: {  	_ =	shalt  }

</sc_bundles>
